<compile_context>
chip_gen: v7x
topology: tpu7x:2x2x1
jax: 0.10.2.dev20260603
libtpu: 0.0.44.dev20260713+nightly
codegen_flags: <defaults>
</compile_context>

<pallas_src>
import functools

import jax
import jax.numpy as jnp
from jax import lax
from jax.experimental import pallas as pl
from jax.experimental.pallas import tpu as pltpu
from jax.experimental.pallas import tpu_sc as plsc

N = 10000
H = 32
IN_DIM = 128
OUT_HALF = 64
K = 15
KP_EXTENT = 1.2
BN_EPS = 1e-5

ROWC = 16
NSPLIT = 5
NQ = N // NSPLIT
BQ = 80
NBH = NQ // BQ
NUM_SC_WORKERS = 32
GCHUNK = 400


def _sc_gather(table, idx_flat, row, tc_tiling, n_rows, idx_base):
    mesh = plsc.VectorSubcoreMesh(core_axis_name="c", subcore_axis_name="s")
    bpw = n_rows // NUM_SC_WORKERS
    nstep = bpw // GCHUNK

    @functools.partial(
        pl.kernel,
        mesh=mesh,
        compiler_params=pltpu.CompilerParams(use_tc_tiling_on_sc=tc_tiling),
        out_type=jax.ShapeDtypeStruct((n_rows, row), jnp.float32),
        scratch_types=[
            pltpu.VMEM((bpw,), jnp.int32),
            pltpu.VMEM((GCHUNK, row), jnp.float32),
            pltpu.SemaphoreType.DMA,
        ],
    )
    def gather_kernel(table_hbm, idx_hbm, out_hbm, idx_v, rows_v, sem):
        wid = lax.axis_index("s") * 2 + lax.axis_index("c")
        base = wid * bpw
        pltpu.sync_copy(idx_hbm.at[pl.ds(idx_base + base, bpw)], idx_v)

        def body(j, carry):
            off = j * GCHUNK
            pltpu.async_copy(
                table_hbm.at[idx_v.at[pl.ds(off, GCHUNK)]], rows_v, sem
            ).wait()
            pltpu.sync_copy(rows_v, out_hbm.at[pl.ds(base + off, GCHUNK)])
            return carry

        lax.fori_loop(0, nstep, body, 0)

    return gather_kernel(table, idx_flat)


def _conv_body(g_ref, gc_ref, q_ref, kpt_ref, wcat_ref, out_ref):
    f = g_ref[...]
    crd = gc_ref[...][:, 0:3]
    q = q_ref[...]
    nb = (crd.reshape(BQ, H, 3) - q[:, None, :]).reshape(BQ * H, 3)
    kpt = kpt_ref[...]
    d2 = jnp.zeros((BQ * H, K), jnp.float32)
    for c in range(3):
        t = nb[:, c:c + 1] - kpt[c:c + 1, :]
        d2 = d2 + t * t
    w2 = jnp.maximum(1.0 - jnp.sqrt(d2) / KP_EXTENT, 0.0)
    kid = lax.broadcasted_iota(jnp.int32, (K, K * OUT_HALF), 1) // OUT_HALF
    bexp = (lax.broadcasted_iota(jnp.int32, (K, K * OUT_HALF), 0) == kid
            ).astype(jnp.float32)
    rid = lax.broadcasted_iota(jnp.int32, (K * OUT_HALF, OUT_HALF), 0)
    rsum = (rid % OUT_HALF == lax.broadcasted_iota(
        jnp.int32, (K * OUT_HALF, OUT_HALF), 1)).astype(jnp.float32)
    z = jnp.dot(f, wcat_ref[...], preferred_element_type=jnp.float32)
    wexp = jnp.dot(w2, bexp, preferred_element_type=jnp.float32)
    out64 = jnp.dot(z * wexp, rsum, preferred_element_type=jnp.float32)
    out_ref[...] = out64.reshape(BQ, H, OUT_HALF).sum(axis=1)


def _make_conv(part):
    return pl.pallas_call(
        _conv_body,
        grid=(NBH,),
        in_specs=[
            pl.BlockSpec((BQ * H, IN_DIM), lambda i: (i, 0)),
            pl.BlockSpec((BQ * H, ROWC), lambda i: (i, 0)),
            pl.BlockSpec((BQ, 3), lambda i, p=part: (i + p * NBH, 0)),
            pl.BlockSpec((3, K), lambda i: (0, 0)),
            pl.BlockSpec((IN_DIM, K * OUT_HALF), lambda i: (0, 0)),
        ],
        out_specs=pl.BlockSpec((BQ, OUT_HALF), lambda i: (i, 0)),
        out_shape=jax.ShapeDtypeStruct((NQ, OUT_HALF), jnp.float32),
    )


_conv_calls = [_make_conv(p) for p in range(NSPLIT)]


def _bn_body(*refs):
    ko_refs = refs[:NSPLIT]
    gamma_ref, beta_ref, out_ref = refs[NSPLIT:]
    kos = [r[...] for r in ko_refs]
    s = kos[0].sum(axis=0, keepdims=True)
    for ko in kos[1:]:
        s = s + ko.sum(axis=0, keepdims=True)
    mean = s / N
    sq = ((kos[0] - mean) ** 2).sum(axis=0, keepdims=True)
    for ko in kos[1:]:
        sq = sq + ((ko - mean) ** 2).sum(axis=0, keepdims=True)
    scale = gamma_ref[...] / jnp.sqrt(sq / N + BN_EPS)
    for p, ko in enumerate(kos):
        xbn = (ko - mean) * scale + beta_ref[...]
        out_ref[p * NQ:(p + 1) * NQ, :] = jnp.where(xbn >= 0, xbn, 0.1 * xbn)


_bn_call = pl.pallas_call(
    _bn_body,
    out_shape=jax.ShapeDtypeStruct((N, OUT_HALF), jnp.float32),
)


def kernel(x, points, neighb_inds, kernel_points, weights, gamma, beta):
    idx_flat = neighb_inds.reshape(-1).astype(jnp.int32)
    pts16 = jnp.concatenate(
        [points, jnp.zeros((N, ROWC - 3), points.dtype)], axis=1)
    wcat = jnp.transpose(weights, (1, 0, 2)).reshape(IN_DIM, K * OUT_HALF)
    kpt = kernel_points.T
    ko = []
    g, gc = [], []
    for p in range(NSPLIT):
        g.append(_sc_gather(x, idx_flat, IN_DIM, True, NQ * H, p * NQ * H))
        gc.append(_sc_gather(pts16, idx_flat, ROWC, False, NQ * H, p * NQ * H))
    for p in range(NSPLIT):
        ko.append(_conv_calls[p](g[p], gc[p], points, kpt, wcat))
    return _bn_call(*ko, gamma.reshape(1, OUT_HALF), beta.reshape(1, OUT_HALF))

# --- scband reference (transcript-rebuilt; emitter-appended) ---
"""Pipeline reference for scband-simple-block-90718299226282 (READ-ONLY COPY).

The authoritative reference and input builder live on the scoring server;
editing this copy changes nothing except your own understanding.
"""

import jax, jax.numpy as jnp
import numpy as np

N = 10000
H = 32
IN_DIM = 128
OUT_HALF = 64  # out_dim // 2 inside SimpleBlock
K = 15
KP_EXTENT = 1.2  # radius * config.KP_extent / config.conv_radius = 2.5*1.2/2.5
BN_EPS = 1e-5


def setup_inputs(seed: int = 0) -> dict:
    key = jax.random.key(seed)
    k1, k2, k3, k4, k5 = jax.random.split(key, 5)
    x = jax.random.normal(k1, (N, IN_DIM), dtype=jnp.float32)
    points = jax.random.uniform(k2, (N, 3), dtype=jnp.float32)
    neighb_inds = jax.random.randint(k3, (N, H), 0, N)
    # fixed kernel point dispositions within ball of radius ~KP_EXTENT (center point first)
    kp = jax.random.normal(k4, (K, 3), dtype=jnp.float32)
    kp = kp / (jnp.linalg.norm(kp, axis=1, keepdims=True) + 1e-9) * (KP_EXTENT * 0.66)
    kp = kp.at[0].set(0.0)
    weights = jax.random.normal(k5, (K, IN_DIM, OUT_HALF), dtype=jnp.float32) * (1.0 / np.sqrt(K * IN_DIM))
    gamma = jnp.ones((OUT_HALF,), dtype=jnp.float32)
    beta = jnp.zeros((OUT_HALF,), dtype=jnp.float32)
    return {"x": x, "points": points, "neighb_inds": neighb_inds,
            "kernel_points": kp, "weights": weights, "gamma": gamma, "beta": beta}


def reference(x, points, neighb_inds, kernel_points, weights, gamma, beta):
    # --- KPConv (rigid, linear influence, sum aggregation) ---
    q_pts = points
    # add shadow point / shadow feature row for out-of-range neighbor index N
    s_pts = jnp.concatenate([points, jnp.full((1, 3), 1e6, dtype=points.dtype)], axis=0)
    x_pad = jnp.concatenate([x, jnp.zeros((1, x.shape[1]), dtype=x.dtype)], axis=0)
    neighbors = s_pts[neighb_inds] - q_pts[:, None, :]                        # [N,H,3]  (gather)
    differences = neighbors[:, :, None, :] - kernel_points[None, None, :, :]  # [N,H,K,3]
    sq_distances = jnp.sum(differences ** 2, axis=3)                          # [N,H,K]
    all_weights = jnp.clip(1.0 - jnp.sqrt(sq_distances) / KP_EXTENT, 0.0, None)
    all_weights = jnp.transpose(all_weights, (0, 2, 1))                       # [N,K,H]
    neighb_x = x_pad[neighb_inds]                                             # [N,H,in] (gather)
    weighted_features = jnp.matmul(all_weights, neighb_x)                     # [N,K,in]
    kernel_out = jnp.einsum('nki,kio->no', weighted_features, weights)        # [N,out_half]
    # --- BatchNormBlock (training-mode batch stats over points) ---
    mean = jnp.mean(kernel_out, axis=0)
    var = jnp.var(kernel_out, axis=0)
    xbn = (kernel_out - mean) / jnp.sqrt(var + BN_EPS) * gamma + beta
    # --- LeakyReLU(0.1) ---
    return jnp.where(xbn >= 0, xbn, 0.1 * xbn)

if __name__ == "__main__":
    import jax
    _d = setup_inputs()
    print(jax.jit(kernel)(*tuple(_d.values())))

</pallas_src>

<mosaic_0001>
#map = affine_map<(d0, d1) -> (0, 0)>
#map1 = affine_map<(d0, d1) -> (0)>
module attributes {stable_mosaic.version = 14 : i64} {
  func.func @gather_kernel(%arg0: i32, %arg1: i32, %arg2: memref<10000x16xf32, #tpu.memory_space<hbm>>, %arg3: memref<320000xi32, #tpu.memory_space<hbm>>, %arg4: memref<64000x16xf32, #tpu.memory_space<hbm>>, %arg5: memref<2000xi32, #tpu.memory_space<vmem>>, %arg6: memref<400x16xf32, #tpu.memory_space<vmem>>, %arg7: memref<!tpu.dma_semaphore, #tpu.memory_space<semaphore_mem>>) attributes {dimension_semantics = [#tpu.dimension_semantics<core_parallel>, #tpu.dimension_semantics<subcore_parallel>], iteration_bounds = array<i64: 2, 16>, scalar_prefetch = 0 : i64, scratch_operands = 3 : i64, tpu.core_type = #tpu.core_type<sc_vector_subcore>, window_params = [{transform_indices = #map}, {transform_indices = #map1}, {transform_indices = #map}]} {
    %mul3A = arith.constant 2 : i32
    %mul3A_0 = arith.muli %arg1, %mul3A : i32
    %add3A = arith.addi %mul3A_0, %arg0 : i32
    %mul3A_1 = arith.constant 2000 : i32
    %mul3A_2 = arith.muli %add3A, %mul3A_1 : i32
    %add3A_3 = arith.constant 192000 : i32
    %add3A_4 = arith.addi %add3A_3, %mul3A_2 : i32
    "tpu.region"() ({
      %run_scoped3A = tpu.sem_alloc : memref<!tpu.dma_semaphore, #tpu.memory_space<semaphore_mem>>
      %dma_start3A = tpu.memref_slice %arg3[%add3A_4] : memref<320000xi32, #tpu.memory_space<hbm>> -> memref<2000xi32, #tpu.memory_space<hbm>>
      %dma_start3A_10 = tpu.memref_slice %arg3[%add3A_4] : memref<320000xi32, #tpu.memory_space<hbm>> -> memref<2000xi32, #tpu.memory_space<hbm>>
      tpu.enqueue_dma source(%dma_start3A_10 : memref<2000xi32, #tpu.memory_space<hbm>>) target(%arg5 : memref<2000xi32, #tpu.memory_space<vmem>>) target_semaphore(%run_scoped3A : memref<!tpu.dma_semaphore, #tpu.memory_space<semaphore_mem>>)
      %dma_wait3A = tpu.memref_slice %arg3[%add3A_4] : memref<320000xi32, #tpu.memory_space<hbm>> -> memref<2000xi32, #tpu.memory_space<hbm>>
      %dma_wait3A_11 = tpu.memref_slice %arg3[%add3A_4] : memref<320000xi32, #tpu.memory_space<hbm>> -> memref<2000xi32, #tpu.memory_space<hbm>>
      tpu.wait_dma2 semaphore(%run_scoped3A : memref<!tpu.dma_semaphore, #tpu.memory_space<semaphore_mem>>) src(%dma_wait3A_11 : memref<2000xi32, #tpu.memory_space<hbm>>) dst(%arg5 : memref<2000xi32, #tpu.memory_space<vmem>>)
      tpu.yield
    }) : () -> ()
    %scan3A = arith.constant 0 : i32
    %scan3A_5 = arith.constant 0 : i32
    %scan3A_6 = arith.constant 5 : i32
    %scan3A_7 = arith.addi %scan3A_5, %scan3A_6 : i32
    %scan3A_8 = arith.constant 1 : i32
    scf.for %scan3A_10 = %scan3A_5 to %scan3A_7 step %scan3A_8  : i32 {
      %mul3A_11 = arith.constant 400 : i32
      %mul3A_12 = arith.muli %scan3A_10, %mul3A_11 : i32
      %dma_start3A = tpu.memref_slice %arg5[%mul3A_12] : memref<2000xi32, #tpu.memory_space<vmem>> -> memref<400xi32, #tpu.memory_space<vmem>>
      %dma_start3A_13 = arith.constant 0 : i32
      %dma_start3A_14 = arith.constant 0 : i32
      %dma_start3A_15 = tpu.memref_slice %arg2[%dma_start3A_13, %dma_start3A_14] : memref<10000x16xf32, #tpu.memory_space<hbm>> -> memref<10000x16xf32, #tpu.memory_space<hbm>>
      tpu.enqueue_indirect_dma source(%dma_start3A_15 : memref<10000x16xf32, #tpu.memory_space<hbm>>) target(%arg6 : memref<400x16xf32, #tpu.memory_space<vmem>>) offsets(%dma_start3A : memref<400xi32, #tpu.memory_space<vmem>>) semaphore(%arg7 : memref<!tpu.dma_semaphore, #tpu.memory_space<semaphore_mem>>)
      %dma_wait3A = tpu.memref_slice %arg5[%mul3A_12] : memref<2000xi32, #tpu.memory_space<vmem>> -> memref<400xi32, #tpu.memory_space<vmem>>
      %dma_wait3A_16 = arith.constant 0 : i32
      %dma_wait3A_17 = arith.constant 0 : i32
      %dma_wait3A_18 = tpu.memref_slice %arg2[%dma_wait3A_16, %dma_wait3A_17] : memref<10000x16xf32, #tpu.memory_space<hbm>> -> memref<10000x16xf32, #tpu.memory_space<hbm>>
      tpu.wait_indirect_dma semaphore(%arg7 : memref<!tpu.dma_semaphore, #tpu.memory_space<semaphore_mem>>) src(%dma_wait3A_18 : memref<10000x16xf32, #tpu.memory_space<hbm>>) dst(%arg6 : memref<400x16xf32, #tpu.memory_space<vmem>>)
      %add3A_19 = arith.addi %mul3A_2, %mul3A_12 : i32
      "tpu.region"() ({
        %run_scoped3A = tpu.sem_alloc : memref<!tpu.dma_semaphore, #tpu.memory_space<semaphore_mem>>
        %dma_start3A_20 = arith.constant 0 : i32
        %dma_start3A_21 = tpu.memref_slice %arg4[%add3A_19, %dma_start3A_20] : memref<64000x16xf32, #tpu.memory_space<hbm>> -> memref<400x16xf32, #tpu.memory_space<hbm>>
        %dma_start3A_22 = arith.constant 0 : i32
        %dma_start3A_23 = tpu.memref_slice %arg4[%add3A_19, %dma_start3A_22] : memref<64000x16xf32, #tpu.memory_space<hbm>> -> memref<400x16xf32, #tpu.memory_space<hbm>>
        tpu.enqueue_dma source(%arg6 : memref<400x16xf32, #tpu.memory_space<vmem>>) target(%dma_start3A_23 : memref<400x16xf32, #tpu.memory_space<hbm>>) target_semaphore(%run_scoped3A : memref<!tpu.dma_semaphore, #tpu.memory_space<semaphore_mem>>)
        %dma_wait3A_24 = arith.constant 0 : i32
        %dma_wait3A_25 = tpu.memref_slice %arg4[%add3A_19, %dma_wait3A_24] : memref<64000x16xf32, #tpu.memory_space<hbm>> -> memref<400x16xf32, #tpu.memory_space<hbm>>
        %dma_wait3A_26 = arith.constant 0 : i32
        %dma_wait3A_27 = tpu.memref_slice %arg4[%add3A_19, %dma_wait3A_26] : memref<64000x16xf32, #tpu.memory_space<hbm>> -> memref<400x16xf32, #tpu.memory_space<hbm>>
        tpu.wait_dma2 semaphore(%run_scoped3A : memref<!tpu.dma_semaphore, #tpu.memory_space<semaphore_mem>>) src(%arg6 : memref<400x16xf32, #tpu.memory_space<vmem>>) dst(%dma_wait3A_27 : memref<400x16xf32, #tpu.memory_space<hbm>>)
        tpu.yield
      }) : () -> ()
    }
    %scan3A_9 = arith.constant 5 : i32
    return
  }
}

#map = affine_map<(d0, d1) -> (0, 0)>
#map1 = affine_map<(d0, d1) -> (0)>
module attributes {stable_mosaic.version = 14 : i64} {
  func.func @gather_kernel(%arg0: i32, %arg1: i32, %arg2: memref<10000x16xf32, #tpu.memory_space<hbm>>, %arg3: memref<320000xi32, #tpu.memory_space<hbm>>, %arg4: memref<64000x16xf32, #tpu.memory_space<hbm>>, %arg5: memref<2000xi32, #tpu.memory_space<vmem>>, %arg6: memref<400x16xf32, #tpu.memory_space<vmem>>, %arg7: memref<!tpu.dma_semaphore, #tpu.memory_space<semaphore_mem>>) attributes {dimension_semantics = [#tpu.dimension_semantics<core_parallel>, #tpu.dimension_semantics<subcore_parallel>], iteration_bounds = array<i64: 2, 16>, scalar_prefetch = 0 : i64, scratch_operands = 3 : i64, tpu.core_type = #tpu.core_type<sc_vector_subcore>, window_params = [{transform_indices = #map}, {transform_indices = #map1}, {transform_indices = #map}]} {
    %mul3A = arith.constant 2 : i32
    %mul3A_0 = arith.muli %arg1, %mul3A : i32
    %add3A = arith.addi %mul3A_0, %arg0 : i32
    %mul3A_1 = arith.constant 2000 : i32
    %mul3A_2 = arith.muli %add3A, %mul3A_1 : i32
    %add3A_3 = arith.constant 64000 : i32
    %add3A_4 = arith.addi %add3A_3, %mul3A_2 : i32
    "tpu.region"() ({
      %run_scoped3A = tpu.sem_alloc : memref<!tpu.dma_semaphore, #tpu.memory_space<semaphore_mem>>
      %dma_start3A = tpu.memref_slice %arg3[%add3A_4] : memref<320000xi32, #tpu.memory_space<hbm>> -> memref<2000xi32, #tpu.memory_space<hbm>>
      %dma_start3A_10 = tpu.memref_slice %arg3[%add3A_4] : memref<320000xi32, #tpu.memory_space<hbm>> -> memref<2000xi32, #tpu.memory_space<hbm>>
      tpu.enqueue_dma source(%dma_start3A_10 : memref<2000xi32, #tpu.memory_space<hbm>>) target(%arg5 : memref<2000xi32, #tpu.memory_space<vmem>>) target_semaphore(%run_scoped3A : memref<!tpu.dma_semaphore, #tpu.memory_space<semaphore_mem>>)
      %dma_wait3A = tpu.memref_slice %arg3[%add3A_4] : memref<320000xi32, #tpu.memory_space<hbm>> -> memref<2000xi32, #tpu.memory_space<hbm>>
      %dma_wait3A_11 = tpu.memref_slice %arg3[%add3A_4] : memref<320000xi32, #tpu.memory_space<hbm>> -> memref<2000xi32, #tpu.memory_space<hbm>>
      tpu.wait_dma2 semaphore(%run_scoped3A : memref<!tpu.dma_semaphore, #tpu.memory_space<semaphore_mem>>) src(%dma_wait3A_11 : memref<2000xi32, #tpu.memory_space<hbm>>) dst(%arg5 : memref<2000xi32, #tpu.memory_space<vmem>>)
      tpu.yield
    }) : () -> ()
    %scan3A = arith.constant 0 : i32
    %scan3A_5 = arith.constant 0 : i32
    %scan3A_6 = arith.constant 5 : i32
    %scan3A_7 = arith.addi %scan3A_5, %scan3A_6 : i32
    %scan3A_8 = arith.constant 1 : i32
    scf.for %scan3A_10 = %scan3A_5 to %scan3A_7 step %scan3A_8  : i32 {
      %mul3A_11 = arith.constant 400 : i32
      %mul3A_12 = arith.muli %scan3A_10, %mul3A_11 : i32
      %dma_start3A = tpu.memref_slice %arg5[%mul3A_12] : memref<2000xi32, #tpu.memory_space<vmem>> -> memref<400xi32, #tpu.memory_space<vmem>>
      %dma_start3A_13 = arith.constant 0 : i32
      %dma_start3A_14 = arith.constant 0 : i32
      %dma_start3A_15 = tpu.memref_slice %arg2[%dma_start3A_13, %dma_start3A_14] : memref<10000x16xf32, #tpu.memory_space<hbm>> -> memref<10000x16xf32, #tpu.memory_space<hbm>>
      tpu.enqueue_indirect_dma source(%dma_start3A_15 : memref<10000x16xf32, #tpu.memory_space<hbm>>) target(%arg6 : memref<400x16xf32, #tpu.memory_space<vmem>>) offsets(%dma_start3A : memref<400xi32, #tpu.memory_space<vmem>>) semaphore(%arg7 : memref<!tpu.dma_semaphore, #tpu.memory_space<semaphore_mem>>)
      %dma_wait3A = tpu.memref_slice %arg5[%mul3A_12] : memref<2000xi32, #tpu.memory_space<vmem>> -> memref<400xi32, #tpu.memory_space<vmem>>
      %dma_wait3A_16 = arith.constant 0 : i32
      %dma_wait3A_17 = arith.constant 0 : i32
      %dma_wait3A_18 = tpu.memref_slice %arg2[%dma_wait3A_16, %dma_wait3A_17] : memref<10000x16xf32, #tpu.memory_space<hbm>> -> memref<10000x16xf32, #tpu.memory_space<hbm>>
      tpu.wait_indirect_dma semaphore(%arg7 : memref<!tpu.dma_semaphore, #tpu.memory_space<semaphore_mem>>) src(%dma_wait3A_18 : memref<10000x16xf32, #tpu.memory_space<hbm>>) dst(%arg6 : memref<400x16xf32, #tpu.memory_space<vmem>>)
      %add3A_19 = arith.addi %mul3A_2, %mul3A_12 : i32
      "tpu.region"() ({
        %run_scoped3A = tpu.sem_alloc : memref<!tpu.dma_semaphore, #tpu.memory_space<semaphore_mem>>
        %dma_start3A_20 = arith.constant 0 : i32
        %dma_start3A_21 = tpu.memref_slice %arg4[%add3A_19, %dma_start3A_20] : memref<64000x16xf32, #tpu.memory_space<hbm>> -> memref<400x16xf32, #tpu.memory_space<hbm>>
        %dma_start3A_22 = arith.constant 0 : i32
        %dma_start3A_23 = tpu.memref_slice %arg4[%add3A_19, %dma_start3A_22] : memref<64000x16xf32, #tpu.memory_space<hbm>> -> memref<400x16xf32, #tpu.memory_space<hbm>>
        tpu.enqueue_dma source(%arg6 : memref<400x16xf32, #tpu.memory_space<vmem>>) target(%dma_start3A_23 : memref<400x16xf32, #tpu.memory_space<hbm>>) target_semaphore(%run_scoped3A : memref<!tpu.dma_semaphore, #tpu.memory_space<semaphore_mem>>)
        %dma_wait3A_24 = arith.constant 0 : i32
        %dma_wait3A_25 = tpu.memref_slice %arg4[%add3A_19, %dma_wait3A_24] : memref<64000x16xf32, #tpu.memory_space<hbm>> -> memref<400x16xf32, #tpu.memory_space<hbm>>
        %dma_wait3A_26 = arith.constant 0 : i32
        %dma_wait3A_27 = tpu.memref_slice %arg4[%add3A_19, %dma_wait3A_26] : memref<64000x16xf32, #tpu.memory_space<hbm>> -> memref<400x16xf32, #tpu.memory_space<hbm>>
        tpu.wait_dma2 semaphore(%run_scoped3A : memref<!tpu.dma_semaphore, #tpu.memory_space<semaphore_mem>>) src(%arg6 : memref<400x16xf32, #tpu.memory_space<vmem>>) dst(%dma_wait3A_27 : memref<400x16xf32, #tpu.memory_space<hbm>>)
        tpu.yield
      }) : () -> ()
    }
    %scan3A_9 = arith.constant 5 : i32
    return
  }
}

#map = affine_map<(d0, d1) -> (0, 0)>
#map1 = affine_map<(d0, d1) -> (0)>
module attributes {stable_mosaic.version = 14 : i64} {
  func.func @gather_kernel(%arg0: i32, %arg1: i32, %arg2: memref<10000x16xf32, #tpu.memory_space<hbm>>, %arg3: memref<320000xi32, #tpu.memory_space<hbm>>, %arg4: memref<64000x16xf32, #tpu.memory_space<hbm>>, %arg5: memref<2000xi32, #tpu.memory_space<vmem>>, %arg6: memref<400x16xf32, #tpu.memory_space<vmem>>, %arg7: memref<!tpu.dma_semaphore, #tpu.memory_space<semaphore_mem>>) attributes {dimension_semantics = [#tpu.dimension_semantics<core_parallel>, #tpu.dimension_semantics<subcore_parallel>], iteration_bounds = array<i64: 2, 16>, scalar_prefetch = 0 : i64, scratch_operands = 3 : i64, tpu.core_type = #tpu.core_type<sc_vector_subcore>, window_params = [{transform_indices = #map}, {transform_indices = #map1}, {transform_indices = #map}]} {
    %mul3A = arith.constant 2 : i32
    %mul3A_0 = arith.muli %arg1, %mul3A : i32
    %add3A = arith.addi %mul3A_0, %arg0 : i32
    %mul3A_1 = arith.constant 2000 : i32
    %mul3A_2 = arith.muli %add3A, %mul3A_1 : i32
    %add3A_3 = arith.constant 128000 : i32
    %add3A_4 = arith.addi %add3A_3, %mul3A_2 : i32
    "tpu.region"() ({
      %run_scoped3A = tpu.sem_alloc : memref<!tpu.dma_semaphore, #tpu.memory_space<semaphore_mem>>
      %dma_start3A = tpu.memref_slice %arg3[%add3A_4] : memref<320000xi32, #tpu.memory_space<hbm>> -> memref<2000xi32, #tpu.memory_space<hbm>>
      %dma_start3A_10 = tpu.memref_slice %arg3[%add3A_4] : memref<320000xi32, #tpu.memory_space<hbm>> -> memref<2000xi32, #tpu.memory_space<hbm>>
      tpu.enqueue_dma source(%dma_start3A_10 : memref<2000xi32, #tpu.memory_space<hbm>>) target(%arg5 : memref<2000xi32, #tpu.memory_space<vmem>>) target_semaphore(%run_scoped3A : memref<!tpu.dma_semaphore, #tpu.memory_space<semaphore_mem>>)
      %dma_wait3A = tpu.memref_slice %arg3[%add3A_4] : memref<320000xi32, #tpu.memory_space<hbm>> -> memref<2000xi32, #tpu.memory_space<hbm>>
      %dma_wait3A_11 = tpu.memref_slice %arg3[%add3A_4] : memref<320000xi32, #tpu.memory_space<hbm>> -> memref<2000xi32, #tpu.memory_space<hbm>>
      tpu.wait_dma2 semaphore(%run_scoped3A : memref<!tpu.dma_semaphore, #tpu.memory_space<semaphore_mem>>) src(%dma_wait3A_11 : memref<2000xi32, #tpu.memory_space<hbm>>) dst(%arg5 : memref<2000xi32, #tpu.memory_space<vmem>>)
      tpu.yield
    }) : () -> ()
    %scan3A = arith.constant 0 : i32
    %scan3A_5 = arith.constant 0 : i32
    %scan3A_6 = arith.constant 5 : i32
    %scan3A_7 = arith.addi %scan3A_5, %scan3A_6 : i32
    %scan3A_8 = arith.constant 1 : i32
    scf.for %scan3A_10 = %scan3A_5 to %scan3A_7 step %scan3A_8  : i32 {
      %mul3A_11 = arith.constant 400 : i32
      %mul3A_12 = arith.muli %scan3A_10, %mul3A_11 : i32
      %dma_start3A = tpu.memref_slice %arg5[%mul3A_12] : memref<2000xi32, #tpu.memory_space<vmem>> -> memref<400xi32, #tpu.memory_space<vmem>>
      %dma_start3A_13 = arith.constant 0 : i32
      %dma_start3A_14 = arith.constant 0 : i32
      %dma_start3A_15 = tpu.memref_slice %arg2[%dma_start3A_13, %dma_start3A_14] : memref<10000x16xf32, #tpu.memory_space<hbm>> -> memref<10000x16xf32, #tpu.memory_space<hbm>>
      tpu.enqueue_indirect_dma source(%dma_start3A_15 : memref<10000x16xf32, #tpu.memory_space<hbm>>) target(%arg6 : memref<400x16xf32, #tpu.memory_space<vmem>>) offsets(%dma_start3A : memref<400xi32, #tpu.memory_space<vmem>>) semaphore(%arg7 : memref<!tpu.dma_semaphore, #tpu.memory_space<semaphore_mem>>)
      %dma_wait3A = tpu.memref_slice %arg5[%mul3A_12] : memref<2000xi32, #tpu.memory_space<vmem>> -> memref<400xi32, #tpu.memory_space<vmem>>
      %dma_wait3A_16 = arith.constant 0 : i32
      %dma_wait3A_17 = arith.constant 0 : i32
      %dma_wait3A_18 = tpu.memref_slice %arg2[%dma_wait3A_16, %dma_wait3A_17] : memref<10000x16xf32, #tpu.memory_space<hbm>> -> memref<10000x16xf32, #tpu.memory_space<hbm>>
      tpu.wait_indirect_dma semaphore(%arg7 : memref<!tpu.dma_semaphore, #tpu.memory_space<semaphore_mem>>) src(%dma_wait3A_18 : memref<10000x16xf32, #tpu.memory_space<hbm>>) dst(%arg6 : memref<400x16xf32, #tpu.memory_space<vmem>>)
      %add3A_19 = arith.addi %mul3A_2, %mul3A_12 : i32
      "tpu.region"() ({
        %run_scoped3A = tpu.sem_alloc : memref<!tpu.dma_semaphore, #tpu.memory_space<semaphore_mem>>
        %dma_start3A_20 = arith.constant 0 : i32
        %dma_start3A_21 = tpu.memref_slice %arg4[%add3A_19, %dma_start3A_20] : memref<64000x16xf32, #tpu.memory_space<hbm>> -> memref<400x16xf32, #tpu.memory_space<hbm>>
        %dma_start3A_22 = arith.constant 0 : i32
        %dma_start3A_23 = tpu.memref_slice %arg4[%add3A_19, %dma_start3A_22] : memref<64000x16xf32, #tpu.memory_space<hbm>> -> memref<400x16xf32, #tpu.memory_space<hbm>>
        tpu.enqueue_dma source(%arg6 : memref<400x16xf32, #tpu.memory_space<vmem>>) target(%dma_start3A_23 : memref<400x16xf32, #tpu.memory_space<hbm>>) target_semaphore(%run_scoped3A : memref<!tpu.dma_semaphore, #tpu.memory_space<semaphore_mem>>)
        %dma_wait3A_24 = arith.constant 0 : i32
        %dma_wait3A_25 = tpu.memref_slice %arg4[%add3A_19, %dma_wait3A_24] : memref<64000x16xf32, #tpu.memory_space<hbm>> -> memref<400x16xf32, #tpu.memory_space<hbm>>
        %dma_wait3A_26 = arith.constant 0 : i32
        %dma_wait3A_27 = tpu.memref_slice %arg4[%add3A_19, %dma_wait3A_26] : memref<64000x16xf32, #tpu.memory_space<hbm>> -> memref<400x16xf32, #tpu.memory_space<hbm>>
        tpu.wait_dma2 semaphore(%run_scoped3A : memref<!tpu.dma_semaphore, #tpu.memory_space<semaphore_mem>>) src(%arg6 : memref<400x16xf32, #tpu.memory_space<vmem>>) dst(%dma_wait3A_27 : memref<400x16xf32, #tpu.memory_space<hbm>>)
        tpu.yield
      }) : () -> ()
    }
    %scan3A_9 = arith.constant 5 : i32
    return
  }
}

#map = affine_map<(d0, d1) -> (0, 0)>
#map1 = affine_map<(d0, d1) -> (0)>
module attributes {stable_mosaic.version = 14 : i64} {
  func.func @gather_kernel(%arg0: i32, %arg1: i32, %arg2: memref<10000x16xf32, #tpu.memory_space<hbm>>, %arg3: memref<320000xi32, #tpu.memory_space<hbm>>, %arg4: memref<64000x16xf32, #tpu.memory_space<hbm>>, %arg5: memref<2000xi32, #tpu.memory_space<vmem>>, %arg6: memref<400x16xf32, #tpu.memory_space<vmem>>, %arg7: memref<!tpu.dma_semaphore, #tpu.memory_space<semaphore_mem>>) attributes {dimension_semantics = [#tpu.dimension_semantics<core_parallel>, #tpu.dimension_semantics<subcore_parallel>], iteration_bounds = array<i64: 2, 16>, scalar_prefetch = 0 : i64, scratch_operands = 3 : i64, tpu.core_type = #tpu.core_type<sc_vector_subcore>, window_params = [{transform_indices = #map}, {transform_indices = #map1}, {transform_indices = #map}]} {
    %mul3A = arith.constant 2 : i32
    %mul3A_0 = arith.muli %arg1, %mul3A : i32
    %add3A = arith.addi %mul3A_0, %arg0 : i32
    %mul3A_1 = arith.constant 2000 : i32
    %mul3A_2 = arith.muli %add3A, %mul3A_1 : i32
    %add3A_3 = arith.constant 256000 : i32
    %add3A_4 = arith.addi %add3A_3, %mul3A_2 : i32
    "tpu.region"() ({
      %run_scoped3A = tpu.sem_alloc : memref<!tpu.dma_semaphore, #tpu.memory_space<semaphore_mem>>
      %dma_start3A = tpu.memref_slice %arg3[%add3A_4] : memref<320000xi32, #tpu.memory_space<hbm>> -> memref<2000xi32, #tpu.memory_space<hbm>>
      %dma_start3A_10 = tpu.memref_slice %arg3[%add3A_4] : memref<320000xi32, #tpu.memory_space<hbm>> -> memref<2000xi32, #tpu.memory_space<hbm>>
      tpu.enqueue_dma source(%dma_start3A_10 : memref<2000xi32, #tpu.memory_space<hbm>>) target(%arg5 : memref<2000xi32, #tpu.memory_space<vmem>>) target_semaphore(%run_scoped3A : memref<!tpu.dma_semaphore, #tpu.memory_space<semaphore_mem>>)
      %dma_wait3A = tpu.memref_slice %arg3[%add3A_4] : memref<320000xi32, #tpu.memory_space<hbm>> -> memref<2000xi32, #tpu.memory_space<hbm>>
      %dma_wait3A_11 = tpu.memref_slice %arg3[%add3A_4] : memref<320000xi32, #tpu.memory_space<hbm>> -> memref<2000xi32, #tpu.memory_space<hbm>>
      tpu.wait_dma2 semaphore(%run_scoped3A : memref<!tpu.dma_semaphore, #tpu.memory_space<semaphore_mem>>) src(%dma_wait3A_11 : memref<2000xi32, #tpu.memory_space<hbm>>) dst(%arg5 : memref<2000xi32, #tpu.memory_space<vmem>>)
      tpu.yield
    }) : () -> ()
    %scan3A = arith.constant 0 : i32
    %scan3A_5 = arith.constant 0 : i32
    %scan3A_6 = arith.constant 5 : i32
    %scan3A_7 = arith.addi %scan3A_5, %scan3A_6 : i32
    %scan3A_8 = arith.constant 1 : i32
    scf.for %scan3A_10 = %scan3A_5 to %scan3A_7 step %scan3A_8  : i32 {
      %mul3A_11 = arith.constant 400 : i32
      %mul3A_12 = arith.muli %scan3A_10, %mul3A_11 : i32
      %dma_start3A = tpu.memref_slice %arg5[%mul3A_12] : memref<2000xi32, #tpu.memory_space<vmem>> -> memref<400xi32, #tpu.memory_space<vmem>>
      %dma_start3A_13 = arith.constant 0 : i32
      %dma_start3A_14 = arith.constant 0 : i32
      %dma_start3A_15 = tpu.memref_slice %arg2[%dma_start3A_13, %dma_start3A_14] : memref<10000x16xf32, #tpu.memory_space<hbm>> -> memref<10000x16xf32, #tpu.memory_space<hbm>>
      tpu.enqueue_indirect_dma source(%dma_start3A_15 : memref<10000x16xf32, #tpu.memory_space<hbm>>) target(%arg6 : memref<400x16xf32, #tpu.memory_space<vmem>>) offsets(%dma_start3A : memref<400xi32, #tpu.memory_space<vmem>>) semaphore(%arg7 : memref<!tpu.dma_semaphore, #tpu.memory_space<semaphore_mem>>)
      %dma_wait3A = tpu.memref_slice %arg5[%mul3A_12] : memref<2000xi32, #tpu.memory_space<vmem>> -> memref<400xi32, #tpu.memory_space<vmem>>
      %dma_wait3A_16 = arith.constant 0 : i32
      %dma_wait3A_17 = arith.constant 0 : i32
      %dma_wait3A_18 = tpu.memref_slice %arg2[%dma_wait3A_16, %dma_wait3A_17] : memref<10000x16xf32, #tpu.memory_space<hbm>> -> memref<10000x16xf32, #tpu.memory_space<hbm>>
      tpu.wait_indirect_dma semaphore(%arg7 : memref<!tpu.dma_semaphore, #tpu.memory_space<semaphore_mem>>) src(%dma_wait3A_18 : memref<10000x16xf32, #tpu.memory_space<hbm>>) dst(%arg6 : memref<400x16xf32, #tpu.memory_space<vmem>>)
      %add3A_19 = arith.addi %mul3A_2, %mul3A_12 : i32
      "tpu.region"() ({
        %run_scoped3A = tpu.sem_alloc : memref<!tpu.dma_semaphore, #tpu.memory_space<semaphore_mem>>
        %dma_start3A_20 = arith.constant 0 : i32
        %dma_start3A_21 = tpu.memref_slice %arg4[%add3A_19, %dma_start3A_20] : memref<64000x16xf32, #tpu.memory_space<hbm>> -> memref<400x16xf32, #tpu.memory_space<hbm>>
        %dma_start3A_22 = arith.constant 0 : i32
        %dma_start3A_23 = tpu.memref_slice %arg4[%add3A_19, %dma_start3A_22] : memref<64000x16xf32, #tpu.memory_space<hbm>> -> memref<400x16xf32, #tpu.memory_space<hbm>>
        tpu.enqueue_dma source(%arg6 : memref<400x16xf32, #tpu.memory_space<vmem>>) target(%dma_start3A_23 : memref<400x16xf32, #tpu.memory_space<hbm>>) target_semaphore(%run_scoped3A : memref<!tpu.dma_semaphore, #tpu.memory_space<semaphore_mem>>)
        %dma_wait3A_24 = arith.constant 0 : i32
        %dma_wait3A_25 = tpu.memref_slice %arg4[%add3A_19, %dma_wait3A_24] : memref<64000x16xf32, #tpu.memory_space<hbm>> -> memref<400x16xf32, #tpu.memory_space<hbm>>
        %dma_wait3A_26 = arith.constant 0 : i32
        %dma_wait3A_27 = tpu.memref_slice %arg4[%add3A_19, %dma_wait3A_26] : memref<64000x16xf32, #tpu.memory_space<hbm>> -> memref<400x16xf32, #tpu.memory_space<hbm>>
        tpu.wait_dma2 semaphore(%run_scoped3A : memref<!tpu.dma_semaphore, #tpu.memory_space<semaphore_mem>>) src(%arg6 : memref<400x16xf32, #tpu.memory_space<vmem>>) dst(%dma_wait3A_27 : memref<400x16xf32, #tpu.memory_space<hbm>>)
        tpu.yield
      }) : () -> ()
    }
    %scan3A_9 = arith.constant 5 : i32
    return
  }
}

#map = affine_map<(d0, d1) -> (0, 0)>
#map1 = affine_map<(d0, d1) -> (0)>
module attributes {stable_mosaic.version = 14 : i64} {
  func.func @gather_kernel(%arg0: i32, %arg1: i32, %arg2: memref<10000x16xf32, #tpu.memory_space<hbm>>, %arg3: memref<320000xi32, #tpu.memory_space<hbm>>, %arg4: memref<64000x16xf32, #tpu.memory_space<hbm>>, %arg5: memref<2000xi32, #tpu.memory_space<vmem>>, %arg6: memref<400x16xf32, #tpu.memory_space<vmem>>, %arg7: memref<!tpu.dma_semaphore, #tpu.memory_space<semaphore_mem>>) attributes {dimension_semantics = [#tpu.dimension_semantics<core_parallel>, #tpu.dimension_semantics<subcore_parallel>], iteration_bounds = array<i64: 2, 16>, scalar_prefetch = 0 : i64, scratch_operands = 3 : i64, tpu.core_type = #tpu.core_type<sc_vector_subcore>, window_params = [{transform_indices = #map}, {transform_indices = #map1}, {transform_indices = #map}]} {
    %mul3A = arith.constant 2 : i32
    %mul3A_0 = arith.muli %arg1, %mul3A : i32
    %add3A = arith.addi %mul3A_0, %arg0 : i32
    %mul3A_1 = arith.constant 2000 : i32
    %mul3A_2 = arith.muli %add3A, %mul3A_1 : i32
    %add3A_3 = arith.constant 0 : i32
    %add3A_4 = arith.addi %add3A_3, %mul3A_2 : i32
    "tpu.region"() ({
      %run_scoped3A = tpu.sem_alloc : memref<!tpu.dma_semaphore, #tpu.memory_space<semaphore_mem>>
      %dma_start3A = tpu.memref_slice %arg3[%add3A_4] : memref<320000xi32, #tpu.memory_space<hbm>> -> memref<2000xi32, #tpu.memory_space<hbm>>
      %dma_start3A_10 = tpu.memref_slice %arg3[%add3A_4] : memref<320000xi32, #tpu.memory_space<hbm>> -> memref<2000xi32, #tpu.memory_space<hbm>>
      tpu.enqueue_dma source(%dma_start3A_10 : memref<2000xi32, #tpu.memory_space<hbm>>) target(%arg5 : memref<2000xi32, #tpu.memory_space<vmem>>) target_semaphore(%run_scoped3A : memref<!tpu.dma_semaphore, #tpu.memory_space<semaphore_mem>>)
      %dma_wait3A = tpu.memref_slice %arg3[%add3A_4] : memref<320000xi32, #tpu.memory_space<hbm>> -> memref<2000xi32, #tpu.memory_space<hbm>>
      %dma_wait3A_11 = tpu.memref_slice %arg3[%add3A_4] : memref<320000xi32, #tpu.memory_space<hbm>> -> memref<2000xi32, #tpu.memory_space<hbm>>
      tpu.wait_dma2 semaphore(%run_scoped3A : memref<!tpu.dma_semaphore, #tpu.memory_space<semaphore_mem>>) src(%dma_wait3A_11 : memref<2000xi32, #tpu.memory_space<hbm>>) dst(%arg5 : memref<2000xi32, #tpu.memory_space<vmem>>)
      tpu.yield
    }) : () -> ()
    %scan3A = arith.constant 0 : i32
    %scan3A_5 = arith.constant 0 : i32
    %scan3A_6 = arith.constant 5 : i32
    %scan3A_7 = arith.addi %scan3A_5, %scan3A_6 : i32
    %scan3A_8 = arith.constant 1 : i32
    scf.for %scan3A_10 = %scan3A_5 to %scan3A_7 step %scan3A_8  : i32 {
      %mul3A_11 = arith.constant 400 : i32
      %mul3A_12 = arith.muli %scan3A_10, %mul3A_11 : i32
      %dma_start3A = tpu.memref_slice %arg5[%mul3A_12] : memref<2000xi32, #tpu.memory_space<vmem>> -> memref<400xi32, #tpu.memory_space<vmem>>
      %dma_start3A_13 = arith.constant 0 : i32
      %dma_start3A_14 = arith.constant 0 : i32
      %dma_start3A_15 = tpu.memref_slice %arg2[%dma_start3A_13, %dma_start3A_14] : memref<10000x16xf32, #tpu.memory_space<hbm>> -> memref<10000x16xf32, #tpu.memory_space<hbm>>
      tpu.enqueue_indirect_dma source(%dma_start3A_15 : memref<10000x16xf32, #tpu.memory_space<hbm>>) target(%arg6 : memref<400x16xf32, #tpu.memory_space<vmem>>) offsets(%dma_start3A : memref<400xi32, #tpu.memory_space<vmem>>) semaphore(%arg7 : memref<!tpu.dma_semaphore, #tpu.memory_space<semaphore_mem>>)
      %dma_wait3A = tpu.memref_slice %arg5[%mul3A_12] : memref<2000xi32, #tpu.memory_space<vmem>> -> memref<400xi32, #tpu.memory_space<vmem>>
      %dma_wait3A_16 = arith.constant 0 : i32
      %dma_wait3A_17 = arith.constant 0 : i32
      %dma_wait3A_18 = tpu.memref_slice %arg2[%dma_wait3A_16, %dma_wait3A_17] : memref<10000x16xf32, #tpu.memory_space<hbm>> -> memref<10000x16xf32, #tpu.memory_space<hbm>>
      tpu.wait_indirect_dma semaphore(%arg7 : memref<!tpu.dma_semaphore, #tpu.memory_space<semaphore_mem>>) src(%dma_wait3A_18 : memref<10000x16xf32, #tpu.memory_space<hbm>>) dst(%arg6 : memref<400x16xf32, #tpu.memory_space<vmem>>)
      %add3A_19 = arith.addi %mul3A_2, %mul3A_12 : i32
      "tpu.region"() ({
        %run_scoped3A = tpu.sem_alloc : memref<!tpu.dma_semaphore, #tpu.memory_space<semaphore_mem>>
        %dma_start3A_20 = arith.constant 0 : i32
        %dma_start3A_21 = tpu.memref_slice %arg4[%add3A_19, %dma_start3A_20] : memref<64000x16xf32, #tpu.memory_space<hbm>> -> memref<400x16xf32, #tpu.memory_space<hbm>>
        %dma_start3A_22 = arith.constant 0 : i32
        %dma_start3A_23 = tpu.memref_slice %arg4[%add3A_19, %dma_start3A_22] : memref<64000x16xf32, #tpu.memory_space<hbm>> -> memref<400x16xf32, #tpu.memory_space<hbm>>
        tpu.enqueue_dma source(%arg6 : memref<400x16xf32, #tpu.memory_space<vmem>>) target(%dma_start3A_23 : memref<400x16xf32, #tpu.memory_space<hbm>>) target_semaphore(%run_scoped3A : memref<!tpu.dma_semaphore, #tpu.memory_space<semaphore_mem>>)
        %dma_wait3A_24 = arith.constant 0 : i32
        %dma_wait3A_25 = tpu.memref_slice %arg4[%add3A_19, %dma_wait3A_24] : memref<64000x16xf32, #tpu.memory_space<hbm>> -> memref<400x16xf32, #tpu.memory_space<hbm>>
        %dma_wait3A_26 = arith.constant 0 : i32
        %dma_wait3A_27 = tpu.memref_slice %arg4[%add3A_19, %dma_wait3A_26] : memref<64000x16xf32, #tpu.memory_space<hbm>> -> memref<400x16xf32, #tpu.memory_space<hbm>>
        tpu.wait_dma2 semaphore(%run_scoped3A : memref<!tpu.dma_semaphore, #tpu.memory_space<semaphore_mem>>) src(%arg6 : memref<400x16xf32, #tpu.memory_space<vmem>>) dst(%dma_wait3A_27 : memref<400x16xf32, #tpu.memory_space<hbm>>)
        tpu.yield
      }) : () -> ()
    }
    %scan3A_9 = arith.constant 5 : i32
    return
  }
}

#map = affine_map<(d0, d1) -> (0, 0)>
#map1 = affine_map<(d0, d1) -> (0)>
module attributes {stable_mosaic.version = 14 : i64} {
  func.func @gather_kernel(%arg0: i32, %arg1: i32, %arg2: memref<10000x128xf32, #tpu.memory_space<hbm>>, %arg3: memref<320000xi32, #tpu.memory_space<hbm>>, %arg4: memref<64000x128xf32, #tpu.memory_space<hbm>>, %arg5: memref<2000xi32, #tpu.memory_space<vmem>>, %arg6: memref<400x128xf32, #tpu.memory_space<vmem>>, %arg7: memref<!tpu.dma_semaphore, #tpu.memory_space<semaphore_mem>>) attributes {dimension_semantics = [#tpu.dimension_semantics<core_parallel>, #tpu.dimension_semantics<subcore_parallel>], iteration_bounds = array<i64: 2, 16>, scalar_prefetch = 0 : i64, scratch_operands = 3 : i64, tpu.core_type = #tpu.core_type<sc_vector_subcore>, window_params = [{transform_indices = #map}, {transform_indices = #map1}, {transform_indices = #map}]} {
    %mul3A = arith.constant 2 : i32
    %mul3A_0 = arith.muli %arg1, %mul3A : i32
    %add3A = arith.addi %mul3A_0, %arg0 : i32
    %mul3A_1 = arith.constant 2000 : i32
    %mul3A_2 = arith.muli %add3A, %mul3A_1 : i32
    %add3A_3 = arith.constant 64000 : i32
    %add3A_4 = arith.addi %add3A_3, %mul3A_2 : i32
    "tpu.region"() ({
      %run_scoped3A = tpu.sem_alloc : memref<!tpu.dma_semaphore, #tpu.memory_space<semaphore_mem>>
      %dma_start3A = tpu.memref_slice %arg3[%add3A_4] : memref<320000xi32, #tpu.memory_space<hbm>> -> memref<2000xi32, #tpu.memory_space<hbm>>
      %dma_start3A_10 = tpu.memref_slice %arg3[%add3A_4] : memref<320000xi32, #tpu.memory_space<hbm>> -> memref<2000xi32, #tpu.memory_space<hbm>>
      tpu.enqueue_dma source(%dma_start3A_10 : memref<2000xi32, #tpu.memory_space<hbm>>) target(%arg5 : memref<2000xi32, #tpu.memory_space<vmem>>) target_semaphore(%run_scoped3A : memref<!tpu.dma_semaphore, #tpu.memory_space<semaphore_mem>>)
      %dma_wait3A = tpu.memref_slice %arg3[%add3A_4] : memref<320000xi32, #tpu.memory_space<hbm>> -> memref<2000xi32, #tpu.memory_space<hbm>>
      %dma_wait3A_11 = tpu.memref_slice %arg3[%add3A_4] : memref<320000xi32, #tpu.memory_space<hbm>> -> memref<2000xi32, #tpu.memory_space<hbm>>
      tpu.wait_dma2 semaphore(%run_scoped3A : memref<!tpu.dma_semaphore, #tpu.memory_space<semaphore_mem>>) src(%dma_wait3A_11 : memref<2000xi32, #tpu.memory_space<hbm>>) dst(%arg5 : memref<2000xi32, #tpu.memory_space<vmem>>)
      tpu.yield
    }) : () -> ()
    %scan3A = arith.constant 0 : i32
    %scan3A_5 = arith.constant 0 : i32
    %scan3A_6 = arith.constant 5 : i32
    %scan3A_7 = arith.addi %scan3A_5, %scan3A_6 : i32
    %scan3A_8 = arith.constant 1 : i32
    scf.for %scan3A_10 = %scan3A_5 to %scan3A_7 step %scan3A_8  : i32 {
      %mul3A_11 = arith.constant 400 : i32
      %mul3A_12 = arith.muli %scan3A_10, %mul3A_11 : i32
      %dma_start3A = tpu.memref_slice %arg5[%mul3A_12] : memref<2000xi32, #tpu.memory_space<vmem>> -> memref<400xi32, #tpu.memory_space<vmem>>
      %dma_start3A_13 = arith.constant 0 : i32
      %dma_start3A_14 = arith.constant 0 : i32
      %dma_start3A_15 = tpu.memref_slice %arg2[%dma_start3A_13, %dma_start3A_14] : memref<10000x128xf32, #tpu.memory_space<hbm>> -> memref<10000x128xf32, #tpu.memory_space<hbm>>
      tpu.enqueue_indirect_dma source(%dma_start3A_15 : memref<10000x128xf32, #tpu.memory_space<hbm>>) target(%arg6 : memref<400x128xf32, #tpu.memory_space<vmem>>) offsets(%dma_start3A : memref<400xi32, #tpu.memory_space<vmem>>) semaphore(%arg7 : memref<!tpu.dma_semaphore, #tpu.memory_space<semaphore_mem>>)
      %dma_wait3A = tpu.memref_slice %arg5[%mul3A_12] : memref<2000xi32, #tpu.memory_space<vmem>> -> memref<400xi32, #tpu.memory_space<vmem>>
      %dma_wait3A_16 = arith.constant 0 : i32
      %dma_wait3A_17 = arith.constant 0 : i32
      %dma_wait3A_18 = tpu.memref_slice %arg2[%dma_wait3A_16, %dma_wait3A_17] : memref<10000x128xf32, #tpu.memory_space<hbm>> -> memref<10000x128xf32, #tpu.memory_space<hbm>>
      tpu.wait_indirect_dma semaphore(%arg7 : memref<!tpu.dma_semaphore, #tpu.memory_space<semaphore_mem>>) src(%dma_wait3A_18 : memref<10000x128xf32, #tpu.memory_space<hbm>>) dst(%arg6 : memref<400x128xf32, #tpu.memory_space<vmem>>)
      %add3A_19 = arith.addi %mul3A_2, %mul3A_12 : i32
      "tpu.region"() ({
        %run_scoped3A = tpu.sem_alloc : memref<!tpu.dma_semaphore, #tpu.memory_space<semaphore_mem>>
        %dma_start3A_20 = arith.constant 0 : i32
        %dma_start3A_21 = tpu.memref_slice %arg4[%add3A_19, %dma_start3A_20] : memref<64000x128xf32, #tpu.memory_space<hbm>> -> memref<400x128xf32, #tpu.memory_space<hbm>>
        %dma_start3A_22 = arith.constant 0 : i32
        %dma_start3A_23 = tpu.memref_slice %arg4[%add3A_19, %dma_start3A_22] : memref<64000x128xf32, #tpu.memory_space<hbm>> -> memref<400x128xf32, #tpu.memory_space<hbm>>
        tpu.enqueue_dma source(%arg6 : memref<400x128xf32, #tpu.memory_space<vmem>>) target(%dma_start3A_23 : memref<400x128xf32, #tpu.memory_space<hbm>>) target_semaphore(%run_scoped3A : memref<!tpu.dma_semaphore, #tpu.memory_space<semaphore_mem>>)
        %dma_wait3A_24 = arith.constant 0 : i32
        %dma_wait3A_25 = tpu.memref_slice %arg4[%add3A_19, %dma_wait3A_24] : memref<64000x128xf32, #tpu.memory_space<hbm>> -> memref<400x128xf32, #tpu.memory_space<hbm>>
        %dma_wait3A_26 = arith.constant 0 : i32
        %dma_wait3A_27 = tpu.memref_slice %arg4[%add3A_19, %dma_wait3A_26] : memref<64000x128xf32, #tpu.memory_space<hbm>> -> memref<400x128xf32, #tpu.memory_space<hbm>>
        tpu.wait_dma2 semaphore(%run_scoped3A : memref<!tpu.dma_semaphore, #tpu.memory_space<semaphore_mem>>) src(%arg6 : memref<400x128xf32, #tpu.memory_space<vmem>>) dst(%dma_wait3A_27 : memref<400x128xf32, #tpu.memory_space<hbm>>)
        tpu.yield
      }) : () -> ()
    }
    %scan3A_9 = arith.constant 5 : i32
    return
  }
}

#map = affine_map<(d0, d1) -> (0, 0)>
#map1 = affine_map<(d0, d1) -> (0)>
module attributes {stable_mosaic.version = 14 : i64} {
  func.func @gather_kernel(%arg0: i32, %arg1: i32, %arg2: memref<10000x128xf32, #tpu.memory_space<hbm>>, %arg3: memref<320000xi32, #tpu.memory_space<hbm>>, %arg4: memref<64000x128xf32, #tpu.memory_space<hbm>>, %arg5: memref<2000xi32, #tpu.memory_space<vmem>>, %arg6: memref<400x128xf32, #tpu.memory_space<vmem>>, %arg7: memref<!tpu.dma_semaphore, #tpu.memory_space<semaphore_mem>>) attributes {dimension_semantics = [#tpu.dimension_semantics<core_parallel>, #tpu.dimension_semantics<subcore_parallel>], iteration_bounds = array<i64: 2, 16>, scalar_prefetch = 0 : i64, scratch_operands = 3 : i64, tpu.core_type = #tpu.core_type<sc_vector_subcore>, window_params = [{transform_indices = #map}, {transform_indices = #map1}, {transform_indices = #map}]} {
    %mul3A = arith.constant 2 : i32
    %mul3A_0 = arith.muli %arg1, %mul3A : i32
    %add3A = arith.addi %mul3A_0, %arg0 : i32
    %mul3A_1 = arith.constant 2000 : i32
    %mul3A_2 = arith.muli %add3A, %mul3A_1 : i32
    %add3A_3 = arith.constant 128000 : i32
    %add3A_4 = arith.addi %add3A_3, %mul3A_2 : i32
    "tpu.region"() ({
      %run_scoped3A = tpu.sem_alloc : memref<!tpu.dma_semaphore, #tpu.memory_space<semaphore_mem>>
      %dma_start3A = tpu.memref_slice %arg3[%add3A_4] : memref<320000xi32, #tpu.memory_space<hbm>> -> memref<2000xi32, #tpu.memory_space<hbm>>
      %dma_start3A_10 = tpu.memref_slice %arg3[%add3A_4] : memref<320000xi32, #tpu.memory_space<hbm>> -> memref<2000xi32, #tpu.memory_space<hbm>>
      tpu.enqueue_dma source(%dma_start3A_10 : memref<2000xi32, #tpu.memory_space<hbm>>) target(%arg5 : memref<2000xi32, #tpu.memory_space<vmem>>) target_semaphore(%run_scoped3A : memref<!tpu.dma_semaphore, #tpu.memory_space<semaphore_mem>>)
      %dma_wait3A = tpu.memref_slice %arg3[%add3A_4] : memref<320000xi32, #tpu.memory_space<hbm>> -> memref<2000xi32, #tpu.memory_space<hbm>>
      %dma_wait3A_11 = tpu.memref_slice %arg3[%add3A_4] : memref<320000xi32, #tpu.memory_space<hbm>> -> memref<2000xi32, #tpu.memory_space<hbm>>
      tpu.wait_dma2 semaphore(%run_scoped3A : memref<!tpu.dma_semaphore, #tpu.memory_space<semaphore_mem>>) src(%dma_wait3A_11 : memref<2000xi32, #tpu.memory_space<hbm>>) dst(%arg5 : memref<2000xi32, #tpu.memory_space<vmem>>)
      tpu.yield
    }) : () -> ()
    %scan3A = arith.constant 0 : i32
    %scan3A_5 = arith.constant 0 : i32
    %scan3A_6 = arith.constant 5 : i32
    %scan3A_7 = arith.addi %scan3A_5, %scan3A_6 : i32
    %scan3A_8 = arith.constant 1 : i32
    scf.for %scan3A_10 = %scan3A_5 to %scan3A_7 step %scan3A_8  : i32 {
      %mul3A_11 = arith.constant 400 : i32
      %mul3A_12 = arith.muli %scan3A_10, %mul3A_11 : i32
      %dma_start3A = tpu.memref_slice %arg5[%mul3A_12] : memref<2000xi32, #tpu.memory_space<vmem>> -> memref<400xi32, #tpu.memory_space<vmem>>
      %dma_start3A_13 = arith.constant 0 : i32
      %dma_start3A_14 = arith.constant 0 : i32
      %dma_start3A_15 = tpu.memref_slice %arg2[%dma_start3A_13, %dma_start3A_14] : memref<10000x128xf32, #tpu.memory_space<hbm>> -> memref<10000x128xf32, #tpu.memory_space<hbm>>
      tpu.enqueue_indirect_dma source(%dma_start3A_15 : memref<10000x128xf32, #tpu.memory_space<hbm>>) target(%arg6 : memref<400x128xf32, #tpu.memory_space<vmem>>) offsets(%dma_start3A : memref<400xi32, #tpu.memory_space<vmem>>) semaphore(%arg7 : memref<!tpu.dma_semaphore, #tpu.memory_space<semaphore_mem>>)
      %dma_wait3A = tpu.memref_slice %arg5[%mul3A_12] : memref<2000xi32, #tpu.memory_space<vmem>> -> memref<400xi32, #tpu.memory_space<vmem>>
      %dma_wait3A_16 = arith.constant 0 : i32
      %dma_wait3A_17 = arith.constant 0 : i32
      %dma_wait3A_18 = tpu.memref_slice %arg2[%dma_wait3A_16, %dma_wait3A_17] : memref<10000x128xf32, #tpu.memory_space<hbm>> -> memref<10000x128xf32, #tpu.memory_space<hbm>>
      tpu.wait_indirect_dma semaphore(%arg7 : memref<!tpu.dma_semaphore, #tpu.memory_space<semaphore_mem>>) src(%dma_wait3A_18 : memref<10000x128xf32, #tpu.memory_space<hbm>>) dst(%arg6 : memref<400x128xf32, #tpu.memory_space<vmem>>)
      %add3A_19 = arith.addi %mul3A_2, %mul3A_12 : i32
      "tpu.region"() ({
        %run_scoped3A = tpu.sem_alloc : memref<!tpu.dma_semaphore, #tpu.memory_space<semaphore_mem>>
        %dma_start3A_20 = arith.constant 0 : i32
        %dma_start3A_21 = tpu.memref_slice %arg4[%add3A_19, %dma_start3A_20] : memref<64000x128xf32, #tpu.memory_space<hbm>> -> memref<400x128xf32, #tpu.memory_space<hbm>>
        %dma_start3A_22 = arith.constant 0 : i32
        %dma_start3A_23 = tpu.memref_slice %arg4[%add3A_19, %dma_start3A_22] : memref<64000x128xf32, #tpu.memory_space<hbm>> -> memref<400x128xf32, #tpu.memory_space<hbm>>
        tpu.enqueue_dma source(%arg6 : memref<400x128xf32, #tpu.memory_space<vmem>>) target(%dma_start3A_23 : memref<400x128xf32, #tpu.memory_space<hbm>>) target_semaphore(%run_scoped3A : memref<!tpu.dma_semaphore, #tpu.memory_space<semaphore_mem>>)
        %dma_wait3A_24 = arith.constant 0 : i32
        %dma_wait3A_25 = tpu.memref_slice %arg4[%add3A_19, %dma_wait3A_24] : memref<64000x128xf32, #tpu.memory_space<hbm>> -> memref<400x128xf32, #tpu.memory_space<hbm>>
        %dma_wait3A_26 = arith.constant 0 : i32
        %dma_wait3A_27 = tpu.memref_slice %arg4[%add3A_19, %dma_wait3A_26] : memref<64000x128xf32, #tpu.memory_space<hbm>> -> memref<400x128xf32, #tpu.memory_space<hbm>>
        tpu.wait_dma2 semaphore(%run_scoped3A : memref<!tpu.dma_semaphore, #tpu.memory_space<semaphore_mem>>) src(%arg6 : memref<400x128xf32, #tpu.memory_space<vmem>>) dst(%dma_wait3A_27 : memref<400x128xf32, #tpu.memory_space<hbm>>)
        tpu.yield
      }) : () -> ()
    }
    %scan3A_9 = arith.constant 5 : i32
    return
  }
}

#map = affine_map<(d0, d1) -> (0, 0)>
#map1 = affine_map<(d0, d1) -> (0)>
module attributes {stable_mosaic.version = 14 : i64} {
  func.func @gather_kernel(%arg0: i32, %arg1: i32, %arg2: memref<10000x128xf32, #tpu.memory_space<hbm>>, %arg3: memref<320000xi32, #tpu.memory_space<hbm>>, %arg4: memref<64000x128xf32, #tpu.memory_space<hbm>>, %arg5: memref<2000xi32, #tpu.memory_space<vmem>>, %arg6: memref<400x128xf32, #tpu.memory_space<vmem>>, %arg7: memref<!tpu.dma_semaphore, #tpu.memory_space<semaphore_mem>>) attributes {dimension_semantics = [#tpu.dimension_semantics<core_parallel>, #tpu.dimension_semantics<subcore_parallel>], iteration_bounds = array<i64: 2, 16>, scalar_prefetch = 0 : i64, scratch_operands = 3 : i64, tpu.core_type = #tpu.core_type<sc_vector_subcore>, window_params = [{transform_indices = #map}, {transform_indices = #map1}, {transform_indices = #map}]} {
    %mul3A = arith.constant 2 : i32
    %mul3A_0 = arith.muli %arg1, %mul3A : i32
    %add3A = arith.addi %mul3A_0, %arg0 : i32
    %mul3A_1 = arith.constant 2000 : i32
    %mul3A_2 = arith.muli %add3A, %mul3A_1 : i32
    %add3A_3 = arith.constant 192000 : i32
    %add3A_4 = arith.addi %add3A_3, %mul3A_2 : i32
    "tpu.region"() ({
      %run_scoped3A = tpu.sem_alloc : memref<!tpu.dma_semaphore, #tpu.memory_space<semaphore_mem>>
      %dma_start3A = tpu.memref_slice %arg3[%add3A_4] : memref<320000xi32, #tpu.memory_space<hbm>> -> memref<2000xi32, #tpu.memory_space<hbm>>
      %dma_start3A_10 = tpu.memref_slice %arg3[%add3A_4] : memref<320000xi32, #tpu.memory_space<hbm>> -> memref<2000xi32, #tpu.memory_space<hbm>>
      tpu.enqueue_dma source(%dma_start3A_10 : memref<2000xi32, #tpu.memory_space<hbm>>) target(%arg5 : memref<2000xi32, #tpu.memory_space<vmem>>) target_semaphore(%run_scoped3A : memref<!tpu.dma_semaphore, #tpu.memory_space<semaphore_mem>>)
      %dma_wait3A = tpu.memref_slice %arg3[%add3A_4] : memref<320000xi32, #tpu.memory_space<hbm>> -> memref<2000xi32, #tpu.memory_space<hbm>>
      %dma_wait3A_11 = tpu.memref_slice %arg3[%add3A_4] : memref<320000xi32, #tpu.memory_space<hbm>> -> memref<2000xi32, #tpu.memory_space<hbm>>
      tpu.wait_dma2 semaphore(%run_scoped3A : memref<!tpu.dma_semaphore, #tpu.memory_space<semaphore_mem>>) src(%dma_wait3A_11 : memref<2000xi32, #tpu.memory_space<hbm>>) dst(%arg5 : memref<2000xi32, #tpu.memory_space<vmem>>)
      tpu.yield
    }) : () -> ()
    %scan3A = arith.constant 0 : i32
    %scan3A_5 = arith.constant 0 : i32
    %scan3A_6 = arith.constant 5 : i32
    %scan3A_7 = arith.addi %scan3A_5, %scan3A_6 : i32
    %scan3A_8 = arith.constant 1 : i32
    scf.for %scan3A_10 = %scan3A_5 to %scan3A_7 step %scan3A_8  : i32 {
      %mul3A_11 = arith.constant 400 : i32
      %mul3A_12 = arith.muli %scan3A_10, %mul3A_11 : i32
      %dma_start3A = tpu.memref_slice %arg5[%mul3A_12] : memref<2000xi32, #tpu.memory_space<vmem>> -> memref<400xi32, #tpu.memory_space<vmem>>
      %dma_start3A_13 = arith.constant 0 : i32
      %dma_start3A_14 = arith.constant 0 : i32
      %dma_start3A_15 = tpu.memref_slice %arg2[%dma_start3A_13, %dma_start3A_14] : memref<10000x128xf32, #tpu.memory_space<hbm>> -> memref<10000x128xf32, #tpu.memory_space<hbm>>
      tpu.enqueue_indirect_dma source(%dma_start3A_15 : memref<10000x128xf32, #tpu.memory_space<hbm>>) target(%arg6 : memref<400x128xf32, #tpu.memory_space<vmem>>) offsets(%dma_start3A : memref<400xi32, #tpu.memory_space<vmem>>) semaphore(%arg7 : memref<!tpu.dma_semaphore, #tpu.memory_space<semaphore_mem>>)
      %dma_wait3A = tpu.memref_slice %arg5[%mul3A_12] : memref<2000xi32, #tpu.memory_space<vmem>> -> memref<400xi32, #tpu.memory_space<vmem>>
      %dma_wait3A_16 = arith.constant 0 : i32
      %dma_wait3A_17 = arith.constant 0 : i32
      %dma_wait3A_18 = tpu.memref_slice %arg2[%dma_wait3A_16, %dma_wait3A_17] : memref<10000x128xf32, #tpu.memory_space<hbm>> -> memref<10000x128xf32, #tpu.memory_space<hbm>>
      tpu.wait_indirect_dma semaphore(%arg7 : memref<!tpu.dma_semaphore, #tpu.memory_space<semaphore_mem>>) src(%dma_wait3A_18 : memref<10000x128xf32, #tpu.memory_space<hbm>>) dst(%arg6 : memref<400x128xf32, #tpu.memory_space<vmem>>)
      %add3A_19 = arith.addi %mul3A_2, %mul3A_12 : i32
      "tpu.region"() ({
        %run_scoped3A = tpu.sem_alloc : memref<!tpu.dma_semaphore, #tpu.memory_space<semaphore_mem>>
        %dma_start3A_20 = arith.constant 0 : i32
        %dma_start3A_21 = tpu.memref_slice %arg4[%add3A_19, %dma_start3A_20] : memref<64000x128xf32, #tpu.memory_space<hbm>> -> memref<400x128xf32, #tpu.memory_space<hbm>>
        %dma_start3A_22 = arith.constant 0 : i32
        %dma_start3A_23 = tpu.memref_slice %arg4[%add3A_19, %dma_start3A_22] : memref<64000x128xf32, #tpu.memory_space<hbm>> -> memref<400x128xf32, #tpu.memory_space<hbm>>
        tpu.enqueue_dma source(%arg6 : memref<400x128xf32, #tpu.memory_space<vmem>>) target(%dma_start3A_23 : memref<400x128xf32, #tpu.memory_space<hbm>>) target_semaphore(%run_scoped3A : memref<!tpu.dma_semaphore, #tpu.memory_space<semaphore_mem>>)
        %dma_wait3A_24 = arith.constant 0 : i32
        %dma_wait3A_25 = tpu.memref_slice %arg4[%add3A_19, %dma_wait3A_24] : memref<64000x128xf32, #tpu.memory_space<hbm>> -> memref<400x128xf32, #tpu.memory_space<hbm>>
        %dma_wait3A_26 = arith.constant 0 : i32
        %dma_wait3A_27 = tpu.memref_slice %arg4[%add3A_19, %dma_wait3A_26] : memref<64000x128xf32, #tpu.memory_space<hbm>> -> memref<400x128xf32, #tpu.memory_space<hbm>>
        tpu.wait_dma2 semaphore(%run_scoped3A : memref<!tpu.dma_semaphore, #tpu.memory_space<semaphore_mem>>) src(%arg6 : memref<400x128xf32, #tpu.memory_space<vmem>>) dst(%dma_wait3A_27 : memref<400x128xf32, #tpu.memory_space<hbm>>)
        tpu.yield
      }) : () -> ()
    }
    %scan3A_9 = arith.constant 5 : i32
    return
  }
}

#map = affine_map<(d0, d1) -> (0, 0)>
#map1 = affine_map<(d0, d1) -> (0)>
module attributes {stable_mosaic.version = 14 : i64} {
  func.func @gather_kernel(%arg0: i32, %arg1: i32, %arg2: memref<10000x128xf32, #tpu.memory_space<hbm>>, %arg3: memref<320000xi32, #tpu.memory_space<hbm>>, %arg4: memref<64000x128xf32, #tpu.memory_space<hbm>>, %arg5: memref<2000xi32, #tpu.memory_space<vmem>>, %arg6: memref<400x128xf32, #tpu.memory_space<vmem>>, %arg7: memref<!tpu.dma_semaphore, #tpu.memory_space<semaphore_mem>>) attributes {dimension_semantics = [#tpu.dimension_semantics<core_parallel>, #tpu.dimension_semantics<subcore_parallel>], iteration_bounds = array<i64: 2, 16>, scalar_prefetch = 0 : i64, scratch_operands = 3 : i64, tpu.core_type = #tpu.core_type<sc_vector_subcore>, window_params = [{transform_indices = #map}, {transform_indices = #map1}, {transform_indices = #map}]} {
    %mul3A = arith.constant 2 : i32
    %mul3A_0 = arith.muli %arg1, %mul3A : i32
    %add3A = arith.addi %mul3A_0, %arg0 : i32
    %mul3A_1 = arith.constant 2000 : i32
    %mul3A_2 = arith.muli %add3A, %mul3A_1 : i32
    %add3A_3 = arith.constant 0 : i32
    %add3A_4 = arith.addi %add3A_3, %mul3A_2 : i32
    "tpu.region"() ({
      %run_scoped3A = tpu.sem_alloc : memref<!tpu.dma_semaphore, #tpu.memory_space<semaphore_mem>>
      %dma_start3A = tpu.memref_slice %arg3[%add3A_4] : memref<320000xi32, #tpu.memory_space<hbm>> -> memref<2000xi32, #tpu.memory_space<hbm>>
      %dma_start3A_10 = tpu.memref_slice %arg3[%add3A_4] : memref<320000xi32, #tpu.memory_space<hbm>> -> memref<2000xi32, #tpu.memory_space<hbm>>
      tpu.enqueue_dma source(%dma_start3A_10 : memref<2000xi32, #tpu.memory_space<hbm>>) target(%arg5 : memref<2000xi32, #tpu.memory_space<vmem>>) target_semaphore(%run_scoped3A : memref<!tpu.dma_semaphore, #tpu.memory_space<semaphore_mem>>)
      %dma_wait3A = tpu.memref_slice %arg3[%add3A_4] : memref<320000xi32, #tpu.memory_space<hbm>> -> memref<2000xi32, #tpu.memory_space<hbm>>
      %dma_wait3A_11 = tpu.memref_slice %arg3[%add3A_4] : memref<320000xi32, #tpu.memory_space<hbm>> -> memref<2000xi32, #tpu.memory_space<hbm>>
      tpu.wait_dma2 semaphore(%run_scoped3A : memref<!tpu.dma_semaphore, #tpu.memory_space<semaphore_mem>>) src(%dma_wait3A_11 : memref<2000xi32, #tpu.memory_space<hbm>>) dst(%arg5 : memref<2000xi32, #tpu.memory_space<vmem>>)
      tpu.yield
    }) : () -> ()
    %scan3A = arith.constant 0 : i32
    %scan3A_5 = arith.constant 0 : i32
    %scan3A_6 = arith.constant 5 : i32
    %scan3A_7 = arith.addi %scan3A_5, %scan3A_6 : i32
    %scan3A_8 = arith.constant 1 : i32
    scf.for %scan3A_10 = %scan3A_5 to %scan3A_7 step %scan3A_8  : i32 {
      %mul3A_11 = arith.constant 400 : i32
      %mul3A_12 = arith.muli %scan3A_10, %mul3A_11 : i32
      %dma_start3A = tpu.memref_slice %arg5[%mul3A_12] : memref<2000xi32, #tpu.memory_space<vmem>> -> memref<400xi32, #tpu.memory_space<vmem>>
      %dma_start3A_13 = arith.constant 0 : i32
      %dma_start3A_14 = arith.constant 0 : i32
      %dma_start3A_15 = tpu.memref_slice %arg2[%dma_start3A_13, %dma_start3A_14] : memref<10000x128xf32, #tpu.memory_space<hbm>> -> memref<10000x128xf32, #tpu.memory_space<hbm>>
      tpu.enqueue_indirect_dma source(%dma_start3A_15 : memref<10000x128xf32, #tpu.memory_space<hbm>>) target(%arg6 : memref<400x128xf32, #tpu.memory_space<vmem>>) offsets(%dma_start3A : memref<400xi32, #tpu.memory_space<vmem>>) semaphore(%arg7 : memref<!tpu.dma_semaphore, #tpu.memory_space<semaphore_mem>>)
      %dma_wait3A = tpu.memref_slice %arg5[%mul3A_12] : memref<2000xi32, #tpu.memory_space<vmem>> -> memref<400xi32, #tpu.memory_space<vmem>>
      %dma_wait3A_16 = arith.constant 0 : i32
      %dma_wait3A_17 = arith.constant 0 : i32
      %dma_wait3A_18 = tpu.memref_slice %arg2[%dma_wait3A_16, %dma_wait3A_17] : memref<10000x128xf32, #tpu.memory_space<hbm>> -> memref<10000x128xf32, #tpu.memory_space<hbm>>
      tpu.wait_indirect_dma semaphore(%arg7 : memref<!tpu.dma_semaphore, #tpu.memory_space<semaphore_mem>>) src(%dma_wait3A_18 : memref<10000x128xf32, #tpu.memory_space<hbm>>) dst(%arg6 : memref<400x128xf32, #tpu.memory_space<vmem>>)
      %add3A_19 = arith.addi %mul3A_2, %mul3A_12 : i32
      "tpu.region"() ({
        %run_scoped3A = tpu.sem_alloc : memref<!tpu.dma_semaphore, #tpu.memory_space<semaphore_mem>>
        %dma_start3A_20 = arith.constant 0 : i32
        %dma_start3A_21 = tpu.memref_slice %arg4[%add3A_19, %dma_start3A_20] : memref<64000x128xf32, #tpu.memory_space<hbm>> -> memref<400x128xf32, #tpu.memory_space<hbm>>
        %dma_start3A_22 = arith.constant 0 : i32
        %dma_start3A_23 = tpu.memref_slice %arg4[%add3A_19, %dma_start3A_22] : memref<64000x128xf32, #tpu.memory_space<hbm>> -> memref<400x128xf32, #tpu.memory_space<hbm>>
        tpu.enqueue_dma source(%arg6 : memref<400x128xf32, #tpu.memory_space<vmem>>) target(%dma_start3A_23 : memref<400x128xf32, #tpu.memory_space<hbm>>) target_semaphore(%run_scoped3A : memref<!tpu.dma_semaphore, #tpu.memory_space<semaphore_mem>>)
        %dma_wait3A_24 = arith.constant 0 : i32
        %dma_wait3A_25 = tpu.memref_slice %arg4[%add3A_19, %dma_wait3A_24] : memref<64000x128xf32, #tpu.memory_space<hbm>> -> memref<400x128xf32, #tpu.memory_space<hbm>>
        %dma_wait3A_26 = arith.constant 0 : i32
        %dma_wait3A_27 = tpu.memref_slice %arg4[%add3A_19, %dma_wait3A_26] : memref<64000x128xf32, #tpu.memory_space<hbm>> -> memref<400x128xf32, #tpu.memory_space<hbm>>
        tpu.wait_dma2 semaphore(%run_scoped3A : memref<!tpu.dma_semaphore, #tpu.memory_space<semaphore_mem>>) src(%arg6 : memref<400x128xf32, #tpu.memory_space<vmem>>) dst(%dma_wait3A_27 : memref<400x128xf32, #tpu.memory_space<hbm>>)
        tpu.yield
      }) : () -> ()
    }
    %scan3A_9 = arith.constant 5 : i32
    return
  }
}

#map = affine_map<(d0, d1) -> (0, 0)>
#map1 = affine_map<(d0, d1) -> (0)>
module attributes {stable_mosaic.version = 14 : i64} {
  func.func @gather_kernel(%arg0: i32, %arg1: i32, %arg2: memref<10000x128xf32, #tpu.memory_space<hbm>>, %arg3: memref<320000xi32, #tpu.memory_space<hbm>>, %arg4: memref<64000x128xf32, #tpu.memory_space<hbm>>, %arg5: memref<2000xi32, #tpu.memory_space<vmem>>, %arg6: memref<400x128xf32, #tpu.memory_space<vmem>>, %arg7: memref<!tpu.dma_semaphore, #tpu.memory_space<semaphore_mem>>) attributes {dimension_semantics = [#tpu.dimension_semantics<core_parallel>, #tpu.dimension_semantics<subcore_parallel>], iteration_bounds = array<i64: 2, 16>, scalar_prefetch = 0 : i64, scratch_operands = 3 : i64, tpu.core_type = #tpu.core_type<sc_vector_subcore>, window_params = [{transform_indices = #map}, {transform_indices = #map1}, {transform_indices = #map}]} {
    %mul3A = arith.constant 2 : i32
    %mul3A_0 = arith.muli %arg1, %mul3A : i32
    %add3A = arith.addi %mul3A_0, %arg0 : i32
    %mul3A_1 = arith.constant 2000 : i32
    %mul3A_2 = arith.muli %add3A, %mul3A_1 : i32
    %add3A_3 = arith.constant 256000 : i32
    %add3A_4 = arith.addi %add3A_3, %mul3A_2 : i32
    "tpu.region"() ({
      %run_scoped3A = tpu.sem_alloc : memref<!tpu.dma_semaphore, #tpu.memory_space<semaphore_mem>>
      %dma_start3A = tpu.memref_slice %arg3[%add3A_4] : memref<320000xi32, #tpu.memory_space<hbm>> -> memref<2000xi32, #tpu.memory_space<hbm>>
      %dma_start3A_10 = tpu.memref_slice %arg3[%add3A_4] : memref<320000xi32, #tpu.memory_space<hbm>> -> memref<2000xi32, #tpu.memory_space<hbm>>
      tpu.enqueue_dma source(%dma_start3A_10 : memref<2000xi32, #tpu.memory_space<hbm>>) target(%arg5 : memref<2000xi32, #tpu.memory_space<vmem>>) target_semaphore(%run_scoped3A : memref<!tpu.dma_semaphore, #tpu.memory_space<semaphore_mem>>)
      %dma_wait3A = tpu.memref_slice %arg3[%add3A_4] : memref<320000xi32, #tpu.memory_space<hbm>> -> memref<2000xi32, #tpu.memory_space<hbm>>
      %dma_wait3A_11 = tpu.memref_slice %arg3[%add3A_4] : memref<320000xi32, #tpu.memory_space<hbm>> -> memref<2000xi32, #tpu.memory_space<hbm>>
      tpu.wait_dma2 semaphore(%run_scoped3A : memref<!tpu.dma_semaphore, #tpu.memory_space<semaphore_mem>>) src(%dma_wait3A_11 : memref<2000xi32, #tpu.memory_space<hbm>>) dst(%arg5 : memref<2000xi32, #tpu.memory_space<vmem>>)
      tpu.yield
    }) : () -> ()
    %scan3A = arith.constant 0 : i32
    %scan3A_5 = arith.constant 0 : i32
    %scan3A_6 = arith.constant 5 : i32
    %scan3A_7 = arith.addi %scan3A_5, %scan3A_6 : i32
    %scan3A_8 = arith.constant 1 : i32
    scf.for %scan3A_10 = %scan3A_5 to %scan3A_7 step %scan3A_8  : i32 {
      %mul3A_11 = arith.constant 400 : i32
      %mul3A_12 = arith.muli %scan3A_10, %mul3A_11 : i32
      %dma_start3A = tpu.memref_slice %arg5[%mul3A_12] : memref<2000xi32, #tpu.memory_space<vmem>> -> memref<400xi32, #tpu.memory_space<vmem>>
      %dma_start3A_13 = arith.constant 0 : i32
      %dma_start3A_14 = arith.constant 0 : i32
      %dma_start3A_15 = tpu.memref_slice %arg2[%dma_start3A_13, %dma_start3A_14] : memref<10000x128xf32, #tpu.memory_space<hbm>> -> memref<10000x128xf32, #tpu.memory_space<hbm>>
      tpu.enqueue_indirect_dma source(%dma_start3A_15 : memref<10000x128xf32, #tpu.memory_space<hbm>>) target(%arg6 : memref<400x128xf32, #tpu.memory_space<vmem>>) offsets(%dma_start3A : memref<400xi32, #tpu.memory_space<vmem>>) semaphore(%arg7 : memref<!tpu.dma_semaphore, #tpu.memory_space<semaphore_mem>>)
      %dma_wait3A = tpu.memref_slice %arg5[%mul3A_12] : memref<2000xi32, #tpu.memory_space<vmem>> -> memref<400xi32, #tpu.memory_space<vmem>>
      %dma_wait3A_16 = arith.constant 0 : i32
      %dma_wait3A_17 = arith.constant 0 : i32
      %dma_wait3A_18 = tpu.memref_slice %arg2[%dma_wait3A_16, %dma_wait3A_17] : memref<10000x128xf32, #tpu.memory_space<hbm>> -> memref<10000x128xf32, #tpu.memory_space<hbm>>
      tpu.wait_indirect_dma semaphore(%arg7 : memref<!tpu.dma_semaphore, #tpu.memory_space<semaphore_mem>>) src(%dma_wait3A_18 : memref<10000x128xf32, #tpu.memory_space<hbm>>) dst(%arg6 : memref<400x128xf32, #tpu.memory_space<vmem>>)
      %add3A_19 = arith.addi %mul3A_2, %mul3A_12 : i32
      "tpu.region"() ({
        %run_scoped3A = tpu.sem_alloc : memref<!tpu.dma_semaphore, #tpu.memory_space<semaphore_mem>>
        %dma_start3A_20 = arith.constant 0 : i32
        %dma_start3A_21 = tpu.memref_slice %arg4[%add3A_19, %dma_start3A_20] : memref<64000x128xf32, #tpu.memory_space<hbm>> -> memref<400x128xf32, #tpu.memory_space<hbm>>
        %dma_start3A_22 = arith.constant 0 : i32
        %dma_start3A_23 = tpu.memref_slice %arg4[%add3A_19, %dma_start3A_22] : memref<64000x128xf32, #tpu.memory_space<hbm>> -> memref<400x128xf32, #tpu.memory_space<hbm>>
        tpu.enqueue_dma source(%arg6 : memref<400x128xf32, #tpu.memory_space<vmem>>) target(%dma_start3A_23 : memref<400x128xf32, #tpu.memory_space<hbm>>) target_semaphore(%run_scoped3A : memref<!tpu.dma_semaphore, #tpu.memory_space<semaphore_mem>>)
        %dma_wait3A_24 = arith.constant 0 : i32
        %dma_wait3A_25 = tpu.memref_slice %arg4[%add3A_19, %dma_wait3A_24] : memref<64000x128xf32, #tpu.memory_space<hbm>> -> memref<400x128xf32, #tpu.memory_space<hbm>>
        %dma_wait3A_26 = arith.constant 0 : i32
        %dma_wait3A_27 = tpu.memref_slice %arg4[%add3A_19, %dma_wait3A_26] : memref<64000x128xf32, #tpu.memory_space<hbm>> -> memref<400x128xf32, #tpu.memory_space<hbm>>
        tpu.wait_dma2 semaphore(%run_scoped3A : memref<!tpu.dma_semaphore, #tpu.memory_space<semaphore_mem>>) src(%arg6 : memref<400x128xf32, #tpu.memory_space<vmem>>) dst(%dma_wait3A_27 : memref<400x128xf32, #tpu.memory_space<hbm>>)
        tpu.yield
      }) : () -> ()
    }
    %scan3A_9 = arith.constant 5 : i32
    return
  }
}

module attributes {stable_mosaic.version = 14 : i64} {
  func.func @_conv_body(%arg0: i32, %arg1: memref<2560x128xf32, #tpu.memory_space<vmem>>, %arg2: memref<2560x16xf32, #tpu.memory_space<vmem>>, %arg3: memref<80x3xf32, #tpu.memory_space<vmem>>, %arg4: memref<3x15xf32, #tpu.memory_space<vmem>>, %arg5: memref<128x960xf32, #tpu.memory_space<vmem>>, %arg6: memref<80x64xf32, #tpu.memory_space<vmem>>) attributes {dimension_semantics = [#tpu.dimension_semantics<arbitrary>], iteration_bounds = array<i64: 25>, scalar_prefetch = 0 : i64, scratch_operands = 0 : i64, tpu.core_type = #tpu.core_type<tc>, window_params = [{transform_indices = @transform_0, window_bounds = array<i64: 2560, 128>}, {transform_indices = @transform_1, window_bounds = array<i64: 2560, 16>}, {transform_indices = @transform_2, window_bounds = array<i64: 80, 3>}, {pipeline_mode = #tpu.pipeline_mode<synchronous>, transform_indices = @transform_3, window_bounds = array<i64: 3, 15>}, {pipeline_mode = #tpu.pipeline_mode<synchronous>, transform_indices = @transform_4, window_bounds = array<i64: 128, 960>}, {transform_indices = @transform_5, window_bounds = array<i64: 80, 64>}]} {
    %get3A = arith.constant 0 : index
    %get3A_0 = arith.constant 0 : index
    %get3A_1 = vector.load %arg1[%get3A, %get3A_0] : memref<2560x128xf32, #tpu.memory_space<vmem>>, vector<2560x128xf32>
    %get3A_2 = arith.constant 0 : index
    %get3A_3 = arith.constant 0 : index
    %get3A_4 = vector.load %arg2[%get3A_2, %get3A_3] : memref<2560x16xf32, #tpu.memory_space<vmem>>, vector<2560x16xf32>
    %slice3A = vector.extract_strided_slice %get3A_4 {offsets = [0, 0], sizes = [2560, 3], strides = [1, 1]} : vector<2560x16xf32> to vector<2560x3xf32>
    %get3A_5 = arith.constant 0 : index
    %get3A_6 = arith.constant 0 : index
    %get3A_7 = vector.load %arg3[%get3A_5, %get3A_6] : memref<80x3xf32, #tpu.memory_space<vmem>>, vector<80x3xf32>
    %reshape3A = vector.shape_cast %slice3A : vector<2560x3xf32> to vector<80x32x3xf32>
    %broadcast_in_dim3A = vector.shape_cast %get3A_7 : vector<80x3xf32> to vector<80x1x3xf32>
    %sub3A = vector.broadcast %broadcast_in_dim3A : vector<80x1x3xf32> to vector<80x32x3xf32>
    %sub3A_8 = arith.subf %reshape3A, %sub3A : vector<80x32x3xf32>
    %reshape3A_9 = vector.shape_cast %sub3A_8 : vector<80x32x3xf32> to vector<2560x3xf32>
    %get3A_10 = arith.constant 0 : index
    %get3A_11 = arith.constant 0 : index
    %get3A_12 = vector.load %arg4[%get3A_10, %get3A_11] : memref<3x15xf32, #tpu.memory_space<vmem>>, vector<3x15xf32>
    %broadcast_in_dim3A_13 = arith.constant 0.000000e+00 : f32
    %broadcast_in_dim3A_14 = vector.broadcast %broadcast_in_dim3A_13 : f32 to vector<2560x15xf32>
    %slice3A_15 = vector.extract_strided_slice %reshape3A_9 {offsets = [0, 0], sizes = [2560, 1], strides = [1, 1]} : vector<2560x3xf32> to vector<2560x1xf32>
    %slice3A_16 = vector.extract_strided_slice %get3A_12 {offsets = [0, 0], sizes = [1, 15], strides = [1, 1]} : vector<3x15xf32> to vector<1x15xf32>
    %sub3A_17 = vector.broadcast %slice3A_15 : vector<2560x1xf32> to vector<2560x15xf32>
    %sub3A_18 = vector.broadcast %slice3A_16 : vector<1x15xf32> to vector<2560x15xf32>
    %sub3A_19 = arith.subf %sub3A_17, %sub3A_18 : vector<2560x15xf32>
    %mul3A = arith.mulf %sub3A_19, %sub3A_19 : vector<2560x15xf32>
    %add3A = arith.addf %broadcast_in_dim3A_14, %mul3A : vector<2560x15xf32>
    %slice3A_20 = vector.extract_strided_slice %reshape3A_9 {offsets = [0, 1], sizes = [2560, 1], strides = [1, 1]} : vector<2560x3xf32> to vector<2560x1xf32>
    %slice3A_21 = vector.extract_strided_slice %get3A_12 {offsets = [1, 0], sizes = [1, 15], strides = [1, 1]} : vector<3x15xf32> to vector<1x15xf32>
    %sub3A_22 = vector.broadcast %slice3A_20 : vector<2560x1xf32> to vector<2560x15xf32>
    %sub3A_23 = vector.broadcast %slice3A_21 : vector<1x15xf32> to vector<2560x15xf32>
    %sub3A_24 = arith.subf %sub3A_22, %sub3A_23 : vector<2560x15xf32>
    %mul3A_25 = arith.mulf %sub3A_24, %sub3A_24 : vector<2560x15xf32>
    %add3A_26 = arith.addf %add3A, %mul3A_25 : vector<2560x15xf32>
    %slice3A_27 = vector.extract_strided_slice %reshape3A_9 {offsets = [0, 2], sizes = [2560, 1], strides = [1, 1]} : vector<2560x3xf32> to vector<2560x1xf32>
    %slice3A_28 = vector.extract_strided_slice %get3A_12 {offsets = [2, 0], sizes = [1, 15], strides = [1, 1]} : vector<3x15xf32> to vector<1x15xf32>
    %sub3A_29 = vector.broadcast %slice3A_27 : vector<2560x1xf32> to vector<2560x15xf32>
    %sub3A_30 = vector.broadcast %slice3A_28 : vector<1x15xf32> to vector<2560x15xf32>
    %sub3A_31 = arith.subf %sub3A_29, %sub3A_30 : vector<2560x15xf32>
    %mul3A_32 = arith.mulf %sub3A_31, %sub3A_31 : vector<2560x15xf32>
    %add3A_33 = arith.addf %add3A_26, %mul3A_32 : vector<2560x15xf32>
    %sqrt3A = math.sqrt %add3A_33 : vector<2560x15xf32>
    %div3A = arith.constant 1.200000e+00 : f32
    %div3A_34 = vector.broadcast %div3A : f32 to vector<2560x15xf32>
    %div3A_35 = arith.divf %sqrt3A, %div3A_34 : vector<2560x15xf32>
    %sub3A_36 = arith.constant 1.000000e+00 : f32
    %sub3A_37 = vector.broadcast %sub3A_36 : f32 to vector<2560x15xf32>
    %sub3A_38 = arith.subf %sub3A_37, %div3A_35 : vector<2560x15xf32>
    %max3A = arith.constant 0.000000e+00 : f32
    %max3A_39 = vector.broadcast %max3A : f32 to vector<2560x15xf32>
    %max3A_40 = arith.maximumf %sub3A_38, %max3A_39 : vector<2560x15xf32>
    %iota3A = tpu.iota {dimensions = array<i32: 1>} : vector<15x960xi32>
    %jit3A = arith.constant 64 : i32
    %div3A_41 = vector.broadcast %jit3A : i32 to vector<15x960xi32>
    %div3A_42 = arith.divsi %iota3A, %div3A_41 : vector<15x960xi32>
    %sign3A = arith.constant 0 : i32
    %sign3A_43 = vector.broadcast %sign3A : i32 to vector<15x960xi32>
    %sign3A_44 = arith.cmpi sgt, %iota3A, %sign3A_43 : vector<15x960xi32>
    %sign3A_45 = arith.extui %sign3A_44 : vector<15x960xi1> to vector<15x960xi32>
    %sign3A_46 = arith.constant 0 : i32
    %sign3A_47 = vector.broadcast %sign3A_46 : i32 to vector<15x960xi32>
    %sign3A_48 = arith.cmpi slt, %iota3A, %sign3A_47 : vector<15x960xi32>
    %sign3A_49 = arith.extui %sign3A_48 : vector<15x960xi1> to vector<15x960xi32>
    %sign3A_50 = arith.subi %sign3A_45, %sign3A_49 : vector<15x960xi32>
    %sign3A_51 = arith.constant 0 : i32
    %sign3A_52 = arith.cmpi sgt, %jit3A, %sign3A_51 : i32
    %sign3A_53 = arith.extui %sign3A_52 : i1 to i32
    %sign3A_54 = arith.constant 0 : i32
    %sign3A_55 = arith.cmpi slt, %jit3A, %sign3A_54 : i32
    %sign3A_56 = arith.extui %sign3A_55 : i1 to i32
    %sign3A_57 = arith.subi %sign3A_53, %sign3A_56 : i32
    %ne3A = vector.broadcast %sign3A_57 : i32 to vector<15x960xi32>
    %ne3A_58 = arith.cmpi ne, %sign3A_50, %ne3A : vector<15x960xi32>
    %rem3A = vector.broadcast %jit3A : i32 to vector<15x960xi32>
    %rem3A_59 = arith.remsi %iota3A, %rem3A : vector<15x960xi32>
    %ne3A_60 = arith.constant 0 : i32
    %ne3A_61 = vector.broadcast %ne3A_60 : i32 to vector<15x960xi32>
    %ne3A_62 = arith.cmpi ne, %rem3A_59, %ne3A_61 : vector<15x960xi32>
    %and3A = arith.andi %ne3A_58, %ne3A_62 : vector<15x960xi1>
    %sub3A_63 = arith.constant 1 : i32
    %sub3A_64 = vector.broadcast %sub3A_63 : i32 to vector<15x960xi32>
    %sub3A_65 = arith.subi %div3A_42, %sub3A_64 : vector<15x960xi32>
    %select_n3A = arith.select %and3A, %sub3A_65, %div3A_42 : vector<15x960xi1>, vector<15x960xi32>
    %iota3A_66 = tpu.iota {dimensions = array<i32: 0>} : vector<15x960xi32>
    %eq3A = arith.cmpi eq, %iota3A_66, %select_n3A : vector<15x960xi32>
    %convert_element_type3A = arith.extui %eq3A : vector<15x960xi1> to vector<15x960xi32>
    %convert_element_type3A_67 = arith.sitofp %convert_element_type3A : vector<15x960xi32> to vector<15x960xf32>
    %iota3A_68 = tpu.iota {dimensions = array<i32: 0>} : vector<960x64xi32>
    %jit3A_69 = arith.constant 64 : i32
    %eq3A_70 = arith.constant 0 : i32
    %eq3A_71 = arith.cmpi eq, %jit3A_69, %eq3A_70 : i32
    %jit3A_72 = arith.constant 1 : i32
    %select_n3A_73 = arith.select %eq3A_71, %jit3A_72, %jit3A_69 : i32
    %rem3A_74 = vector.broadcast %select_n3A_73 : i32 to vector<960x64xi32>
    %rem3A_75 = arith.remsi %iota3A_68, %rem3A_74 : vector<960x64xi32>
    %ne3A_76 = arith.constant 0 : i32
    %ne3A_77 = vector.broadcast %ne3A_76 : i32 to vector<960x64xi32>
    %ne3A_78 = arith.cmpi ne, %rem3A_75, %ne3A_77 : vector<960x64xi32>
    %lt3A = arith.constant 0 : i32
    %lt3A_79 = vector.broadcast %lt3A : i32 to vector<960x64xi32>
    %lt3A_80 = arith.cmpi slt, %rem3A_75, %lt3A_79 : vector<960x64xi32>
    %lt3A_81 = arith.constant 0 : i32
    %lt3A_82 = arith.cmpi slt, %select_n3A_73, %lt3A_81 : i32
    %ne3A_83 = vector.broadcast %lt3A_82 : i1 to vector<960x64xi1>
    %ne3A_84 = vector.broadcast %ne3A_83 : vector<960x64xi1> to vector<960x64xi1>
    %ne3A_85 = arith.xori %lt3A_80, %ne3A_84 : vector<960x64xi1>
    %and3A_86 = arith.andi %ne3A_85, %ne3A_78 : vector<960x64xi1>
    %add3A_87 = vector.broadcast %select_n3A_73 : i32 to vector<960x64xi32>
    %add3A_88 = arith.addi %rem3A_75, %add3A_87 : vector<960x64xi32>
    %select_n3A_89 = arith.select %and3A_86, %add3A_88, %rem3A_75 : vector<960x64xi1>, vector<960x64xi32>
    %iota3A_90 = tpu.iota {dimensions = array<i32: 1>} : vector<960x64xi32>
    %eq3A_91 = arith.cmpi eq, %select_n3A_89, %iota3A_90 : vector<960x64xi32>
    %convert_element_type3A_92 = arith.extui %eq3A_91 : vector<960x64xi1> to vector<960x64xi32>
    %convert_element_type3A_93 = arith.sitofp %convert_element_type3A_92 : vector<960x64xi32> to vector<960x64xf32>
    %get3A_94 = arith.constant 0 : index
    %get3A_95 = arith.constant 0 : index
    %get3A_96 = vector.load %arg5[%get3A_94, %get3A_95] : memref<128x960xf32, #tpu.memory_space<vmem>>, vector<128x960xf32>
    %dot_general3A = arith.constant dense<0.000000e+00> : vector<2560x960xf32>
    %dot_general3A_97 = tpu.matmul %get3A_1, %get3A_96, %dot_general3A {dimension_numbers = #tpu.dot_dimension_numbers<[1], [0], [0], [1], [0, 0, 1, 1], [], []>, transpose_lhs_hint = false} : vector<2560x128xf32>, vector<128x960xf32>, vector<2560x960xf32> -> vector<2560x960xf32>
    %dot_general3A_98 = arith.constant dense<0.000000e+00> : vector<2560x960xf32>
    %dot_general3A_99 = tpu.matmul %max3A_40, %convert_element_type3A_67, %dot_general3A_98 {dimension_numbers = #tpu.dot_dimension_numbers<[1], [0], [0], [1], [0, 0, 1, 1], [], []>, transpose_lhs_hint = false} : vector<2560x15xf32>, vector<15x960xf32>, vector<2560x960xf32> -> vector<2560x960xf32>
    %mul3A_100 = arith.mulf %dot_general3A_97, %dot_general3A_99 : vector<2560x960xf32>
    %dot_general3A_101 = arith.constant dense<0.000000e+00> : vector<2560x64xf32>
    %dot_general3A_102 = tpu.matmul %mul3A_100, %convert_element_type3A_93, %dot_general3A_101 {dimension_numbers = #tpu.dot_dimension_numbers<[1], [0], [0], [1], [0, 0, 1, 1], [], []>, transpose_lhs_hint = false} : vector<2560x960xf32>, vector<960x64xf32>, vector<2560x64xf32> -> vector<2560x64xf32>
    %reshape3A_103 = vector.shape_cast %dot_general3A_102 : vector<2560x64xf32> to vector<80x32x64xf32>
    %reduce_sum3A = arith.constant dense<0.000000e+00> : vector<80x64xf32>
    %reduce_sum3A_104 = vector.multi_reduction <add>, %reshape3A_103, %reduce_sum3A [1] : vector<80x32x64xf32> to vector<80x64xf32>
    %swap3A = arith.constant 0 : index
    %swap3A_105 = arith.constant 0 : index
    %swap3A_106 = vector.load %arg6[%swap3A, %swap3A_105] : memref<80x64xf32, #tpu.memory_space<vmem>>, vector<80x64xf32>
    tpu.vector_store %arg6[%swap3A, %swap3A_105], %reduce_sum3A_104 {strides = array<i32>} : memref<80x64xf32, #tpu.memory_space<vmem>>, vector<80x64xf32>,
    return
  }
  func.func @transform_0(%arg0: i32) -> (i32, i32) {
    %c0_i32 = arith.constant 0 : i32
    %c0_i32_0 = arith.constant 0 : i32
    return %arg0, %c0_i32 : i32, i32
  }
  func.func @transform_1(%arg0: i32) -> (i32, i32) {
    %c0_i32 = arith.constant 0 : i32
    %c0_i32_0 = arith.constant 0 : i32
    return %arg0, %c0_i32 : i32, i32
  }
  func.func @transform_2(%arg0: i32) -> (i32, i32) {
    %add3A = arith.constant 25 : i32
    %add3A_0 = arith.addi %arg0, %add3A : i32
    %c0_i32 = arith.constant 0 : i32
    %c0_i32_1 = arith.constant 0 : i32
    return %add3A_0, %c0_i32 : i32, i32
  }
  func.func @transform_3(%arg0: i32) -> (i32, i32) {
    %c0_i32 = arith.constant 0 : i32
    %c0_i32_0 = arith.constant 0 : i32
    %c0_i32_1 = arith.constant 0 : i32
    return %c0_i32, %c0_i32_0 : i32, i32
  }
  func.func @transform_4(%arg0: i32) -> (i32, i32) {
    %c0_i32 = arith.constant 0 : i32
    %c0_i32_0 = arith.constant 0 : i32
    %c0_i32_1 = arith.constant 0 : i32
    return %c0_i32, %c0_i32_0 : i32, i32
  }
  func.func @transform_5(%arg0: i32) -> (i32, i32) {
    %c0_i32 = arith.constant 0 : i32
    %c0_i32_0 = arith.constant 0 : i32
    return %arg0, %c0_i32 : i32, i32
  }
}

module attributes {stable_mosaic.version = 14 : i64} {
  func.func @_conv_body(%arg0: i32, %arg1: memref<2560x128xf32, #tpu.memory_space<vmem>>, %arg2: memref<2560x16xf32, #tpu.memory_space<vmem>>, %arg3: memref<80x3xf32, #tpu.memory_space<vmem>>, %arg4: memref<3x15xf32, #tpu.memory_space<vmem>>, %arg5: memref<128x960xf32, #tpu.memory_space<vmem>>, %arg6: memref<80x64xf32, #tpu.memory_space<vmem>>) attributes {dimension_semantics = [#tpu.dimension_semantics<arbitrary>], iteration_bounds = array<i64: 25>, scalar_prefetch = 0 : i64, scratch_operands = 0 : i64, tpu.core_type = #tpu.core_type<tc>, window_params = [{transform_indices = @transform_0, window_bounds = array<i64: 2560, 128>}, {transform_indices = @transform_1, window_bounds = array<i64: 2560, 16>}, {transform_indices = @transform_2, window_bounds = array<i64: 80, 3>}, {pipeline_mode = #tpu.pipeline_mode<synchronous>, transform_indices = @transform_3, window_bounds = array<i64: 3, 15>}, {pipeline_mode = #tpu.pipeline_mode<synchronous>, transform_indices = @transform_4, window_bounds = array<i64: 128, 960>}, {transform_indices = @transform_5, window_bounds = array<i64: 80, 64>}]} {
    %get3A = arith.constant 0 : index
    %get3A_0 = arith.constant 0 : index
    %get3A_1 = vector.load %arg1[%get3A, %get3A_0] : memref<2560x128xf32, #tpu.memory_space<vmem>>, vector<2560x128xf32>
    %get3A_2 = arith.constant 0 : index
    %get3A_3 = arith.constant 0 : index
    %get3A_4 = vector.load %arg2[%get3A_2, %get3A_3] : memref<2560x16xf32, #tpu.memory_space<vmem>>, vector<2560x16xf32>
    %slice3A = vector.extract_strided_slice %get3A_4 {offsets = [0, 0], sizes = [2560, 3], strides = [1, 1]} : vector<2560x16xf32> to vector<2560x3xf32>
    %get3A_5 = arith.constant 0 : index
    %get3A_6 = arith.constant 0 : index
    %get3A_7 = vector.load %arg3[%get3A_5, %get3A_6] : memref<80x3xf32, #tpu.memory_space<vmem>>, vector<80x3xf32>
    %reshape3A = vector.shape_cast %slice3A : vector<2560x3xf32> to vector<80x32x3xf32>
    %broadcast_in_dim3A = vector.shape_cast %get3A_7 : vector<80x3xf32> to vector<80x1x3xf32>
    %sub3A = vector.broadcast %broadcast_in_dim3A : vector<80x1x3xf32> to vector<80x32x3xf32>
    %sub3A_8 = arith.subf %reshape3A, %sub3A : vector<80x32x3xf32>
    %reshape3A_9 = vector.shape_cast %sub3A_8 : vector<80x32x3xf32> to vector<2560x3xf32>
    %get3A_10 = arith.constant 0 : index
    %get3A_11 = arith.constant 0 : index
    %get3A_12 = vector.load %arg4[%get3A_10, %get3A_11] : memref<3x15xf32, #tpu.memory_space<vmem>>, vector<3x15xf32>
    %broadcast_in_dim3A_13 = arith.constant 0.000000e+00 : f32
    %broadcast_in_dim3A_14 = vector.broadcast %broadcast_in_dim3A_13 : f32 to vector<2560x15xf32>
    %slice3A_15 = vector.extract_strided_slice %reshape3A_9 {offsets = [0, 0], sizes = [2560, 1], strides = [1, 1]} : vector<2560x3xf32> to vector<2560x1xf32>
    %slice3A_16 = vector.extract_strided_slice %get3A_12 {offsets = [0, 0], sizes = [1, 15], strides = [1, 1]} : vector<3x15xf32> to vector<1x15xf32>
    %sub3A_17 = vector.broadcast %slice3A_15 : vector<2560x1xf32> to vector<2560x15xf32>
    %sub3A_18 = vector.broadcast %slice3A_16 : vector<1x15xf32> to vector<2560x15xf32>
    %sub3A_19 = arith.subf %sub3A_17, %sub3A_18 : vector<2560x15xf32>
    %mul3A = arith.mulf %sub3A_19, %sub3A_19 : vector<2560x15xf32>
    %add3A = arith.addf %broadcast_in_dim3A_14, %mul3A : vector<2560x15xf32>
    %slice3A_20 = vector.extract_strided_slice %reshape3A_9 {offsets = [0, 1], sizes = [2560, 1], strides = [1, 1]} : vector<2560x3xf32> to vector<2560x1xf32>
    %slice3A_21 = vector.extract_strided_slice %get3A_12 {offsets = [1, 0], sizes = [1, 15], strides = [1, 1]} : vector<3x15xf32> to vector<1x15xf32>
    %sub3A_22 = vector.broadcast %slice3A_20 : vector<2560x1xf32> to vector<2560x15xf32>
    %sub3A_23 = vector.broadcast %slice3A_21 : vector<1x15xf32> to vector<2560x15xf32>
    %sub3A_24 = arith.subf %sub3A_22, %sub3A_23 : vector<2560x15xf32>
    %mul3A_25 = arith.mulf %sub3A_24, %sub3A_24 : vector<2560x15xf32>
    %add3A_26 = arith.addf %add3A, %mul3A_25 : vector<2560x15xf32>
    %slice3A_27 = vector.extract_strided_slice %reshape3A_9 {offsets = [0, 2], sizes = [2560, 1], strides = [1, 1]} : vector<2560x3xf32> to vector<2560x1xf32>
    %slice3A_28 = vector.extract_strided_slice %get3A_12 {offsets = [2, 0], sizes = [1, 15], strides = [1, 1]} : vector<3x15xf32> to vector<1x15xf32>
    %sub3A_29 = vector.broadcast %slice3A_27 : vector<2560x1xf32> to vector<2560x15xf32>
    %sub3A_30 = vector.broadcast %slice3A_28 : vector<1x15xf32> to vector<2560x15xf32>
    %sub3A_31 = arith.subf %sub3A_29, %sub3A_30 : vector<2560x15xf32>
    %mul3A_32 = arith.mulf %sub3A_31, %sub3A_31 : vector<2560x15xf32>
    %add3A_33 = arith.addf %add3A_26, %mul3A_32 : vector<2560x15xf32>
    %sqrt3A = math.sqrt %add3A_33 : vector<2560x15xf32>
    %div3A = arith.constant 1.200000e+00 : f32
    %div3A_34 = vector.broadcast %div3A : f32 to vector<2560x15xf32>
    %div3A_35 = arith.divf %sqrt3A, %div3A_34 : vector<2560x15xf32>
    %sub3A_36 = arith.constant 1.000000e+00 : f32
    %sub3A_37 = vector.broadcast %sub3A_36 : f32 to vector<2560x15xf32>
    %sub3A_38 = arith.subf %sub3A_37, %div3A_35 : vector<2560x15xf32>
    %max3A = arith.constant 0.000000e+00 : f32
    %max3A_39 = vector.broadcast %max3A : f32 to vector<2560x15xf32>
    %max3A_40 = arith.maximumf %sub3A_38, %max3A_39 : vector<2560x15xf32>
    %iota3A = tpu.iota {dimensions = array<i32: 1>} : vector<15x960xi32>
    %jit3A = arith.constant 64 : i32
    %div3A_41 = vector.broadcast %jit3A : i32 to vector<15x960xi32>
    %div3A_42 = arith.divsi %iota3A, %div3A_41 : vector<15x960xi32>
    %sign3A = arith.constant 0 : i32
    %sign3A_43 = vector.broadcast %sign3A : i32 to vector<15x960xi32>
    %sign3A_44 = arith.cmpi sgt, %iota3A, %sign3A_43 : vector<15x960xi32>
    %sign3A_45 = arith.extui %sign3A_44 : vector<15x960xi1> to vector<15x960xi32>
    %sign3A_46 = arith.constant 0 : i32
    %sign3A_47 = vector.broadcast %sign3A_46 : i32 to vector<15x960xi32>
    %sign3A_48 = arith.cmpi slt, %iota3A, %sign3A_47 : vector<15x960xi32>
    %sign3A_49 = arith.extui %sign3A_48 : vector<15x960xi1> to vector<15x960xi32>
    %sign3A_50 = arith.subi %sign3A_45, %sign3A_49 : vector<15x960xi32>
    %sign3A_51 = arith.constant 0 : i32
    %sign3A_52 = arith.cmpi sgt, %jit3A, %sign3A_51 : i32
    %sign3A_53 = arith.extui %sign3A_52 : i1 to i32
    %sign3A_54 = arith.constant 0 : i32
    %sign3A_55 = arith.cmpi slt, %jit3A, %sign3A_54 : i32
    %sign3A_56 = arith.extui %sign3A_55 : i1 to i32
    %sign3A_57 = arith.subi %sign3A_53, %sign3A_56 : i32
    %ne3A = vector.broadcast %sign3A_57 : i32 to vector<15x960xi32>
    %ne3A_58 = arith.cmpi ne, %sign3A_50, %ne3A : vector<15x960xi32>
    %rem3A = vector.broadcast %jit3A : i32 to vector<15x960xi32>
    %rem3A_59 = arith.remsi %iota3A, %rem3A : vector<15x960xi32>
    %ne3A_60 = arith.constant 0 : i32
    %ne3A_61 = vector.broadcast %ne3A_60 : i32 to vector<15x960xi32>
    %ne3A_62 = arith.cmpi ne, %rem3A_59, %ne3A_61 : vector<15x960xi32>
    %and3A = arith.andi %ne3A_58, %ne3A_62 : vector<15x960xi1>
    %sub3A_63 = arith.constant 1 : i32
    %sub3A_64 = vector.broadcast %sub3A_63 : i32 to vector<15x960xi32>
    %sub3A_65 = arith.subi %div3A_42, %sub3A_64 : vector<15x960xi32>
    %select_n3A = arith.select %and3A, %sub3A_65, %div3A_42 : vector<15x960xi1>, vector<15x960xi32>
    %iota3A_66 = tpu.iota {dimensions = array<i32: 0>} : vector<15x960xi32>
    %eq3A = arith.cmpi eq, %iota3A_66, %select_n3A : vector<15x960xi32>
    %convert_element_type3A = arith.extui %eq3A : vector<15x960xi1> to vector<15x960xi32>
    %convert_element_type3A_67 = arith.sitofp %convert_element_type3A : vector<15x960xi32> to vector<15x960xf32>
    %iota3A_68 = tpu.iota {dimensions = array<i32: 0>} : vector<960x64xi32>
    %jit3A_69 = arith.constant 64 : i32
    %eq3A_70 = arith.constant 0 : i32
    %eq3A_71 = arith.cmpi eq, %jit3A_69, %eq3A_70 : i32
    %jit3A_72 = arith.constant 1 : i32
    %select_n3A_73 = arith.select %eq3A_71, %jit3A_72, %jit3A_69 : i32
    %rem3A_74 = vector.broadcast %select_n3A_73 : i32 to vector<960x64xi32>
    %rem3A_75 = arith.remsi %iota3A_68, %rem3A_74 : vector<960x64xi32>
    %ne3A_76 = arith.constant 0 : i32
    %ne3A_77 = vector.broadcast %ne3A_76 : i32 to vector<960x64xi32>
    %ne3A_78 = arith.cmpi ne, %rem3A_75, %ne3A_77 : vector<960x64xi32>
    %lt3A = arith.constant 0 : i32
    %lt3A_79 = vector.broadcast %lt3A : i32 to vector<960x64xi32>
    %lt3A_80 = arith.cmpi slt, %rem3A_75, %lt3A_79 : vector<960x64xi32>
    %lt3A_81 = arith.constant 0 : i32
    %lt3A_82 = arith.cmpi slt, %select_n3A_73, %lt3A_81 : i32
    %ne3A_83 = vector.broadcast %lt3A_82 : i1 to vector<960x64xi1>
    %ne3A_84 = vector.broadcast %ne3A_83 : vector<960x64xi1> to vector<960x64xi1>
    %ne3A_85 = arith.xori %lt3A_80, %ne3A_84 : vector<960x64xi1>
    %and3A_86 = arith.andi %ne3A_85, %ne3A_78 : vector<960x64xi1>
    %add3A_87 = vector.broadcast %select_n3A_73 : i32 to vector<960x64xi32>
    %add3A_88 = arith.addi %rem3A_75, %add3A_87 : vector<960x64xi32>
    %select_n3A_89 = arith.select %and3A_86, %add3A_88, %rem3A_75 : vector<960x64xi1>, vector<960x64xi32>
    %iota3A_90 = tpu.iota {dimensions = array<i32: 1>} : vector<960x64xi32>
    %eq3A_91 = arith.cmpi eq, %select_n3A_89, %iota3A_90 : vector<960x64xi32>
    %convert_element_type3A_92 = arith.extui %eq3A_91 : vector<960x64xi1> to vector<960x64xi32>
    %convert_element_type3A_93 = arith.sitofp %convert_element_type3A_92 : vector<960x64xi32> to vector<960x64xf32>
    %get3A_94 = arith.constant 0 : index
    %get3A_95 = arith.constant 0 : index
    %get3A_96 = vector.load %arg5[%get3A_94, %get3A_95] : memref<128x960xf32, #tpu.memory_space<vmem>>, vector<128x960xf32>
    %dot_general3A = arith.constant dense<0.000000e+00> : vector<2560x960xf32>
    %dot_general3A_97 = tpu.matmul %get3A_1, %get3A_96, %dot_general3A {dimension_numbers = #tpu.dot_dimension_numbers<[1], [0], [0], [1], [0, 0, 1, 1], [], []>, transpose_lhs_hint = false} : vector<2560x128xf32>, vector<128x960xf32>, vector<2560x960xf32> -> vector<2560x960xf32>
    %dot_general3A_98 = arith.constant dense<0.000000e+00> : vector<2560x960xf32>
    %dot_general3A_99 = tpu.matmul %max3A_40, %convert_element_type3A_67, %dot_general3A_98 {dimension_numbers = #tpu.dot_dimension_numbers<[1], [0], [0], [1], [0, 0, 1, 1], [], []>, transpose_lhs_hint = false} : vector<2560x15xf32>, vector<15x960xf32>, vector<2560x960xf32> -> vector<2560x960xf32>
    %mul3A_100 = arith.mulf %dot_general3A_97, %dot_general3A_99 : vector<2560x960xf32>
    %dot_general3A_101 = arith.constant dense<0.000000e+00> : vector<2560x64xf32>
    %dot_general3A_102 = tpu.matmul %mul3A_100, %convert_element_type3A_93, %dot_general3A_101 {dimension_numbers = #tpu.dot_dimension_numbers<[1], [0], [0], [1], [0, 0, 1, 1], [], []>, transpose_lhs_hint = false} : vector<2560x960xf32>, vector<960x64xf32>, vector<2560x64xf32> -> vector<2560x64xf32>
    %reshape3A_103 = vector.shape_cast %dot_general3A_102 : vector<2560x64xf32> to vector<80x32x64xf32>
    %reduce_sum3A = arith.constant dense<0.000000e+00> : vector<80x64xf32>
    %reduce_sum3A_104 = vector.multi_reduction <add>, %reshape3A_103, %reduce_sum3A [1] : vector<80x32x64xf32> to vector<80x64xf32>
    %swap3A = arith.constant 0 : index
    %swap3A_105 = arith.constant 0 : index
    %swap3A_106 = vector.load %arg6[%swap3A, %swap3A_105] : memref<80x64xf32, #tpu.memory_space<vmem>>, vector<80x64xf32>
    tpu.vector_store %arg6[%swap3A, %swap3A_105], %reduce_sum3A_104 {strides = array<i32>} : memref<80x64xf32, #tpu.memory_space<vmem>>, vector<80x64xf32>,
    return
  }
  func.func @transform_0(%arg0: i32) -> (i32, i32) {
    %c0_i32 = arith.constant 0 : i32
    %c0_i32_0 = arith.constant 0 : i32
    return %arg0, %c0_i32 : i32, i32
  }
  func.func @transform_1(%arg0: i32) -> (i32, i32) {
    %c0_i32 = arith.constant 0 : i32
    %c0_i32_0 = arith.constant 0 : i32
    return %arg0, %c0_i32 : i32, i32
  }
  func.func @transform_2(%arg0: i32) -> (i32, i32) {
    %add3A = arith.constant 50 : i32
    %add3A_0 = arith.addi %arg0, %add3A : i32
    %c0_i32 = arith.constant 0 : i32
    %c0_i32_1 = arith.constant 0 : i32
    return %add3A_0, %c0_i32 : i32, i32
  }
  func.func @transform_3(%arg0: i32) -> (i32, i32) {
    %c0_i32 = arith.constant 0 : i32
    %c0_i32_0 = arith.constant 0 : i32
    %c0_i32_1 = arith.constant 0 : i32
    return %c0_i32, %c0_i32_0 : i32, i32
  }
  func.func @transform_4(%arg0: i32) -> (i32, i32) {
    %c0_i32 = arith.constant 0 : i32
    %c0_i32_0 = arith.constant 0 : i32
    %c0_i32_1 = arith.constant 0 : i32
    return %c0_i32, %c0_i32_0 : i32, i32
  }
  func.func @transform_5(%arg0: i32) -> (i32, i32) {
    %c0_i32 = arith.constant 0 : i32
    %c0_i32_0 = arith.constant 0 : i32
    return %arg0, %c0_i32 : i32, i32
  }
}

module attributes {stable_mosaic.version = 14 : i64} {
  func.func @_conv_body(%arg0: i32, %arg1: memref<2560x128xf32, #tpu.memory_space<vmem>>, %arg2: memref<2560x16xf32, #tpu.memory_space<vmem>>, %arg3: memref<80x3xf32, #tpu.memory_space<vmem>>, %arg4: memref<3x15xf32, #tpu.memory_space<vmem>>, %arg5: memref<128x960xf32, #tpu.memory_space<vmem>>, %arg6: memref<80x64xf32, #tpu.memory_space<vmem>>) attributes {dimension_semantics = [#tpu.dimension_semantics<arbitrary>], iteration_bounds = array<i64: 25>, scalar_prefetch = 0 : i64, scratch_operands = 0 : i64, tpu.core_type = #tpu.core_type<tc>, window_params = [{transform_indices = @transform_0, window_bounds = array<i64: 2560, 128>}, {transform_indices = @transform_1, window_bounds = array<i64: 2560, 16>}, {transform_indices = @transform_2, window_bounds = array<i64: 80, 3>}, {pipeline_mode = #tpu.pipeline_mode<synchronous>, transform_indices = @transform_3, window_bounds = array<i64: 3, 15>}, {pipeline_mode = #tpu.pipeline_mode<synchronous>, transform_indices = @transform_4, window_bounds = array<i64: 128, 960>}, {transform_indices = @transform_5, window_bounds = array<i64: 80, 64>}]} {
    %get3A = arith.constant 0 : index
    %get3A_0 = arith.constant 0 : index
    %get3A_1 = vector.load %arg1[%get3A, %get3A_0] : memref<2560x128xf32, #tpu.memory_space<vmem>>, vector<2560x128xf32>
    %get3A_2 = arith.constant 0 : index
    %get3A_3 = arith.constant 0 : index
    %get3A_4 = vector.load %arg2[%get3A_2, %get3A_3] : memref<2560x16xf32, #tpu.memory_space<vmem>>, vector<2560x16xf32>
    %slice3A = vector.extract_strided_slice %get3A_4 {offsets = [0, 0], sizes = [2560, 3], strides = [1, 1]} : vector<2560x16xf32> to vector<2560x3xf32>
    %get3A_5 = arith.constant 0 : index
    %get3A_6 = arith.constant 0 : index
    %get3A_7 = vector.load %arg3[%get3A_5, %get3A_6] : memref<80x3xf32, #tpu.memory_space<vmem>>, vector<80x3xf32>
    %reshape3A = vector.shape_cast %slice3A : vector<2560x3xf32> to vector<80x32x3xf32>
    %broadcast_in_dim3A = vector.shape_cast %get3A_7 : vector<80x3xf32> to vector<80x1x3xf32>
    %sub3A = vector.broadcast %broadcast_in_dim3A : vector<80x1x3xf32> to vector<80x32x3xf32>
    %sub3A_8 = arith.subf %reshape3A, %sub3A : vector<80x32x3xf32>
    %reshape3A_9 = vector.shape_cast %sub3A_8 : vector<80x32x3xf32> to vector<2560x3xf32>
    %get3A_10 = arith.constant 0 : index
    %get3A_11 = arith.constant 0 : index
    %get3A_12 = vector.load %arg4[%get3A_10, %get3A_11] : memref<3x15xf32, #tpu.memory_space<vmem>>, vector<3x15xf32>
    %broadcast_in_dim3A_13 = arith.constant 0.000000e+00 : f32
    %broadcast_in_dim3A_14 = vector.broadcast %broadcast_in_dim3A_13 : f32 to vector<2560x15xf32>
    %slice3A_15 = vector.extract_strided_slice %reshape3A_9 {offsets = [0, 0], sizes = [2560, 1], strides = [1, 1]} : vector<2560x3xf32> to vector<2560x1xf32>
    %slice3A_16 = vector.extract_strided_slice %get3A_12 {offsets = [0, 0], sizes = [1, 15], strides = [1, 1]} : vector<3x15xf32> to vector<1x15xf32>
    %sub3A_17 = vector.broadcast %slice3A_15 : vector<2560x1xf32> to vector<2560x15xf32>
    %sub3A_18 = vector.broadcast %slice3A_16 : vector<1x15xf32> to vector<2560x15xf32>
    %sub3A_19 = arith.subf %sub3A_17, %sub3A_18 : vector<2560x15xf32>
    %mul3A = arith.mulf %sub3A_19, %sub3A_19 : vector<2560x15xf32>
    %add3A = arith.addf %broadcast_in_dim3A_14, %mul3A : vector<2560x15xf32>
    %slice3A_20 = vector.extract_strided_slice %reshape3A_9 {offsets = [0, 1], sizes = [2560, 1], strides = [1, 1]} : vector<2560x3xf32> to vector<2560x1xf32>
    %slice3A_21 = vector.extract_strided_slice %get3A_12 {offsets = [1, 0], sizes = [1, 15], strides = [1, 1]} : vector<3x15xf32> to vector<1x15xf32>
    %sub3A_22 = vector.broadcast %slice3A_20 : vector<2560x1xf32> to vector<2560x15xf32>
    %sub3A_23 = vector.broadcast %slice3A_21 : vector<1x15xf32> to vector<2560x15xf32>
    %sub3A_24 = arith.subf %sub3A_22, %sub3A_23 : vector<2560x15xf32>
    %mul3A_25 = arith.mulf %sub3A_24, %sub3A_24 : vector<2560x15xf32>
    %add3A_26 = arith.addf %add3A, %mul3A_25 : vector<2560x15xf32>
    %slice3A_27 = vector.extract_strided_slice %reshape3A_9 {offsets = [0, 2], sizes = [2560, 1], strides = [1, 1]} : vector<2560x3xf32> to vector<2560x1xf32>
    %slice3A_28 = vector.extract_strided_slice %get3A_12 {offsets = [2, 0], sizes = [1, 15], strides = [1, 1]} : vector<3x15xf32> to vector<1x15xf32>
    %sub3A_29 = vector.broadcast %slice3A_27 : vector<2560x1xf32> to vector<2560x15xf32>
    %sub3A_30 = vector.broadcast %slice3A_28 : vector<1x15xf32> to vector<2560x15xf32>
    %sub3A_31 = arith.subf %sub3A_29, %sub3A_30 : vector<2560x15xf32>
    %mul3A_32 = arith.mulf %sub3A_31, %sub3A_31 : vector<2560x15xf32>
    %add3A_33 = arith.addf %add3A_26, %mul3A_32 : vector<2560x15xf32>
    %sqrt3A = math.sqrt %add3A_33 : vector<2560x15xf32>
    %div3A = arith.constant 1.200000e+00 : f32
    %div3A_34 = vector.broadcast %div3A : f32 to vector<2560x15xf32>
    %div3A_35 = arith.divf %sqrt3A, %div3A_34 : vector<2560x15xf32>
    %sub3A_36 = arith.constant 1.000000e+00 : f32
    %sub3A_37 = vector.broadcast %sub3A_36 : f32 to vector<2560x15xf32>
    %sub3A_38 = arith.subf %sub3A_37, %div3A_35 : vector<2560x15xf32>
    %max3A = arith.constant 0.000000e+00 : f32
    %max3A_39 = vector.broadcast %max3A : f32 to vector<2560x15xf32>
    %max3A_40 = arith.maximumf %sub3A_38, %max3A_39 : vector<2560x15xf32>
    %iota3A = tpu.iota {dimensions = array<i32: 1>} : vector<15x960xi32>
    %jit3A = arith.constant 64 : i32
    %div3A_41 = vector.broadcast %jit3A : i32 to vector<15x960xi32>
    %div3A_42 = arith.divsi %iota3A, %div3A_41 : vector<15x960xi32>
    %sign3A = arith.constant 0 : i32
    %sign3A_43 = vector.broadcast %sign3A : i32 to vector<15x960xi32>
    %sign3A_44 = arith.cmpi sgt, %iota3A, %sign3A_43 : vector<15x960xi32>
    %sign3A_45 = arith.extui %sign3A_44 : vector<15x960xi1> to vector<15x960xi32>
    %sign3A_46 = arith.constant 0 : i32
    %sign3A_47 = vector.broadcast %sign3A_46 : i32 to vector<15x960xi32>
    %sign3A_48 = arith.cmpi slt, %iota3A, %sign3A_47 : vector<15x960xi32>
    %sign3A_49 = arith.extui %sign3A_48 : vector<15x960xi1> to vector<15x960xi32>
    %sign3A_50 = arith.subi %sign3A_45, %sign3A_49 : vector<15x960xi32>
    %sign3A_51 = arith.constant 0 : i32
    %sign3A_52 = arith.cmpi sgt, %jit3A, %sign3A_51 : i32
    %sign3A_53 = arith.extui %sign3A_52 : i1 to i32
    %sign3A_54 = arith.constant 0 : i32
    %sign3A_55 = arith.cmpi slt, %jit3A, %sign3A_54 : i32
    %sign3A_56 = arith.extui %sign3A_55 : i1 to i32
    %sign3A_57 = arith.subi %sign3A_53, %sign3A_56 : i32
    %ne3A = vector.broadcast %sign3A_57 : i32 to vector<15x960xi32>
    %ne3A_58 = arith.cmpi ne, %sign3A_50, %ne3A : vector<15x960xi32>
    %rem3A = vector.broadcast %jit3A : i32 to vector<15x960xi32>
    %rem3A_59 = arith.remsi %iota3A, %rem3A : vector<15x960xi32>
    %ne3A_60 = arith.constant 0 : i32
    %ne3A_61 = vector.broadcast %ne3A_60 : i32 to vector<15x960xi32>
    %ne3A_62 = arith.cmpi ne, %rem3A_59, %ne3A_61 : vector<15x960xi32>
    %and3A = arith.andi %ne3A_58, %ne3A_62 : vector<15x960xi1>
    %sub3A_63 = arith.constant 1 : i32
    %sub3A_64 = vector.broadcast %sub3A_63 : i32 to vector<15x960xi32>
    %sub3A_65 = arith.subi %div3A_42, %sub3A_64 : vector<15x960xi32>
    %select_n3A = arith.select %and3A, %sub3A_65, %div3A_42 : vector<15x960xi1>, vector<15x960xi32>
    %iota3A_66 = tpu.iota {dimensions = array<i32: 0>} : vector<15x960xi32>
    %eq3A = arith.cmpi eq, %iota3A_66, %select_n3A : vector<15x960xi32>
    %convert_element_type3A = arith.extui %eq3A : vector<15x960xi1> to vector<15x960xi32>
    %convert_element_type3A_67 = arith.sitofp %convert_element_type3A : vector<15x960xi32> to vector<15x960xf32>
    %iota3A_68 = tpu.iota {dimensions = array<i32: 0>} : vector<960x64xi32>
    %jit3A_69 = arith.constant 64 : i32
    %eq3A_70 = arith.constant 0 : i32
    %eq3A_71 = arith.cmpi eq, %jit3A_69, %eq3A_70 : i32
    %jit3A_72 = arith.constant 1 : i32
    %select_n3A_73 = arith.select %eq3A_71, %jit3A_72, %jit3A_69 : i32
    %rem3A_74 = vector.broadcast %select_n3A_73 : i32 to vector<960x64xi32>
    %rem3A_75 = arith.remsi %iota3A_68, %rem3A_74 : vector<960x64xi32>
    %ne3A_76 = arith.constant 0 : i32
    %ne3A_77 = vector.broadcast %ne3A_76 : i32 to vector<960x64xi32>
    %ne3A_78 = arith.cmpi ne, %rem3A_75, %ne3A_77 : vector<960x64xi32>
    %lt3A = arith.constant 0 : i32
    %lt3A_79 = vector.broadcast %lt3A : i32 to vector<960x64xi32>
    %lt3A_80 = arith.cmpi slt, %rem3A_75, %lt3A_79 : vector<960x64xi32>
    %lt3A_81 = arith.constant 0 : i32
    %lt3A_82 = arith.cmpi slt, %select_n3A_73, %lt3A_81 : i32
    %ne3A_83 = vector.broadcast %lt3A_82 : i1 to vector<960x64xi1>
    %ne3A_84 = vector.broadcast %ne3A_83 : vector<960x64xi1> to vector<960x64xi1>
    %ne3A_85 = arith.xori %lt3A_80, %ne3A_84 : vector<960x64xi1>
    %and3A_86 = arith.andi %ne3A_85, %ne3A_78 : vector<960x64xi1>
    %add3A_87 = vector.broadcast %select_n3A_73 : i32 to vector<960x64xi32>
    %add3A_88 = arith.addi %rem3A_75, %add3A_87 : vector<960x64xi32>
    %select_n3A_89 = arith.select %and3A_86, %add3A_88, %rem3A_75 : vector<960x64xi1>, vector<960x64xi32>
    %iota3A_90 = tpu.iota {dimensions = array<i32: 1>} : vector<960x64xi32>
    %eq3A_91 = arith.cmpi eq, %select_n3A_89, %iota3A_90 : vector<960x64xi32>
    %convert_element_type3A_92 = arith.extui %eq3A_91 : vector<960x64xi1> to vector<960x64xi32>
    %convert_element_type3A_93 = arith.sitofp %convert_element_type3A_92 : vector<960x64xi32> to vector<960x64xf32>
    %get3A_94 = arith.constant 0 : index
    %get3A_95 = arith.constant 0 : index
    %get3A_96 = vector.load %arg5[%get3A_94, %get3A_95] : memref<128x960xf32, #tpu.memory_space<vmem>>, vector<128x960xf32>
    %dot_general3A = arith.constant dense<0.000000e+00> : vector<2560x960xf32>
    %dot_general3A_97 = tpu.matmul %get3A_1, %get3A_96, %dot_general3A {dimension_numbers = #tpu.dot_dimension_numbers<[1], [0], [0], [1], [0, 0, 1, 1], [], []>, transpose_lhs_hint = false} : vector<2560x128xf32>, vector<128x960xf32>, vector<2560x960xf32> -> vector<2560x960xf32>
    %dot_general3A_98 = arith.constant dense<0.000000e+00> : vector<2560x960xf32>
    %dot_general3A_99 = tpu.matmul %max3A_40, %convert_element_type3A_67, %dot_general3A_98 {dimension_numbers = #tpu.dot_dimension_numbers<[1], [0], [0], [1], [0, 0, 1, 1], [], []>, transpose_lhs_hint = false} : vector<2560x15xf32>, vector<15x960xf32>, vector<2560x960xf32> -> vector<2560x960xf32>
    %mul3A_100 = arith.mulf %dot_general3A_97, %dot_general3A_99 : vector<2560x960xf32>
    %dot_general3A_101 = arith.constant dense<0.000000e+00> : vector<2560x64xf32>
    %dot_general3A_102 = tpu.matmul %mul3A_100, %convert_element_type3A_93, %dot_general3A_101 {dimension_numbers = #tpu.dot_dimension_numbers<[1], [0], [0], [1], [0, 0, 1, 1], [], []>, transpose_lhs_hint = false} : vector<2560x960xf32>, vector<960x64xf32>, vector<2560x64xf32> -> vector<2560x64xf32>
    %reshape3A_103 = vector.shape_cast %dot_general3A_102 : vector<2560x64xf32> to vector<80x32x64xf32>
    %reduce_sum3A = arith.constant dense<0.000000e+00> : vector<80x64xf32>
    %reduce_sum3A_104 = vector.multi_reduction <add>, %reshape3A_103, %reduce_sum3A [1] : vector<80x32x64xf32> to vector<80x64xf32>
    %swap3A = arith.constant 0 : index
    %swap3A_105 = arith.constant 0 : index
    %swap3A_106 = vector.load %arg6[%swap3A, %swap3A_105] : memref<80x64xf32, #tpu.memory_space<vmem>>, vector<80x64xf32>
    tpu.vector_store %arg6[%swap3A, %swap3A_105], %reduce_sum3A_104 {strides = array<i32>} : memref<80x64xf32, #tpu.memory_space<vmem>>, vector<80x64xf32>,
    return
  }
  func.func @transform_0(%arg0: i32) -> (i32, i32) {
    %c0_i32 = arith.constant 0 : i32
    %c0_i32_0 = arith.constant 0 : i32
    return %arg0, %c0_i32 : i32, i32
  }
  func.func @transform_1(%arg0: i32) -> (i32, i32) {
    %c0_i32 = arith.constant 0 : i32
    %c0_i32_0 = arith.constant 0 : i32
    return %arg0, %c0_i32 : i32, i32
  }
  func.func @transform_2(%arg0: i32) -> (i32, i32) {
    %add3A = arith.constant 75 : i32
    %add3A_0 = arith.addi %arg0, %add3A : i32
    %c0_i32 = arith.constant 0 : i32
    %c0_i32_1 = arith.constant 0 : i32
    return %add3A_0, %c0_i32 : i32, i32
  }
  func.func @transform_3(%arg0: i32) -> (i32, i32) {
    %c0_i32 = arith.constant 0 : i32
    %c0_i32_0 = arith.constant 0 : i32
    %c0_i32_1 = arith.constant 0 : i32
    return %c0_i32, %c0_i32_0 : i32, i32
  }
  func.func @transform_4(%arg0: i32) -> (i32, i32) {
    %c0_i32 = arith.constant 0 : i32
    %c0_i32_0 = arith.constant 0 : i32
    %c0_i32_1 = arith.constant 0 : i32
    return %c0_i32, %c0_i32_0 : i32, i32
  }
  func.func @transform_5(%arg0: i32) -> (i32, i32) {
    %c0_i32 = arith.constant 0 : i32
    %c0_i32_0 = arith.constant 0 : i32
    return %arg0, %c0_i32 : i32, i32
  }
}

module attributes {stable_mosaic.version = 14 : i64} {
  func.func @_conv_body(%arg0: i32, %arg1: memref<2560x128xf32, #tpu.memory_space<vmem>>, %arg2: memref<2560x16xf32, #tpu.memory_space<vmem>>, %arg3: memref<80x3xf32, #tpu.memory_space<vmem>>, %arg4: memref<3x15xf32, #tpu.memory_space<vmem>>, %arg5: memref<128x960xf32, #tpu.memory_space<vmem>>, %arg6: memref<80x64xf32, #tpu.memory_space<vmem>>) attributes {dimension_semantics = [#tpu.dimension_semantics<arbitrary>], iteration_bounds = array<i64: 25>, scalar_prefetch = 0 : i64, scratch_operands = 0 : i64, tpu.core_type = #tpu.core_type<tc>, window_params = [{transform_indices = @transform_0, window_bounds = array<i64: 2560, 128>}, {transform_indices = @transform_1, window_bounds = array<i64: 2560, 16>}, {transform_indices = @transform_2, window_bounds = array<i64: 80, 3>}, {pipeline_mode = #tpu.pipeline_mode<synchronous>, transform_indices = @transform_3, window_bounds = array<i64: 3, 15>}, {pipeline_mode = #tpu.pipeline_mode<synchronous>, transform_indices = @transform_4, window_bounds = array<i64: 128, 960>}, {transform_indices = @transform_5, window_bounds = array<i64: 80, 64>}]} {
    %get3A = arith.constant 0 : index
    %get3A_0 = arith.constant 0 : index
    %get3A_1 = vector.load %arg1[%get3A, %get3A_0] : memref<2560x128xf32, #tpu.memory_space<vmem>>, vector<2560x128xf32>
    %get3A_2 = arith.constant 0 : index
    %get3A_3 = arith.constant 0 : index
    %get3A_4 = vector.load %arg2[%get3A_2, %get3A_3] : memref<2560x16xf32, #tpu.memory_space<vmem>>, vector<2560x16xf32>
    %slice3A = vector.extract_strided_slice %get3A_4 {offsets = [0, 0], sizes = [2560, 3], strides = [1, 1]} : vector<2560x16xf32> to vector<2560x3xf32>
    %get3A_5 = arith.constant 0 : index
    %get3A_6 = arith.constant 0 : index
    %get3A_7 = vector.load %arg3[%get3A_5, %get3A_6] : memref<80x3xf32, #tpu.memory_space<vmem>>, vector<80x3xf32>
    %reshape3A = vector.shape_cast %slice3A : vector<2560x3xf32> to vector<80x32x3xf32>
    %broadcast_in_dim3A = vector.shape_cast %get3A_7 : vector<80x3xf32> to vector<80x1x3xf32>
    %sub3A = vector.broadcast %broadcast_in_dim3A : vector<80x1x3xf32> to vector<80x32x3xf32>
    %sub3A_8 = arith.subf %reshape3A, %sub3A : vector<80x32x3xf32>
    %reshape3A_9 = vector.shape_cast %sub3A_8 : vector<80x32x3xf32> to vector<2560x3xf32>
    %get3A_10 = arith.constant 0 : index
    %get3A_11 = arith.constant 0 : index
    %get3A_12 = vector.load %arg4[%get3A_10, %get3A_11] : memref<3x15xf32, #tpu.memory_space<vmem>>, vector<3x15xf32>
    %broadcast_in_dim3A_13 = arith.constant 0.000000e+00 : f32
    %broadcast_in_dim3A_14 = vector.broadcast %broadcast_in_dim3A_13 : f32 to vector<2560x15xf32>
    %slice3A_15 = vector.extract_strided_slice %reshape3A_9 {offsets = [0, 0], sizes = [2560, 1], strides = [1, 1]} : vector<2560x3xf32> to vector<2560x1xf32>
    %slice3A_16 = vector.extract_strided_slice %get3A_12 {offsets = [0, 0], sizes = [1, 15], strides = [1, 1]} : vector<3x15xf32> to vector<1x15xf32>
    %sub3A_17 = vector.broadcast %slice3A_15 : vector<2560x1xf32> to vector<2560x15xf32>
    %sub3A_18 = vector.broadcast %slice3A_16 : vector<1x15xf32> to vector<2560x15xf32>
    %sub3A_19 = arith.subf %sub3A_17, %sub3A_18 : vector<2560x15xf32>
    %mul3A = arith.mulf %sub3A_19, %sub3A_19 : vector<2560x15xf32>
    %add3A = arith.addf %broadcast_in_dim3A_14, %mul3A : vector<2560x15xf32>
    %slice3A_20 = vector.extract_strided_slice %reshape3A_9 {offsets = [0, 1], sizes = [2560, 1], strides = [1, 1]} : vector<2560x3xf32> to vector<2560x1xf32>
    %slice3A_21 = vector.extract_strided_slice %get3A_12 {offsets = [1, 0], sizes = [1, 15], strides = [1, 1]} : vector<3x15xf32> to vector<1x15xf32>
    %sub3A_22 = vector.broadcast %slice3A_20 : vector<2560x1xf32> to vector<2560x15xf32>
    %sub3A_23 = vector.broadcast %slice3A_21 : vector<1x15xf32> to vector<2560x15xf32>
    %sub3A_24 = arith.subf %sub3A_22, %sub3A_23 : vector<2560x15xf32>
    %mul3A_25 = arith.mulf %sub3A_24, %sub3A_24 : vector<2560x15xf32>
    %add3A_26 = arith.addf %add3A, %mul3A_25 : vector<2560x15xf32>
    %slice3A_27 = vector.extract_strided_slice %reshape3A_9 {offsets = [0, 2], sizes = [2560, 1], strides = [1, 1]} : vector<2560x3xf32> to vector<2560x1xf32>
    %slice3A_28 = vector.extract_strided_slice %get3A_12 {offsets = [2, 0], sizes = [1, 15], strides = [1, 1]} : vector<3x15xf32> to vector<1x15xf32>
    %sub3A_29 = vector.broadcast %slice3A_27 : vector<2560x1xf32> to vector<2560x15xf32>
    %sub3A_30 = vector.broadcast %slice3A_28 : vector<1x15xf32> to vector<2560x15xf32>
    %sub3A_31 = arith.subf %sub3A_29, %sub3A_30 : vector<2560x15xf32>
    %mul3A_32 = arith.mulf %sub3A_31, %sub3A_31 : vector<2560x15xf32>
    %add3A_33 = arith.addf %add3A_26, %mul3A_32 : vector<2560x15xf32>
    %sqrt3A = math.sqrt %add3A_33 : vector<2560x15xf32>
    %div3A = arith.constant 1.200000e+00 : f32
    %div3A_34 = vector.broadcast %div3A : f32 to vector<2560x15xf32>
    %div3A_35 = arith.divf %sqrt3A, %div3A_34 : vector<2560x15xf32>
    %sub3A_36 = arith.constant 1.000000e+00 : f32
    %sub3A_37 = vector.broadcast %sub3A_36 : f32 to vector<2560x15xf32>
    %sub3A_38 = arith.subf %sub3A_37, %div3A_35 : vector<2560x15xf32>
    %max3A = arith.constant 0.000000e+00 : f32
    %max3A_39 = vector.broadcast %max3A : f32 to vector<2560x15xf32>
    %max3A_40 = arith.maximumf %sub3A_38, %max3A_39 : vector<2560x15xf32>
    %iota3A = tpu.iota {dimensions = array<i32: 1>} : vector<15x960xi32>
    %jit3A = arith.constant 64 : i32
    %div3A_41 = vector.broadcast %jit3A : i32 to vector<15x960xi32>
    %div3A_42 = arith.divsi %iota3A, %div3A_41 : vector<15x960xi32>
    %sign3A = arith.constant 0 : i32
    %sign3A_43 = vector.broadcast %sign3A : i32 to vector<15x960xi32>
    %sign3A_44 = arith.cmpi sgt, %iota3A, %sign3A_43 : vector<15x960xi32>
    %sign3A_45 = arith.extui %sign3A_44 : vector<15x960xi1> to vector<15x960xi32>
    %sign3A_46 = arith.constant 0 : i32
    %sign3A_47 = vector.broadcast %sign3A_46 : i32 to vector<15x960xi32>
    %sign3A_48 = arith.cmpi slt, %iota3A, %sign3A_47 : vector<15x960xi32>
    %sign3A_49 = arith.extui %sign3A_48 : vector<15x960xi1> to vector<15x960xi32>
    %sign3A_50 = arith.subi %sign3A_45, %sign3A_49 : vector<15x960xi32>
    %sign3A_51 = arith.constant 0 : i32
    %sign3A_52 = arith.cmpi sgt, %jit3A, %sign3A_51 : i32
    %sign3A_53 = arith.extui %sign3A_52 : i1 to i32
    %sign3A_54 = arith.constant 0 : i32
    %sign3A_55 = arith.cmpi slt, %jit3A, %sign3A_54 : i32
    %sign3A_56 = arith.extui %sign3A_55 : i1 to i32
    %sign3A_57 = arith.subi %sign3A_53, %sign3A_56 : i32
    %ne3A = vector.broadcast %sign3A_57 : i32 to vector<15x960xi32>
    %ne3A_58 = arith.cmpi ne, %sign3A_50, %ne3A : vector<15x960xi32>
    %rem3A = vector.broadcast %jit3A : i32 to vector<15x960xi32>
    %rem3A_59 = arith.remsi %iota3A, %rem3A : vector<15x960xi32>
    %ne3A_60 = arith.constant 0 : i32
    %ne3A_61 = vector.broadcast %ne3A_60 : i32 to vector<15x960xi32>
    %ne3A_62 = arith.cmpi ne, %rem3A_59, %ne3A_61 : vector<15x960xi32>
    %and3A = arith.andi %ne3A_58, %ne3A_62 : vector<15x960xi1>
    %sub3A_63 = arith.constant 1 : i32
    %sub3A_64 = vector.broadcast %sub3A_63 : i32 to vector<15x960xi32>
    %sub3A_65 = arith.subi %div3A_42, %sub3A_64 : vector<15x960xi32>
    %select_n3A = arith.select %and3A, %sub3A_65, %div3A_42 : vector<15x960xi1>, vector<15x960xi32>
    %iota3A_66 = tpu.iota {dimensions = array<i32: 0>} : vector<15x960xi32>
    %eq3A = arith.cmpi eq, %iota3A_66, %select_n3A : vector<15x960xi32>
    %convert_element_type3A = arith.extui %eq3A : vector<15x960xi1> to vector<15x960xi32>
    %convert_element_type3A_67 = arith.sitofp %convert_element_type3A : vector<15x960xi32> to vector<15x960xf32>
    %iota3A_68 = tpu.iota {dimensions = array<i32: 0>} : vector<960x64xi32>
    %jit3A_69 = arith.constant 64 : i32
    %eq3A_70 = arith.constant 0 : i32
    %eq3A_71 = arith.cmpi eq, %jit3A_69, %eq3A_70 : i32
    %jit3A_72 = arith.constant 1 : i32
    %select_n3A_73 = arith.select %eq3A_71, %jit3A_72, %jit3A_69 : i32
    %rem3A_74 = vector.broadcast %select_n3A_73 : i32 to vector<960x64xi32>
    %rem3A_75 = arith.remsi %iota3A_68, %rem3A_74 : vector<960x64xi32>
    %ne3A_76 = arith.constant 0 : i32
    %ne3A_77 = vector.broadcast %ne3A_76 : i32 to vector<960x64xi32>
    %ne3A_78 = arith.cmpi ne, %rem3A_75, %ne3A_77 : vector<960x64xi32>
    %lt3A = arith.constant 0 : i32
    %lt3A_79 = vector.broadcast %lt3A : i32 to vector<960x64xi32>
    %lt3A_80 = arith.cmpi slt, %rem3A_75, %lt3A_79 : vector<960x64xi32>
    %lt3A_81 = arith.constant 0 : i32
    %lt3A_82 = arith.cmpi slt, %select_n3A_73, %lt3A_81 : i32
    %ne3A_83 = vector.broadcast %lt3A_82 : i1 to vector<960x64xi1>
    %ne3A_84 = vector.broadcast %ne3A_83 : vector<960x64xi1> to vector<960x64xi1>
    %ne3A_85 = arith.xori %lt3A_80, %ne3A_84 : vector<960x64xi1>
    %and3A_86 = arith.andi %ne3A_85, %ne3A_78 : vector<960x64xi1>
    %add3A_87 = vector.broadcast %select_n3A_73 : i32 to vector<960x64xi32>
    %add3A_88 = arith.addi %rem3A_75, %add3A_87 : vector<960x64xi32>
    %select_n3A_89 = arith.select %and3A_86, %add3A_88, %rem3A_75 : vector<960x64xi1>, vector<960x64xi32>
    %iota3A_90 = tpu.iota {dimensions = array<i32: 1>} : vector<960x64xi32>
    %eq3A_91 = arith.cmpi eq, %select_n3A_89, %iota3A_90 : vector<960x64xi32>
    %convert_element_type3A_92 = arith.extui %eq3A_91 : vector<960x64xi1> to vector<960x64xi32>
    %convert_element_type3A_93 = arith.sitofp %convert_element_type3A_92 : vector<960x64xi32> to vector<960x64xf32>
    %get3A_94 = arith.constant 0 : index
    %get3A_95 = arith.constant 0 : index
    %get3A_96 = vector.load %arg5[%get3A_94, %get3A_95] : memref<128x960xf32, #tpu.memory_space<vmem>>, vector<128x960xf32>
    %dot_general3A = arith.constant dense<0.000000e+00> : vector<2560x960xf32>
    %dot_general3A_97 = tpu.matmul %get3A_1, %get3A_96, %dot_general3A {dimension_numbers = #tpu.dot_dimension_numbers<[1], [0], [0], [1], [0, 0, 1, 1], [], []>, transpose_lhs_hint = false} : vector<2560x128xf32>, vector<128x960xf32>, vector<2560x960xf32> -> vector<2560x960xf32>
    %dot_general3A_98 = arith.constant dense<0.000000e+00> : vector<2560x960xf32>
    %dot_general3A_99 = tpu.matmul %max3A_40, %convert_element_type3A_67, %dot_general3A_98 {dimension_numbers = #tpu.dot_dimension_numbers<[1], [0], [0], [1], [0, 0, 1, 1], [], []>, transpose_lhs_hint = false} : vector<2560x15xf32>, vector<15x960xf32>, vector<2560x960xf32> -> vector<2560x960xf32>
    %mul3A_100 = arith.mulf %dot_general3A_97, %dot_general3A_99 : vector<2560x960xf32>
    %dot_general3A_101 = arith.constant dense<0.000000e+00> : vector<2560x64xf32>
    %dot_general3A_102 = tpu.matmul %mul3A_100, %convert_element_type3A_93, %dot_general3A_101 {dimension_numbers = #tpu.dot_dimension_numbers<[1], [0], [0], [1], [0, 0, 1, 1], [], []>, transpose_lhs_hint = false} : vector<2560x960xf32>, vector<960x64xf32>, vector<2560x64xf32> -> vector<2560x64xf32>
    %reshape3A_103 = vector.shape_cast %dot_general3A_102 : vector<2560x64xf32> to vector<80x32x64xf32>
    %reduce_sum3A = arith.constant dense<0.000000e+00> : vector<80x64xf32>
    %reduce_sum3A_104 = vector.multi_reduction <add>, %reshape3A_103, %reduce_sum3A [1] : vector<80x32x64xf32> to vector<80x64xf32>
    %swap3A = arith.constant 0 : index
    %swap3A_105 = arith.constant 0 : index
    %swap3A_106 = vector.load %arg6[%swap3A, %swap3A_105] : memref<80x64xf32, #tpu.memory_space<vmem>>, vector<80x64xf32>
    tpu.vector_store %arg6[%swap3A, %swap3A_105], %reduce_sum3A_104 {strides = array<i32>} : memref<80x64xf32, #tpu.memory_space<vmem>>, vector<80x64xf32>,
    return
  }
  func.func @transform_0(%arg0: i32) -> (i32, i32) {
    %c0_i32 = arith.constant 0 : i32
    %c0_i32_0 = arith.constant 0 : i32
    return %arg0, %c0_i32 : i32, i32
  }
  func.func @transform_1(%arg0: i32) -> (i32, i32) {
    %c0_i32 = arith.constant 0 : i32
    %c0_i32_0 = arith.constant 0 : i32
    return %arg0, %c0_i32 : i32, i32
  }
  func.func @transform_2(%arg0: i32) -> (i32, i32) {
    %add3A = arith.constant 100 : i32
    %add3A_0 = arith.addi %arg0, %add3A : i32
    %c0_i32 = arith.constant 0 : i32
    %c0_i32_1 = arith.constant 0 : i32
    return %add3A_0, %c0_i32 : i32, i32
  }
  func.func @transform_3(%arg0: i32) -> (i32, i32) {
    %c0_i32 = arith.constant 0 : i32
    %c0_i32_0 = arith.constant 0 : i32
    %c0_i32_1 = arith.constant 0 : i32
    return %c0_i32, %c0_i32_0 : i32, i32
  }
  func.func @transform_4(%arg0: i32) -> (i32, i32) {
    %c0_i32 = arith.constant 0 : i32
    %c0_i32_0 = arith.constant 0 : i32
    %c0_i32_1 = arith.constant 0 : i32
    return %c0_i32, %c0_i32_0 : i32, i32
  }
  func.func @transform_5(%arg0: i32) -> (i32, i32) {
    %c0_i32 = arith.constant 0 : i32
    %c0_i32_0 = arith.constant 0 : i32
    return %arg0, %c0_i32 : i32, i32
  }
}

module attributes {stable_mosaic.version = 14 : i64} {
  func.func @_conv_body(%arg0: i32, %arg1: memref<2560x128xf32, #tpu.memory_space<vmem>>, %arg2: memref<2560x16xf32, #tpu.memory_space<vmem>>, %arg3: memref<80x3xf32, #tpu.memory_space<vmem>>, %arg4: memref<3x15xf32, #tpu.memory_space<vmem>>, %arg5: memref<128x960xf32, #tpu.memory_space<vmem>>, %arg6: memref<80x64xf32, #tpu.memory_space<vmem>>) attributes {dimension_semantics = [#tpu.dimension_semantics<arbitrary>], iteration_bounds = array<i64: 25>, scalar_prefetch = 0 : i64, scratch_operands = 0 : i64, tpu.core_type = #tpu.core_type<tc>, window_params = [{transform_indices = @transform_0, window_bounds = array<i64: 2560, 128>}, {transform_indices = @transform_1, window_bounds = array<i64: 2560, 16>}, {transform_indices = @transform_2, window_bounds = array<i64: 80, 3>}, {pipeline_mode = #tpu.pipeline_mode<synchronous>, transform_indices = @transform_3, window_bounds = array<i64: 3, 15>}, {pipeline_mode = #tpu.pipeline_mode<synchronous>, transform_indices = @transform_4, window_bounds = array<i64: 128, 960>}, {transform_indices = @transform_5, window_bounds = array<i64: 80, 64>}]} {
    %get3A = arith.constant 0 : index
    %get3A_0 = arith.constant 0 : index
    %get3A_1 = vector.load %arg1[%get3A, %get3A_0] : memref<2560x128xf32, #tpu.memory_space<vmem>>, vector<2560x128xf32>
    %get3A_2 = arith.constant 0 : index
    %get3A_3 = arith.constant 0 : index
    %get3A_4 = vector.load %arg2[%get3A_2, %get3A_3] : memref<2560x16xf32, #tpu.memory_space<vmem>>, vector<2560x16xf32>
    %slice3A = vector.extract_strided_slice %get3A_4 {offsets = [0, 0], sizes = [2560, 3], strides = [1, 1]} : vector<2560x16xf32> to vector<2560x3xf32>
    %get3A_5 = arith.constant 0 : index
    %get3A_6 = arith.constant 0 : index
    %get3A_7 = vector.load %arg3[%get3A_5, %get3A_6] : memref<80x3xf32, #tpu.memory_space<vmem>>, vector<80x3xf32>
    %reshape3A = vector.shape_cast %slice3A : vector<2560x3xf32> to vector<80x32x3xf32>
    %broadcast_in_dim3A = vector.shape_cast %get3A_7 : vector<80x3xf32> to vector<80x1x3xf32>
    %sub3A = vector.broadcast %broadcast_in_dim3A : vector<80x1x3xf32> to vector<80x32x3xf32>
    %sub3A_8 = arith.subf %reshape3A, %sub3A : vector<80x32x3xf32>
    %reshape3A_9 = vector.shape_cast %sub3A_8 : vector<80x32x3xf32> to vector<2560x3xf32>
    %get3A_10 = arith.constant 0 : index
    %get3A_11 = arith.constant 0 : index
    %get3A_12 = vector.load %arg4[%get3A_10, %get3A_11] : memref<3x15xf32, #tpu.memory_space<vmem>>, vector<3x15xf32>
    %broadcast_in_dim3A_13 = arith.constant 0.000000e+00 : f32
    %broadcast_in_dim3A_14 = vector.broadcast %broadcast_in_dim3A_13 : f32 to vector<2560x15xf32>
    %slice3A_15 = vector.extract_strided_slice %reshape3A_9 {offsets = [0, 0], sizes = [2560, 1], strides = [1, 1]} : vector<2560x3xf32> to vector<2560x1xf32>
    %slice3A_16 = vector.extract_strided_slice %get3A_12 {offsets = [0, 0], sizes = [1, 15], strides = [1, 1]} : vector<3x15xf32> to vector<1x15xf32>
    %sub3A_17 = vector.broadcast %slice3A_15 : vector<2560x1xf32> to vector<2560x15xf32>
    %sub3A_18 = vector.broadcast %slice3A_16 : vector<1x15xf32> to vector<2560x15xf32>
    %sub3A_19 = arith.subf %sub3A_17, %sub3A_18 : vector<2560x15xf32>
    %mul3A = arith.mulf %sub3A_19, %sub3A_19 : vector<2560x15xf32>
    %add3A = arith.addf %broadcast_in_dim3A_14, %mul3A : vector<2560x15xf32>
    %slice3A_20 = vector.extract_strided_slice %reshape3A_9 {offsets = [0, 1], sizes = [2560, 1], strides = [1, 1]} : vector<2560x3xf32> to vector<2560x1xf32>
    %slice3A_21 = vector.extract_strided_slice %get3A_12 {offsets = [1, 0], sizes = [1, 15], strides = [1, 1]} : vector<3x15xf32> to vector<1x15xf32>
    %sub3A_22 = vector.broadcast %slice3A_20 : vector<2560x1xf32> to vector<2560x15xf32>
    %sub3A_23 = vector.broadcast %slice3A_21 : vector<1x15xf32> to vector<2560x15xf32>
    %sub3A_24 = arith.subf %sub3A_22, %sub3A_23 : vector<2560x15xf32>
    %mul3A_25 = arith.mulf %sub3A_24, %sub3A_24 : vector<2560x15xf32>
    %add3A_26 = arith.addf %add3A, %mul3A_25 : vector<2560x15xf32>
    %slice3A_27 = vector.extract_strided_slice %reshape3A_9 {offsets = [0, 2], sizes = [2560, 1], strides = [1, 1]} : vector<2560x3xf32> to vector<2560x1xf32>
    %slice3A_28 = vector.extract_strided_slice %get3A_12 {offsets = [2, 0], sizes = [1, 15], strides = [1, 1]} : vector<3x15xf32> to vector<1x15xf32>
    %sub3A_29 = vector.broadcast %slice3A_27 : vector<2560x1xf32> to vector<2560x15xf32>
    %sub3A_30 = vector.broadcast %slice3A_28 : vector<1x15xf32> to vector<2560x15xf32>
    %sub3A_31 = arith.subf %sub3A_29, %sub3A_30 : vector<2560x15xf32>
    %mul3A_32 = arith.mulf %sub3A_31, %sub3A_31 : vector<2560x15xf32>
    %add3A_33 = arith.addf %add3A_26, %mul3A_32 : vector<2560x15xf32>
    %sqrt3A = math.sqrt %add3A_33 : vector<2560x15xf32>
    %div3A = arith.constant 1.200000e+00 : f32
    %div3A_34 = vector.broadcast %div3A : f32 to vector<2560x15xf32>
    %div3A_35 = arith.divf %sqrt3A, %div3A_34 : vector<2560x15xf32>
    %sub3A_36 = arith.constant 1.000000e+00 : f32
    %sub3A_37 = vector.broadcast %sub3A_36 : f32 to vector<2560x15xf32>
    %sub3A_38 = arith.subf %sub3A_37, %div3A_35 : vector<2560x15xf32>
    %max3A = arith.constant 0.000000e+00 : f32
    %max3A_39 = vector.broadcast %max3A : f32 to vector<2560x15xf32>
    %max3A_40 = arith.maximumf %sub3A_38, %max3A_39 : vector<2560x15xf32>
    %iota3A = tpu.iota {dimensions = array<i32: 1>} : vector<15x960xi32>
    %jit3A = arith.constant 64 : i32
    %div3A_41 = vector.broadcast %jit3A : i32 to vector<15x960xi32>
    %div3A_42 = arith.divsi %iota3A, %div3A_41 : vector<15x960xi32>
    %sign3A = arith.constant 0 : i32
    %sign3A_43 = vector.broadcast %sign3A : i32 to vector<15x960xi32>
    %sign3A_44 = arith.cmpi sgt, %iota3A, %sign3A_43 : vector<15x960xi32>
    %sign3A_45 = arith.extui %sign3A_44 : vector<15x960xi1> to vector<15x960xi32>
    %sign3A_46 = arith.constant 0 : i32
    %sign3A_47 = vector.broadcast %sign3A_46 : i32 to vector<15x960xi32>
    %sign3A_48 = arith.cmpi slt, %iota3A, %sign3A_47 : vector<15x960xi32>
    %sign3A_49 = arith.extui %sign3A_48 : vector<15x960xi1> to vector<15x960xi32>
    %sign3A_50 = arith.subi %sign3A_45, %sign3A_49 : vector<15x960xi32>
    %sign3A_51 = arith.constant 0 : i32
    %sign3A_52 = arith.cmpi sgt, %jit3A, %sign3A_51 : i32
    %sign3A_53 = arith.extui %sign3A_52 : i1 to i32
    %sign3A_54 = arith.constant 0 : i32
    %sign3A_55 = arith.cmpi slt, %jit3A, %sign3A_54 : i32
    %sign3A_56 = arith.extui %sign3A_55 : i1 to i32
    %sign3A_57 = arith.subi %sign3A_53, %sign3A_56 : i32
    %ne3A = vector.broadcast %sign3A_57 : i32 to vector<15x960xi32>
    %ne3A_58 = arith.cmpi ne, %sign3A_50, %ne3A : vector<15x960xi32>
    %rem3A = vector.broadcast %jit3A : i32 to vector<15x960xi32>
    %rem3A_59 = arith.remsi %iota3A, %rem3A : vector<15x960xi32>
    %ne3A_60 = arith.constant 0 : i32
    %ne3A_61 = vector.broadcast %ne3A_60 : i32 to vector<15x960xi32>
    %ne3A_62 = arith.cmpi ne, %rem3A_59, %ne3A_61 : vector<15x960xi32>
    %and3A = arith.andi %ne3A_58, %ne3A_62 : vector<15x960xi1>
    %sub3A_63 = arith.constant 1 : i32
    %sub3A_64 = vector.broadcast %sub3A_63 : i32 to vector<15x960xi32>
    %sub3A_65 = arith.subi %div3A_42, %sub3A_64 : vector<15x960xi32>
    %select_n3A = arith.select %and3A, %sub3A_65, %div3A_42 : vector<15x960xi1>, vector<15x960xi32>
    %iota3A_66 = tpu.iota {dimensions = array<i32: 0>} : vector<15x960xi32>
    %eq3A = arith.cmpi eq, %iota3A_66, %select_n3A : vector<15x960xi32>
    %convert_element_type3A = arith.extui %eq3A : vector<15x960xi1> to vector<15x960xi32>
    %convert_element_type3A_67 = arith.sitofp %convert_element_type3A : vector<15x960xi32> to vector<15x960xf32>
    %iota3A_68 = tpu.iota {dimensions = array<i32: 0>} : vector<960x64xi32>
    %jit3A_69 = arith.constant 64 : i32
    %eq3A_70 = arith.constant 0 : i32
    %eq3A_71 = arith.cmpi eq, %jit3A_69, %eq3A_70 : i32
    %jit3A_72 = arith.constant 1 : i32
    %select_n3A_73 = arith.select %eq3A_71, %jit3A_72, %jit3A_69 : i32
    %rem3A_74 = vector.broadcast %select_n3A_73 : i32 to vector<960x64xi32>
    %rem3A_75 = arith.remsi %iota3A_68, %rem3A_74 : vector<960x64xi32>
    %ne3A_76 = arith.constant 0 : i32
    %ne3A_77 = vector.broadcast %ne3A_76 : i32 to vector<960x64xi32>
    %ne3A_78 = arith.cmpi ne, %rem3A_75, %ne3A_77 : vector<960x64xi32>
    %lt3A = arith.constant 0 : i32
    %lt3A_79 = vector.broadcast %lt3A : i32 to vector<960x64xi32>
    %lt3A_80 = arith.cmpi slt, %rem3A_75, %lt3A_79 : vector<960x64xi32>
    %lt3A_81 = arith.constant 0 : i32
    %lt3A_82 = arith.cmpi slt, %select_n3A_73, %lt3A_81 : i32
    %ne3A_83 = vector.broadcast %lt3A_82 : i1 to vector<960x64xi1>
    %ne3A_84 = vector.broadcast %ne3A_83 : vector<960x64xi1> to vector<960x64xi1>
    %ne3A_85 = arith.xori %lt3A_80, %ne3A_84 : vector<960x64xi1>
    %and3A_86 = arith.andi %ne3A_85, %ne3A_78 : vector<960x64xi1>
    %add3A_87 = vector.broadcast %select_n3A_73 : i32 to vector<960x64xi32>
    %add3A_88 = arith.addi %rem3A_75, %add3A_87 : vector<960x64xi32>
    %select_n3A_89 = arith.select %and3A_86, %add3A_88, %rem3A_75 : vector<960x64xi1>, vector<960x64xi32>
    %iota3A_90 = tpu.iota {dimensions = array<i32: 1>} : vector<960x64xi32>
    %eq3A_91 = arith.cmpi eq, %select_n3A_89, %iota3A_90 : vector<960x64xi32>
    %convert_element_type3A_92 = arith.extui %eq3A_91 : vector<960x64xi1> to vector<960x64xi32>
    %convert_element_type3A_93 = arith.sitofp %convert_element_type3A_92 : vector<960x64xi32> to vector<960x64xf32>
    %get3A_94 = arith.constant 0 : index
    %get3A_95 = arith.constant 0 : index
    %get3A_96 = vector.load %arg5[%get3A_94, %get3A_95] : memref<128x960xf32, #tpu.memory_space<vmem>>, vector<128x960xf32>
    %dot_general3A = arith.constant dense<0.000000e+00> : vector<2560x960xf32>
    %dot_general3A_97 = tpu.matmul %get3A_1, %get3A_96, %dot_general3A {dimension_numbers = #tpu.dot_dimension_numbers<[1], [0], [0], [1], [0, 0, 1, 1], [], []>, transpose_lhs_hint = false} : vector<2560x128xf32>, vector<128x960xf32>, vector<2560x960xf32> -> vector<2560x960xf32>
    %dot_general3A_98 = arith.constant dense<0.000000e+00> : vector<2560x960xf32>
    %dot_general3A_99 = tpu.matmul %max3A_40, %convert_element_type3A_67, %dot_general3A_98 {dimension_numbers = #tpu.dot_dimension_numbers<[1], [0], [0], [1], [0, 0, 1, 1], [], []>, transpose_lhs_hint = false} : vector<2560x15xf32>, vector<15x960xf32>, vector<2560x960xf32> -> vector<2560x960xf32>
    %mul3A_100 = arith.mulf %dot_general3A_97, %dot_general3A_99 : vector<2560x960xf32>
    %dot_general3A_101 = arith.constant dense<0.000000e+00> : vector<2560x64xf32>
    %dot_general3A_102 = tpu.matmul %mul3A_100, %convert_element_type3A_93, %dot_general3A_101 {dimension_numbers = #tpu.dot_dimension_numbers<[1], [0], [0], [1], [0, 0, 1, 1], [], []>, transpose_lhs_hint = false} : vector<2560x960xf32>, vector<960x64xf32>, vector<2560x64xf32> -> vector<2560x64xf32>
    %reshape3A_103 = vector.shape_cast %dot_general3A_102 : vector<2560x64xf32> to vector<80x32x64xf32>
    %reduce_sum3A = arith.constant dense<0.000000e+00> : vector<80x64xf32>
    %reduce_sum3A_104 = vector.multi_reduction <add>, %reshape3A_103, %reduce_sum3A [1] : vector<80x32x64xf32> to vector<80x64xf32>
    %swap3A = arith.constant 0 : index
    %swap3A_105 = arith.constant 0 : index
    %swap3A_106 = vector.load %arg6[%swap3A, %swap3A_105] : memref<80x64xf32, #tpu.memory_space<vmem>>, vector<80x64xf32>
    tpu.vector_store %arg6[%swap3A, %swap3A_105], %reduce_sum3A_104 {strides = array<i32>} : memref<80x64xf32, #tpu.memory_space<vmem>>, vector<80x64xf32>,
    return
  }
  func.func @transform_0(%arg0: i32) -> (i32, i32) {
    %c0_i32 = arith.constant 0 : i32
    %c0_i32_0 = arith.constant 0 : i32
    return %arg0, %c0_i32 : i32, i32
  }
  func.func @transform_1(%arg0: i32) -> (i32, i32) {
    %c0_i32 = arith.constant 0 : i32
    %c0_i32_0 = arith.constant 0 : i32
    return %arg0, %c0_i32 : i32, i32
  }
  func.func @transform_2(%arg0: i32) -> (i32, i32) {
    %add3A = arith.constant 0 : i32
    %add3A_0 = arith.addi %arg0, %add3A : i32
    %c0_i32 = arith.constant 0 : i32
    %c0_i32_1 = arith.constant 0 : i32
    return %add3A_0, %c0_i32 : i32, i32
  }
  func.func @transform_3(%arg0: i32) -> (i32, i32) {
    %c0_i32 = arith.constant 0 : i32
    %c0_i32_0 = arith.constant 0 : i32
    %c0_i32_1 = arith.constant 0 : i32
    return %c0_i32, %c0_i32_0 : i32, i32
  }
  func.func @transform_4(%arg0: i32) -> (i32, i32) {
    %c0_i32 = arith.constant 0 : i32
    %c0_i32_0 = arith.constant 0 : i32
    %c0_i32_1 = arith.constant 0 : i32
    return %c0_i32, %c0_i32_0 : i32, i32
  }
  func.func @transform_5(%arg0: i32) -> (i32, i32) {
    %c0_i32 = arith.constant 0 : i32
    %c0_i32_0 = arith.constant 0 : i32
    return %arg0, %c0_i32 : i32, i32
  }
}

module attributes {stable_mosaic.version = 14 : i64} {
  func.func @_bn_body(%arg0: memref<2000x64xf32, #tpu.memory_space<vmem>>, %arg1: memref<2000x64xf32, #tpu.memory_space<vmem>>, %arg2: memref<2000x64xf32, #tpu.memory_space<vmem>>, %arg3: memref<2000x64xf32, #tpu.memory_space<vmem>>, %arg4: memref<2000x64xf32, #tpu.memory_space<vmem>>, %arg5: memref<1x64xf32, #tpu.memory_space<vmem>>, %arg6: memref<1x64xf32, #tpu.memory_space<vmem>>, %arg7: memref<10000x64xf32, #tpu.memory_space<vmem>>) attributes {dimension_semantics = [], scalar_prefetch = 0 : i64, scratch_operands = 0 : i64, tpu.core_type = #tpu.core_type<tc>} {
    %get3A = arith.constant 0 : index
    %get3A_0 = arith.constant 0 : index
    %get3A_1 = vector.load %arg0[%get3A, %get3A_0] : memref<2000x64xf32, #tpu.memory_space<vmem>>, vector<2000x64xf32>
    %get3A_2 = arith.constant 0 : index
    %get3A_3 = arith.constant 0 : index
    %get3A_4 = vector.load %arg1[%get3A_2, %get3A_3] : memref<2000x64xf32, #tpu.memory_space<vmem>>, vector<2000x64xf32>
    %get3A_5 = arith.constant 0 : index
    %get3A_6 = arith.constant 0 : index
    %get3A_7 = vector.load %arg2[%get3A_5, %get3A_6] : memref<2000x64xf32, #tpu.memory_space<vmem>>, vector<2000x64xf32>
    %get3A_8 = arith.constant 0 : index
    %get3A_9 = arith.constant 0 : index
    %get3A_10 = vector.load %arg3[%get3A_8, %get3A_9] : memref<2000x64xf32, #tpu.memory_space<vmem>>, vector<2000x64xf32>
    %get3A_11 = arith.constant 0 : index
    %get3A_12 = arith.constant 0 : index
    %get3A_13 = vector.load %arg4[%get3A_11, %get3A_12] : memref<2000x64xf32, #tpu.memory_space<vmem>>, vector<2000x64xf32>
    %reduce_sum3A = arith.constant dense<0.000000e+00> : vector<64xf32>
    %reduce_sum3A_14 = vector.multi_reduction <add>, %get3A_1, %reduce_sum3A [0] : vector<2000x64xf32> to vector<64xf32>
    %broadcast_in_dim3A = vector.shape_cast %reduce_sum3A_14 : vector<64xf32> to vector<1x64xf32>
    %reduce_sum3A_15 = arith.constant dense<0.000000e+00> : vector<64xf32>
    %reduce_sum3A_16 = vector.multi_reduction <add>, %get3A_4, %reduce_sum3A_15 [0] : vector<2000x64xf32> to vector<64xf32>
    %broadcast_in_dim3A_17 = vector.shape_cast %reduce_sum3A_16 : vector<64xf32> to vector<1x64xf32>
    %add3A = arith.addf %broadcast_in_dim3A, %broadcast_in_dim3A_17 : vector<1x64xf32>
    %reduce_sum3A_18 = arith.constant dense<0.000000e+00> : vector<64xf32>
    %reduce_sum3A_19 = vector.multi_reduction <add>, %get3A_7, %reduce_sum3A_18 [0] : vector<2000x64xf32> to vector<64xf32>
    %broadcast_in_dim3A_20 = vector.shape_cast %reduce_sum3A_19 : vector<64xf32> to vector<1x64xf32>
    %add3A_21 = arith.addf %add3A, %broadcast_in_dim3A_20 : vector<1x64xf32>
    %reduce_sum3A_22 = arith.constant dense<0.000000e+00> : vector<64xf32>
    %reduce_sum3A_23 = vector.multi_reduction <add>, %get3A_10, %reduce_sum3A_22 [0] : vector<2000x64xf32> to vector<64xf32>
    %broadcast_in_dim3A_24 = vector.shape_cast %reduce_sum3A_23 : vector<64xf32> to vector<1x64xf32>
    %add3A_25 = arith.addf %add3A_21, %broadcast_in_dim3A_24 : vector<1x64xf32>
    %reduce_sum3A_26 = arith.constant dense<0.000000e+00> : vector<64xf32>
    %reduce_sum3A_27 = vector.multi_reduction <add>, %get3A_13, %reduce_sum3A_26 [0] : vector<2000x64xf32> to vector<64xf32>
    %broadcast_in_dim3A_28 = vector.shape_cast %reduce_sum3A_27 : vector<64xf32> to vector<1x64xf32>
    %add3A_29 = arith.addf %add3A_25, %broadcast_in_dim3A_28 : vector<1x64xf32>
    %div3A = arith.constant 1.000000e+04 : f32
    %div3A_30 = vector.broadcast %div3A : f32 to vector<1x64xf32>
    %div3A_31 = arith.divf %add3A_29, %div3A_30 : vector<1x64xf32>
    %sub3A = vector.broadcast %div3A_31 : vector<1x64xf32> to vector<2000x64xf32>
    %sub3A_32 = arith.subf %get3A_1, %sub3A : vector<2000x64xf32>
    %integer_pow3A = arith.mulf %sub3A_32, %sub3A_32 : vector<2000x64xf32>
    %reduce_sum3A_33 = arith.constant dense<0.000000e+00> : vector<64xf32>
    %reduce_sum3A_34 = vector.multi_reduction <add>, %integer_pow3A, %reduce_sum3A_33 [0] : vector<2000x64xf32> to vector<64xf32>
    %broadcast_in_dim3A_35 = vector.shape_cast %reduce_sum3A_34 : vector<64xf32> to vector<1x64xf32>
    %sub3A_36 = vector.broadcast %div3A_31 : vector<1x64xf32> to vector<2000x64xf32>
    %sub3A_37 = arith.subf %get3A_4, %sub3A_36 : vector<2000x64xf32>
    %integer_pow3A_38 = arith.mulf %sub3A_37, %sub3A_37 : vector<2000x64xf32>
    %reduce_sum3A_39 = arith.constant dense<0.000000e+00> : vector<64xf32>
    %reduce_sum3A_40 = vector.multi_reduction <add>, %integer_pow3A_38, %reduce_sum3A_39 [0] : vector<2000x64xf32> to vector<64xf32>
    %broadcast_in_dim3A_41 = vector.shape_cast %reduce_sum3A_40 : vector<64xf32> to vector<1x64xf32>
    %add3A_42 = arith.addf %broadcast_in_dim3A_35, %broadcast_in_dim3A_41 : vector<1x64xf32>
    %sub3A_43 = vector.broadcast %div3A_31 : vector<1x64xf32> to vector<2000x64xf32>
    %sub3A_44 = arith.subf %get3A_7, %sub3A_43 : vector<2000x64xf32>
    %integer_pow3A_45 = arith.mulf %sub3A_44, %sub3A_44 : vector<2000x64xf32>
    %reduce_sum3A_46 = arith.constant dense<0.000000e+00> : vector<64xf32>
    %reduce_sum3A_47 = vector.multi_reduction <add>, %integer_pow3A_45, %reduce_sum3A_46 [0] : vector<2000x64xf32> to vector<64xf32>
    %broadcast_in_dim3A_48 = vector.shape_cast %reduce_sum3A_47 : vector<64xf32> to vector<1x64xf32>
    %add3A_49 = arith.addf %add3A_42, %broadcast_in_dim3A_48 : vector<1x64xf32>
    %sub3A_50 = vector.broadcast %div3A_31 : vector<1x64xf32> to vector<2000x64xf32>
    %sub3A_51 = arith.subf %get3A_10, %sub3A_50 : vector<2000x64xf32>
    %integer_pow3A_52 = arith.mulf %sub3A_51, %sub3A_51 : vector<2000x64xf32>
    %reduce_sum3A_53 = arith.constant dense<0.000000e+00> : vector<64xf32>
    %reduce_sum3A_54 = vector.multi_reduction <add>, %integer_pow3A_52, %reduce_sum3A_53 [0] : vector<2000x64xf32> to vector<64xf32>
    %broadcast_in_dim3A_55 = vector.shape_cast %reduce_sum3A_54 : vector<64xf32> to vector<1x64xf32>
    %add3A_56 = arith.addf %add3A_49, %broadcast_in_dim3A_55 : vector<1x64xf32>
    %sub3A_57 = vector.broadcast %div3A_31 : vector<1x64xf32> to vector<2000x64xf32>
    %sub3A_58 = arith.subf %get3A_13, %sub3A_57 : vector<2000x64xf32>
    %integer_pow3A_59 = arith.mulf %sub3A_58, %sub3A_58 : vector<2000x64xf32>
    %reduce_sum3A_60 = arith.constant dense<0.000000e+00> : vector<64xf32>
    %reduce_sum3A_61 = vector.multi_reduction <add>, %integer_pow3A_59, %reduce_sum3A_60 [0] : vector<2000x64xf32> to vector<64xf32>
    %broadcast_in_dim3A_62 = vector.shape_cast %reduce_sum3A_61 : vector<64xf32> to vector<1x64xf32>
    %add3A_63 = arith.addf %add3A_56, %broadcast_in_dim3A_62 : vector<1x64xf32>
    %get3A_64 = arith.constant 0 : index
    %get3A_65 = arith.constant 0 : index
    %get3A_66 = vector.load %arg5[%get3A_64, %get3A_65] : memref<1x64xf32, #tpu.memory_space<vmem>>, vector<1x64xf32>
    %div3A_67 = arith.constant 1.000000e+04 : f32
    %div3A_68 = vector.broadcast %div3A_67 : f32 to vector<1x64xf32>
    %div3A_69 = arith.divf %add3A_63, %div3A_68 : vector<1x64xf32>
    %add3A_70 = arith.constant 9.99999974E-6 : f32
    %add3A_71 = vector.broadcast %add3A_70 : f32 to vector<1x64xf32>
    %add3A_72 = arith.addf %div3A_69, %add3A_71 : vector<1x64xf32>
    %sqrt3A = math.sqrt %add3A_72 : vector<1x64xf32>
    %div3A_73 = arith.divf %get3A_66, %sqrt3A : vector<1x64xf32>
    %sub3A_74 = vector.broadcast %div3A_31 : vector<1x64xf32> to vector<2000x64xf32>
    %sub3A_75 = arith.subf %get3A_1, %sub3A_74 : vector<2000x64xf32>
    %mul3A = vector.broadcast %div3A_73 : vector<1x64xf32> to vector<2000x64xf32>
    %mul3A_76 = arith.mulf %sub3A_75, %mul3A : vector<2000x64xf32>
    %get3A_77 = arith.constant 0 : index
    %get3A_78 = arith.constant 0 : index
    %get3A_79 = vector.load %arg6[%get3A_77, %get3A_78] : memref<1x64xf32, #tpu.memory_space<vmem>>, vector<1x64xf32>
    %add3A_80 = vector.broadcast %get3A_79 : vector<1x64xf32> to vector<2000x64xf32>
    %add3A_81 = arith.addf %mul3A_76, %add3A_80 : vector<2000x64xf32>
    %ge3A = arith.constant 0.000000e+00 : f32
    %ge3A_82 = vector.broadcast %ge3A : f32 to vector<2000x64xf32>
    %ge3A_83 = arith.cmpf oge, %add3A_81, %ge3A_82 : vector<2000x64xf32>
    %mul3A_84 = arith.constant 1.000000e-01 : f32
    %mul3A_85 = vector.broadcast %mul3A_84 : f32 to vector<2000x64xf32>
    %mul3A_86 = arith.mulf %mul3A_85, %add3A_81 : vector<2000x64xf32>
    %select_n3A = arith.select %ge3A_83, %add3A_81, %mul3A_86 : vector<2000x64xi1>, vector<2000x64xf32>
    %swap3A = arith.constant 0 : index
    %swap3A_87 = arith.constant 0 : index
    %swap3A_88 = vector.load %arg7[%swap3A, %swap3A_87] : memref<10000x64xf32, #tpu.memory_space<vmem>>, vector<2000x64xf32>
    tpu.vector_store %arg7[%swap3A, %swap3A_87], %select_n3A {strides = array<i32>} : memref<10000x64xf32, #tpu.memory_space<vmem>>, vector<2000x64xf32>,
    %sub3A_89 = vector.broadcast %div3A_31 : vector<1x64xf32> to vector<2000x64xf32>
    %sub3A_90 = arith.subf %get3A_4, %sub3A_89 : vector<2000x64xf32>
    %mul3A_91 = vector.broadcast %div3A_73 : vector<1x64xf32> to vector<2000x64xf32>
    %mul3A_92 = arith.mulf %sub3A_90, %mul3A_91 : vector<2000x64xf32>
    %get3A_93 = arith.constant 0 : index
    %get3A_94 = arith.constant 0 : index
    %get3A_95 = vector.load %arg6[%get3A_93, %get3A_94] : memref<1x64xf32, #tpu.memory_space<vmem>>, vector<1x64xf32>
    %add3A_96 = vector.broadcast %get3A_95 : vector<1x64xf32> to vector<2000x64xf32>
    %add3A_97 = arith.addf %mul3A_92, %add3A_96 : vector<2000x64xf32>
    %ge3A_98 = arith.constant 0.000000e+00 : f32
    %ge3A_99 = vector.broadcast %ge3A_98 : f32 to vector<2000x64xf32>
    %ge3A_100 = arith.cmpf oge, %add3A_97, %ge3A_99 : vector<2000x64xf32>
    %mul3A_101 = arith.constant 1.000000e-01 : f32
    %mul3A_102 = vector.broadcast %mul3A_101 : f32 to vector<2000x64xf32>
    %mul3A_103 = arith.mulf %mul3A_102, %add3A_97 : vector<2000x64xf32>
    %select_n3A_104 = arith.select %ge3A_100, %add3A_97, %mul3A_103 : vector<2000x64xi1>, vector<2000x64xf32>
    %swap3A_105 = arith.constant 2000 : index
    %swap3A_106 = arith.constant 0 : index
    %swap3A_107 = vector.load %arg7[%swap3A_105, %swap3A_106] : memref<10000x64xf32, #tpu.memory_space<vmem>>, vector<2000x64xf32>
    tpu.vector_store %arg7[%swap3A_105, %swap3A_106], %select_n3A_104 {strides = array<i32>} : memref<10000x64xf32, #tpu.memory_space<vmem>>, vector<2000x64xf32>,
    %sub3A_108 = vector.broadcast %div3A_31 : vector<1x64xf32> to vector<2000x64xf32>
    %sub3A_109 = arith.subf %get3A_7, %sub3A_108 : vector<2000x64xf32>
    %mul3A_110 = vector.broadcast %div3A_73 : vector<1x64xf32> to vector<2000x64xf32>
    %mul3A_111 = arith.mulf %sub3A_109, %mul3A_110 : vector<2000x64xf32>
    %get3A_112 = arith.constant 0 : index
    %get3A_113 = arith.constant 0 : index
    %get3A_114 = vector.load %arg6[%get3A_112, %get3A_113] : memref<1x64xf32, #tpu.memory_space<vmem>>, vector<1x64xf32>
    %add3A_115 = vector.broadcast %get3A_114 : vector<1x64xf32> to vector<2000x64xf32>
    %add3A_116 = arith.addf %mul3A_111, %add3A_115 : vector<2000x64xf32>
    %ge3A_117 = arith.constant 0.000000e+00 : f32
    %ge3A_118 = vector.broadcast %ge3A_117 : f32 to vector<2000x64xf32>
    %ge3A_119 = arith.cmpf oge, %add3A_116, %ge3A_118 : vector<2000x64xf32>
    %mul3A_120 = arith.constant 1.000000e-01 : f32
    %mul3A_121 = vector.broadcast %mul3A_120 : f32 to vector<2000x64xf32>
    %mul3A_122 = arith.mulf %mul3A_121, %add3A_116 : vector<2000x64xf32>
    %select_n3A_123 = arith.select %ge3A_119, %add3A_116, %mul3A_122 : vector<2000x64xi1>, vector<2000x64xf32>
    %swap3A_124 = arith.constant 4000 : index
    %swap3A_125 = arith.constant 0 : index
    %swap3A_126 = vector.load %arg7[%swap3A_124, %swap3A_125] : memref<10000x64xf32, #tpu.memory_space<vmem>>, vector<2000x64xf32>
    tpu.vector_store %arg7[%swap3A_124, %swap3A_125], %select_n3A_123 {strides = array<i32>} : memref<10000x64xf32, #tpu.memory_space<vmem>>, vector<2000x64xf32>,
    %sub3A_127 = vector.broadcast %div3A_31 : vector<1x64xf32> to vector<2000x64xf32>
    %sub3A_128 = arith.subf %get3A_10, %sub3A_127 : vector<2000x64xf32>
    %mul3A_129 = vector.broadcast %div3A_73 : vector<1x64xf32> to vector<2000x64xf32>
    %mul3A_130 = arith.mulf %sub3A_128, %mul3A_129 : vector<2000x64xf32>
    %get3A_131 = arith.constant 0 : index
    %get3A_132 = arith.constant 0 : index
    %get3A_133 = vector.load %arg6[%get3A_131, %get3A_132] : memref<1x64xf32, #tpu.memory_space<vmem>>, vector<1x64xf32>
    %add3A_134 = vector.broadcast %get3A_133 : vector<1x64xf32> to vector<2000x64xf32>
    %add3A_135 = arith.addf %mul3A_130, %add3A_134 : vector<2000x64xf32>
    %ge3A_136 = arith.constant 0.000000e+00 : f32
    %ge3A_137 = vector.broadcast %ge3A_136 : f32 to vector<2000x64xf32>
    %ge3A_138 = arith.cmpf oge, %add3A_135, %ge3A_137 : vector<2000x64xf32>
    %mul3A_139 = arith.constant 1.000000e-01 : f32
    %mul3A_140 = vector.broadcast %mul3A_139 : f32 to vector<2000x64xf32>
    %mul3A_141 = arith.mulf %mul3A_140, %add3A_135 : vector<2000x64xf32>
    %select_n3A_142 = arith.select %ge3A_138, %add3A_135, %mul3A_141 : vector<2000x64xi1>, vector<2000x64xf32>
    %swap3A_143 = arith.constant 6000 : index
    %swap3A_144 = arith.constant 0 : index
    %swap3A_145 = vector.load %arg7[%swap3A_143, %swap3A_144] : memref<10000x64xf32, #tpu.memory_space<vmem>>, vector<2000x64xf32>
    tpu.vector_store %arg7[%swap3A_143, %swap3A_144], %select_n3A_142 {strides = array<i32>} : memref<10000x64xf32, #tpu.memory_space<vmem>>, vector<2000x64xf32>,
    %sub3A_146 = vector.broadcast %div3A_31 : vector<1x64xf32> to vector<2000x64xf32>
    %sub3A_147 = arith.subf %get3A_13, %sub3A_146 : vector<2000x64xf32>
    %mul3A_148 = vector.broadcast %div3A_73 : vector<1x64xf32> to vector<2000x64xf32>
    %mul3A_149 = arith.mulf %sub3A_147, %mul3A_148 : vector<2000x64xf32>
    %get3A_150 = arith.constant 0 : index
    %get3A_151 = arith.constant 0 : index
    %get3A_152 = vector.load %arg6[%get3A_150, %get3A_151] : memref<1x64xf32, #tpu.memory_space<vmem>>, vector<1x64xf32>
    %add3A_153 = vector.broadcast %get3A_152 : vector<1x64xf32> to vector<2000x64xf32>
    %add3A_154 = arith.addf %mul3A_149, %add3A_153 : vector<2000x64xf32>
    %ge3A_155 = arith.constant 0.000000e+00 : f32
    %ge3A_156 = vector.broadcast %ge3A_155 : f32 to vector<2000x64xf32>
    %ge3A_157 = arith.cmpf oge, %add3A_154, %ge3A_156 : vector<2000x64xf32>
    %mul3A_158 = arith.constant 1.000000e-01 : f32
    %mul3A_159 = vector.broadcast %mul3A_158 : f32 to vector<2000x64xf32>
    %mul3A_160 = arith.mulf %mul3A_159, %add3A_154 : vector<2000x64xf32>
    %select_n3A_161 = arith.select %ge3A_157, %add3A_154, %mul3A_160 : vector<2000x64xi1>, vector<2000x64xf32>
    %swap3A_162 = arith.constant 8000 : index
    %swap3A_163 = arith.constant 0 : index
    %swap3A_164 = vector.load %arg7[%swap3A_162, %swap3A_163] : memref<10000x64xf32, #tpu.memory_space<vmem>>, vector<2000x64xf32>
    tpu.vector_store %arg7[%swap3A_162, %swap3A_163], %select_n3A_161 {strides = array<i32>} : memref<10000x64xf32, #tpu.memory_space<vmem>>, vector<2000x64xf32>,
    return
  }
}

</mosaic_0001>

<sc_bundles>
// kernel: kernel.18.cloned.1.call-start
scs
__scs_entry_jumppad:
0x0: {  	(pc) =	sbr.rel $0x88, $3  }
0x1: {  	(tag) =	ssettag $0x0;
	lr =	simm.s32 $0x1  }
0x2: {  	[smem:$0x3F9A] =	sst lr;
	_ =	strace $0xD0000000  }
0x3: {  	_ = 	snop  }
0x4: {  	_ = 	snop  }
0x5: {  	_ = 	snop  }
0x6: {  	_ = 	snop  }
0x7: {  	_ = 	snop  }
__scs_overlays_trampoline_lowered:
0x8: {  	[smem:$0x3FA9] =	sst s0  }
0x9: {  	[smem:$0x3FAA] =	sst s1  }
0xa: {  	[smem:$0x3FAB] =	sst s2  }
0xb: {  	[smem:$0x3FAC] =	sst s3  }
0xc: {  	[smem:$0x3FAD] =	sst s4  }
0xd: {  	[smem:$0x3FAE] =	sst s5  }
0xe: {  	[smem:$0x3FAF] =	sst s6  }
0xf: {  	[smem:$0x3FB0] =	sst s7  }
0x10: {  	[smem:$0x3FB1] =	sst s8  }
0x11: {  	[smem:$0x3FB2] =	sst s9;
	s0 =	simm.s32 @!p0 $0x0  }
0x12: {  	s1 =	sld [smem:$0x3F98];
	s0 =	simm.s32 @p0 $0x1  }
0x13: {  	[smem:$0x3FB3] =	sst s0;
	s0 =	simm.s32 @!p1 $0x0  }
0x14: {  	s2 =	sld [smem:$0x3F97];
	s0 =	simm.s32 @p1 $0x1  }
0x15: {  	[smem:$0x3FB4] =	sst s0;
	s0 =	simm.s32 @!p2 $0x0  }
0x16: {  	s3 =	sld [smem:$0x3FDB];
	s0 =	simm.s32 @p2 $0x1  }
0x17: {  	s4 =	simm.s32 $0x1BF5;
	[smem:$0x3FB6] =	sst s0  }
0x18: {  	s0 =	sld [smem:$0x3F99];
	_ =	swait.ge [sflag:s4], $0x0  }
0x19: {  	s7 =	sld [smem:$0x3F9A]  }
0x1a: {  	s8 =	sadd.s32 $0xFFFFE003, lr  }
0x1b: {  	s9 =	sadd.s32 $0xFFFFFEF7, lr;
	s5 =	simm.s32 $0xFFFFFFFF;
	p2 =	slt.u32 s8, $0xFFFFF086  }
0x1c: {  	p1 =	slt.u32 s9, $0xF7A;
	s5 =	simm.s32 @!p2 $0x0  }
0x1d: {  	s5 =	simm.s32 @p1 $0x1;
	p0 =	seq.s32 s7, s2  }
0x1e: {  	s7 =	smul.u32 @!p0 $0xF7A, s2;
	p2 =	seq.s32 @!p0 s5, $0x0  }
0x1f: {  	s9 =	smul.u32 $0xF7A, s1;
	s8 =	simm.s32 @!p0 $0x1BF5;
	p2 =	por !p2, p0  }
0x20: {  	[sflag:s8] =	ssyncset.s32 @!p0 $0xFFFFF086;
	s6 =	sadd.s32 @!p0 s3, s7;
	s7 =	simm.s32 @!p0 $0x108  }
0x21: {  	s3 =	sadd.s32 s3, s9;
	s6 =	sadd.s32 @!p0 $0x88, s6;
	s7 =	simm.s32 @p2 $0x1082  }
0x22: {  	[simem:s7], [sflag:s8] =	dma.local @!p0 [hbm:s6], $0xF7A  }
0x23: {  	s9 =	sor.u32 $0xD0000000, s2;
	s6 =	simm.s32 $0x108;
	_ =	swait.ge @!p0 [sflag:s8], $0x0  }
0x24: {  	s3 =	sadd.s32 $0x88, s3;
	s6 =	simm.s32 @!p1 $0x1082;
	[sflag:s4] =	ssyncset.s32 $0xFFFFF086  }
0x25: {  	[simem:s6], [sflag:s4] =	dma.local [hbm:s3], $0xF7A  }
0x26: {  	[smem:$0x3F9A] =	sst s1;
	(tag) =	ssettag s2;
	_ =	strace s9  }
0x27: {  	s1 =	sld [smem:$0x3FAA]  }
0x28: {  	s2 =	sld [smem:$0x3FAB]  }
0x29: {  	s4 =	sld [smem:$0x3FAD]  }
0x2a: {  	p0 =	seq.s32 s5, $0x0;
	s5 =	sld [smem:$0x3FAE]  }
0x2b: {  	s6 =	sld [smem:$0x3FAF]  }
0x2c: {  	s7 =	sld [smem:$0x3FB0]  }
0x2d: {  	s3 =	simm.s32 $0x108;
	s8 =	sld [smem:$0x3FB1]  }
0x2e: {  	s3 =	simm.s32 @!p0 $0x1082;
	s9 =	sld [smem:$0x3FB2]  }
0x2f: {  	lr =	sadd.s32 s0, s3;
	s0 =	sld [smem:$0x3FA9]  }
0x30: {  	s3 =	sld [smem:$0x3FAC]  }
0x31: {  	[smem:$0x3FB5] =	sst s10  }
0x32: {  	s10 =	sld [smem:$0x3FB3];
	_ =	sdelay $0x3  }
0x33: {  	p0 =	seq.s32 s10, $0x1;
	s10 =	sld [smem:$0x3FB5];
	_ =	sdelay $0x3  }
0x34: {  	[smem:$0x3FB5] =	sst s10  }
0x35: {  	s10 =	sld [smem:$0x3FB4];
	_ =	sdelay $0x3  }
0x36: {  	p1 =	seq.s32 s10, $0x1;
	s10 =	sld [smem:$0x3FB5];
	_ =	sdelay $0x3  }
0x37: {  	[smem:$0x3FB5] =	sst s10  }
0x38: {  	s10 =	sld [smem:$0x3FB6]  }
0x39: {  	_ = 	snop;
	(pc) =	sbr.ind lr, $3  }
0x3a: {  	_ = 	snop  }
0x3b: {  	_ = 	snop  }
0x3c: {  	p2 =	seq.s32 s10, $0x1;
	s10 =	sld [smem:$0x3FB5]  }
0x3d: {  	_ =	shalt  }
0x3e: {  	_ =	shalt  }
0x3f: {  	_ =	shalt  }
0x40: {  	_ =	shalt  }
0x41: {  	_ =	shalt  }
0x42: {  	_ =	shalt  }
0x43: {  	_ =	shalt  }
0x44: {  	_ =	shalt  }
0x45: {  	_ =	shalt  }
0x46: {  	_ =	shalt  }
0x47: {  	_ =	shalt  }
0x48: {  	_ =	shalt  }
0x49: {  	_ =	shalt  }
0x4a: {  	_ =	shalt  }
0x4b: {  	_ =	shalt  }
0x4c: {  	_ =	shalt  }
0x4d: {  	_ =	shalt  }
0x4e: {  	_ =	shalt  }
0x4f: {  	_ =	shalt  }
0x50: {  	_ =	shalt  }
0x51: {  	_ =	shalt  }
0x52: {  	_ =	shalt  }
0x53: {  	_ =	shalt  }
0x54: {  	_ =	shalt  }
0x55: {  	_ =	shalt  }
0x56: {  	_ =	shalt  }
0x57: {  	_ =	shalt  }
0x58: {  	_ =	shalt  }
0x59: {  	_ =	shalt  }
0x5a: {  	_ =	shalt  }
0x5b: {  	_ =	shalt  }
0x5c: {  	_ =	shalt  }
0x5d: {  	_ =	shalt  }
0x5e: {  	_ =	shalt  }
0x5f: {  	_ =	shalt  }
0x60: {  	_ =	shalt  }
0x61: {  	_ =	shalt  }
0x62: {  	_ =	shalt  }
0x63: {  	_ =	shalt  }
0x64: {  	_ =	shalt  }
0x65: {  	_ =	shalt  }
0x66: {  	_ =	shalt  }
0x67: {  	_ =	shalt  }
0x68: {  	_ =	shalt  }
0x69: {  	_ =	shalt  }
0x6a: {  	_ =	shalt  }
0x6b: {  	_ =	shalt  }
0x6c: {  	_ =	shalt  }
0x6d: {  	_ =	shalt  }
0x6e: {  	_ =	shalt  }
0x6f: {  	_ =	shalt  }
0x70: {  	_ =	shalt  }
0x71: {  	_ =	shalt  }
0x72: {  	_ =	shalt  }
0x73: {  	_ =	shalt  }
0x74: {  	_ =	shalt  }
0x75: {  	_ =	shalt  }
0x76: {  	_ =	shalt  }
0x77: {  	_ =	shalt  }
0x78: {  	_ =	shalt  }
0x79: {  	_ =	shalt  }
0x7a: {  	_ =	shalt  }
0x7b: {  	_ =	shalt  }
0x7c: {  	_ =	shalt  }
0x7d: {  	_ =	shalt  }
0x7e: {  	_ =	shalt  }
0x7f: {  	_ =	shalt  }
0x80: {  	_ =	shalt  }
0x81: {  	_ =	shalt  }
0x82: {  	_ =	shalt  }
0x83: {  	_ =	shalt  }
0x84: {  	_ =	shalt  }
0x85: {  	_ =	shalt  }
0x86: {  	_ =	shalt  }
0x87: {  	_ =	shalt  }
.Lfunc_end0:
.L_simem_size_0:
called_computation_lowered:
.L_overlay_start_0:
0x88: {  	s2 =	sld [smem:$0x3FD9]  }
0x89: {  	s3 =	sld [smem:$0x3FFE];
	_ =	sdelay $0x1  }
0x8a: {  	s1 =	srdreg.scid  }
0x8b: {  	s0 =	sand.u32 $0x1, s1  }
0x8c: {  	s17 =	sshll.u32 s0, $0xA;
	s2 =	sadd.s32 s3, s2  }
0x8d: {  	s2 =	sadd.s32 s2, s17  }
0x8e: {  	[smem:$0x3FC1] =	sst s2  }
0x8f: {  	_ = 	snop  }
0x90: {  	s18 =	sld [smem:$0x3FC9]  }
0x91: {  	s4 =	sld [smem:$0x3FD0];
	(tm) =	ssettm $0x1  }
0x92: {  	s19 =	sld [smem:$0x3FFB];
	_ =	sdelay $0x3  }
0x93: {  	_ =	strace s19  }
0x94: {  	s2 =	sld [smem:$0x3FFC];
	_ =	sdelay $0x3  }
0x95: {  	_ =	strace s2  }
0x96: {  	s2 =	sld [smem:$0x3FFD];
	_ =	sdelay $0x3  }
0x97: {  	_ =	strace s2  }
0x98: {  	_ =	strace $0x8FFFFFFF  }
0x99: {  	s20 =	sld [smem:$0x3FDB];
	_ =	sdelay $0x1  }
0x9a: {  	s5 =	simm.s32 $_scs_section_size  }
0x9b: {  	s6 =	simm.s32 $_size__tile_overlayer_lowered;
	s7 =	simm.s32 $_tile_overlayer_lowered  }
0x9c: {  	s8 =	simm.s32 $0x1BFF;
	s21 =	sshll.u32 s7, $0x1;
	s5 =	sadd.s32 s5, s20  }
0x9d: {  	s22 =	simm.s32 $0x0;
	s6 =	sshll.u32 s6, $0x1;
	s7 =	sadd.s32 s21, s5  }
0x9e: {  	[timem:s22], [sflag:s8] =	dma.local [hbm:s7], s6  }
0x9f: {  	_ =	swait.ge [sflag:s8], s6  }
0xa0: {  	s6 =	ssub.s32 $0x0, s6;
	[sflag:s8] =	ssyncset.done $0x0  }
0xa1: {  	[sflag:s8] =	ssyncadd.s32 s6;
	_ =	sdelay $0x1  }
0xa2: {  	s23 =	simm.s32 $0x1B8B  }
0xa3: {  	_ =	swait.ge [sflag:s23], $0x1  }
0xa4: {  	[sflag:s23] =	ssyncset.done $0x0  }
0xa5: {  	[sflag:s23] =	ssyncadd.s32 $0xFFFFFFFF  }
0xa6: {  	s6 =	sld [smem:$0x0]  }
0xa7: {  	s7 =	sand.u32 $0xFFFFFFFE, s1  }
0xa8: {  	p0 =	sne.s32 s1, s7  }
0xa9: {  	s7 =	sshll.u32 @p0 s7, $0xE  }
0xaa: {  	s7 =	sadd.s32 @p0 $0x11B8D, s7;
	s8 =	sshll.u32 @p0 s6, $0x11  }
0xab: {  	s7 =	sor.u32 @p0 s8, s7  }
0xac: {  	[sflag:s7] =	ssyncadd.remote.s32 @p0 $0x1;
	_ =	sdelay $0x1  }
0xad: {  	s7 =	simm.s32 @p0 $0x1B8D  }
0xae: {  	_ =	swait.eq @p0 [sflag:s7], $0x1  }
0xaf: {  	[sflag:s7] =	ssyncadd.s32 @p0 $0xFFFFFFFF  }
0xb0: {  	s8 =	sshll.u32 @!p0 s1, $0xE  }
0xb1: {  	s8 =	sor.u32 @!p0 $0x4000, s8;
	s7 =	simm.s32 @!p0 $0x1B8D  }
0xb2: {  	s6 =	sshll.u32 @!p0 s6, $0x11;
	s8 =	sadd.s32 @!p0 $0x11B8D, s8;
	_ =	swait.eq @!p0 [sflag:s7], $0x1  }
0xb3: {  	s6 =	sor.u32 @!p0 s6, s8;
	[sflag:s7] =	ssyncadd.s32 @!p0 $0xFFFFFFFF  }
0xb4: {  	s25 =	simm.s32 $0x1B8E;
	s24 =	sld [smem:$0x3FFE];
	[sflag:s6] =	ssyncadd.remote.s32 @!p0 $0x1  }
0xb5: {  	s26 =	simm.s32 $execute0_lowered;
	[smem:$0x3FD2] =	sst s25  }
0xb6: {  	s7 =	sshll.u32 s26, $0x1;
	_ =	strace $0x80000061;
	[dreg:$0x1] =	wrdreg $0xFFFFFFFF  }
0xb7: {  	s28 =	simm.s32 $_size_execute0_lowered;
	s5 =	sadd.s32 s5, s7;
	[dreg:$0x0] =	wrdreg $0x0  }
0xb8: {  	s7 =	sshll.u32 s28, $0x1;
	[dreg:$0x2] =	wrdreg s5  }
0xb9: {  	[dreg:$0x3] =	wrdreg s7  }
0xba: {  	[dreg:$0x4] =	wrdreg $0xC0  }
0xbb: {  	_ =	task [dreg:s22], $0x5FFFF  }
0xbc: {  	[dreg:$0x1] =	wrdreg $0xFFFFFFFF  }
0xbd: {  	[dreg:$0x0] =	wrdreg $0x60  }
0xbe: {  	[dreg:$0x2] =	wrdreg s18  }
0xbf: {  	[dreg:$0x3] =	wrdreg s4  }
0xc0: {  	[dreg:$0x4] =	wrdreg s24  }
0xc1: {  	[dreg:$0x5] =	wrdreg $0x9  }
0xc2: {  	_ =	task.clear_ibuf [dreg:s22], $0x6FFFF;
	_ =	strace $0x90000061  }
0xc3: {  	s29 =	simm.s32 $0x9;
	_ =	strace $0x80000063  }
0xc4: {  	_ =	swait.ge [sflag:s29], $0x1  }
0xc5: {  	[sflag:s29] =	ssyncadd.s32 $0xFFFFFFFF  }
0xc6: {  	_ =	strace $0x90000063  }
0xc7: {  	_ =	sfence  }
0xc8: {  	s30 =	sld [smem:$0x0];
	_ =	sdelay $0x2  }
0xc9: {  	s31 =	sshll.u32 s1, $0xD;
	s1 =	sshrl.u32 s1, $0x2  }
0xca: {  	s4 =	sand.u32 $0x4000, s31;
	s1 =	sadd.s32 s1, s30  }
0xcb: {  	s0 =	sor.u32 s4, s0;
	s1 =	sshll.u32 s1, $0x11  }
0xcc: {  	s0 =	sor.u32 s1, s0  }
0xcd: {  	s0 =	sadd.s32 $0x8F2B, s0  }
0xce: {  	[sflag:s0] =	ssyncadd.remote.s32 $0x1  }
0xcf: {  	_ =	sfence.sel $0xFFFF  }
0xd0: {  	[dreg:$0x0] =	wrdreg $0xFFFFFFFF;
	(pc) =	sbr.abs _section_cstart, $3  }
0xd1: {  	[dreg:$0x1] =	wrdreg $0xFFFFFFFF  }
0xd2: {  	_ =	task.clear_ibuf [dreg:s22], $0x2FFFF;
	_ =	strace $0x9FFFFFFF  }
0xd3: {  	(tm) =	ssettm $0x7FFFFFFF  }
tec
execute0_lowered:
.L_overlay_start_1:
0x0: {  	(tag) =	ssettag $0x1  }
0x1: {  	s1 =	rddreg [dreg:$0x0]  }
0x2: {  	s2 =	srdreg.scid;
	s0 =	stileid.u32  }
0x3: {  	s4 =	rddreg [dreg:$0x1];
	s15 =	sand.u32 $0x1, s2;
	s31 =	sshll.u32 s0, $0x1  }
0x4: {  	s9 =	rddreg [dreg:$0x2];
	s6 =	sor.u32 s15, s31  }
0x5: {  	s3 =	simm.s32 $0x0;
	s2 =	rddreg [dreg:$0x3];
	s5 =	smul.u32 $0xFA, s6  }
0x6: {  	[smem:$0x7FF] =	sst s3  }
0x7: {  	_ =	strace $0x80000062;
	s5 =	sadd.s32 s4, s5;
	s4 =	simm.s32 $0x2  }
0x8: {  	[tilespmem:s3], [sflag:$0x2] =	stream.linear.gather [hbm4b:s5+s3], $0x7D0, $0x38;
	[tilespmem:$0xD000] =	vst v63  }
0x9: {  	_ =	swait.ge [sflag:s4], $0x7D0  }
0xa: {  	s7 =	simm.s32 $0x800;
	s8 =	simm.s32 $0x1;
	[sflag:s4] =	ssyncset.done $0x0  }
0xb: {  	s10 =	smul.u32 $0x7D00, s6;
	s6 =	simm.s32 $0x190;
	[sflag:s4] =	ssyncadd.s32 $0xFFFFF830  }
0xc: {  	[tilespmem:s7], [sflag:$0x1] =	stream.indirect.gather [hbm4b:s1+s6], $0x80, s3, s6, $0xb8;
	[tilespmem:$0xD000] =	vst v63  }
0xd: {  	_ =	swait.ge [sflag:s8], $0xC800  }
0xe: {  	s16 =	sadd.s32 s10, s9;
	[sflag:s8] =	ssyncset.done $0x0  }
0xf: {  	s9 =	sadd.s32 $0x4B4200, s16;
	[sflag:s8] =	ssyncadd.s32 $0xFFFF3800  }
0x10: {  	[hbm4b:s9+s3] =	stream.linear.scatter [tilespmem:s7], [sflag:$0x2], $0xC800, $0x38;
	[tilespmem:$0xD000] =	vst v63  }
0x11: {  	_ =	swait.ge [sflag:s4], $0xC800  }
0x12: {  	[sflag:s4] =	ssyncset.done $0x0  }
0x13: {  	[sflag:s4] =	ssyncadd.s32 $0xFFFF3800  }
0x14: {  	[tilespmem:s7], [sflag:$0x1] =	stream.indirect.gather [hbm4b:s1+s6], $0x80, s6, s6, $0xb8;
	[tilespmem:$0xD000] =	vst v63  }
0x15: {  	_ =	swait.ge [sflag:s8], $0xC800  }
0x16: {  	[sflag:s8] =	ssyncset.done $0x0  }
0x17: {  	s10 =	sadd.s32 $0x4B5B00, s16;
	[sflag:s8] =	ssyncadd.s32 $0xFFFF3800  }
0x18: {  	[hbm4b:s10+s3] =	stream.linear.scatter [tilespmem:s7], [sflag:$0x2], $0xC800, $0x38;
	[tilespmem:$0xD000] =	vst v63  }
0x19: {  	_ =	swait.ge [sflag:s4], $0xC800  }
0x1a: {  	[sflag:s4] =	ssyncset.done $0x0  }
0x1b: {  	s11 =	simm.s32 $0x320;
	[sflag:s4] =	ssyncadd.s32 $0xFFFF3800  }
0x1c: {  	[tilespmem:s7], [sflag:$0x1] =	stream.indirect.gather [hbm4b:s1+s6], $0x80, s11, s6, $0xb8;
	[tilespmem:$0xD000] =	vst v63  }
0x1d: {  	_ =	swait.ge [sflag:s8], $0xC800  }
0x1e: {  	[sflag:s8] =	ssyncset.done $0x0  }
0x1f: {  	s12 =	sadd.s32 $0x4B7400, s16;
	[sflag:s8] =	ssyncadd.s32 $0xFFFF3800  }
0x20: {  	[hbm4b:s12+s3] =	stream.linear.scatter [tilespmem:s7], [sflag:$0x2], $0xC800, $0x38;
	[tilespmem:$0xD000] =	vst v63  }
0x21: {  	_ =	swait.ge [sflag:s4], $0xC800  }
0x22: {  	[sflag:s4] =	ssyncset.done $0x0  }
0x23: {  	s13 =	simm.s32 $0x4B0;
	[sflag:s4] =	ssyncadd.s32 $0xFFFF3800  }
0x24: {  	[tilespmem:s7], [sflag:$0x1] =	stream.indirect.gather [hbm4b:s1+s6], $0x80, s13, s6, $0xb8;
	[tilespmem:$0xD000] =	vst v63  }
0x25: {  	_ =	swait.ge [sflag:s8], $0xC800  }
0x26: {  	[sflag:s8] =	ssyncset.done $0x0  }
0x27: {  	s17 =	ssub.s32 $0x2, s15;
	s14 =	sadd.s32 $0x4B8D00, s16;
	[sflag:s8] =	ssyncadd.s32 $0xFFFF3800  }
0x28: {  	[hbm4b:s14+s3] =	stream.linear.scatter [tilespmem:s7], [sflag:$0x2], $0xC800, $0x38;
	[tilespmem:$0xD000] =	vst v63  }
0x29: {  	s18 =	sshrl.u32 s17, $0x1;
	_ =	swait.ge [sflag:s4], $0xC800  }
0x2a: {  	s17 =	ssub.s32 s17, s18;
	[sflag:s4] =	ssyncset.done $0x0  }
0x2b: {  	s15 =	simm.s32 $0x640;
	s17 =	smax.u32 s17, $0x1;
	[sflag:s4] =	ssyncadd.s32 $0xFFFF3800  }
0x2c: {  	[tilespmem:s7], [sflag:$0x1] =	stream.indirect.gather [hbm4b:s1+s6], $0x80, s15, s6, $0xb8;
	[tilespmem:$0xD000] =	vst v63  }
0x2d: {  	p0 =	sne.s32 s17, $0x1;
	_ =	swait.ge [sflag:s8], $0xC800  }
.Ltmp0:
0x2e: {  	[sflag:s8] =	ssyncset.done $0x0;
	(pc) =	sbr.rel @!p0 .LBB2_2-.Ltmp0, $4  }
0x2f: {  	s16 =	sadd.s32 $0x4BA600, s16;
	[sflag:s8] =	ssyncadd.s32 $0xFFFF3800  }
0x30: {  	[hbm4b:s16+s3] =	stream.linear.scatter [tilespmem:s7], [sflag:$0x2], $0xC800, $0x38;
	[tilespmem:$0xD000] =	vst v63  }
0x31: {  	_ =	swait.ge [sflag:s4], $0xC800  }
0x32: {  	s17 =	sadd.s32 $0xFFFFFFFF, s17;
	[sflag:s4] =	ssyncset.done $0x0  }
.LBB2_1:
0x33: {  	p0 =	sne.s32 s17, $0x1;
	s17 =	sadd.s32 $0xFFFFFFFF, s17;
	[sflag:s4] =	ssyncadd.s32 $0xFFFF3800  }
0x34: {  	[tilespmem:s3], [sflag:$0x2] =	stream.linear.gather [hbm4b:s5+s3], $0x7D0, $0x38;
	[tilespmem:$0xD000] =	vst v63  }
0x35: {  	_ =	swait.ge [sflag:s4], $0x7D0  }
0x36: {  	[sflag:s4] =	ssyncset.done $0x0  }
0x37: {  	[sflag:s4] =	ssyncadd.s32 $0xFFFFF830  }
0x38: {  	[tilespmem:s7], [sflag:$0x1] =	stream.indirect.gather [hbm4b:s1+s6], $0x80, s3, s6, $0xb8;
	[tilespmem:$0xD000] =	vst v63  }
0x39: {  	_ =	swait.ge [sflag:s8], $0xC800  }
0x3a: {  	[sflag:s8] =	ssyncset.done $0x0  }
0x3b: {  	[sflag:s8] =	ssyncadd.s32 $0xFFFF3800  }
0x3c: {  	[hbm4b:s9+s3] =	stream.linear.scatter [tilespmem:s7], [sflag:$0x2], $0xC800, $0x38;
	[tilespmem:$0xD000] =	vst v63  }
0x3d: {  	_ =	swait.ge [sflag:s4], $0xC800  }
0x3e: {  	[sflag:s4] =	ssyncset.done $0x0  }
0x3f: {  	[sflag:s4] =	ssyncadd.s32 $0xFFFF3800  }
0x40: {  	[tilespmem:s7], [sflag:$0x1] =	stream.indirect.gather [hbm4b:s1+s6], $0x80, s6, s6, $0xb8;
	[tilespmem:$0xD000] =	vst v63  }
0x41: {  	_ =	swait.ge [sflag:s8], $0xC800  }
0x42: {  	[sflag:s8] =	ssyncset.done $0x0  }
0x43: {  	[sflag:s8] =	ssyncadd.s32 $0xFFFF3800  }
0x44: {  	[hbm4b:s10+s3] =	stream.linear.scatter [tilespmem:s7], [sflag:$0x2], $0xC800, $0x38;
	[tilespmem:$0xD000] =	vst v63  }
0x45: {  	_ =	swait.ge [sflag:s4], $0xC800  }
0x46: {  	[sflag:s4] =	ssyncset.done $0x0  }
0x47: {  	[sflag:s4] =	ssyncadd.s32 $0xFFFF3800  }
0x48: {  	[tilespmem:s7], [sflag:$0x1] =	stream.indirect.gather [hbm4b:s1+s6], $0x80, s11, s6, $0xb8;
	[tilespmem:$0xD000] =	vst v63  }
0x49: {  	_ =	swait.ge [sflag:s8], $0xC800  }
0x4a: {  	[sflag:s8] =	ssyncset.done $0x0  }
0x4b: {  	[sflag:s8] =	ssyncadd.s32 $0xFFFF3800  }
0x4c: {  	[hbm4b:s12+s3] =	stream.linear.scatter [tilespmem:s7], [sflag:$0x2], $0xC800, $0x38;
	[tilespmem:$0xD000] =	vst v63  }
0x4d: {  	_ =	swait.ge [sflag:s4], $0xC800  }
0x4e: {  	[sflag:s4] =	ssyncset.done $0x0  }
0x4f: {  	[sflag:s4] =	ssyncadd.s32 $0xFFFF3800  }
0x50: {  	[tilespmem:s7], [sflag:$0x1] =	stream.indirect.gather [hbm4b:s1+s6], $0x80, s13, s6, $0xb8;
	[tilespmem:$0xD000] =	vst v63  }
0x51: {  	_ =	swait.ge [sflag:s8], $0xC800  }
0x52: {  	[sflag:s8] =	ssyncset.done $0x0  }
0x53: {  	[sflag:s8] =	ssyncadd.s32 $0xFFFF3800  }
0x54: {  	[hbm4b:s14+s3] =	stream.linear.scatter [tilespmem:s7], [sflag:$0x2], $0xC800, $0x38;
	[tilespmem:$0xD000] =	vst v63  }
0x55: {  	_ =	swait.ge [sflag:s4], $0xC800  }
0x56: {  	[sflag:s4] =	ssyncset.done $0x0  }
0x57: {  	[sflag:s4] =	ssyncadd.s32 $0xFFFF3800  }
0x58: {  	[tilespmem:s7], [sflag:$0x1] =	stream.indirect.gather [hbm4b:s1+s6], $0x80, s15, s6, $0xb8;
	[tilespmem:$0xD000] =	vst v63  }
0x59: {  	_ =	swait.ge [sflag:s8], $0xC800  }
.Ltmp1:
0x5a: {  	[sflag:s8] =	ssyncset.done $0x0;
	(pc) =	sbr.rel @p0 .LBB2_1-.Ltmp1, $4  }
0x5b: {  	[sflag:s8] =	ssyncadd.s32 $0xFFFF3800  }
0x5c: {  	[hbm4b:s16+s3] =	stream.linear.scatter [tilespmem:s7], [sflag:$0x2], $0xC800, $0x38;
	[tilespmem:$0xD000] =	vst v63  }
0x5d: {  	_ =	swait.ge [sflag:s4], $0xC800  }
0x5e: {  	[sflag:s4] =	ssyncset.done $0x0  }
.LBB2_2:
0x5f: {  	[sflag:s4] =	ssyncadd.s32 $0xFFFF3800  }
0x60: {  	_ =	sfence.sel $0x180000  }
0x61: {  	[bflag:$0x0] =	sbarrier.arrive $0xFFFF  }
0x62: {  	p0 =	sne.s32 s0, $0x0;
	_ =	strace $0x90000062  }
0x63: {  	s0 =	sadd.s32 @!p0 $0x100000, s2;
	[bflag:$0x2] =	sbarrier.arrive $0xFFFF  }
0x64: {  	[sflag:s0] =	ssyncadd.tile.s32 @!p0 $0x1;
	_ =	shalt  }
.Lfunc_end2:
_tile_overlayer_lowered:
.L_overlay_start_2:
0x65: {  	(tag) =	ssettag $0x2  }
0x66: {  	s0 =	rddreg [dreg:$0x0];
	s2 =	stileid.u32  }
0x67: {  	s1 =	rddreg [dreg:$0x1];
	p0 =	sne.s32 s2, $0x0  }
0x68: {  	s3 =	rddreg [dreg:$0x2];
	[bflag:$0x3] =	sbarrier.arrive $0xFFFF;
	s2 =	simm.s32 @!p0 $0x1C02  }
0x69: {  	[timem:s3], [sflag:s2] =	dma.local @!p0 [hbm:s0], s1  }
0x6a: {  	s0 =	simm.s32 @!p0 $0x2  }
0x6b: {  	_ =	swait.ge @!p0 [sflag:s0], s1  }
0x6c: {  	s1 =	ssub.s32 @!p0 $0x0, s1;
	[sflag:s0] =	ssyncset.done @!p0 $0x0  }
0x6d: {  	[sflag:s0] =	ssyncadd.s32 @!p0 s1  }
0x6e: {  	[bflag:$0x3] =	sbarrier.arrive $0xFFFF  }
0x6f: {  	_ =	shalt  }

// kernel: kernel.21.cloned.1.call-start
scs
__scs_entry_jumppad:
0x0: {  	(pc) =	sbr.rel $0x88, $3  }
0x1: {  	(tag) =	ssettag $0x0;
	lr =	simm.s32 $0x1  }
0x2: {  	[smem:$0x3F9A] =	sst lr;
	_ =	strace $0xD0000000  }
0x3: {  	_ = 	snop  }
0x4: {  	_ = 	snop  }
0x5: {  	_ = 	snop  }
0x6: {  	_ = 	snop  }
0x7: {  	_ = 	snop  }
__scs_overlays_trampoline_lowered:
0x8: {  	[smem:$0x3FA9] =	sst s0  }
0x9: {  	[smem:$0x3FAA] =	sst s1  }
0xa: {  	[smem:$0x3FAB] =	sst s2  }
0xb: {  	[smem:$0x3FAC] =	sst s3  }
0xc: {  	[smem:$0x3FAD] =	sst s4  }
0xd: {  	[smem:$0x3FAE] =	sst s5  }
0xe: {  	[smem:$0x3FAF] =	sst s6  }
0xf: {  	[smem:$0x3FB0] =	sst s7  }
0x10: {  	[smem:$0x3FB1] =	sst s8  }
0x11: {  	[smem:$0x3FB2] =	sst s9;
	s0 =	simm.s32 @!p0 $0x0  }
0x12: {  	s1 =	sld [smem:$0x3F98];
	s0 =	simm.s32 @p0 $0x1  }
0x13: {  	[smem:$0x3FB3] =	sst s0;
	s0 =	simm.s32 @!p1 $0x0  }
0x14: {  	s2 =	sld [smem:$0x3F97];
	s0 =	simm.s32 @p1 $0x1  }
0x15: {  	[smem:$0x3FB4] =	sst s0;
	s0 =	simm.s32 @!p2 $0x0  }
0x16: {  	s3 =	sld [smem:$0x3FDB];
	s0 =	simm.s32 @p2 $0x1  }
0x17: {  	s4 =	simm.s32 $0x1BF5;
	[smem:$0x3FB6] =	sst s0  }
0x18: {  	s0 =	sld [smem:$0x3F99];
	_ =	swait.ge [sflag:s4], $0x0  }
0x19: {  	s7 =	sld [smem:$0x3F9A]  }
0x1a: {  	s8 =	sadd.s32 $0xFFFFE003, lr  }
0x1b: {  	s9 =	sadd.s32 $0xFFFFFEF7, lr;
	s5 =	simm.s32 $0xFFFFFFFF;
	p2 =	slt.u32 s8, $0xFFFFF086  }
0x1c: {  	p1 =	slt.u32 s9, $0xF7A;
	s5 =	simm.s32 @!p2 $0x0  }
0x1d: {  	s5 =	simm.s32 @p1 $0x1;
	p0 =	seq.s32 s7, s2  }
0x1e: {  	s7 =	smul.u32 @!p0 $0xF7A, s2;
	p2 =	seq.s32 @!p0 s5, $0x0  }
0x1f: {  	s9 =	smul.u32 $0xF7A, s1;
	s8 =	simm.s32 @!p0 $0x1BF5;
	p2 =	por !p2, p0  }
0x20: {  	[sflag:s8] =	ssyncset.s32 @!p0 $0xFFFFF086;
	s6 =	sadd.s32 @!p0 s3, s7;
	s7 =	simm.s32 @!p0 $0x108  }
0x21: {  	s3 =	sadd.s32 s3, s9;
	s6 =	sadd.s32 @!p0 $0x88, s6;
	s7 =	simm.s32 @p2 $0x1082  }
0x22: {  	[simem:s7], [sflag:s8] =	dma.local @!p0 [hbm:s6], $0xF7A  }
0x23: {  	s9 =	sor.u32 $0xD0000000, s2;
	s6 =	simm.s32 $0x108;
	_ =	swait.ge @!p0 [sflag:s8], $0x0  }
0x24: {  	s3 =	sadd.s32 $0x88, s3;
	s6 =	simm.s32 @!p1 $0x1082;
	[sflag:s4] =	ssyncset.s32 $0xFFFFF086  }
0x25: {  	[simem:s6], [sflag:s4] =	dma.local [hbm:s3], $0xF7A  }
0x26: {  	[smem:$0x3F9A] =	sst s1;
	(tag) =	ssettag s2;
	_ =	strace s9  }
0x27: {  	s1 =	sld [smem:$0x3FAA]  }
0x28: {  	s2 =	sld [smem:$0x3FAB]  }
0x29: {  	s4 =	sld [smem:$0x3FAD]  }
0x2a: {  	p0 =	seq.s32 s5, $0x0;
	s5 =	sld [smem:$0x3FAE]  }
0x2b: {  	s6 =	sld [smem:$0x3FAF]  }
0x2c: {  	s7 =	sld [smem:$0x3FB0]  }
0x2d: {  	s3 =	simm.s32 $0x108;
	s8 =	sld [smem:$0x3FB1]  }
0x2e: {  	s3 =	simm.s32 @!p0 $0x1082;
	s9 =	sld [smem:$0x3FB2]  }
0x2f: {  	lr =	sadd.s32 s0, s3;
	s0 =	sld [smem:$0x3FA9]  }
0x30: {  	s3 =	sld [smem:$0x3FAC]  }
0x31: {  	[smem:$0x3FB5] =	sst s10  }
0x32: {  	s10 =	sld [smem:$0x3FB3];
	_ =	sdelay $0x3  }
0x33: {  	p0 =	seq.s32 s10, $0x1;
	s10 =	sld [smem:$0x3FB5];
	_ =	sdelay $0x3  }
0x34: {  	[smem:$0x3FB5] =	sst s10  }
0x35: {  	s10 =	sld [smem:$0x3FB4];
	_ =	sdelay $0x3  }
0x36: {  	p1 =	seq.s32 s10, $0x1;
	s10 =	sld [smem:$0x3FB5];
	_ =	sdelay $0x3  }
0x37: {  	[smem:$0x3FB5] =	sst s10  }
0x38: {  	s10 =	sld [smem:$0x3FB6]  }
0x39: {  	_ = 	snop;
	(pc) =	sbr.ind lr, $3  }
0x3a: {  	_ = 	snop  }
0x3b: {  	_ = 	snop  }
0x3c: {  	p2 =	seq.s32 s10, $0x1;
	s10 =	sld [smem:$0x3FB5]  }
0x3d: {  	_ =	shalt  }
0x3e: {  	_ =	shalt  }
0x3f: {  	_ =	shalt  }
0x40: {  	_ =	shalt  }
0x41: {  	_ =	shalt  }
0x42: {  	_ =	shalt  }
0x43: {  	_ =	shalt  }
0x44: {  	_ =	shalt  }
0x45: {  	_ =	shalt  }
0x46: {  	_ =	shalt  }
0x47: {  	_ =	shalt  }
0x48: {  	_ =	shalt  }
0x49: {  	_ =	shalt  }
0x4a: {  	_ =	shalt  }
0x4b: {  	_ =	shalt  }
0x4c: {  	_ =	shalt  }
0x4d: {  	_ =	shalt  }
0x4e: {  	_ =	shalt  }
0x4f: {  	_ =	shalt  }
0x50: {  	_ =	shalt  }
0x51: {  	_ =	shalt  }
0x52: {  	_ =	shalt  }
0x53: {  	_ =	shalt  }
0x54: {  	_ =	shalt  }
0x55: {  	_ =	shalt  }
0x56: {  	_ =	shalt  }
0x57: {  	_ =	shalt  }
0x58: {  	_ =	shalt  }
0x59: {  	_ =	shalt  }
0x5a: {  	_ =	shalt  }
0x5b: {  	_ =	shalt  }
0x5c: {  	_ =	shalt  }
0x5d: {  	_ =	shalt  }
0x5e: {  	_ =	shalt  }
0x5f: {  	_ =	shalt  }
0x60: {  	_ =	shalt  }
0x61: {  	_ =	shalt  }
0x62: {  	_ =	shalt  }
0x63: {  	_ =	shalt  }
0x64: {  	_ =	shalt  }
0x65: {  	_ =	shalt  }
0x66: {  	_ =	shalt  }
0x67: {  	_ =	shalt  }
0x68: {  	_ =	shalt  }
0x69: {  	_ =	shalt  }
0x6a: {  	_ =	shalt  }
0x6b: {  	_ =	shalt  }
0x6c: {  	_ =	shalt  }
0x6d: {  	_ =	shalt  }
0x6e: {  	_ =	shalt  }
0x6f: {  	_ =	shalt  }
0x70: {  	_ =	shalt  }
0x71: {  	_ =	shalt  }
0x72: {  	_ =	shalt  }
0x73: {  	_ =	shalt  }
0x74: {  	_ =	shalt  }
0x75: {  	_ =	shalt  }
0x76: {  	_ =	shalt  }
0x77: {  	_ =	shalt  }
0x78: {  	_ =	shalt  }
0x79: {  	_ =	shalt  }
0x7a: {  	_ =	shalt  }
0x7b: {  	_ =	shalt  }
0x7c: {  	_ =	shalt  }
0x7d: {  	_ =	shalt  }
0x7e: {  	_ =	shalt  }
0x7f: {  	_ =	shalt  }
0x80: {  	_ =	shalt  }
0x81: {  	_ =	shalt  }
0x82: {  	_ =	shalt  }
0x83: {  	_ =	shalt  }
0x84: {  	_ =	shalt  }
0x85: {  	_ =	shalt  }
0x86: {  	_ =	shalt  }
0x87: {  	_ =	shalt  }
.Lfunc_end0:
.L_simem_size_0:
called_computation.1_lowered:
.L_overlay_start_0:
0x88: {  	s2 =	sld [smem:$0x3FD9]  }
0x89: {  	s3 =	sld [smem:$0x3FFE];
	_ =	sdelay $0x1  }
0x8a: {  	s1 =	srdreg.scid  }
0x8b: {  	s0 =	sand.u32 $0x1, s1  }
0x8c: {  	s17 =	sshll.u32 s0, $0xA;
	s2 =	sadd.s32 s3, s2  }
0x8d: {  	s2 =	sadd.s32 s2, s17  }
0x8e: {  	[smem:$0x3FC1] =	sst s2  }
0x8f: {  	_ = 	snop  }
0x90: {  	s18 =	sld [smem:$0x3FD0];
	(tm) =	ssettm $0x1  }
0x91: {  	s19 =	sld [smem:$0x3FFB];
	_ =	sdelay $0x3  }
0x92: {  	_ =	strace s19  }
0x93: {  	s2 =	sld [smem:$0x3FFC];
	_ =	sdelay $0x3  }
0x94: {  	_ =	strace s2  }
0x95: {  	s2 =	sld [smem:$0x3FFD];
	_ =	sdelay $0x3  }
0x96: {  	_ =	strace s2  }
0x97: {  	_ =	strace $0x8FFFFFFF  }
0x98: {  	s20 =	sld [smem:$0x3FDB];
	_ =	sdelay $0x1  }
0x99: {  	s4 =	simm.s32 $_scs_section_size  }
0x9a: {  	s5 =	simm.s32 $_size__tile_overlayer_lowered;
	s6 =	simm.s32 $_tile_overlayer_lowered  }
0x9b: {  	s7 =	simm.s32 $0x1BFF;
	s21 =	sshll.u32 s6, $0x1;
	s4 =	sadd.s32 s4, s20  }
0x9c: {  	s22 =	simm.s32 $0x0;
	s5 =	sshll.u32 s5, $0x1;
	s6 =	sadd.s32 s21, s4  }
0x9d: {  	[timem:s22], [sflag:s7] =	dma.local [hbm:s6], s5  }
0x9e: {  	_ =	swait.ge [sflag:s7], s5  }
0x9f: {  	s5 =	ssub.s32 $0x0, s5;
	[sflag:s7] =	ssyncset.done $0x0  }
0xa0: {  	[sflag:s7] =	ssyncadd.s32 s5;
	_ =	sdelay $0x1  }
0xa1: {  	s23 =	simm.s32 $0x1B8B  }
0xa2: {  	_ =	swait.ge [sflag:s23], $0x1  }
0xa3: {  	[sflag:s23] =	ssyncset.done $0x0  }
0xa4: {  	[sflag:s23] =	ssyncadd.s32 $0xFFFFFFFF  }
0xa5: {  	s5 =	sld [smem:$0x0]  }
0xa6: {  	s6 =	sand.u32 $0xFFFFFFFE, s1  }
0xa7: {  	p0 =	sne.s32 s1, s6  }
0xa8: {  	s6 =	sshll.u32 @p0 s6, $0xE  }
0xa9: {  	s6 =	sadd.s32 @p0 $0x11B8D, s6;
	s7 =	sshll.u32 @p0 s5, $0x11  }
0xaa: {  	s6 =	sor.u32 @p0 s7, s6  }
0xab: {  	[sflag:s6] =	ssyncadd.remote.s32 @p0 $0x1;
	_ =	sdelay $0x1  }
0xac: {  	s6 =	simm.s32 @p0 $0x1B8D  }
0xad: {  	_ =	swait.eq @p0 [sflag:s6], $0x1  }
0xae: {  	[sflag:s6] =	ssyncadd.s32 @p0 $0xFFFFFFFF  }
0xaf: {  	s7 =	sshll.u32 @!p0 s1, $0xE  }
0xb0: {  	s7 =	sor.u32 @!p0 $0x4000, s7;
	s6 =	simm.s32 @!p0 $0x1B8D  }
0xb1: {  	s5 =	sshll.u32 @!p0 s5, $0x11;
	s7 =	sadd.s32 @!p0 $0x11B8D, s7;
	_ =	swait.eq @!p0 [sflag:s6], $0x1  }
0xb2: {  	s5 =	sor.u32 @!p0 s5, s7;
	[sflag:s6] =	ssyncadd.s32 @!p0 $0xFFFFFFFF  }
0xb3: {  	s25 =	simm.s32 $0x1B8E;
	s24 =	sld [smem:$0x3FFE];
	[sflag:s5] =	ssyncadd.remote.s32 @!p0 $0x1  }
0xb4: {  	s26 =	simm.s32 $execute0_lowered;
	[smem:$0x3FD2] =	sst s25  }
0xb5: {  	s6 =	sshll.u32 s26, $0x1;
	_ =	strace $0x80000052;
	[dreg:$0x1] =	wrdreg $0xFFFFFFFF  }
0xb6: {  	s28 =	simm.s32 $_size_execute0_lowered;
	s4 =	sadd.s32 s4, s6;
	[dreg:$0x0] =	wrdreg $0x0  }
0xb7: {  	s6 =	sshll.u32 s28, $0x1;
	[dreg:$0x2] =	wrdreg s4  }
0xb8: {  	[dreg:$0x3] =	wrdreg s6  }
0xb9: {  	[dreg:$0x4] =	wrdreg $0xC0  }
0xba: {  	_ =	task [dreg:s22], $0x5FFFF  }
0xbb: {  	[dreg:$0x1] =	wrdreg $0xFFFFFFFF  }
0xbc: {  	[dreg:$0x0] =	wrdreg $0x60  }
0xbd: {  	[dreg:$0x2] =	wrdreg s24  }
0xbe: {  	[dreg:$0x3] =	wrdreg s18  }
0xbf: {  	[dreg:$0x4] =	wrdreg $0xA  }
0xc0: {  	_ =	task.clear_ibuf [dreg:s22], $0x5FFFF;
	_ =	strace $0x90000052  }
0xc1: {  	s29 =	simm.s32 $0xA;
	_ =	strace $0x80000054  }
0xc2: {  	_ =	swait.ge [sflag:s29], $0x1  }
0xc3: {  	[sflag:s29] =	ssyncadd.s32 $0xFFFFFFFF  }
0xc4: {  	_ =	strace $0x90000054  }
0xc5: {  	_ =	sfence  }
0xc6: {  	s30 =	sld [smem:$0x0];
	_ =	sdelay $0x2  }
0xc7: {  	s31 =	sshll.u32 s1, $0xD;
	s1 =	sshrl.u32 s1, $0x2  }
0xc8: {  	s4 =	sand.u32 $0x4000, s31;
	s1 =	sadd.s32 s1, s30  }
0xc9: {  	s0 =	sor.u32 s4, s0;
	s1 =	sshll.u32 s1, $0x11  }
0xca: {  	s0 =	sor.u32 s1, s0  }
0xcb: {  	s0 =	sadd.s32 $0x8F2B, s0  }
0xcc: {  	[sflag:s0] =	ssyncadd.remote.s32 $0x1  }
0xcd: {  	_ =	sfence.sel $0xFFFF  }
0xce: {  	[dreg:$0x0] =	wrdreg $0xFFFFFFFF;
	(pc) =	sbr.abs _section_cstart, $3  }
0xcf: {  	[dreg:$0x1] =	wrdreg $0xFFFFFFFF  }
0xd0: {  	_ =	task.clear_ibuf [dreg:s22], $0x2FFFF;
	_ =	strace $0x9FFFFFFF  }
0xd1: {  	(tm) =	ssettm $0x7FFFFFFF  }
tec
execute0_lowered:
.L_overlay_start_1:
0x0: {  	(tag) =	ssettag $0x1  }
0x1: {  	s1 =	srdreg.scid;
	s0 =	stileid.u32  }
0x2: {  	s9 =	rddreg [dreg:$0x0];
	s15 =	sand.u32 $0x1, s1;
	s31 =	sshll.u32 s0, $0x1  }
0x3: {  	s3 =	rddreg [dreg:$0x1];
	s6 =	sor.u32 s15, s31  }
0x4: {  	s2 =	simm.s32 $0x0;
	s1 =	rddreg [dreg:$0x2];
	s4 =	smul.u32 $0xFA, s6  }
0x5: {  	[smem:$0x7FF] =	sst s2  }
0x6: {  	_ =	strace $0x80000053;
	s4 =	sadd.s32 s3, s4;
	s3 =	simm.s32 $0x2  }
0x7: {  	[tilespmem:s2], [sflag:$0x2] =	stream.linear.gather [hbm4b:s4+s2], $0x7D0, $0x38;
	[tilespmem:$0x20D0] =	vst v63  }
0x8: {  	s7 =	simm.s32 $0x7D0;
	_ =	swait.ge [sflag:s3], $0x7D0  }
0x9: {  	s8 =	simm.s32 $0x1;
	s5 =	sadd.s32 $0x2AE00, s9;
	[sflag:s3] =	ssyncset.done $0x0  }
0xa: {  	s10 =	smul.u32 $0xFA0, s6;
	s6 =	simm.s32 $0x190;
	[sflag:s3] =	ssyncadd.s32 $0xFFFFF830  }
0xb: {  	[tilespmem:s7], [sflag:$0x1] =	stream.indirect.gather [hbm4b:s5+s6], $0x10, s2, s6, $0xb8;
	[tilespmem:$0x20D0] =	vst v63  }
0xc: {  	_ =	swait.ge [sflag:s8], $0x1900  }
0xd: {  	s16 =	sadd.s32 s10, s9;
	[sflag:s8] =	ssyncset.done $0x0  }
0xe: {  	s9 =	sadd.s32 $0xACE00, s16;
	[sflag:s8] =	ssyncadd.s32 $0xFFFFE700  }
0xf: {  	[hbm4b:s9+s2] =	stream.linear.scatter [tilespmem:s7], [sflag:$0x2], $0x1900, $0x38;
	[tilespmem:$0x20D0] =	vst v63  }
0x10: {  	_ =	swait.ge [sflag:s3], $0x1900  }
0x11: {  	[sflag:s3] =	ssyncset.done $0x0  }
0x12: {  	[sflag:s3] =	ssyncadd.s32 $0xFFFFE700  }
0x13: {  	[tilespmem:s7], [sflag:$0x1] =	stream.indirect.gather [hbm4b:s5+s6], $0x10, s6, s6, $0xb8;
	[tilespmem:$0x20D0] =	vst v63  }
0x14: {  	_ =	swait.ge [sflag:s8], $0x1900  }
0x15: {  	[sflag:s8] =	ssyncset.done $0x0  }
0x16: {  	s10 =	sadd.s32 $0xAD120, s16;
	[sflag:s8] =	ssyncadd.s32 $0xFFFFE700  }
0x17: {  	[hbm4b:s10+s2] =	stream.linear.scatter [tilespmem:s7], [sflag:$0x2], $0x1900, $0x38;
	[tilespmem:$0x20D0] =	vst v63  }
0x18: {  	_ =	swait.ge [sflag:s3], $0x1900  }
0x19: {  	[sflag:s3] =	ssyncset.done $0x0  }
0x1a: {  	s11 =	simm.s32 $0x320;
	[sflag:s3] =	ssyncadd.s32 $0xFFFFE700  }
0x1b: {  	[tilespmem:s7], [sflag:$0x1] =	stream.indirect.gather [hbm4b:s5+s6], $0x10, s11, s6, $0xb8;
	[tilespmem:$0x20D0] =	vst v63  }
0x1c: {  	_ =	swait.ge [sflag:s8], $0x1900  }
0x1d: {  	[sflag:s8] =	ssyncset.done $0x0  }
0x1e: {  	s12 =	sadd.s32 $0xAD440, s16;
	[sflag:s8] =	ssyncadd.s32 $0xFFFFE700  }
0x1f: {  	[hbm4b:s12+s2] =	stream.linear.scatter [tilespmem:s7], [sflag:$0x2], $0x1900, $0x38;
	[tilespmem:$0x20D0] =	vst v63  }
0x20: {  	_ =	swait.ge [sflag:s3], $0x1900  }
0x21: {  	[sflag:s3] =	ssyncset.done $0x0  }
0x22: {  	s13 =	simm.s32 $0x4B0;
	[sflag:s3] =	ssyncadd.s32 $0xFFFFE700  }
0x23: {  	[tilespmem:s7], [sflag:$0x1] =	stream.indirect.gather [hbm4b:s5+s6], $0x10, s13, s6, $0xb8;
	[tilespmem:$0x20D0] =	vst v63  }
0x24: {  	_ =	swait.ge [sflag:s8], $0x1900  }
0x25: {  	[sflag:s8] =	ssyncset.done $0x0  }
0x26: {  	s17 =	ssub.s32 $0x2, s15;
	s14 =	sadd.s32 $0xAD760, s16;
	[sflag:s8] =	ssyncadd.s32 $0xFFFFE700  }
0x27: {  	[hbm4b:s14+s2] =	stream.linear.scatter [tilespmem:s7], [sflag:$0x2], $0x1900, $0x38;
	[tilespmem:$0x20D0] =	vst v63  }
0x28: {  	s18 =	sshrl.u32 s17, $0x1;
	_ =	swait.ge [sflag:s3], $0x1900  }
0x29: {  	s17 =	ssub.s32 s17, s18;
	[sflag:s3] =	ssyncset.done $0x0  }
0x2a: {  	s15 =	simm.s32 $0x640;
	s17 =	smax.u32 s17, $0x1;
	[sflag:s3] =	ssyncadd.s32 $0xFFFFE700  }
0x2b: {  	[tilespmem:s7], [sflag:$0x1] =	stream.indirect.gather [hbm4b:s5+s6], $0x10, s15, s6, $0xb8;
	[tilespmem:$0x20D0] =	vst v63  }
0x2c: {  	p0 =	sne.s32 s17, $0x1;
	_ =	swait.ge [sflag:s8], $0x1900  }
.Ltmp0:
0x2d: {  	[sflag:s8] =	ssyncset.done $0x0;
	(pc) =	sbr.rel @!p0 .LBB2_2-.Ltmp0, $4  }
0x2e: {  	s16 =	sadd.s32 $0xADA80, s16;
	[sflag:s8] =	ssyncadd.s32 $0xFFFFE700  }
0x2f: {  	[hbm4b:s16+s2] =	stream.linear.scatter [tilespmem:s7], [sflag:$0x2], $0x1900, $0x38;
	[tilespmem:$0x20D0] =	vst v63  }
0x30: {  	_ =	swait.ge [sflag:s3], $0x1900  }
0x31: {  	s17 =	sadd.s32 $0xFFFFFFFF, s17;
	[sflag:s3] =	ssyncset.done $0x0  }
.LBB2_1:
0x32: {  	p0 =	sne.s32 s17, $0x1;
	s17 =	sadd.s32 $0xFFFFFFFF, s17;
	[sflag:s3] =	ssyncadd.s32 $0xFFFFE700  }
0x33: {  	[tilespmem:s2], [sflag:$0x2] =	stream.linear.gather [hbm4b:s4+s2], $0x7D0, $0x38;
	[tilespmem:$0x20D0] =	vst v63  }
0x34: {  	_ =	swait.ge [sflag:s3], $0x7D0  }
0x35: {  	[sflag:s3] =	ssyncset.done $0x0  }
0x36: {  	[sflag:s3] =	ssyncadd.s32 $0xFFFFF830  }
0x37: {  	[tilespmem:s7], [sflag:$0x1] =	stream.indirect.gather [hbm4b:s5+s6], $0x10, s2, s6, $0xb8;
	[tilespmem:$0x20D0] =	vst v63  }
0x38: {  	_ =	swait.ge [sflag:s8], $0x1900  }
0x39: {  	[sflag:s8] =	ssyncset.done $0x0  }
0x3a: {  	[sflag:s8] =	ssyncadd.s32 $0xFFFFE700  }
0x3b: {  	[hbm4b:s9+s2] =	stream.linear.scatter [tilespmem:s7], [sflag:$0x2], $0x1900, $0x38;
	[tilespmem:$0x20D0] =	vst v63  }
0x3c: {  	_ =	swait.ge [sflag:s3], $0x1900  }
0x3d: {  	[sflag:s3] =	ssyncset.done $0x0  }
0x3e: {  	[sflag:s3] =	ssyncadd.s32 $0xFFFFE700  }
0x3f: {  	[tilespmem:s7], [sflag:$0x1] =	stream.indirect.gather [hbm4b:s5+s6], $0x10, s6, s6, $0xb8;
	[tilespmem:$0x20D0] =	vst v63  }
0x40: {  	_ =	swait.ge [sflag:s8], $0x1900  }
0x41: {  	[sflag:s8] =	ssyncset.done $0x0  }
0x42: {  	[sflag:s8] =	ssyncadd.s32 $0xFFFFE700  }
0x43: {  	[hbm4b:s10+s2] =	stream.linear.scatter [tilespmem:s7], [sflag:$0x2], $0x1900, $0x38;
	[tilespmem:$0x20D0] =	vst v63  }
0x44: {  	_ =	swait.ge [sflag:s3], $0x1900  }
0x45: {  	[sflag:s3] =	ssyncset.done $0x0  }
0x46: {  	[sflag:s3] =	ssyncadd.s32 $0xFFFFE700  }
0x47: {  	[tilespmem:s7], [sflag:$0x1] =	stream.indirect.gather [hbm4b:s5+s6], $0x10, s11, s6, $0xb8;
	[tilespmem:$0x20D0] =	vst v63  }
0x48: {  	_ =	swait.ge [sflag:s8], $0x1900  }
0x49: {  	[sflag:s8] =	ssyncset.done $0x0  }
0x4a: {  	[sflag:s8] =	ssyncadd.s32 $0xFFFFE700  }
0x4b: {  	[hbm4b:s12+s2] =	stream.linear.scatter [tilespmem:s7], [sflag:$0x2], $0x1900, $0x38;
	[tilespmem:$0x20D0] =	vst v63  }
0x4c: {  	_ =	swait.ge [sflag:s3], $0x1900  }
0x4d: {  	[sflag:s3] =	ssyncset.done $0x0  }
0x4e: {  	[sflag:s3] =	ssyncadd.s32 $0xFFFFE700  }
0x4f: {  	[tilespmem:s7], [sflag:$0x1] =	stream.indirect.gather [hbm4b:s5+s6], $0x10, s13, s6, $0xb8;
	[tilespmem:$0x20D0] =	vst v63  }
0x50: {  	_ =	swait.ge [sflag:s8], $0x1900  }
0x51: {  	[sflag:s8] =	ssyncset.done $0x0  }
0x52: {  	[sflag:s8] =	ssyncadd.s32 $0xFFFFE700  }
0x53: {  	[hbm4b:s14+s2] =	stream.linear.scatter [tilespmem:s7], [sflag:$0x2], $0x1900, $0x38;
	[tilespmem:$0x20D0] =	vst v63  }
0x54: {  	_ =	swait.ge [sflag:s3], $0x1900  }
0x55: {  	[sflag:s3] =	ssyncset.done $0x0  }
0x56: {  	[sflag:s3] =	ssyncadd.s32 $0xFFFFE700  }
0x57: {  	[tilespmem:s7], [sflag:$0x1] =	stream.indirect.gather [hbm4b:s5+s6], $0x10, s15, s6, $0xb8;
	[tilespmem:$0x20D0] =	vst v63  }
0x58: {  	_ =	swait.ge [sflag:s8], $0x1900  }
.Ltmp1:
0x59: {  	[sflag:s8] =	ssyncset.done $0x0;
	(pc) =	sbr.rel @p0 .LBB2_1-.Ltmp1, $4  }
0x5a: {  	[sflag:s8] =	ssyncadd.s32 $0xFFFFE700  }
0x5b: {  	[hbm4b:s16+s2] =	stream.linear.scatter [tilespmem:s7], [sflag:$0x2], $0x1900, $0x38;
	[tilespmem:$0x20D0] =	vst v63  }
0x5c: {  	_ =	swait.ge [sflag:s3], $0x1900  }
0x5d: {  	[sflag:s3] =	ssyncset.done $0x0  }
.LBB2_2:
0x5e: {  	[sflag:s3] =	ssyncadd.s32 $0xFFFFE700  }
0x5f: {  	_ =	sfence.sel $0x180000  }
0x60: {  	[bflag:$0x0] =	sbarrier.arrive $0xFFFF  }
0x61: {  	p0 =	sne.s32 s0, $0x0;
	_ =	strace $0x90000053  }
0x62: {  	s0 =	sadd.s32 @!p0 $0x100000, s1;
	[bflag:$0x2] =	sbarrier.arrive $0xFFFF  }
0x63: {  	[sflag:s0] =	ssyncadd.tile.s32 @!p0 $0x1;
	_ =	shalt  }
.Lfunc_end2:
_tile_overlayer_lowered:
.L_overlay_start_2:
0x64: {  	(tag) =	ssettag $0x2  }
0x65: {  	s0 =	rddreg [dreg:$0x0];
	s2 =	stileid.u32  }
0x66: {  	s1 =	rddreg [dreg:$0x1];
	p0 =	sne.s32 s2, $0x0  }
0x67: {  	s3 =	rddreg [dreg:$0x2];
	[bflag:$0x3] =	sbarrier.arrive $0xFFFF;
	s2 =	simm.s32 @!p0 $0x1C02  }
0x68: {  	[timem:s3], [sflag:s2] =	dma.local @!p0 [hbm:s0], s1  }
0x69: {  	s0 =	simm.s32 @!p0 $0x2  }
0x6a: {  	_ =	swait.ge @!p0 [sflag:s0], s1  }
0x6b: {  	s1 =	ssub.s32 @!p0 $0x0, s1;
	[sflag:s0] =	ssyncset.done @!p0 $0x0  }
0x6c: {  	[sflag:s0] =	ssyncadd.s32 @!p0 s1  }
0x6d: {  	[bflag:$0x3] =	sbarrier.arrive $0xFFFF  }
0x6e: {  	_ =	shalt  }

// kernel: kernel.24.cloned.1.call-start
scs
__scs_entry_jumppad:
0x0: {  	(pc) =	sbr.rel $0x88, $3  }
0x1: {  	(tag) =	ssettag $0x0;
	lr =	simm.s32 $0x1  }
0x2: {  	[smem:$0x3F9A] =	sst lr;
	_ =	strace $0xD0000000  }
0x3: {  	_ = 	snop  }
0x4: {  	_ = 	snop  }
0x5: {  	_ = 	snop  }
0x6: {  	_ = 	snop  }
0x7: {  	_ = 	snop  }
__scs_overlays_trampoline_lowered:
0x8: {  	[smem:$0x3FA9] =	sst s0  }
0x9: {  	[smem:$0x3FAA] =	sst s1  }
0xa: {  	[smem:$0x3FAB] =	sst s2  }
0xb: {  	[smem:$0x3FAC] =	sst s3  }
0xc: {  	[smem:$0x3FAD] =	sst s4  }
0xd: {  	[smem:$0x3FAE] =	sst s5  }
0xe: {  	[smem:$0x3FAF] =	sst s6  }
0xf: {  	[smem:$0x3FB0] =	sst s7  }
0x10: {  	[smem:$0x3FB1] =	sst s8  }
0x11: {  	[smem:$0x3FB2] =	sst s9;
	s0 =	simm.s32 @!p0 $0x0  }
0x12: {  	s1 =	sld [smem:$0x3F98];
	s0 =	simm.s32 @p0 $0x1  }
0x13: {  	[smem:$0x3FB3] =	sst s0;
	s0 =	simm.s32 @!p1 $0x0  }
0x14: {  	s2 =	sld [smem:$0x3F97];
	s0 =	simm.s32 @p1 $0x1  }
0x15: {  	[smem:$0x3FB4] =	sst s0;
	s0 =	simm.s32 @!p2 $0x0  }
0x16: {  	s3 =	sld [smem:$0x3FDB];
	s0 =	simm.s32 @p2 $0x1  }
0x17: {  	s4 =	simm.s32 $0x1BF5;
	[smem:$0x3FB6] =	sst s0  }
0x18: {  	s0 =	sld [smem:$0x3F99];
	_ =	swait.ge [sflag:s4], $0x0  }
0x19: {  	s7 =	sld [smem:$0x3F9A]  }
0x1a: {  	s8 =	sadd.s32 $0xFFFFE003, lr  }
0x1b: {  	s9 =	sadd.s32 $0xFFFFFEF7, lr;
	s5 =	simm.s32 $0xFFFFFFFF;
	p2 =	slt.u32 s8, $0xFFFFF086  }
0x1c: {  	p1 =	slt.u32 s9, $0xF7A;
	s5 =	simm.s32 @!p2 $0x0  }
0x1d: {  	s5 =	simm.s32 @p1 $0x1;
	p0 =	seq.s32 s7, s2  }
0x1e: {  	s7 =	smul.u32 @!p0 $0xF7A, s2;
	p2 =	seq.s32 @!p0 s5, $0x0  }
0x1f: {  	s9 =	smul.u32 $0xF7A, s1;
	s8 =	simm.s32 @!p0 $0x1BF5;
	p2 =	por !p2, p0  }
0x20: {  	[sflag:s8] =	ssyncset.s32 @!p0 $0xFFFFF086;
	s6 =	sadd.s32 @!p0 s3, s7;
	s7 =	simm.s32 @!p0 $0x108  }
0x21: {  	s3 =	sadd.s32 s3, s9;
	s6 =	sadd.s32 @!p0 $0x88, s6;
	s7 =	simm.s32 @p2 $0x1082  }
0x22: {  	[simem:s7], [sflag:s8] =	dma.local @!p0 [hbm:s6], $0xF7A  }
0x23: {  	s9 =	sor.u32 $0xD0000000, s2;
	s6 =	simm.s32 $0x108;
	_ =	swait.ge @!p0 [sflag:s8], $0x0  }
0x24: {  	s3 =	sadd.s32 $0x88, s3;
	s6 =	simm.s32 @!p1 $0x1082;
	[sflag:s4] =	ssyncset.s32 $0xFFFFF086  }
0x25: {  	[simem:s6], [sflag:s4] =	dma.local [hbm:s3], $0xF7A  }
0x26: {  	[smem:$0x3F9A] =	sst s1;
	(tag) =	ssettag s2;
	_ =	strace s9  }
0x27: {  	s1 =	sld [smem:$0x3FAA]  }
0x28: {  	s2 =	sld [smem:$0x3FAB]  }
0x29: {  	s4 =	sld [smem:$0x3FAD]  }
0x2a: {  	p0 =	seq.s32 s5, $0x0;
	s5 =	sld [smem:$0x3FAE]  }
0x2b: {  	s6 =	sld [smem:$0x3FAF]  }
0x2c: {  	s7 =	sld [smem:$0x3FB0]  }
0x2d: {  	s3 =	simm.s32 $0x108;
	s8 =	sld [smem:$0x3FB1]  }
0x2e: {  	s3 =	simm.s32 @!p0 $0x1082;
	s9 =	sld [smem:$0x3FB2]  }
0x2f: {  	lr =	sadd.s32 s0, s3;
	s0 =	sld [smem:$0x3FA9]  }
0x30: {  	s3 =	sld [smem:$0x3FAC]  }
0x31: {  	[smem:$0x3FB5] =	sst s10  }
0x32: {  	s10 =	sld [smem:$0x3FB3];
	_ =	sdelay $0x3  }
0x33: {  	p0 =	seq.s32 s10, $0x1;
	s10 =	sld [smem:$0x3FB5];
	_ =	sdelay $0x3  }
0x34: {  	[smem:$0x3FB5] =	sst s10  }
0x35: {  	s10 =	sld [smem:$0x3FB4];
	_ =	sdelay $0x3  }
0x36: {  	p1 =	seq.s32 s10, $0x1;
	s10 =	sld [smem:$0x3FB5];
	_ =	sdelay $0x3  }
0x37: {  	[smem:$0x3FB5] =	sst s10  }
0x38: {  	s10 =	sld [smem:$0x3FB6]  }
0x39: {  	_ = 	snop;
	(pc) =	sbr.ind lr, $3  }
0x3a: {  	_ = 	snop  }
0x3b: {  	_ = 	snop  }
0x3c: {  	p2 =	seq.s32 s10, $0x1;
	s10 =	sld [smem:$0x3FB5]  }
0x3d: {  	_ =	shalt  }
0x3e: {  	_ =	shalt  }
0x3f: {  	_ =	shalt  }
0x40: {  	_ =	shalt  }
0x41: {  	_ =	shalt  }
0x42: {  	_ =	shalt  }
0x43: {  	_ =	shalt  }
0x44: {  	_ =	shalt  }
0x45: {  	_ =	shalt  }
0x46: {  	_ =	shalt  }
0x47: {  	_ =	shalt  }
0x48: {  	_ =	shalt  }
0x49: {  	_ =	shalt  }
0x4a: {  	_ =	shalt  }
0x4b: {  	_ =	shalt  }
0x4c: {  	_ =	shalt  }
0x4d: {  	_ =	shalt  }
0x4e: {  	_ =	shalt  }
0x4f: {  	_ =	shalt  }
0x50: {  	_ =	shalt  }
0x51: {  	_ =	shalt  }
0x52: {  	_ =	shalt  }
0x53: {  	_ =	shalt  }
0x54: {  	_ =	shalt  }
0x55: {  	_ =	shalt  }
0x56: {  	_ =	shalt  }
0x57: {  	_ =	shalt  }
0x58: {  	_ =	shalt  }
0x59: {  	_ =	shalt  }
0x5a: {  	_ =	shalt  }
0x5b: {  	_ =	shalt  }
0x5c: {  	_ =	shalt  }
0x5d: {  	_ =	shalt  }
0x5e: {  	_ =	shalt  }
0x5f: {  	_ =	shalt  }
0x60: {  	_ =	shalt  }
0x61: {  	_ =	shalt  }
0x62: {  	_ =	shalt  }
0x63: {  	_ =	shalt  }
0x64: {  	_ =	shalt  }
0x65: {  	_ =	shalt  }
0x66: {  	_ =	shalt  }
0x67: {  	_ =	shalt  }
0x68: {  	_ =	shalt  }
0x69: {  	_ =	shalt  }
0x6a: {  	_ =	shalt  }
0x6b: {  	_ =	shalt  }
0x6c: {  	_ =	shalt  }
0x6d: {  	_ =	shalt  }
0x6e: {  	_ =	shalt  }
0x6f: {  	_ =	shalt  }
0x70: {  	_ =	shalt  }
0x71: {  	_ =	shalt  }
0x72: {  	_ =	shalt  }
0x73: {  	_ =	shalt  }
0x74: {  	_ =	shalt  }
0x75: {  	_ =	shalt  }
0x76: {  	_ =	shalt  }
0x77: {  	_ =	shalt  }
0x78: {  	_ =	shalt  }
0x79: {  	_ =	shalt  }
0x7a: {  	_ =	shalt  }
0x7b: {  	_ =	shalt  }
0x7c: {  	_ =	shalt  }
0x7d: {  	_ =	shalt  }
0x7e: {  	_ =	shalt  }
0x7f: {  	_ =	shalt  }
0x80: {  	_ =	shalt  }
0x81: {  	_ =	shalt  }
0x82: {  	_ =	shalt  }
0x83: {  	_ =	shalt  }
0x84: {  	_ =	shalt  }
0x85: {  	_ =	shalt  }
0x86: {  	_ =	shalt  }
0x87: {  	_ =	shalt  }
.Lfunc_end0:
.L_simem_size_0:
called_computation.2_lowered:
.L_overlay_start_0:
0x88: {  	s2 =	sld [smem:$0x3FD9]  }
0x89: {  	s3 =	sld [smem:$0x3FFE];
	_ =	sdelay $0x1  }
0x8a: {  	s1 =	srdreg.scid  }
0x8b: {  	s0 =	sand.u32 $0x1, s1  }
0x8c: {  	s17 =	sshll.u32 s0, $0xA;
	s2 =	sadd.s32 s3, s2  }
0x8d: {  	s2 =	sadd.s32 s2, s17  }
0x8e: {  	[smem:$0x3FC1] =	sst s2  }
0x8f: {  	_ = 	snop  }
0x90: {  	s18 =	sld [smem:$0x3FC9]  }
0x91: {  	s4 =	sld [smem:$0x3FD0];
	(tm) =	ssettm $0x1  }
0x92: {  	s19 =	sld [smem:$0x3FFB];
	_ =	sdelay $0x3  }
0x93: {  	_ =	strace s19  }
0x94: {  	s2 =	sld [smem:$0x3FFC];
	_ =	sdelay $0x3  }
0x95: {  	_ =	strace s2  }
0x96: {  	s2 =	sld [smem:$0x3FFD];
	_ =	sdelay $0x3  }
0x97: {  	_ =	strace s2  }
0x98: {  	_ =	strace $0x8FFFFFFF  }
0x99: {  	s20 =	sld [smem:$0x3FDB];
	_ =	sdelay $0x1  }
0x9a: {  	s5 =	simm.s32 $_scs_section_size  }
0x9b: {  	s6 =	simm.s32 $_size__tile_overlayer_lowered;
	s7 =	simm.s32 $_tile_overlayer_lowered  }
0x9c: {  	s8 =	simm.s32 $0x1BFF;
	s21 =	sshll.u32 s7, $0x1;
	s5 =	sadd.s32 s5, s20  }
0x9d: {  	s22 =	simm.s32 $0x0;
	s6 =	sshll.u32 s6, $0x1;
	s7 =	sadd.s32 s21, s5  }
0x9e: {  	[timem:s22], [sflag:s8] =	dma.local [hbm:s7], s6  }
0x9f: {  	_ =	swait.ge [sflag:s8], s6  }
0xa0: {  	s6 =	ssub.s32 $0x0, s6;
	[sflag:s8] =	ssyncset.done $0x0  }
0xa1: {  	[sflag:s8] =	ssyncadd.s32 s6;
	_ =	sdelay $0x1  }
0xa2: {  	s23 =	simm.s32 $0x1B8B  }
0xa3: {  	_ =	swait.ge [sflag:s23], $0x1  }
0xa4: {  	[sflag:s23] =	ssyncset.done $0x0  }
0xa5: {  	[sflag:s23] =	ssyncadd.s32 $0xFFFFFFFF  }
0xa6: {  	s6 =	sld [smem:$0x0]  }
0xa7: {  	s7 =	sand.u32 $0xFFFFFFFE, s1  }
0xa8: {  	p0 =	sne.s32 s1, s7  }
0xa9: {  	s7 =	sshll.u32 @p0 s7, $0xE  }
0xaa: {  	s7 =	sadd.s32 @p0 $0x11B8D, s7;
	s8 =	sshll.u32 @p0 s6, $0x11  }
0xab: {  	s7 =	sor.u32 @p0 s8, s7  }
0xac: {  	[sflag:s7] =	ssyncadd.remote.s32 @p0 $0x1;
	_ =	sdelay $0x1  }
0xad: {  	s7 =	simm.s32 @p0 $0x1B8D  }
0xae: {  	_ =	swait.eq @p0 [sflag:s7], $0x1  }
0xaf: {  	[sflag:s7] =	ssyncadd.s32 @p0 $0xFFFFFFFF  }
0xb0: {  	s8 =	sshll.u32 @!p0 s1, $0xE  }
0xb1: {  	s8 =	sor.u32 @!p0 $0x4000, s8;
	s7 =	simm.s32 @!p0 $0x1B8D  }
0xb2: {  	s6 =	sshll.u32 @!p0 s6, $0x11;
	s8 =	sadd.s32 @!p0 $0x11B8D, s8;
	_ =	swait.eq @!p0 [sflag:s7], $0x1  }
0xb3: {  	s6 =	sor.u32 @!p0 s6, s8;
	[sflag:s7] =	ssyncadd.s32 @!p0 $0xFFFFFFFF  }
0xb4: {  	s25 =	simm.s32 $0x1B8E;
	s24 =	sld [smem:$0x3FFE];
	[sflag:s6] =	ssyncadd.remote.s32 @!p0 $0x1  }
0xb5: {  	s26 =	simm.s32 $execute0_lowered;
	[smem:$0x3FD2] =	sst s25  }
0xb6: {  	s7 =	sshll.u32 s26, $0x1;
	_ =	strace $0x80000055;
	[dreg:$0x1] =	wrdreg $0xFFFFFFFF  }
0xb7: {  	s28 =	simm.s32 $_size_execute0_lowered;
	s5 =	sadd.s32 s5, s7;
	[dreg:$0x0] =	wrdreg $0x0  }
0xb8: {  	s7 =	sshll.u32 s28, $0x1;
	[dreg:$0x2] =	wrdreg s5  }
0xb9: {  	[dreg:$0x3] =	wrdreg s7  }
0xba: {  	[dreg:$0x4] =	wrdreg $0xC0  }
0xbb: {  	_ =	task [dreg:s22], $0x5FFFF  }
0xbc: {  	[dreg:$0x1] =	wrdreg $0xFFFFFFFF  }
0xbd: {  	[dreg:$0x0] =	wrdreg $0x60  }
0xbe: {  	[dreg:$0x2] =	wrdreg s18  }
0xbf: {  	[dreg:$0x3] =	wrdreg s4  }
0xc0: {  	[dreg:$0x4] =	wrdreg s24  }
0xc1: {  	[dreg:$0x5] =	wrdreg $0xB  }
0xc2: {  	_ =	task.clear_ibuf [dreg:s22], $0x6FFFF;
	_ =	strace $0x90000055  }
0xc3: {  	s29 =	simm.s32 $0xB;
	_ =	strace $0x80000057  }
0xc4: {  	_ =	swait.ge [sflag:s29], $0x1  }
0xc5: {  	[sflag:s29] =	ssyncadd.s32 $0xFFFFFFFF  }
0xc6: {  	_ =	strace $0x90000057  }
0xc7: {  	_ =	sfence  }
0xc8: {  	s30 =	sld [smem:$0x0];
	_ =	sdelay $0x2  }
0xc9: {  	s31 =	sshll.u32 s1, $0xD;
	s1 =	sshrl.u32 s1, $0x2  }
0xca: {  	s4 =	sand.u32 $0x4000, s31;
	s1 =	sadd.s32 s1, s30  }
0xcb: {  	s0 =	sor.u32 s4, s0;
	s1 =	sshll.u32 s1, $0x11  }
0xcc: {  	s0 =	sor.u32 s1, s0  }
0xcd: {  	s0 =	sadd.s32 $0x8F2B, s0  }
0xce: {  	[sflag:s0] =	ssyncadd.remote.s32 $0x1  }
0xcf: {  	_ =	sfence.sel $0xFFFF  }
0xd0: {  	[dreg:$0x0] =	wrdreg $0xFFFFFFFF;
	(pc) =	sbr.abs _section_cstart, $3  }
0xd1: {  	[dreg:$0x1] =	wrdreg $0xFFFFFFFF  }
0xd2: {  	_ =	task.clear_ibuf [dreg:s22], $0x2FFFF;
	_ =	strace $0x9FFFFFFF  }
0xd3: {  	(tm) =	ssettm $0x7FFFFFFF  }
tec
execute0_lowered:
.L_overlay_start_1:
0x0: {  	(tag) =	ssettag $0x1  }
0x1: {  	s1 =	srdreg.scid;
	s0 =	stileid.u32  }
0x2: {  	s15 =	sand.u32 $0x1, s1;
	s31 =	sshll.u32 s0, $0x1  }
0x3: {  	s2 =	rddreg [dreg:$0x0];
	s6 =	sor.u32 s15, s31  }
0x4: {  	s4 =	rddreg [dreg:$0x1];
	s5 =	smul.u32 $0x7D0, s6  }
0x5: {  	s9 =	rddreg [dreg:$0x2]  }
0x6: {  	s3 =	simm.s32 $0x0;
	s1 =	rddreg [dreg:$0x3];
	s5 =	sshrl.u32 s5, $0x3  }
0x7: {  	[smem:$0x7FF] =	sst s3;
	s4 =	sadd.s32 s4, s5  }
0x8: {  	_ =	strace $0x80000056;
	s5 =	sadd.s32 $0x1F40, s4;
	s4 =	simm.s32 $0x2  }
0x9: {  	[tilespmem:s3], [sflag:$0x2] =	stream.linear.gather [hbm4b:s5+s3], $0x7D0, $0x38;
	[tilespmem:$0xD000] =	vst v63  }
0xa: {  	_ =	swait.ge [sflag:s4], $0x7D0  }
0xb: {  	s7 =	simm.s32 $0x800;
	s8 =	simm.s32 $0x1;
	[sflag:s4] =	ssyncset.done $0x0  }
0xc: {  	s10 =	smul.u32 $0x7D00, s6;
	s6 =	simm.s32 $0x190;
	[sflag:s4] =	ssyncadd.s32 $0xFFFFF830  }
0xd: {  	[tilespmem:s7], [sflag:$0x1] =	stream.indirect.gather [hbm4b:s2+s6], $0x80, s3, s6, $0xb8;
	[tilespmem:$0xD000] =	vst v63  }
0xe: {  	_ =	swait.ge [sflag:s8], $0xC800  }
0xf: {  	s16 =	sadd.s32 s10, s9;
	[sflag:s8] =	ssyncset.done $0x0  }
0x10: {  	s9 =	sadd.s32 $0xCC200, s16;
	[sflag:s8] =	ssyncadd.s32 $0xFFFF3800  }
0x11: {  	[hbm4b:s9+s3] =	stream.linear.scatter [tilespmem:s7], [sflag:$0x2], $0xC800, $0x38;
	[tilespmem:$0xD000] =	vst v63  }
0x12: {  	_ =	swait.ge [sflag:s4], $0xC800  }
0x13: {  	[sflag:s4] =	ssyncset.done $0x0  }
0x14: {  	[sflag:s4] =	ssyncadd.s32 $0xFFFF3800  }
0x15: {  	[tilespmem:s7], [sflag:$0x1] =	stream.indirect.gather [hbm4b:s2+s6], $0x80, s6, s6, $0xb8;
	[tilespmem:$0xD000] =	vst v63  }
0x16: {  	_ =	swait.ge [sflag:s8], $0xC800  }
0x17: {  	[sflag:s8] =	ssyncset.done $0x0  }
0x18: {  	s10 =	sadd.s32 $0xCDB00, s16;
	[sflag:s8] =	ssyncadd.s32 $0xFFFF3800  }
0x19: {  	[hbm4b:s10+s3] =	stream.linear.scatter [tilespmem:s7], [sflag:$0x2], $0xC800, $0x38;
	[tilespmem:$0xD000] =	vst v63  }
0x1a: {  	_ =	swait.ge [sflag:s4], $0xC800  }
0x1b: {  	[sflag:s4] =	ssyncset.done $0x0  }
0x1c: {  	s11 =	simm.s32 $0x320;
	[sflag:s4] =	ssyncadd.s32 $0xFFFF3800  }
0x1d: {  	[tilespmem:s7], [sflag:$0x1] =	stream.indirect.gather [hbm4b:s2+s6], $0x80, s11, s6, $0xb8;
	[tilespmem:$0xD000] =	vst v63  }
0x1e: {  	_ =	swait.ge [sflag:s8], $0xC800  }
0x1f: {  	[sflag:s8] =	ssyncset.done $0x0  }
0x20: {  	s12 =	sadd.s32 $0xCF400, s16;
	[sflag:s8] =	ssyncadd.s32 $0xFFFF3800  }
0x21: {  	[hbm4b:s12+s3] =	stream.linear.scatter [tilespmem:s7], [sflag:$0x2], $0xC800, $0x38;
	[tilespmem:$0xD000] =	vst v63  }
0x22: {  	_ =	swait.ge [sflag:s4], $0xC800  }
0x23: {  	[sflag:s4] =	ssyncset.done $0x0  }
0x24: {  	s13 =	simm.s32 $0x4B0;
	[sflag:s4] =	ssyncadd.s32 $0xFFFF3800  }
0x25: {  	[tilespmem:s7], [sflag:$0x1] =	stream.indirect.gather [hbm4b:s2+s6], $0x80, s13, s6, $0xb8;
	[tilespmem:$0xD000] =	vst v63  }
0x26: {  	_ =	swait.ge [sflag:s8], $0xC800  }
0x27: {  	[sflag:s8] =	ssyncset.done $0x0  }
0x28: {  	s17 =	ssub.s32 $0x2, s15;
	s14 =	sadd.s32 $0xD0D00, s16;
	[sflag:s8] =	ssyncadd.s32 $0xFFFF3800  }
0x29: {  	[hbm4b:s14+s3] =	stream.linear.scatter [tilespmem:s7], [sflag:$0x2], $0xC800, $0x38;
	[tilespmem:$0xD000] =	vst v63  }
0x2a: {  	s18 =	sshrl.u32 s17, $0x1;
	_ =	swait.ge [sflag:s4], $0xC800  }
0x2b: {  	s17 =	ssub.s32 s17, s18;
	[sflag:s4] =	ssyncset.done $0x0  }
0x2c: {  	s15 =	simm.s32 $0x640;
	s17 =	smax.u32 s17, $0x1;
	[sflag:s4] =	ssyncadd.s32 $0xFFFF3800  }
0x2d: {  	[tilespmem:s7], [sflag:$0x1] =	stream.indirect.gather [hbm4b:s2+s6], $0x80, s15, s6, $0xb8;
	[tilespmem:$0xD000] =	vst v63  }
0x2e: {  	p0 =	sne.s32 s17, $0x1;
	_ =	swait.ge [sflag:s8], $0xC800  }
.Ltmp0:
0x2f: {  	[sflag:s8] =	ssyncset.done $0x0;
	(pc) =	sbr.rel @!p0 .LBB2_2-.Ltmp0, $4  }
0x30: {  	s16 =	sadd.s32 $0xD2600, s16;
	[sflag:s8] =	ssyncadd.s32 $0xFFFF3800  }
0x31: {  	[hbm4b:s16+s3] =	stream.linear.scatter [tilespmem:s7], [sflag:$0x2], $0xC800, $0x38;
	[tilespmem:$0xD000] =	vst v63  }
0x32: {  	_ =	swait.ge [sflag:s4], $0xC800  }
0x33: {  	s17 =	sadd.s32 $0xFFFFFFFF, s17;
	[sflag:s4] =	ssyncset.done $0x0  }
.LBB2_1:
0x34: {  	p0 =	sne.s32 s17, $0x1;
	s17 =	sadd.s32 $0xFFFFFFFF, s17;
	[sflag:s4] =	ssyncadd.s32 $0xFFFF3800  }
0x35: {  	[tilespmem:s3], [sflag:$0x2] =	stream.linear.gather [hbm4b:s5+s3], $0x7D0, $0x38;
	[tilespmem:$0xD000] =	vst v63  }
0x36: {  	_ =	swait.ge [sflag:s4], $0x7D0  }
0x37: {  	[sflag:s4] =	ssyncset.done $0x0  }
0x38: {  	[sflag:s4] =	ssyncadd.s32 $0xFFFFF830  }
0x39: {  	[tilespmem:s7], [sflag:$0x1] =	stream.indirect.gather [hbm4b:s2+s6], $0x80, s3, s6, $0xb8;
	[tilespmem:$0xD000] =	vst v63  }
0x3a: {  	_ =	swait.ge [sflag:s8], $0xC800  }
0x3b: {  	[sflag:s8] =	ssyncset.done $0x0  }
0x3c: {  	[sflag:s8] =	ssyncadd.s32 $0xFFFF3800  }
0x3d: {  	[hbm4b:s9+s3] =	stream.linear.scatter [tilespmem:s7], [sflag:$0x2], $0xC800, $0x38;
	[tilespmem:$0xD000] =	vst v63  }
0x3e: {  	_ =	swait.ge [sflag:s4], $0xC800  }
0x3f: {  	[sflag:s4] =	ssyncset.done $0x0  }
0x40: {  	[sflag:s4] =	ssyncadd.s32 $0xFFFF3800  }
0x41: {  	[tilespmem:s7], [sflag:$0x1] =	stream.indirect.gather [hbm4b:s2+s6], $0x80, s6, s6, $0xb8;
	[tilespmem:$0xD000] =	vst v63  }
0x42: {  	_ =	swait.ge [sflag:s8], $0xC800  }
0x43: {  	[sflag:s8] =	ssyncset.done $0x0  }
0x44: {  	[sflag:s8] =	ssyncadd.s32 $0xFFFF3800  }
0x45: {  	[hbm4b:s10+s3] =	stream.linear.scatter [tilespmem:s7], [sflag:$0x2], $0xC800, $0x38;
	[tilespmem:$0xD000] =	vst v63  }
0x46: {  	_ =	swait.ge [sflag:s4], $0xC800  }
0x47: {  	[sflag:s4] =	ssyncset.done $0x0  }
0x48: {  	[sflag:s4] =	ssyncadd.s32 $0xFFFF3800  }
0x49: {  	[tilespmem:s7], [sflag:$0x1] =	stream.indirect.gather [hbm4b:s2+s6], $0x80, s11, s6, $0xb8;
	[tilespmem:$0xD000] =	vst v63  }
0x4a: {  	_ =	swait.ge [sflag:s8], $0xC800  }
0x4b: {  	[sflag:s8] =	ssyncset.done $0x0  }
0x4c: {  	[sflag:s8] =	ssyncadd.s32 $0xFFFF3800  }
0x4d: {  	[hbm4b:s12+s3] =	stream.linear.scatter [tilespmem:s7], [sflag:$0x2], $0xC800, $0x38;
	[tilespmem:$0xD000] =	vst v63  }
0x4e: {  	_ =	swait.ge [sflag:s4], $0xC800  }
0x4f: {  	[sflag:s4] =	ssyncset.done $0x0  }
0x50: {  	[sflag:s4] =	ssyncadd.s32 $0xFFFF3800  }
0x51: {  	[tilespmem:s7], [sflag:$0x1] =	stream.indirect.gather [hbm4b:s2+s6], $0x80, s13, s6, $0xb8;
	[tilespmem:$0xD000] =	vst v63  }
0x52: {  	_ =	swait.ge [sflag:s8], $0xC800  }
0x53: {  	[sflag:s8] =	ssyncset.done $0x0  }
0x54: {  	[sflag:s8] =	ssyncadd.s32 $0xFFFF3800  }
0x55: {  	[hbm4b:s14+s3] =	stream.linear.scatter [tilespmem:s7], [sflag:$0x2], $0xC800, $0x38;
	[tilespmem:$0xD000] =	vst v63  }
0x56: {  	_ =	swait.ge [sflag:s4], $0xC800  }
0x57: {  	[sflag:s4] =	ssyncset.done $0x0  }
0x58: {  	[sflag:s4] =	ssyncadd.s32 $0xFFFF3800  }
0x59: {  	[tilespmem:s7], [sflag:$0x1] =	stream.indirect.gather [hbm4b:s2+s6], $0x80, s15, s6, $0xb8;
	[tilespmem:$0xD000] =	vst v63  }
0x5a: {  	_ =	swait.ge [sflag:s8], $0xC800  }
.Ltmp1:
0x5b: {  	[sflag:s8] =	ssyncset.done $0x0;
	(pc) =	sbr.rel @p0 .LBB2_1-.Ltmp1, $4  }
0x5c: {  	[sflag:s8] =	ssyncadd.s32 $0xFFFF3800  }
0x5d: {  	[hbm4b:s16+s3] =	stream.linear.scatter [tilespmem:s7], [sflag:$0x2], $0xC800, $0x38;
	[tilespmem:$0xD000] =	vst v63  }
0x5e: {  	_ =	swait.ge [sflag:s4], $0xC800  }
0x5f: {  	[sflag:s4] =	ssyncset.done $0x0  }
.LBB2_2:
0x60: {  	[sflag:s4] =	ssyncadd.s32 $0xFFFF3800  }
0x61: {  	_ =	sfence.sel $0x180000  }
0x62: {  	[bflag:$0x0] =	sbarrier.arrive $0xFFFF  }
0x63: {  	p0 =	sne.s32 s0, $0x0;
	_ =	strace $0x90000056  }
0x64: {  	s0 =	sadd.s32 @!p0 $0x100000, s1;
	[bflag:$0x2] =	sbarrier.arrive $0xFFFF  }
0x65: {  	[sflag:s0] =	ssyncadd.tile.s32 @!p0 $0x1;
	_ =	shalt  }
.Lfunc_end2:
_tile_overlayer_lowered:
.L_overlay_start_2:
0x66: {  	(tag) =	ssettag $0x2  }
0x67: {  	s0 =	rddreg [dreg:$0x0];
	s2 =	stileid.u32  }
0x68: {  	s1 =	rddreg [dreg:$0x1];
	p0 =	sne.s32 s2, $0x0  }
0x69: {  	s3 =	rddreg [dreg:$0x2];
	[bflag:$0x3] =	sbarrier.arrive $0xFFFF;
	s2 =	simm.s32 @!p0 $0x1C02  }
0x6a: {  	[timem:s3], [sflag:s2] =	dma.local @!p0 [hbm:s0], s1  }
0x6b: {  	s0 =	simm.s32 @!p0 $0x2  }
0x6c: {  	_ =	swait.ge @!p0 [sflag:s0], s1  }
0x6d: {  	s1 =	ssub.s32 @!p0 $0x0, s1;
	[sflag:s0] =	ssyncset.done @!p0 $0x0  }
0x6e: {  	[sflag:s0] =	ssyncadd.s32 @!p0 s1  }
0x6f: {  	[bflag:$0x3] =	sbarrier.arrive $0xFFFF  }
0x70: {  	_ =	shalt  }

// kernel: kernel.27.cloned.1.call-start
scs
__scs_entry_jumppad:
0x0: {  	(pc) =	sbr.rel $0x88, $3  }
0x1: {  	(tag) =	ssettag $0x0;
	lr =	simm.s32 $0x1  }
0x2: {  	[smem:$0x3F9A] =	sst lr;
	_ =	strace $0xD0000000  }
0x3: {  	_ = 	snop  }
0x4: {  	_ = 	snop  }
0x5: {  	_ = 	snop  }
0x6: {  	_ = 	snop  }
0x7: {  	_ = 	snop  }
__scs_overlays_trampoline_lowered:
0x8: {  	[smem:$0x3FA9] =	sst s0  }
0x9: {  	[smem:$0x3FAA] =	sst s1  }
0xa: {  	[smem:$0x3FAB] =	sst s2  }
0xb: {  	[smem:$0x3FAC] =	sst s3  }
0xc: {  	[smem:$0x3FAD] =	sst s4  }
0xd: {  	[smem:$0x3FAE] =	sst s5  }
0xe: {  	[smem:$0x3FAF] =	sst s6  }
0xf: {  	[smem:$0x3FB0] =	sst s7  }
0x10: {  	[smem:$0x3FB1] =	sst s8  }
0x11: {  	[smem:$0x3FB2] =	sst s9;
	s0 =	simm.s32 @!p0 $0x0  }
0x12: {  	s1 =	sld [smem:$0x3F98];
	s0 =	simm.s32 @p0 $0x1  }
0x13: {  	[smem:$0x3FB3] =	sst s0;
	s0 =	simm.s32 @!p1 $0x0  }
0x14: {  	s2 =	sld [smem:$0x3F97];
	s0 =	simm.s32 @p1 $0x1  }
0x15: {  	[smem:$0x3FB4] =	sst s0;
	s0 =	simm.s32 @!p2 $0x0  }
0x16: {  	s3 =	sld [smem:$0x3FDB];
	s0 =	simm.s32 @p2 $0x1  }
0x17: {  	s4 =	simm.s32 $0x1BF5;
	[smem:$0x3FB6] =	sst s0  }
0x18: {  	s0 =	sld [smem:$0x3F99];
	_ =	swait.ge [sflag:s4], $0x0  }
0x19: {  	s7 =	sld [smem:$0x3F9A]  }
0x1a: {  	s8 =	sadd.s32 $0xFFFFE003, lr  }
0x1b: {  	s9 =	sadd.s32 $0xFFFFFEF7, lr;
	s5 =	simm.s32 $0xFFFFFFFF;
	p2 =	slt.u32 s8, $0xFFFFF086  }
0x1c: {  	p1 =	slt.u32 s9, $0xF7A;
	s5 =	simm.s32 @!p2 $0x0  }
0x1d: {  	s5 =	simm.s32 @p1 $0x1;
	p0 =	seq.s32 s7, s2  }
0x1e: {  	s7 =	smul.u32 @!p0 $0xF7A, s2;
	p2 =	seq.s32 @!p0 s5, $0x0  }
0x1f: {  	s9 =	smul.u32 $0xF7A, s1;
	s8 =	simm.s32 @!p0 $0x1BF5;
	p2 =	por !p2, p0  }
0x20: {  	[sflag:s8] =	ssyncset.s32 @!p0 $0xFFFFF086;
	s6 =	sadd.s32 @!p0 s3, s7;
	s7 =	simm.s32 @!p0 $0x108  }
0x21: {  	s3 =	sadd.s32 s3, s9;
	s6 =	sadd.s32 @!p0 $0x88, s6;
	s7 =	simm.s32 @p2 $0x1082  }
0x22: {  	[simem:s7], [sflag:s8] =	dma.local @!p0 [hbm:s6], $0xF7A  }
0x23: {  	s9 =	sor.u32 $0xD0000000, s2;
	s6 =	simm.s32 $0x108;
	_ =	swait.ge @!p0 [sflag:s8], $0x0  }
0x24: {  	s3 =	sadd.s32 $0x88, s3;
	s6 =	simm.s32 @!p1 $0x1082;
	[sflag:s4] =	ssyncset.s32 $0xFFFFF086  }
0x25: {  	[simem:s6], [sflag:s4] =	dma.local [hbm:s3], $0xF7A  }
0x26: {  	[smem:$0x3F9A] =	sst s1;
	(tag) =	ssettag s2;
	_ =	strace s9  }
0x27: {  	s1 =	sld [smem:$0x3FAA]  }
0x28: {  	s2 =	sld [smem:$0x3FAB]  }
0x29: {  	s4 =	sld [smem:$0x3FAD]  }
0x2a: {  	p0 =	seq.s32 s5, $0x0;
	s5 =	sld [smem:$0x3FAE]  }
0x2b: {  	s6 =	sld [smem:$0x3FAF]  }
0x2c: {  	s7 =	sld [smem:$0x3FB0]  }
0x2d: {  	s3 =	simm.s32 $0x108;
	s8 =	sld [smem:$0x3FB1]  }
0x2e: {  	s3 =	simm.s32 @!p0 $0x1082;
	s9 =	sld [smem:$0x3FB2]  }
0x2f: {  	lr =	sadd.s32 s0, s3;
	s0 =	sld [smem:$0x3FA9]  }
0x30: {  	s3 =	sld [smem:$0x3FAC]  }
0x31: {  	[smem:$0x3FB5] =	sst s10  }
0x32: {  	s10 =	sld [smem:$0x3FB3];
	_ =	sdelay $0x3  }
0x33: {  	p0 =	seq.s32 s10, $0x1;
	s10 =	sld [smem:$0x3FB5];
	_ =	sdelay $0x3  }
0x34: {  	[smem:$0x3FB5] =	sst s10  }
0x35: {  	s10 =	sld [smem:$0x3FB4];
	_ =	sdelay $0x3  }
0x36: {  	p1 =	seq.s32 s10, $0x1;
	s10 =	sld [smem:$0x3FB5];
	_ =	sdelay $0x3  }
0x37: {  	[smem:$0x3FB5] =	sst s10  }
0x38: {  	s10 =	sld [smem:$0x3FB6]  }
0x39: {  	_ = 	snop;
	(pc) =	sbr.ind lr, $3  }
0x3a: {  	_ = 	snop  }
0x3b: {  	_ = 	snop  }
0x3c: {  	p2 =	seq.s32 s10, $0x1;
	s10 =	sld [smem:$0x3FB5]  }
0x3d: {  	_ =	shalt  }
0x3e: {  	_ =	shalt  }
0x3f: {  	_ =	shalt  }
0x40: {  	_ =	shalt  }
0x41: {  	_ =	shalt  }
0x42: {  	_ =	shalt  }
0x43: {  	_ =	shalt  }
0x44: {  	_ =	shalt  }
0x45: {  	_ =	shalt  }
0x46: {  	_ =	shalt  }
0x47: {  	_ =	shalt  }
0x48: {  	_ =	shalt  }
0x49: {  	_ =	shalt  }
0x4a: {  	_ =	shalt  }
0x4b: {  	_ =	shalt  }
0x4c: {  	_ =	shalt  }
0x4d: {  	_ =	shalt  }
0x4e: {  	_ =	shalt  }
0x4f: {  	_ =	shalt  }
0x50: {  	_ =	shalt  }
0x51: {  	_ =	shalt  }
0x52: {  	_ =	shalt  }
0x53: {  	_ =	shalt  }
0x54: {  	_ =	shalt  }
0x55: {  	_ =	shalt  }
0x56: {  	_ =	shalt  }
0x57: {  	_ =	shalt  }
0x58: {  	_ =	shalt  }
0x59: {  	_ =	shalt  }
0x5a: {  	_ =	shalt  }
0x5b: {  	_ =	shalt  }
0x5c: {  	_ =	shalt  }
0x5d: {  	_ =	shalt  }
0x5e: {  	_ =	shalt  }
0x5f: {  	_ =	shalt  }
0x60: {  	_ =	shalt  }
0x61: {  	_ =	shalt  }
0x62: {  	_ =	shalt  }
0x63: {  	_ =	shalt  }
0x64: {  	_ =	shalt  }
0x65: {  	_ =	shalt  }
0x66: {  	_ =	shalt  }
0x67: {  	_ =	shalt  }
0x68: {  	_ =	shalt  }
0x69: {  	_ =	shalt  }
0x6a: {  	_ =	shalt  }
0x6b: {  	_ =	shalt  }
0x6c: {  	_ =	shalt  }
0x6d: {  	_ =	shalt  }
0x6e: {  	_ =	shalt  }
0x6f: {  	_ =	shalt  }
0x70: {  	_ =	shalt  }
0x71: {  	_ =	shalt  }
0x72: {  	_ =	shalt  }
0x73: {  	_ =	shalt  }
0x74: {  	_ =	shalt  }
0x75: {  	_ =	shalt  }
0x76: {  	_ =	shalt  }
0x77: {  	_ =	shalt  }
0x78: {  	_ =	shalt  }
0x79: {  	_ =	shalt  }
0x7a: {  	_ =	shalt  }
0x7b: {  	_ =	shalt  }
0x7c: {  	_ =	shalt  }
0x7d: {  	_ =	shalt  }
0x7e: {  	_ =	shalt  }
0x7f: {  	_ =	shalt  }
0x80: {  	_ =	shalt  }
0x81: {  	_ =	shalt  }
0x82: {  	_ =	shalt  }
0x83: {  	_ =	shalt  }
0x84: {  	_ =	shalt  }
0x85: {  	_ =	shalt  }
0x86: {  	_ =	shalt  }
0x87: {  	_ =	shalt  }
.Lfunc_end0:
.L_simem_size_0:
called_computation.3_lowered:
.L_overlay_start_0:
0x88: {  	s2 =	sld [smem:$0x3FD9]  }
0x89: {  	s3 =	sld [smem:$0x3FFE];
	_ =	sdelay $0x1  }
0x8a: {  	s1 =	srdreg.scid  }
0x8b: {  	s0 =	sand.u32 $0x1, s1  }
0x8c: {  	s17 =	sshll.u32 s0, $0xA;
	s2 =	sadd.s32 s3, s2  }
0x8d: {  	s2 =	sadd.s32 s2, s17  }
0x8e: {  	[smem:$0x3FC1] =	sst s2  }
0x8f: {  	_ = 	snop  }
0x90: {  	s2 =	sld [smem:$0x3FD0];
	(tm) =	ssettm $0x1  }
0x91: {  	s18 =	sld [smem:$0x3FFB];
	_ =	sdelay $0x3  }
0x92: {  	_ =	strace s18  }
0x93: {  	s3 =	sld [smem:$0x3FFC];
	_ =	sdelay $0x3  }
0x94: {  	_ =	strace s3  }
0x95: {  	s3 =	sld [smem:$0x3FFD];
	_ =	sdelay $0x3  }
0x96: {  	_ =	strace s3  }
0x97: {  	_ =	strace $0x8FFFFFFF  }
0x98: {  	s19 =	sld [smem:$0x3FDB];
	_ =	sdelay $0x1  }
0x99: {  	s4 =	simm.s32 $_scs_section_size  }
0x9a: {  	s5 =	simm.s32 $_size__tile_overlayer_lowered;
	s6 =	simm.s32 $_tile_overlayer_lowered  }
0x9b: {  	s22 =	simm.s32 $0x1BFF;
	s21 =	sshll.u32 s6, $0x1;
	s3 =	sadd.s32 s4, s19  }
0x9c: {  	s7 =	simm.s32 $0x0;
	s20 =	sshll.u32 s5, $0x1;
	s5 =	sadd.s32 s21, s3  }
0x9d: {  	[timem:s7], [sflag:s22] =	dma.local [hbm:s5], s20  }
0x9e: {  	_ =	swait.ge [sflag:s22], s20  }
0x9f: {  	s4 =	ssub.s32 $0x0, s20;
	[sflag:s22] =	ssyncset.done $0x0  }
0xa0: {  	[sflag:s22] =	ssyncadd.s32 s4;
	_ =	sdelay $0x1  }
0xa1: {  	s23 =	simm.s32 $0x1B8B  }
0xa2: {  	_ =	swait.ge [sflag:s23], $0x1  }
0xa3: {  	[sflag:s23] =	ssyncset.done $0x0  }
0xa4: {  	s25 =	simm.s32 $0x1B8E;
	s24 =	sld [smem:$0x3FFE];
	[sflag:s23] =	ssyncadd.s32 $0xFFFFFFFF  }
0xa5: {  	s26 =	simm.s32 $execute0_lowered;
	[smem:$0x3FD2] =	sst s25  }
0xa6: {  	s5 =	sshll.u32 s26, $0x1;
	_ =	strace $0x80000046;
	[dreg:$0x1] =	wrdreg $0xFFFFFFFF  }
0xa7: {  	s28 =	simm.s32 $_size_execute0_lowered;
	s3 =	sadd.s32 s3, s5;
	[dreg:$0x0] =	wrdreg $0x0  }
0xa8: {  	s5 =	sshll.u32 s28, $0x1;
	[dreg:$0x2] =	wrdreg s3  }
0xa9: {  	[dreg:$0x3] =	wrdreg s5  }
0xaa: {  	[dreg:$0x4] =	wrdreg $0xC0  }
0xab: {  	_ =	task [dreg:s7], $0x5FFFF  }
0xac: {  	[dreg:$0x1] =	wrdreg $0xFFFFFFFF  }
0xad: {  	[dreg:$0x0] =	wrdreg $0x60  }
0xae: {  	[dreg:$0x2] =	wrdreg s24  }
0xaf: {  	[dreg:$0x3] =	wrdreg s2  }
0xb0: {  	[dreg:$0x4] =	wrdreg $0xC  }
0xb1: {  	_ =	task.clear_ibuf [dreg:s7], $0x5FFFF;
	_ =	strace $0x90000046  }
0xb2: {  	s29 =	simm.s32 $0xC;
	_ =	strace $0x80000048  }
0xb3: {  	_ =	swait.ge [sflag:s29], $0x1  }
0xb4: {  	[sflag:s29] =	ssyncadd.s32 $0xFFFFFFFF  }
0xb5: {  	_ =	strace $0x90000048  }
0xb6: {  	_ =	sfence  }
0xb7: {  	s30 =	sld [smem:$0x0];
	_ =	sdelay $0x2  }
0xb8: {  	s31 =	sshll.u32 s1, $0xD;
	s1 =	sshrl.u32 s1, $0x2  }
0xb9: {  	s3 =	sand.u32 $0x4000, s31;
	s1 =	sadd.s32 s1, s30  }
0xba: {  	s0 =	sor.u32 s3, s0;
	s1 =	sshll.u32 s1, $0x11  }
0xbb: {  	s0 =	sor.u32 s1, s0  }
0xbc: {  	s0 =	sadd.s32 $0x8F2B, s0  }
0xbd: {  	[sflag:s0] =	ssyncadd.remote.s32 $0x1  }
0xbe: {  	_ =	sfence.sel $0xFFFF  }
0xbf: {  	[dreg:$0x0] =	wrdreg $0xFFFFFFFF;
	(pc) =	sbr.abs _section_cstart, $3  }
0xc0: {  	[dreg:$0x1] =	wrdreg $0xFFFFFFFF  }
0xc1: {  	_ =	task.clear_ibuf [dreg:s7], $0x2FFFF;
	_ =	strace $0x9FFFFFFF  }
0xc2: {  	(tm) =	ssettm $0x7FFFFFFF  }
0xc3: {  	_ =	shalt  }
tec
execute0_lowered:
.L_overlay_start_1:
0x0: {  	(tag) =	ssettag $0x1  }
0x1: {  	s1 =	srdreg.scid;
	s0 =	stileid.u32  }
0x2: {  	s15 =	sand.u32 $0x1, s1;
	s31 =	sshll.u32 s0, $0x1  }
0x3: {  	s6 =	sor.u32 s15, s31  }
0x4: {  	s9 =	rddreg [dreg:$0x0];
	s3 =	smul.u32 $0x7D0, s6  }
0x5: {  	s4 =	rddreg [dreg:$0x1]  }
0x6: {  	s2 =	simm.s32 $0x0;
	s1 =	rddreg [dreg:$0x2];
	s3 =	sshrl.u32 s3, $0x3  }
0x7: {  	[smem:$0x7FF] =	sst s2;
	s3 =	sadd.s32 s4, s3  }
0x8: {  	_ =	strace $0x80000047;
	s4 =	sadd.s32 $0x1F40, s3;
	s3 =	simm.s32 $0x2  }
0x9: {  	[tilespmem:s2], [sflag:$0x2] =	stream.linear.gather [hbm4b:s4+s2], $0x7D0, $0x38;
	[tilespmem:$0x20D0] =	vst v63  }
0xa: {  	s7 =	simm.s32 $0x7D0;
	_ =	swait.ge [sflag:s3], $0x7D0  }
0xb: {  	s8 =	simm.s32 $0x1;
	s5 =	sadd.s32 $0x2AE00, s9;
	[sflag:s3] =	ssyncset.done $0x0  }
0xc: {  	s10 =	smul.u32 $0xFA0, s6;
	s6 =	simm.s32 $0x190;
	[sflag:s3] =	ssyncadd.s32 $0xFFFFF830  }
0xd: {  	[tilespmem:s7], [sflag:$0x1] =	stream.indirect.gather [hbm4b:s5+s6], $0x10, s2, s6, $0xb8;
	[tilespmem:$0x20D0] =	vst v63  }
0xe: {  	_ =	swait.ge [sflag:s8], $0x1900  }
0xf: {  	s16 =	sadd.s32 s10, s9;
	[sflag:s8] =	ssyncset.done $0x0  }
0x10: {  	s9 =	sadd.s32 $0x2FE00, s16;
	[sflag:s8] =	ssyncadd.s32 $0xFFFFE700  }
0x11: {  	[hbm4b:s9+s2] =	stream.linear.scatter [tilespmem:s7], [sflag:$0x2], $0x1900, $0x38;
	[tilespmem:$0x20D0] =	vst v63  }
0x12: {  	_ =	swait.ge [sflag:s3], $0x1900  }
0x13: {  	[sflag:s3] =	ssyncset.done $0x0  }
0x14: {  	[sflag:s3] =	ssyncadd.s32 $0xFFFFE700  }
0x15: {  	[tilespmem:s7], [sflag:$0x1] =	stream.indirect.gather [hbm4b:s5+s6], $0x10, s6, s6, $0xb8;
	[tilespmem:$0x20D0] =	vst v63  }
0x16: {  	_ =	swait.ge [sflag:s8], $0x1900  }
0x17: {  	[sflag:s8] =	ssyncset.done $0x0  }
0x18: {  	s10 =	sadd.s32 $0x30120, s16;
	[sflag:s8] =	ssyncadd.s32 $0xFFFFE700  }
0x19: {  	[hbm4b:s10+s2] =	stream.linear.scatter [tilespmem:s7], [sflag:$0x2], $0x1900, $0x38;
	[tilespmem:$0x20D0] =	vst v63  }
0x1a: {  	_ =	swait.ge [sflag:s3], $0x1900  }
0x1b: {  	[sflag:s3] =	ssyncset.done $0x0  }
0x1c: {  	s11 =	simm.s32 $0x320;
	[sflag:s3] =	ssyncadd.s32 $0xFFFFE700  }
0x1d: {  	[tilespmem:s7], [sflag:$0x1] =	stream.indirect.gather [hbm4b:s5+s6], $0x10, s11, s6, $0xb8;
	[tilespmem:$0x20D0] =	vst v63  }
0x1e: {  	_ =	swait.ge [sflag:s8], $0x1900  }
0x1f: {  	[sflag:s8] =	ssyncset.done $0x0  }
0x20: {  	s12 =	sadd.s32 $0x30440, s16;
	[sflag:s8] =	ssyncadd.s32 $0xFFFFE700  }
0x21: {  	[hbm4b:s12+s2] =	stream.linear.scatter [tilespmem:s7], [sflag:$0x2], $0x1900, $0x38;
	[tilespmem:$0x20D0] =	vst v63  }
0x22: {  	_ =	swait.ge [sflag:s3], $0x1900  }
0x23: {  	[sflag:s3] =	ssyncset.done $0x0  }
0x24: {  	s13 =	simm.s32 $0x4B0;
	[sflag:s3] =	ssyncadd.s32 $0xFFFFE700  }
0x25: {  	[tilespmem:s7], [sflag:$0x1] =	stream.indirect.gather [hbm4b:s5+s6], $0x10, s13, s6, $0xb8;
	[tilespmem:$0x20D0] =	vst v63  }
0x26: {  	_ =	swait.ge [sflag:s8], $0x1900  }
0x27: {  	[sflag:s8] =	ssyncset.done $0x0  }
0x28: {  	s17 =	ssub.s32 $0x2, s15;
	s14 =	sadd.s32 $0x30760, s16;
	[sflag:s8] =	ssyncadd.s32 $0xFFFFE700  }
0x29: {  	[hbm4b:s14+s2] =	stream.linear.scatter [tilespmem:s7], [sflag:$0x2], $0x1900, $0x38;
	[tilespmem:$0x20D0] =	vst v63  }
0x2a: {  	s18 =	sshrl.u32 s17, $0x1;
	_ =	swait.ge [sflag:s3], $0x1900  }
0x2b: {  	s17 =	ssub.s32 s17, s18;
	[sflag:s3] =	ssyncset.done $0x0  }
0x2c: {  	s15 =	simm.s32 $0x640;
	s17 =	smax.u32 s17, $0x1;
	[sflag:s3] =	ssyncadd.s32 $0xFFFFE700  }
0x2d: {  	[tilespmem:s7], [sflag:$0x1] =	stream.indirect.gather [hbm4b:s5+s6], $0x10, s15, s6, $0xb8;
	[tilespmem:$0x20D0] =	vst v63  }
0x2e: {  	p0 =	sne.s32 s17, $0x1;
	_ =	swait.ge [sflag:s8], $0x1900  }
.Ltmp0:
0x2f: {  	[sflag:s8] =	ssyncset.done $0x0;
	(pc) =	sbr.rel @!p0 .LBB2_2-.Ltmp0, $4  }
0x30: {  	s16 =	sadd.s32 $0x30A80, s16;
	[sflag:s8] =	ssyncadd.s32 $0xFFFFE700  }
0x31: {  	[hbm4b:s16+s2] =	stream.linear.scatter [tilespmem:s7], [sflag:$0x2], $0x1900, $0x38;
	[tilespmem:$0x20D0] =	vst v63  }
0x32: {  	_ =	swait.ge [sflag:s3], $0x1900  }
0x33: {  	s17 =	sadd.s32 $0xFFFFFFFF, s17;
	[sflag:s3] =	ssyncset.done $0x0  }
.LBB2_1:
0x34: {  	p0 =	sne.s32 s17, $0x1;
	s17 =	sadd.s32 $0xFFFFFFFF, s17;
	[sflag:s3] =	ssyncadd.s32 $0xFFFFE700  }
0x35: {  	[tilespmem:s2], [sflag:$0x2] =	stream.linear.gather [hbm4b:s4+s2], $0x7D0, $0x38;
	[tilespmem:$0x20D0] =	vst v63  }
0x36: {  	_ =	swait.ge [sflag:s3], $0x7D0  }
0x37: {  	[sflag:s3] =	ssyncset.done $0x0  }
0x38: {  	[sflag:s3] =	ssyncadd.s32 $0xFFFFF830  }
0x39: {  	[tilespmem:s7], [sflag:$0x1] =	stream.indirect.gather [hbm4b:s5+s6], $0x10, s2, s6, $0xb8;
	[tilespmem:$0x20D0] =	vst v63  }
0x3a: {  	_ =	swait.ge [sflag:s8], $0x1900  }
0x3b: {  	[sflag:s8] =	ssyncset.done $0x0  }
0x3c: {  	[sflag:s8] =	ssyncadd.s32 $0xFFFFE700  }
0x3d: {  	[hbm4b:s9+s2] =	stream.linear.scatter [tilespmem:s7], [sflag:$0x2], $0x1900, $0x38;
	[tilespmem:$0x20D0] =	vst v63  }
0x3e: {  	_ =	swait.ge [sflag:s3], $0x1900  }
0x3f: {  	[sflag:s3] =	ssyncset.done $0x0  }
0x40: {  	[sflag:s3] =	ssyncadd.s32 $0xFFFFE700  }
0x41: {  	[tilespmem:s7], [sflag:$0x1] =	stream.indirect.gather [hbm4b:s5+s6], $0x10, s6, s6, $0xb8;
	[tilespmem:$0x20D0] =	vst v63  }
0x42: {  	_ =	swait.ge [sflag:s8], $0x1900  }
0x43: {  	[sflag:s8] =	ssyncset.done $0x0  }
0x44: {  	[sflag:s8] =	ssyncadd.s32 $0xFFFFE700  }
0x45: {  	[hbm4b:s10+s2] =	stream.linear.scatter [tilespmem:s7], [sflag:$0x2], $0x1900, $0x38;
	[tilespmem:$0x20D0] =	vst v63  }
0x46: {  	_ =	swait.ge [sflag:s3], $0x1900  }
0x47: {  	[sflag:s3] =	ssyncset.done $0x0  }
0x48: {  	[sflag:s3] =	ssyncadd.s32 $0xFFFFE700  }
0x49: {  	[tilespmem:s7], [sflag:$0x1] =	stream.indirect.gather [hbm4b:s5+s6], $0x10, s11, s6, $0xb8;
	[tilespmem:$0x20D0] =	vst v63  }
0x4a: {  	_ =	swait.ge [sflag:s8], $0x1900  }
0x4b: {  	[sflag:s8] =	ssyncset.done $0x0  }
0x4c: {  	[sflag:s8] =	ssyncadd.s32 $0xFFFFE700  }
0x4d: {  	[hbm4b:s12+s2] =	stream.linear.scatter [tilespmem:s7], [sflag:$0x2], $0x1900, $0x38;
	[tilespmem:$0x20D0] =	vst v63  }
0x4e: {  	_ =	swait.ge [sflag:s3], $0x1900  }
0x4f: {  	[sflag:s3] =	ssyncset.done $0x0  }
0x50: {  	[sflag:s3] =	ssyncadd.s32 $0xFFFFE700  }
0x51: {  	[tilespmem:s7], [sflag:$0x1] =	stream.indirect.gather [hbm4b:s5+s6], $0x10, s13, s6, $0xb8;
	[tilespmem:$0x20D0] =	vst v63  }
0x52: {  	_ =	swait.ge [sflag:s8], $0x1900  }
0x53: {  	[sflag:s8] =	ssyncset.done $0x0  }
0x54: {  	[sflag:s8] =	ssyncadd.s32 $0xFFFFE700  }
0x55: {  	[hbm4b:s14+s2] =	stream.linear.scatter [tilespmem:s7], [sflag:$0x2], $0x1900, $0x38;
	[tilespmem:$0x20D0] =	vst v63  }
0x56: {  	_ =	swait.ge [sflag:s3], $0x1900  }
0x57: {  	[sflag:s3] =	ssyncset.done $0x0  }
0x58: {  	[sflag:s3] =	ssyncadd.s32 $0xFFFFE700  }
0x59: {  	[tilespmem:s7], [sflag:$0x1] =	stream.indirect.gather [hbm4b:s5+s6], $0x10, s15, s6, $0xb8;
	[tilespmem:$0x20D0] =	vst v63  }
0x5a: {  	_ =	swait.ge [sflag:s8], $0x1900  }
.Ltmp1:
0x5b: {  	[sflag:s8] =	ssyncset.done $0x0;
	(pc) =	sbr.rel @p0 .LBB2_1-.Ltmp1, $4  }
0x5c: {  	[sflag:s8] =	ssyncadd.s32 $0xFFFFE700  }
0x5d: {  	[hbm4b:s16+s2] =	stream.linear.scatter [tilespmem:s7], [sflag:$0x2], $0x1900, $0x38;
	[tilespmem:$0x20D0] =	vst v63  }
0x5e: {  	_ =	swait.ge [sflag:s3], $0x1900  }
0x5f: {  	[sflag:s3] =	ssyncset.done $0x0  }
.LBB2_2:
0x60: {  	[sflag:s3] =	ssyncadd.s32 $0xFFFFE700  }
0x61: {  	_ =	sfence.sel $0x180000  }
0x62: {  	[bflag:$0x0] =	sbarrier.arrive $0xFFFF  }
0x63: {  	p0 =	sne.s32 s0, $0x0;
	_ =	strace $0x90000047  }
0x64: {  	s0 =	sadd.s32 @!p0 $0x100000, s1;
	[bflag:$0x2] =	sbarrier.arrive $0xFFFF  }
0x65: {  	[sflag:s0] =	ssyncadd.tile.s32 @!p0 $0x1;
	_ =	shalt  }
.Lfunc_end2:
_tile_overlayer_lowered:
.L_overlay_start_2:
0x66: {  	(tag) =	ssettag $0x2  }
0x67: {  	s0 =	rddreg [dreg:$0x0];
	s2 =	stileid.u32  }
0x68: {  	s1 =	rddreg [dreg:$0x1];
	p0 =	sne.s32 s2, $0x0  }
0x69: {  	s3 =	rddreg [dreg:$0x2];
	[bflag:$0x3] =	sbarrier.arrive $0xFFFF;
	s2 =	simm.s32 @!p0 $0x1C02  }
0x6a: {  	[timem:s3], [sflag:s2] =	dma.local @!p0 [hbm:s0], s1  }
0x6b: {  	s0 =	simm.s32 @!p0 $0x2  }
0x6c: {  	_ =	swait.ge @!p0 [sflag:s0], s1  }
0x6d: {  	s1 =	ssub.s32 @!p0 $0x0, s1;
	[sflag:s0] =	ssyncset.done @!p0 $0x0  }
0x6e: {  	[sflag:s0] =	ssyncadd.s32 @!p0 s1  }
0x6f: {  	[bflag:$0x3] =	sbarrier.arrive $0xFFFF  }
0x70: {  	_ =	shalt  }

// kernel: kernel.30.cloned.1.call-start
scs
__scs_entry_jumppad:
0x0: {  	(pc) =	sbr.rel $0x88, $3  }
0x1: {  	(tag) =	ssettag $0x0;
	lr =	simm.s32 $0x1  }
0x2: {  	[smem:$0x3F9A] =	sst lr;
	_ =	strace $0xD0000000  }
0x3: {  	_ = 	snop  }
0x4: {  	_ = 	snop  }
0x5: {  	_ = 	snop  }
0x6: {  	_ = 	snop  }
0x7: {  	_ = 	snop  }
__scs_overlays_trampoline_lowered:
0x8: {  	[smem:$0x3FA9] =	sst s0  }
0x9: {  	[smem:$0x3FAA] =	sst s1  }
0xa: {  	[smem:$0x3FAB] =	sst s2  }
0xb: {  	[smem:$0x3FAC] =	sst s3  }
0xc: {  	[smem:$0x3FAD] =	sst s4  }
0xd: {  	[smem:$0x3FAE] =	sst s5  }
0xe: {  	[smem:$0x3FAF] =	sst s6  }
0xf: {  	[smem:$0x3FB0] =	sst s7  }
0x10: {  	[smem:$0x3FB1] =	sst s8  }
0x11: {  	[smem:$0x3FB2] =	sst s9;
	s0 =	simm.s32 @!p0 $0x0  }
0x12: {  	s1 =	sld [smem:$0x3F98];
	s0 =	simm.s32 @p0 $0x1  }
0x13: {  	[smem:$0x3FB3] =	sst s0;
	s0 =	simm.s32 @!p1 $0x0  }
0x14: {  	s2 =	sld [smem:$0x3F97];
	s0 =	simm.s32 @p1 $0x1  }
0x15: {  	[smem:$0x3FB4] =	sst s0;
	s0 =	simm.s32 @!p2 $0x0  }
0x16: {  	s3 =	sld [smem:$0x3FDB];
	s0 =	simm.s32 @p2 $0x1  }
0x17: {  	s4 =	simm.s32 $0x1BF5;
	[smem:$0x3FB6] =	sst s0  }
0x18: {  	s0 =	sld [smem:$0x3F99];
	_ =	swait.ge [sflag:s4], $0x0  }
0x19: {  	s7 =	sld [smem:$0x3F9A]  }
0x1a: {  	s8 =	sadd.s32 $0xFFFFE003, lr  }
0x1b: {  	s9 =	sadd.s32 $0xFFFFFEF7, lr;
	s5 =	simm.s32 $0xFFFFFFFF;
	p2 =	slt.u32 s8, $0xFFFFF086  }
0x1c: {  	p1 =	slt.u32 s9, $0xF7A;
	s5 =	simm.s32 @!p2 $0x0  }
0x1d: {  	s5 =	simm.s32 @p1 $0x1;
	p0 =	seq.s32 s7, s2  }
0x1e: {  	s7 =	smul.u32 @!p0 $0xF7A, s2;
	p2 =	seq.s32 @!p0 s5, $0x0  }
0x1f: {  	s9 =	smul.u32 $0xF7A, s1;
	s8 =	simm.s32 @!p0 $0x1BF5;
	p2 =	por !p2, p0  }
0x20: {  	[sflag:s8] =	ssyncset.s32 @!p0 $0xFFFFF086;
	s6 =	sadd.s32 @!p0 s3, s7;
	s7 =	simm.s32 @!p0 $0x108  }
0x21: {  	s3 =	sadd.s32 s3, s9;
	s6 =	sadd.s32 @!p0 $0x88, s6;
	s7 =	simm.s32 @p2 $0x1082  }
0x22: {  	[simem:s7], [sflag:s8] =	dma.local @!p0 [hbm:s6], $0xF7A  }
0x23: {  	s9 =	sor.u32 $0xD0000000, s2;
	s6 =	simm.s32 $0x108;
	_ =	swait.ge @!p0 [sflag:s8], $0x0  }
0x24: {  	s3 =	sadd.s32 $0x88, s3;
	s6 =	simm.s32 @!p1 $0x1082;
	[sflag:s4] =	ssyncset.s32 $0xFFFFF086  }
0x25: {  	[simem:s6], [sflag:s4] =	dma.local [hbm:s3], $0xF7A  }
0x26: {  	[smem:$0x3F9A] =	sst s1;
	(tag) =	ssettag s2;
	_ =	strace s9  }
0x27: {  	s1 =	sld [smem:$0x3FAA]  }
0x28: {  	s2 =	sld [smem:$0x3FAB]  }
0x29: {  	s4 =	sld [smem:$0x3FAD]  }
0x2a: {  	p0 =	seq.s32 s5, $0x0;
	s5 =	sld [smem:$0x3FAE]  }
0x2b: {  	s6 =	sld [smem:$0x3FAF]  }
0x2c: {  	s7 =	sld [smem:$0x3FB0]  }
0x2d: {  	s3 =	simm.s32 $0x108;
	s8 =	sld [smem:$0x3FB1]  }
0x2e: {  	s3 =	simm.s32 @!p0 $0x1082;
	s9 =	sld [smem:$0x3FB2]  }
0x2f: {  	lr =	sadd.s32 s0, s3;
	s0 =	sld [smem:$0x3FA9]  }
0x30: {  	s3 =	sld [smem:$0x3FAC]  }
0x31: {  	[smem:$0x3FB5] =	sst s10  }
0x32: {  	s10 =	sld [smem:$0x3FB3];
	_ =	sdelay $0x3  }
0x33: {  	p0 =	seq.s32 s10, $0x1;
	s10 =	sld [smem:$0x3FB5];
	_ =	sdelay $0x3  }
0x34: {  	[smem:$0x3FB5] =	sst s10  }
0x35: {  	s10 =	sld [smem:$0x3FB4];
	_ =	sdelay $0x3  }
0x36: {  	p1 =	seq.s32 s10, $0x1;
	s10 =	sld [smem:$0x3FB5];
	_ =	sdelay $0x3  }
0x37: {  	[smem:$0x3FB5] =	sst s10  }
0x38: {  	s10 =	sld [smem:$0x3FB6]  }
0x39: {  	_ = 	snop;
	(pc) =	sbr.ind lr, $3  }
0x3a: {  	_ = 	snop  }
0x3b: {  	_ = 	snop  }
0x3c: {  	p2 =	seq.s32 s10, $0x1;
	s10 =	sld [smem:$0x3FB5]  }
0x3d: {  	_ =	shalt  }
0x3e: {  	_ =	shalt  }
0x3f: {  	_ =	shalt  }
0x40: {  	_ =	shalt  }
0x41: {  	_ =	shalt  }
0x42: {  	_ =	shalt  }
0x43: {  	_ =	shalt  }
0x44: {  	_ =	shalt  }
0x45: {  	_ =	shalt  }
0x46: {  	_ =	shalt  }
0x47: {  	_ =	shalt  }
0x48: {  	_ =	shalt  }
0x49: {  	_ =	shalt  }
0x4a: {  	_ =	shalt  }
0x4b: {  	_ =	shalt  }
0x4c: {  	_ =	shalt  }
0x4d: {  	_ =	shalt  }
0x4e: {  	_ =	shalt  }
0x4f: {  	_ =	shalt  }
0x50: {  	_ =	shalt  }
0x51: {  	_ =	shalt  }
0x52: {  	_ =	shalt  }
0x53: {  	_ =	shalt  }
0x54: {  	_ =	shalt  }
0x55: {  	_ =	shalt  }
0x56: {  	_ =	shalt  }
0x57: {  	_ =	shalt  }
0x58: {  	_ =	shalt  }
0x59: {  	_ =	shalt  }
0x5a: {  	_ =	shalt  }
0x5b: {  	_ =	shalt  }
0x5c: {  	_ =	shalt  }
0x5d: {  	_ =	shalt  }
0x5e: {  	_ =	shalt  }
0x5f: {  	_ =	shalt  }
0x60: {  	_ =	shalt  }
0x61: {  	_ =	shalt  }
0x62: {  	_ =	shalt  }
0x63: {  	_ =	shalt  }
0x64: {  	_ =	shalt  }
0x65: {  	_ =	shalt  }
0x66: {  	_ =	shalt  }
0x67: {  	_ =	shalt  }
0x68: {  	_ =	shalt  }
0x69: {  	_ =	shalt  }
0x6a: {  	_ =	shalt  }
0x6b: {  	_ =	shalt  }
0x6c: {  	_ =	shalt  }
0x6d: {  	_ =	shalt  }
0x6e: {  	_ =	shalt  }
0x6f: {  	_ =	shalt  }
0x70: {  	_ =	shalt  }
0x71: {  	_ =	shalt  }
0x72: {  	_ =	shalt  }
0x73: {  	_ =	shalt  }
0x74: {  	_ =	shalt  }
0x75: {  	_ =	shalt  }
0x76: {  	_ =	shalt  }
0x77: {  	_ =	shalt  }
0x78: {  	_ =	shalt  }
0x79: {  	_ =	shalt  }
0x7a: {  	_ =	shalt  }
0x7b: {  	_ =	shalt  }
0x7c: {  	_ =	shalt  }
0x7d: {  	_ =	shalt  }
0x7e: {  	_ =	shalt  }
0x7f: {  	_ =	shalt  }
0x80: {  	_ =	shalt  }
0x81: {  	_ =	shalt  }
0x82: {  	_ =	shalt  }
0x83: {  	_ =	shalt  }
0x84: {  	_ =	shalt  }
0x85: {  	_ =	shalt  }
0x86: {  	_ =	shalt  }
0x87: {  	_ =	shalt  }
.Lfunc_end0:
.L_simem_size_0:
called_computation.4_lowered:
.L_overlay_start_0:
0x88: {  	s2 =	sld [smem:$0x3FD9]  }
0x89: {  	s3 =	sld [smem:$0x3FFE];
	_ =	sdelay $0x1  }
0x8a: {  	s1 =	srdreg.scid  }
0x8b: {  	s0 =	sand.u32 $0x1, s1  }
0x8c: {  	s17 =	sshll.u32 s0, $0xA;
	s2 =	sadd.s32 s3, s2  }
0x8d: {  	s2 =	sadd.s32 s2, s17  }
0x8e: {  	[smem:$0x3FC1] =	sst s2  }
0x8f: {  	_ = 	snop  }
0x90: {  	s18 =	sld [smem:$0x3FC9]  }
0x91: {  	s4 =	sld [smem:$0x3FD0];
	(tm) =	ssettm $0x1  }
0x92: {  	s19 =	sld [smem:$0x3FFB];
	_ =	sdelay $0x3  }
0x93: {  	_ =	strace s19  }
0x94: {  	s2 =	sld [smem:$0x3FFC];
	_ =	sdelay $0x3  }
0x95: {  	_ =	strace s2  }
0x96: {  	s2 =	sld [smem:$0x3FFD];
	_ =	sdelay $0x3  }
0x97: {  	_ =	strace s2  }
0x98: {  	_ =	strace $0x8FFFFFFF  }
0x99: {  	s20 =	sld [smem:$0x3FDB];
	_ =	sdelay $0x1  }
0x9a: {  	s5 =	simm.s32 $_scs_section_size  }
0x9b: {  	s6 =	simm.s32 $_size__tile_overlayer_lowered;
	s7 =	simm.s32 $_tile_overlayer_lowered  }
0x9c: {  	s8 =	simm.s32 $0x1BFF;
	s21 =	sshll.u32 s7, $0x1;
	s5 =	sadd.s32 s5, s20  }
0x9d: {  	s22 =	simm.s32 $0x0;
	s6 =	sshll.u32 s6, $0x1;
	s7 =	sadd.s32 s21, s5  }
0x9e: {  	[timem:s22], [sflag:s8] =	dma.local [hbm:s7], s6  }
0x9f: {  	_ =	swait.ge [sflag:s8], s6  }
0xa0: {  	s6 =	ssub.s32 $0x0, s6;
	[sflag:s8] =	ssyncset.done $0x0  }
0xa1: {  	[sflag:s8] =	ssyncadd.s32 s6;
	_ =	sdelay $0x1  }
0xa2: {  	s23 =	simm.s32 $0x1B8B  }
0xa3: {  	_ =	swait.ge [sflag:s23], $0x1  }
0xa4: {  	[sflag:s23] =	ssyncset.done $0x0  }
0xa5: {  	[sflag:s23] =	ssyncadd.s32 $0xFFFFFFFF  }
0xa6: {  	s6 =	sld [smem:$0x0]  }
0xa7: {  	s7 =	sand.u32 $0xFFFFFFFE, s1  }
0xa8: {  	p0 =	sne.s32 s1, s7  }
0xa9: {  	s7 =	sshll.u32 @p0 s7, $0xE  }
0xaa: {  	s7 =	sadd.s32 @p0 $0x11B8D, s7;
	s8 =	sshll.u32 @p0 s6, $0x11  }
0xab: {  	s7 =	sor.u32 @p0 s8, s7  }
0xac: {  	[sflag:s7] =	ssyncadd.remote.s32 @p0 $0x1;
	_ =	sdelay $0x1  }
0xad: {  	s7 =	simm.s32 @p0 $0x1B8D  }
0xae: {  	_ =	swait.eq @p0 [sflag:s7], $0x1  }
0xaf: {  	[sflag:s7] =	ssyncadd.s32 @p0 $0xFFFFFFFF  }
0xb0: {  	s8 =	sshll.u32 @!p0 s1, $0xE  }
0xb1: {  	s8 =	sor.u32 @!p0 $0x4000, s8;
	s7 =	simm.s32 @!p0 $0x1B8D  }
0xb2: {  	s6 =	sshll.u32 @!p0 s6, $0x11;
	s8 =	sadd.s32 @!p0 $0x11B8D, s8;
	_ =	swait.eq @!p0 [sflag:s7], $0x1  }
0xb3: {  	s6 =	sor.u32 @!p0 s6, s8;
	[sflag:s7] =	ssyncadd.s32 @!p0 $0xFFFFFFFF  }
0xb4: {  	s25 =	simm.s32 $0x1B8E;
	s24 =	sld [smem:$0x3FFE];
	[sflag:s6] =	ssyncadd.remote.s32 @!p0 $0x1  }
0xb5: {  	s26 =	simm.s32 $execute0_lowered;
	[smem:$0x3FD2] =	sst s25  }
0xb6: {  	s7 =	sshll.u32 s26, $0x1;
	_ =	strace $0x80000058;
	[dreg:$0x1] =	wrdreg $0xFFFFFFFF  }
0xb7: {  	s28 =	simm.s32 $_size_execute0_lowered;
	s5 =	sadd.s32 s5, s7;
	[dreg:$0x0] =	wrdreg $0x0  }
0xb8: {  	s7 =	sshll.u32 s28, $0x1;
	[dreg:$0x2] =	wrdreg s5  }
0xb9: {  	[dreg:$0x3] =	wrdreg s7  }
0xba: {  	[dreg:$0x4] =	wrdreg $0xC0  }
0xbb: {  	_ =	task [dreg:s22], $0x5FFFF  }
0xbc: {  	[dreg:$0x1] =	wrdreg $0xFFFFFFFF  }
0xbd: {  	[dreg:$0x0] =	wrdreg $0x60  }
0xbe: {  	[dreg:$0x2] =	wrdreg s18  }
0xbf: {  	[dreg:$0x3] =	wrdreg s4  }
0xc0: {  	[dreg:$0x4] =	wrdreg s24  }
0xc1: {  	[dreg:$0x5] =	wrdreg $0xD  }
0xc2: {  	_ =	task.clear_ibuf [dreg:s22], $0x6FFFF;
	_ =	strace $0x90000058  }
0xc3: {  	s29 =	simm.s32 $0xD;
	_ =	strace $0x8000005A  }
0xc4: {  	_ =	swait.ge [sflag:s29], $0x1  }
0xc5: {  	[sflag:s29] =	ssyncadd.s32 $0xFFFFFFFF  }
0xc6: {  	_ =	strace $0x9000005A  }
0xc7: {  	_ =	sfence  }
0xc8: {  	s30 =	sld [smem:$0x0];
	_ =	sdelay $0x2  }
0xc9: {  	s31 =	sshll.u32 s1, $0xD;
	s1 =	sshrl.u32 s1, $0x2  }
0xca: {  	s4 =	sand.u32 $0x4000, s31;
	s1 =	sadd.s32 s1, s30  }
0xcb: {  	s0 =	sor.u32 s4, s0;
	s1 =	sshll.u32 s1, $0x11  }
0xcc: {  	s0 =	sor.u32 s1, s0  }
0xcd: {  	s0 =	sadd.s32 $0x8F2B, s0  }
0xce: {  	[sflag:s0] =	ssyncadd.remote.s32 $0x1  }
0xcf: {  	_ =	sfence.sel $0xFFFF  }
0xd0: {  	[dreg:$0x0] =	wrdreg $0xFFFFFFFF;
	(pc) =	sbr.abs _section_cstart, $3  }
0xd1: {  	[dreg:$0x1] =	wrdreg $0xFFFFFFFF  }
0xd2: {  	_ =	task.clear_ibuf [dreg:s22], $0x2FFFF;
	_ =	strace $0x9FFFFFFF  }
0xd3: {  	(tm) =	ssettm $0x7FFFFFFF  }
tec
execute0_lowered:
.L_overlay_start_1:
0x0: {  	(tag) =	ssettag $0x1  }
0x1: {  	s1 =	srdreg.scid;
	s0 =	stileid.u32  }
0x2: {  	s15 =	sand.u32 $0x1, s1;
	s31 =	sshll.u32 s0, $0x1  }
0x3: {  	s2 =	rddreg [dreg:$0x0];
	s6 =	sor.u32 s15, s31  }
0x4: {  	s4 =	rddreg [dreg:$0x1];
	s5 =	smul.u32 $0x7D0, s6  }
0x5: {  	s9 =	rddreg [dreg:$0x2]  }
0x6: {  	s3 =	simm.s32 $0x0;
	s1 =	rddreg [dreg:$0x3];
	s5 =	sshrl.u32 s5, $0x3  }
0x7: {  	[smem:$0x7FF] =	sst s3;
	s4 =	sadd.s32 s4, s5  }
0x8: {  	_ =	strace $0x80000059;
	s5 =	sadd.s32 $0x3E80, s4;
	s4 =	simm.s32 $0x2  }
0x9: {  	[tilespmem:s3], [sflag:$0x2] =	stream.linear.gather [hbm4b:s5+s3], $0x7D0, $0x38;
	[tilespmem:$0xD000] =	vst v63  }
0xa: {  	_ =	swait.ge [sflag:s4], $0x7D0  }
0xb: {  	s7 =	simm.s32 $0x800;
	s8 =	simm.s32 $0x1;
	[sflag:s4] =	ssyncset.done $0x0  }
0xc: {  	s10 =	smul.u32 $0x7D00, s6;
	s6 =	simm.s32 $0x190;
	[sflag:s4] =	ssyncadd.s32 $0xFFFFF830  }
0xd: {  	[tilespmem:s7], [sflag:$0x1] =	stream.indirect.gather [hbm4b:s2+s6], $0x80, s3, s6, $0xb8;
	[tilespmem:$0xD000] =	vst v63  }
0xe: {  	_ =	swait.ge [sflag:s8], $0xC800  }
0xf: {  	s16 =	sadd.s32 s10, s9;
	[sflag:s8] =	ssyncset.done $0x0  }
0x10: {  	s9 =	sadd.s32 $0x1C6200, s16;
	[sflag:s8] =	ssyncadd.s32 $0xFFFF3800  }
0x11: {  	[hbm4b:s9+s3] =	stream.linear.scatter [tilespmem:s7], [sflag:$0x2], $0xC800, $0x38;
	[tilespmem:$0xD000] =	vst v63  }
0x12: {  	_ =	swait.ge [sflag:s4], $0xC800  }
0x13: {  	[sflag:s4] =	ssyncset.done $0x0  }
0x14: {  	[sflag:s4] =	ssyncadd.s32 $0xFFFF3800  }
0x15: {  	[tilespmem:s7], [sflag:$0x1] =	stream.indirect.gather [hbm4b:s2+s6], $0x80, s6, s6, $0xb8;
	[tilespmem:$0xD000] =	vst v63  }
0x16: {  	_ =	swait.ge [sflag:s8], $0xC800  }
0x17: {  	[sflag:s8] =	ssyncset.done $0x0  }
0x18: {  	s10 =	sadd.s32 $0x1C7B00, s16;
	[sflag:s8] =	ssyncadd.s32 $0xFFFF3800  }
0x19: {  	[hbm4b:s10+s3] =	stream.linear.scatter [tilespmem:s7], [sflag:$0x2], $0xC800, $0x38;
	[tilespmem:$0xD000] =	vst v63  }
0x1a: {  	_ =	swait.ge [sflag:s4], $0xC800  }
0x1b: {  	[sflag:s4] =	ssyncset.done $0x0  }
0x1c: {  	s11 =	simm.s32 $0x320;
	[sflag:s4] =	ssyncadd.s32 $0xFFFF3800  }
0x1d: {  	[tilespmem:s7], [sflag:$0x1] =	stream.indirect.gather [hbm4b:s2+s6], $0x80, s11, s6, $0xb8;
	[tilespmem:$0xD000] =	vst v63  }
0x1e: {  	_ =	swait.ge [sflag:s8], $0xC800  }
0x1f: {  	[sflag:s8] =	ssyncset.done $0x0  }
0x20: {  	s12 =	sadd.s32 $0x1C9400, s16;
	[sflag:s8] =	ssyncadd.s32 $0xFFFF3800  }
0x21: {  	[hbm4b:s12+s3] =	stream.linear.scatter [tilespmem:s7], [sflag:$0x2], $0xC800, $0x38;
	[tilespmem:$0xD000] =	vst v63  }
0x22: {  	_ =	swait.ge [sflag:s4], $0xC800  }
0x23: {  	[sflag:s4] =	ssyncset.done $0x0  }
0x24: {  	s13 =	simm.s32 $0x4B0;
	[sflag:s4] =	ssyncadd.s32 $0xFFFF3800  }
0x25: {  	[tilespmem:s7], [sflag:$0x1] =	stream.indirect.gather [hbm4b:s2+s6], $0x80, s13, s6, $0xb8;
	[tilespmem:$0xD000] =	vst v63  }
0x26: {  	_ =	swait.ge [sflag:s8], $0xC800  }
0x27: {  	[sflag:s8] =	ssyncset.done $0x0  }
0x28: {  	s17 =	ssub.s32 $0x2, s15;
	s14 =	sadd.s32 $0x1CAD00, s16;
	[sflag:s8] =	ssyncadd.s32 $0xFFFF3800  }
0x29: {  	[hbm4b:s14+s3] =	stream.linear.scatter [tilespmem:s7], [sflag:$0x2], $0xC800, $0x38;
	[tilespmem:$0xD000] =	vst v63  }
0x2a: {  	s18 =	sshrl.u32 s17, $0x1;
	_ =	swait.ge [sflag:s4], $0xC800  }
0x2b: {  	s17 =	ssub.s32 s17, s18;
	[sflag:s4] =	ssyncset.done $0x0  }
0x2c: {  	s15 =	simm.s32 $0x640;
	s17 =	smax.u32 s17, $0x1;
	[sflag:s4] =	ssyncadd.s32 $0xFFFF3800  }
0x2d: {  	[tilespmem:s7], [sflag:$0x1] =	stream.indirect.gather [hbm4b:s2+s6], $0x80, s15, s6, $0xb8;
	[tilespmem:$0xD000] =	vst v63  }
0x2e: {  	p0 =	sne.s32 s17, $0x1;
	_ =	swait.ge [sflag:s8], $0xC800  }
.Ltmp0:
0x2f: {  	[sflag:s8] =	ssyncset.done $0x0;
	(pc) =	sbr.rel @!p0 .LBB2_2-.Ltmp0, $4  }
0x30: {  	s16 =	sadd.s32 $0x1CC600, s16;
	[sflag:s8] =	ssyncadd.s32 $0xFFFF3800  }
0x31: {  	[hbm4b:s16+s3] =	stream.linear.scatter [tilespmem:s7], [sflag:$0x2], $0xC800, $0x38;
	[tilespmem:$0xD000] =	vst v63  }
0x32: {  	_ =	swait.ge [sflag:s4], $0xC800  }
0x33: {  	s17 =	sadd.s32 $0xFFFFFFFF, s17;
	[sflag:s4] =	ssyncset.done $0x0  }
.LBB2_1:
0x34: {  	p0 =	sne.s32 s17, $0x1;
	s17 =	sadd.s32 $0xFFFFFFFF, s17;
	[sflag:s4] =	ssyncadd.s32 $0xFFFF3800  }
0x35: {  	[tilespmem:s3], [sflag:$0x2] =	stream.linear.gather [hbm4b:s5+s3], $0x7D0, $0x38;
	[tilespmem:$0xD000] =	vst v63  }
0x36: {  	_ =	swait.ge [sflag:s4], $0x7D0  }
0x37: {  	[sflag:s4] =	ssyncset.done $0x0  }
0x38: {  	[sflag:s4] =	ssyncadd.s32 $0xFFFFF830  }
0x39: {  	[tilespmem:s7], [sflag:$0x1] =	stream.indirect.gather [hbm4b:s2+s6], $0x80, s3, s6, $0xb8;
	[tilespmem:$0xD000] =	vst v63  }
0x3a: {  	_ =	swait.ge [sflag:s8], $0xC800  }
0x3b: {  	[sflag:s8] =	ssyncset.done $0x0  }
0x3c: {  	[sflag:s8] =	ssyncadd.s32 $0xFFFF3800  }
0x3d: {  	[hbm4b:s9+s3] =	stream.linear.scatter [tilespmem:s7], [sflag:$0x2], $0xC800, $0x38;
	[tilespmem:$0xD000] =	vst v63  }
0x3e: {  	_ =	swait.ge [sflag:s4], $0xC800  }
0x3f: {  	[sflag:s4] =	ssyncset.done $0x0  }
0x40: {  	[sflag:s4] =	ssyncadd.s32 $0xFFFF3800  }
0x41: {  	[tilespmem:s7], [sflag:$0x1] =	stream.indirect.gather [hbm4b:s2+s6], $0x80, s6, s6, $0xb8;
	[tilespmem:$0xD000] =	vst v63  }
0x42: {  	_ =	swait.ge [sflag:s8], $0xC800  }
0x43: {  	[sflag:s8] =	ssyncset.done $0x0  }
0x44: {  	[sflag:s8] =	ssyncadd.s32 $0xFFFF3800  }
0x45: {  	[hbm4b:s10+s3] =	stream.linear.scatter [tilespmem:s7], [sflag:$0x2], $0xC800, $0x38;
	[tilespmem:$0xD000] =	vst v63  }
0x46: {  	_ =	swait.ge [sflag:s4], $0xC800  }
0x47: {  	[sflag:s4] =	ssyncset.done $0x0  }
0x48: {  	[sflag:s4] =	ssyncadd.s32 $0xFFFF3800  }
0x49: {  	[tilespmem:s7], [sflag:$0x1] =	stream.indirect.gather [hbm4b:s2+s6], $0x80, s11, s6, $0xb8;
	[tilespmem:$0xD000] =	vst v63  }
0x4a: {  	_ =	swait.ge [sflag:s8], $0xC800  }
0x4b: {  	[sflag:s8] =	ssyncset.done $0x0  }
0x4c: {  	[sflag:s8] =	ssyncadd.s32 $0xFFFF3800  }
0x4d: {  	[hbm4b:s12+s3] =	stream.linear.scatter [tilespmem:s7], [sflag:$0x2], $0xC800, $0x38;
	[tilespmem:$0xD000] =	vst v63  }
0x4e: {  	_ =	swait.ge [sflag:s4], $0xC800  }
0x4f: {  	[sflag:s4] =	ssyncset.done $0x0  }
0x50: {  	[sflag:s4] =	ssyncadd.s32 $0xFFFF3800  }
0x51: {  	[tilespmem:s7], [sflag:$0x1] =	stream.indirect.gather [hbm4b:s2+s6], $0x80, s13, s6, $0xb8;
	[tilespmem:$0xD000] =	vst v63  }
0x52: {  	_ =	swait.ge [sflag:s8], $0xC800  }
0x53: {  	[sflag:s8] =	ssyncset.done $0x0  }
0x54: {  	[sflag:s8] =	ssyncadd.s32 $0xFFFF3800  }
0x55: {  	[hbm4b:s14+s3] =	stream.linear.scatter [tilespmem:s7], [sflag:$0x2], $0xC800, $0x38;
	[tilespmem:$0xD000] =	vst v63  }
0x56: {  	_ =	swait.ge [sflag:s4], $0xC800  }
0x57: {  	[sflag:s4] =	ssyncset.done $0x0  }
0x58: {  	[sflag:s4] =	ssyncadd.s32 $0xFFFF3800  }
0x59: {  	[tilespmem:s7], [sflag:$0x1] =	stream.indirect.gather [hbm4b:s2+s6], $0x80, s15, s6, $0xb8;
	[tilespmem:$0xD000] =	vst v63  }
0x5a: {  	_ =	swait.ge [sflag:s8], $0xC800  }
.Ltmp1:
0x5b: {  	[sflag:s8] =	ssyncset.done $0x0;
	(pc) =	sbr.rel @p0 .LBB2_1-.Ltmp1, $4  }
0x5c: {  	[sflag:s8] =	ssyncadd.s32 $0xFFFF3800  }
0x5d: {  	[hbm4b:s16+s3] =	stream.linear.scatter [tilespmem:s7], [sflag:$0x2], $0xC800, $0x38;
	[tilespmem:$0xD000] =	vst v63  }
0x5e: {  	_ =	swait.ge [sflag:s4], $0xC800  }
0x5f: {  	[sflag:s4] =	ssyncset.done $0x0  }
.LBB2_2:
0x60: {  	[sflag:s4] =	ssyncadd.s32 $0xFFFF3800  }
0x61: {  	_ =	sfence.sel $0x180000  }
0x62: {  	[bflag:$0x0] =	sbarrier.arrive $0xFFFF  }
0x63: {  	p0 =	sne.s32 s0, $0x0;
	_ =	strace $0x90000059  }
0x64: {  	s0 =	sadd.s32 @!p0 $0x100000, s1;
	[bflag:$0x2] =	sbarrier.arrive $0xFFFF  }
0x65: {  	[sflag:s0] =	ssyncadd.tile.s32 @!p0 $0x1;
	_ =	shalt  }
.Lfunc_end2:
_tile_overlayer_lowered:
.L_overlay_start_2:
0x66: {  	(tag) =	ssettag $0x2  }
0x67: {  	s0 =	rddreg [dreg:$0x0];
	s2 =	stileid.u32  }
0x68: {  	s1 =	rddreg [dreg:$0x1];
	p0 =	sne.s32 s2, $0x0  }
0x69: {  	s3 =	rddreg [dreg:$0x2];
	[bflag:$0x3] =	sbarrier.arrive $0xFFFF;
	s2 =	simm.s32 @!p0 $0x1C02  }
0x6a: {  	[timem:s3], [sflag:s2] =	dma.local @!p0 [hbm:s0], s1  }
0x6b: {  	s0 =	simm.s32 @!p0 $0x2  }
0x6c: {  	_ =	swait.ge @!p0 [sflag:s0], s1  }
0x6d: {  	s1 =	ssub.s32 @!p0 $0x0, s1;
	[sflag:s0] =	ssyncset.done @!p0 $0x0  }
0x6e: {  	[sflag:s0] =	ssyncadd.s32 @!p0 s1  }
0x6f: {  	[bflag:$0x3] =	sbarrier.arrive $0xFFFF  }
0x70: {  	_ =	shalt  }

// kernel: kernel.33.cloned.1.call-start
scs
__scs_entry_jumppad:
0x0: {  	(pc) =	sbr.rel $0x88, $3  }
0x1: {  	(tag) =	ssettag $0x0;
	lr =	simm.s32 $0x1  }
0x2: {  	[smem:$0x3F9A] =	sst lr;
	_ =	strace $0xD0000000  }
0x3: {  	_ = 	snop  }
0x4: {  	_ = 	snop  }
0x5: {  	_ = 	snop  }
0x6: {  	_ = 	snop  }
0x7: {  	_ = 	snop  }
__scs_overlays_trampoline_lowered:
0x8: {  	[smem:$0x3FA9] =	sst s0  }
0x9: {  	[smem:$0x3FAA] =	sst s1  }
0xa: {  	[smem:$0x3FAB] =	sst s2  }
0xb: {  	[smem:$0x3FAC] =	sst s3  }
0xc: {  	[smem:$0x3FAD] =	sst s4  }
0xd: {  	[smem:$0x3FAE] =	sst s5  }
0xe: {  	[smem:$0x3FAF] =	sst s6  }
0xf: {  	[smem:$0x3FB0] =	sst s7  }
0x10: {  	[smem:$0x3FB1] =	sst s8  }
0x11: {  	[smem:$0x3FB2] =	sst s9;
	s0 =	simm.s32 @!p0 $0x0  }
0x12: {  	s1 =	sld [smem:$0x3F98];
	s0 =	simm.s32 @p0 $0x1  }
0x13: {  	[smem:$0x3FB3] =	sst s0;
	s0 =	simm.s32 @!p1 $0x0  }
0x14: {  	s2 =	sld [smem:$0x3F97];
	s0 =	simm.s32 @p1 $0x1  }
0x15: {  	[smem:$0x3FB4] =	sst s0;
	s0 =	simm.s32 @!p2 $0x0  }
0x16: {  	s3 =	sld [smem:$0x3FDB];
	s0 =	simm.s32 @p2 $0x1  }
0x17: {  	s4 =	simm.s32 $0x1BF5;
	[smem:$0x3FB6] =	sst s0  }
0x18: {  	s0 =	sld [smem:$0x3F99];
	_ =	swait.ge [sflag:s4], $0x0  }
0x19: {  	s7 =	sld [smem:$0x3F9A]  }
0x1a: {  	s8 =	sadd.s32 $0xFFFFE003, lr  }
0x1b: {  	s9 =	sadd.s32 $0xFFFFFEF7, lr;
	s5 =	simm.s32 $0xFFFFFFFF;
	p2 =	slt.u32 s8, $0xFFFFF086  }
0x1c: {  	p1 =	slt.u32 s9, $0xF7A;
	s5 =	simm.s32 @!p2 $0x0  }
0x1d: {  	s5 =	simm.s32 @p1 $0x1;
	p0 =	seq.s32 s7, s2  }
0x1e: {  	s7 =	smul.u32 @!p0 $0xF7A, s2;
	p2 =	seq.s32 @!p0 s5, $0x0  }
0x1f: {  	s9 =	smul.u32 $0xF7A, s1;
	s8 =	simm.s32 @!p0 $0x1BF5;
	p2 =	por !p2, p0  }
0x20: {  	[sflag:s8] =	ssyncset.s32 @!p0 $0xFFFFF086;
	s6 =	sadd.s32 @!p0 s3, s7;
	s7 =	simm.s32 @!p0 $0x108  }
0x21: {  	s3 =	sadd.s32 s3, s9;
	s6 =	sadd.s32 @!p0 $0x88, s6;
	s7 =	simm.s32 @p2 $0x1082  }
0x22: {  	[simem:s7], [sflag:s8] =	dma.local @!p0 [hbm:s6], $0xF7A  }
0x23: {  	s9 =	sor.u32 $0xD0000000, s2;
	s6 =	simm.s32 $0x108;
	_ =	swait.ge @!p0 [sflag:s8], $0x0  }
0x24: {  	s3 =	sadd.s32 $0x88, s3;
	s6 =	simm.s32 @!p1 $0x1082;
	[sflag:s4] =	ssyncset.s32 $0xFFFFF086  }
0x25: {  	[simem:s6], [sflag:s4] =	dma.local [hbm:s3], $0xF7A  }
0x26: {  	[smem:$0x3F9A] =	sst s1;
	(tag) =	ssettag s2;
	_ =	strace s9  }
0x27: {  	s1 =	sld [smem:$0x3FAA]  }
0x28: {  	s2 =	sld [smem:$0x3FAB]  }
0x29: {  	s4 =	sld [smem:$0x3FAD]  }
0x2a: {  	p0 =	seq.s32 s5, $0x0;
	s5 =	sld [smem:$0x3FAE]  }
0x2b: {  	s6 =	sld [smem:$0x3FAF]  }
0x2c: {  	s7 =	sld [smem:$0x3FB0]  }
0x2d: {  	s3 =	simm.s32 $0x108;
	s8 =	sld [smem:$0x3FB1]  }
0x2e: {  	s3 =	simm.s32 @!p0 $0x1082;
	s9 =	sld [smem:$0x3FB2]  }
0x2f: {  	lr =	sadd.s32 s0, s3;
	s0 =	sld [smem:$0x3FA9]  }
0x30: {  	s3 =	sld [smem:$0x3FAC]  }
0x31: {  	[smem:$0x3FB5] =	sst s10  }
0x32: {  	s10 =	sld [smem:$0x3FB3];
	_ =	sdelay $0x3  }
0x33: {  	p0 =	seq.s32 s10, $0x1;
	s10 =	sld [smem:$0x3FB5];
	_ =	sdelay $0x3  }
0x34: {  	[smem:$0x3FB5] =	sst s10  }
0x35: {  	s10 =	sld [smem:$0x3FB4];
	_ =	sdelay $0x3  }
0x36: {  	p1 =	seq.s32 s10, $0x1;
	s10 =	sld [smem:$0x3FB5];
	_ =	sdelay $0x3  }
0x37: {  	[smem:$0x3FB5] =	sst s10  }
0x38: {  	s10 =	sld [smem:$0x3FB6]  }
0x39: {  	_ = 	snop;
	(pc) =	sbr.ind lr, $3  }
0x3a: {  	_ = 	snop  }
0x3b: {  	_ = 	snop  }
0x3c: {  	p2 =	seq.s32 s10, $0x1;
	s10 =	sld [smem:$0x3FB5]  }
0x3d: {  	_ =	shalt  }
0x3e: {  	_ =	shalt  }
0x3f: {  	_ =	shalt  }
0x40: {  	_ =	shalt  }
0x41: {  	_ =	shalt  }
0x42: {  	_ =	shalt  }
0x43: {  	_ =	shalt  }
0x44: {  	_ =	shalt  }
0x45: {  	_ =	shalt  }
0x46: {  	_ =	shalt  }
0x47: {  	_ =	shalt  }
0x48: {  	_ =	shalt  }
0x49: {  	_ =	shalt  }
0x4a: {  	_ =	shalt  }
0x4b: {  	_ =	shalt  }
0x4c: {  	_ =	shalt  }
0x4d: {  	_ =	shalt  }
0x4e: {  	_ =	shalt  }
0x4f: {  	_ =	shalt  }
0x50: {  	_ =	shalt  }
0x51: {  	_ =	shalt  }
0x52: {  	_ =	shalt  }
0x53: {  	_ =	shalt  }
0x54: {  	_ =	shalt  }
0x55: {  	_ =	shalt  }
0x56: {  	_ =	shalt  }
0x57: {  	_ =	shalt  }
0x58: {  	_ =	shalt  }
0x59: {  	_ =	shalt  }
0x5a: {  	_ =	shalt  }
0x5b: {  	_ =	shalt  }
0x5c: {  	_ =	shalt  }
0x5d: {  	_ =	shalt  }
0x5e: {  	_ =	shalt  }
0x5f: {  	_ =	shalt  }
0x60: {  	_ =	shalt  }
0x61: {  	_ =	shalt  }
0x62: {  	_ =	shalt  }
0x63: {  	_ =	shalt  }
0x64: {  	_ =	shalt  }
0x65: {  	_ =	shalt  }
0x66: {  	_ =	shalt  }
0x67: {  	_ =	shalt  }
0x68: {  	_ =	shalt  }
0x69: {  	_ =	shalt  }
0x6a: {  	_ =	shalt  }
0x6b: {  	_ =	shalt  }
0x6c: {  	_ =	shalt  }
0x6d: {  	_ =	shalt  }
0x6e: {  	_ =	shalt  }
0x6f: {  	_ =	shalt  }
0x70: {  	_ =	shalt  }
0x71: {  	_ =	shalt  }
0x72: {  	_ =	shalt  }
0x73: {  	_ =	shalt  }
0x74: {  	_ =	shalt  }
0x75: {  	_ =	shalt  }
0x76: {  	_ =	shalt  }
0x77: {  	_ =	shalt  }
0x78: {  	_ =	shalt  }
0x79: {  	_ =	shalt  }
0x7a: {  	_ =	shalt  }
0x7b: {  	_ =	shalt  }
0x7c: {  	_ =	shalt  }
0x7d: {  	_ =	shalt  }
0x7e: {  	_ =	shalt  }
0x7f: {  	_ =	shalt  }
0x80: {  	_ =	shalt  }
0x81: {  	_ =	shalt  }
0x82: {  	_ =	shalt  }
0x83: {  	_ =	shalt  }
0x84: {  	_ =	shalt  }
0x85: {  	_ =	shalt  }
0x86: {  	_ =	shalt  }
0x87: {  	_ =	shalt  }
.Lfunc_end0:
.L_simem_size_0:
called_computation.5_lowered:
.L_overlay_start_0:
0x88: {  	s2 =	sld [smem:$0x3FD9]  }
0x89: {  	s3 =	sld [smem:$0x3FFE];
	_ =	sdelay $0x1  }
0x8a: {  	s1 =	srdreg.scid  }
0x8b: {  	s0 =	sand.u32 $0x1, s1  }
0x8c: {  	s17 =	sshll.u32 s0, $0xA;
	s2 =	sadd.s32 s3, s2  }
0x8d: {  	s2 =	sadd.s32 s2, s17  }
0x8e: {  	[smem:$0x3FC1] =	sst s2  }
0x8f: {  	_ = 	snop  }
0x90: {  	s18 =	sld [smem:$0x3FD0];
	(tm) =	ssettm $0x1  }
0x91: {  	s19 =	sld [smem:$0x3FFB];
	_ =	sdelay $0x3  }
0x92: {  	_ =	strace s19  }
0x93: {  	s2 =	sld [smem:$0x3FFC];
	_ =	sdelay $0x3  }
0x94: {  	_ =	strace s2  }
0x95: {  	s2 =	sld [smem:$0x3FFD];
	_ =	sdelay $0x3  }
0x96: {  	_ =	strace s2  }
0x97: {  	_ =	strace $0x8FFFFFFF  }
0x98: {  	s20 =	sld [smem:$0x3FDB];
	_ =	sdelay $0x1  }
0x99: {  	s4 =	simm.s32 $_scs_section_size  }
0x9a: {  	s5 =	simm.s32 $_size__tile_overlayer_lowered;
	s6 =	simm.s32 $_tile_overlayer_lowered  }
0x9b: {  	s7 =	simm.s32 $0x1BFF;
	s21 =	sshll.u32 s6, $0x1;
	s4 =	sadd.s32 s4, s20  }
0x9c: {  	s22 =	simm.s32 $0x0;
	s5 =	sshll.u32 s5, $0x1;
	s6 =	sadd.s32 s21, s4  }
0x9d: {  	[timem:s22], [sflag:s7] =	dma.local [hbm:s6], s5  }
0x9e: {  	_ =	swait.ge [sflag:s7], s5  }
0x9f: {  	s5 =	ssub.s32 $0x0, s5;
	[sflag:s7] =	ssyncset.done $0x0  }
0xa0: {  	[sflag:s7] =	ssyncadd.s32 s5;
	_ =	sdelay $0x1  }
0xa1: {  	s23 =	simm.s32 $0x1B8B  }
0xa2: {  	_ =	swait.ge [sflag:s23], $0x1  }
0xa3: {  	[sflag:s23] =	ssyncset.done $0x0  }
0xa4: {  	[sflag:s23] =	ssyncadd.s32 $0xFFFFFFFF  }
0xa5: {  	s5 =	sld [smem:$0x0]  }
0xa6: {  	s6 =	sand.u32 $0xFFFFFFFE, s1  }
0xa7: {  	p0 =	sne.s32 s1, s6  }
0xa8: {  	s6 =	sshll.u32 @p0 s6, $0xE  }
0xa9: {  	s6 =	sadd.s32 @p0 $0x11B8D, s6;
	s7 =	sshll.u32 @p0 s5, $0x11  }
0xaa: {  	s6 =	sor.u32 @p0 s7, s6  }
0xab: {  	[sflag:s6] =	ssyncadd.remote.s32 @p0 $0x1;
	_ =	sdelay $0x1  }
0xac: {  	s6 =	simm.s32 @p0 $0x1B8D  }
0xad: {  	_ =	swait.eq @p0 [sflag:s6], $0x1  }
0xae: {  	[sflag:s6] =	ssyncadd.s32 @p0 $0xFFFFFFFF  }
0xaf: {  	s7 =	sshll.u32 @!p0 s1, $0xE  }
0xb0: {  	s7 =	sor.u32 @!p0 $0x4000, s7;
	s6 =	simm.s32 @!p0 $0x1B8D  }
0xb1: {  	s5 =	sshll.u32 @!p0 s5, $0x11;
	s7 =	sadd.s32 @!p0 $0x11B8D, s7;
	_ =	swait.eq @!p0 [sflag:s6], $0x1  }
0xb2: {  	s5 =	sor.u32 @!p0 s5, s7;
	[sflag:s6] =	ssyncadd.s32 @!p0 $0xFFFFFFFF  }
0xb3: {  	s25 =	simm.s32 $0x1B8E;
	s24 =	sld [smem:$0x3FFE];
	[sflag:s5] =	ssyncadd.remote.s32 @!p0 $0x1  }
0xb4: {  	s26 =	simm.s32 $execute0_lowered;
	[smem:$0x3FD2] =	sst s25  }
0xb5: {  	s6 =	sshll.u32 s26, $0x1;
	_ =	strace $0x80000049;
	[dreg:$0x1] =	wrdreg $0xFFFFFFFF  }
0xb6: {  	s28 =	simm.s32 $_size_execute0_lowered;
	s4 =	sadd.s32 s4, s6;
	[dreg:$0x0] =	wrdreg $0x0  }
0xb7: {  	s6 =	sshll.u32 s28, $0x1;
	[dreg:$0x2] =	wrdreg s4  }
0xb8: {  	[dreg:$0x3] =	wrdreg s6  }
0xb9: {  	[dreg:$0x4] =	wrdreg $0xC0  }
0xba: {  	_ =	task [dreg:s22], $0x5FFFF  }
0xbb: {  	[dreg:$0x1] =	wrdreg $0xFFFFFFFF  }
0xbc: {  	[dreg:$0x0] =	wrdreg $0x60  }
0xbd: {  	[dreg:$0x2] =	wrdreg s24  }
0xbe: {  	[dreg:$0x3] =	wrdreg s18  }
0xbf: {  	[dreg:$0x4] =	wrdreg $0xE  }
0xc0: {  	_ =	task.clear_ibuf [dreg:s22], $0x5FFFF;
	_ =	strace $0x90000049  }
0xc1: {  	s29 =	simm.s32 $0xE;
	_ =	strace $0x8000004B  }
0xc2: {  	_ =	swait.ge [sflag:s29], $0x1  }
0xc3: {  	[sflag:s29] =	ssyncadd.s32 $0xFFFFFFFF  }
0xc4: {  	_ =	strace $0x9000004B  }
0xc5: {  	_ =	sfence  }
0xc6: {  	s30 =	sld [smem:$0x0];
	_ =	sdelay $0x2  }
0xc7: {  	s31 =	sshll.u32 s1, $0xD;
	s1 =	sshrl.u32 s1, $0x2  }
0xc8: {  	s4 =	sand.u32 $0x4000, s31;
	s1 =	sadd.s32 s1, s30  }
0xc9: {  	s0 =	sor.u32 s4, s0;
	s1 =	sshll.u32 s1, $0x11  }
0xca: {  	s0 =	sor.u32 s1, s0  }
0xcb: {  	s0 =	sadd.s32 $0x8F2B, s0  }
0xcc: {  	[sflag:s0] =	ssyncadd.remote.s32 $0x1  }
0xcd: {  	_ =	sfence.sel $0xFFFF  }
0xce: {  	[dreg:$0x0] =	wrdreg $0xFFFFFFFF;
	(pc) =	sbr.abs _section_cstart, $3  }
0xcf: {  	[dreg:$0x1] =	wrdreg $0xFFFFFFFF  }
0xd0: {  	_ =	task.clear_ibuf [dreg:s22], $0x2FFFF;
	_ =	strace $0x9FFFFFFF  }
0xd1: {  	(tm) =	ssettm $0x7FFFFFFF  }
tec
execute0_lowered:
.L_overlay_start_1:
0x0: {  	(tag) =	ssettag $0x1  }
0x1: {  	s1 =	srdreg.scid;
	s0 =	stileid.u32  }
0x2: {  	s15 =	sand.u32 $0x1, s1;
	s31 =	sshll.u32 s0, $0x1  }
0x3: {  	s6 =	sor.u32 s15, s31  }
0x4: {  	s9 =	rddreg [dreg:$0x0];
	s3 =	smul.u32 $0x7D0, s6  }
0x5: {  	s4 =	rddreg [dreg:$0x1]  }
0x6: {  	s2 =	simm.s32 $0x0;
	s1 =	rddreg [dreg:$0x2];
	s3 =	sshrl.u32 s3, $0x3  }
0x7: {  	[smem:$0x7FF] =	sst s2;
	s3 =	sadd.s32 s4, s3  }
0x8: {  	_ =	strace $0x8000004A;
	s4 =	sadd.s32 $0x3E80, s3;
	s3 =	simm.s32 $0x2  }
0x9: {  	[tilespmem:s2], [sflag:$0x2] =	stream.linear.gather [hbm4b:s4+s2], $0x7D0, $0x38;
	[tilespmem:$0x20D0] =	vst v63  }
0xa: {  	s7 =	simm.s32 $0x7D0;
	_ =	swait.ge [sflag:s3], $0x7D0  }
0xb: {  	s8 =	simm.s32 $0x1;
	s5 =	sadd.s32 $0x2AE00, s9;
	[sflag:s3] =	ssyncset.done $0x0  }
0xc: {  	s10 =	smul.u32 $0xFA0, s6;
	s6 =	simm.s32 $0x190;
	[sflag:s3] =	ssyncadd.s32 $0xFFFFF830  }
0xd: {  	[tilespmem:s7], [sflag:$0x1] =	stream.indirect.gather [hbm4b:s5+s6], $0x10, s2, s6, $0xb8;
	[tilespmem:$0x20D0] =	vst v63  }
0xe: {  	_ =	swait.ge [sflag:s8], $0x1900  }
0xf: {  	s16 =	sadd.s32 s10, s9;
	[sflag:s8] =	ssyncset.done $0x0  }
0x10: {  	s9 =	sadd.s32 $0x4F200, s16;
	[sflag:s8] =	ssyncadd.s32 $0xFFFFE700  }
0x11: {  	[hbm4b:s9+s2] =	stream.linear.scatter [tilespmem:s7], [sflag:$0x2], $0x1900, $0x38;
	[tilespmem:$0x20D0] =	vst v63  }
0x12: {  	_ =	swait.ge [sflag:s3], $0x1900  }
0x13: {  	[sflag:s3] =	ssyncset.done $0x0  }
0x14: {  	[sflag:s3] =	ssyncadd.s32 $0xFFFFE700  }
0x15: {  	[tilespmem:s7], [sflag:$0x1] =	stream.indirect.gather [hbm4b:s5+s6], $0x10, s6, s6, $0xb8;
	[tilespmem:$0x20D0] =	vst v63  }
0x16: {  	_ =	swait.ge [sflag:s8], $0x1900  }
0x17: {  	[sflag:s8] =	ssyncset.done $0x0  }
0x18: {  	s10 =	sadd.s32 $0x4F520, s16;
	[sflag:s8] =	ssyncadd.s32 $0xFFFFE700  }
0x19: {  	[hbm4b:s10+s2] =	stream.linear.scatter [tilespmem:s7], [sflag:$0x2], $0x1900, $0x38;
	[tilespmem:$0x20D0] =	vst v63  }
0x1a: {  	_ =	swait.ge [sflag:s3], $0x1900  }
0x1b: {  	[sflag:s3] =	ssyncset.done $0x0  }
0x1c: {  	s11 =	simm.s32 $0x320;
	[sflag:s3] =	ssyncadd.s32 $0xFFFFE700  }
0x1d: {  	[tilespmem:s7], [sflag:$0x1] =	stream.indirect.gather [hbm4b:s5+s6], $0x10, s11, s6, $0xb8;
	[tilespmem:$0x20D0] =	vst v63  }
0x1e: {  	_ =	swait.ge [sflag:s8], $0x1900  }
0x1f: {  	[sflag:s8] =	ssyncset.done $0x0  }
0x20: {  	s12 =	sadd.s32 $0x4F840, s16;
	[sflag:s8] =	ssyncadd.s32 $0xFFFFE700  }
0x21: {  	[hbm4b:s12+s2] =	stream.linear.scatter [tilespmem:s7], [sflag:$0x2], $0x1900, $0x38;
	[tilespmem:$0x20D0] =	vst v63  }
0x22: {  	_ =	swait.ge [sflag:s3], $0x1900  }
0x23: {  	[sflag:s3] =	ssyncset.done $0x0  }
0x24: {  	s13 =	simm.s32 $0x4B0;
	[sflag:s3] =	ssyncadd.s32 $0xFFFFE700  }
0x25: {  	[tilespmem:s7], [sflag:$0x1] =	stream.indirect.gather [hbm4b:s5+s6], $0x10, s13, s6, $0xb8;
	[tilespmem:$0x20D0] =	vst v63  }
0x26: {  	_ =	swait.ge [sflag:s8], $0x1900  }
0x27: {  	[sflag:s8] =	ssyncset.done $0x0  }
0x28: {  	s17 =	ssub.s32 $0x2, s15;
	s14 =	sadd.s32 $0x4FB60, s16;
	[sflag:s8] =	ssyncadd.s32 $0xFFFFE700  }
0x29: {  	[hbm4b:s14+s2] =	stream.linear.scatter [tilespmem:s7], [sflag:$0x2], $0x1900, $0x38;
	[tilespmem:$0x20D0] =	vst v63  }
0x2a: {  	s18 =	sshrl.u32 s17, $0x1;
	_ =	swait.ge [sflag:s3], $0x1900  }
0x2b: {  	s17 =	ssub.s32 s17, s18;
	[sflag:s3] =	ssyncset.done $0x0  }
0x2c: {  	s15 =	simm.s32 $0x640;
	s17 =	smax.u32 s17, $0x1;
	[sflag:s3] =	ssyncadd.s32 $0xFFFFE700  }
0x2d: {  	[tilespmem:s7], [sflag:$0x1] =	stream.indirect.gather [hbm4b:s5+s6], $0x10, s15, s6, $0xb8;
	[tilespmem:$0x20D0] =	vst v63  }
0x2e: {  	p0 =	sne.s32 s17, $0x1;
	_ =	swait.ge [sflag:s8], $0x1900  }
.Ltmp0:
0x2f: {  	[sflag:s8] =	ssyncset.done $0x0;
	(pc) =	sbr.rel @!p0 .LBB2_2-.Ltmp0, $4  }
0x30: {  	s16 =	sadd.s32 $0x4FE80, s16;
	[sflag:s8] =	ssyncadd.s32 $0xFFFFE700  }
0x31: {  	[hbm4b:s16+s2] =	stream.linear.scatter [tilespmem:s7], [sflag:$0x2], $0x1900, $0x38;
	[tilespmem:$0x20D0] =	vst v63  }
0x32: {  	_ =	swait.ge [sflag:s3], $0x1900  }
0x33: {  	s17 =	sadd.s32 $0xFFFFFFFF, s17;
	[sflag:s3] =	ssyncset.done $0x0  }
.LBB2_1:
0x34: {  	p0 =	sne.s32 s17, $0x1;
	s17 =	sadd.s32 $0xFFFFFFFF, s17;
	[sflag:s3] =	ssyncadd.s32 $0xFFFFE700  }
0x35: {  	[tilespmem:s2], [sflag:$0x2] =	stream.linear.gather [hbm4b:s4+s2], $0x7D0, $0x38;
	[tilespmem:$0x20D0] =	vst v63  }
0x36: {  	_ =	swait.ge [sflag:s3], $0x7D0  }
0x37: {  	[sflag:s3] =	ssyncset.done $0x0  }
0x38: {  	[sflag:s3] =	ssyncadd.s32 $0xFFFFF830  }
0x39: {  	[tilespmem:s7], [sflag:$0x1] =	stream.indirect.gather [hbm4b:s5+s6], $0x10, s2, s6, $0xb8;
	[tilespmem:$0x20D0] =	vst v63  }
0x3a: {  	_ =	swait.ge [sflag:s8], $0x1900  }
0x3b: {  	[sflag:s8] =	ssyncset.done $0x0  }
0x3c: {  	[sflag:s8] =	ssyncadd.s32 $0xFFFFE700  }
0x3d: {  	[hbm4b:s9+s2] =	stream.linear.scatter [tilespmem:s7], [sflag:$0x2], $0x1900, $0x38;
	[tilespmem:$0x20D0] =	vst v63  }
0x3e: {  	_ =	swait.ge [sflag:s3], $0x1900  }
0x3f: {  	[sflag:s3] =	ssyncset.done $0x0  }
0x40: {  	[sflag:s3] =	ssyncadd.s32 $0xFFFFE700  }
0x41: {  	[tilespmem:s7], [sflag:$0x1] =	stream.indirect.gather [hbm4b:s5+s6], $0x10, s6, s6, $0xb8;
	[tilespmem:$0x20D0] =	vst v63  }
0x42: {  	_ =	swait.ge [sflag:s8], $0x1900  }
0x43: {  	[sflag:s8] =	ssyncset.done $0x0  }
0x44: {  	[sflag:s8] =	ssyncadd.s32 $0xFFFFE700  }
0x45: {  	[hbm4b:s10+s2] =	stream.linear.scatter [tilespmem:s7], [sflag:$0x2], $0x1900, $0x38;
	[tilespmem:$0x20D0] =	vst v63  }
0x46: {  	_ =	swait.ge [sflag:s3], $0x1900  }
0x47: {  	[sflag:s3] =	ssyncset.done $0x0  }
0x48: {  	[sflag:s3] =	ssyncadd.s32 $0xFFFFE700  }
0x49: {  	[tilespmem:s7], [sflag:$0x1] =	stream.indirect.gather [hbm4b:s5+s6], $0x10, s11, s6, $0xb8;
	[tilespmem:$0x20D0] =	vst v63  }
0x4a: {  	_ =	swait.ge [sflag:s8], $0x1900  }
0x4b: {  	[sflag:s8] =	ssyncset.done $0x0  }
0x4c: {  	[sflag:s8] =	ssyncadd.s32 $0xFFFFE700  }
0x4d: {  	[hbm4b:s12+s2] =	stream.linear.scatter [tilespmem:s7], [sflag:$0x2], $0x1900, $0x38;
	[tilespmem:$0x20D0] =	vst v63  }
0x4e: {  	_ =	swait.ge [sflag:s3], $0x1900  }
0x4f: {  	[sflag:s3] =	ssyncset.done $0x0  }
0x50: {  	[sflag:s3] =	ssyncadd.s32 $0xFFFFE700  }
0x51: {  	[tilespmem:s7], [sflag:$0x1] =	stream.indirect.gather [hbm4b:s5+s6], $0x10, s13, s6, $0xb8;
	[tilespmem:$0x20D0] =	vst v63  }
0x52: {  	_ =	swait.ge [sflag:s8], $0x1900  }
0x53: {  	[sflag:s8] =	ssyncset.done $0x0  }
0x54: {  	[sflag:s8] =	ssyncadd.s32 $0xFFFFE700  }
0x55: {  	[hbm4b:s14+s2] =	stream.linear.scatter [tilespmem:s7], [sflag:$0x2], $0x1900, $0x38;
	[tilespmem:$0x20D0] =	vst v63  }
0x56: {  	_ =	swait.ge [sflag:s3], $0x1900  }
0x57: {  	[sflag:s3] =	ssyncset.done $0x0  }
0x58: {  	[sflag:s3] =	ssyncadd.s32 $0xFFFFE700  }
0x59: {  	[tilespmem:s7], [sflag:$0x1] =	stream.indirect.gather [hbm4b:s5+s6], $0x10, s15, s6, $0xb8;
	[tilespmem:$0x20D0] =	vst v63  }
0x5a: {  	_ =	swait.ge [sflag:s8], $0x1900  }
.Ltmp1:
0x5b: {  	[sflag:s8] =	ssyncset.done $0x0;
	(pc) =	sbr.rel @p0 .LBB2_1-.Ltmp1, $4  }
0x5c: {  	[sflag:s8] =	ssyncadd.s32 $0xFFFFE700  }
0x5d: {  	[hbm4b:s16+s2] =	stream.linear.scatter [tilespmem:s7], [sflag:$0x2], $0x1900, $0x38;
	[tilespmem:$0x20D0] =	vst v63  }
0x5e: {  	_ =	swait.ge [sflag:s3], $0x1900  }
0x5f: {  	[sflag:s3] =	ssyncset.done $0x0  }
.LBB2_2:
0x60: {  	[sflag:s3] =	ssyncadd.s32 $0xFFFFE700  }
0x61: {  	_ =	sfence.sel $0x180000  }
0x62: {  	[bflag:$0x0] =	sbarrier.arrive $0xFFFF  }
0x63: {  	p0 =	sne.s32 s0, $0x0;
	_ =	strace $0x9000004A  }
0x64: {  	s0 =	sadd.s32 @!p0 $0x100000, s1;
	[bflag:$0x2] =	sbarrier.arrive $0xFFFF  }
0x65: {  	[sflag:s0] =	ssyncadd.tile.s32 @!p0 $0x1;
	_ =	shalt  }
.Lfunc_end2:
_tile_overlayer_lowered:
.L_overlay_start_2:
0x66: {  	(tag) =	ssettag $0x2  }
0x67: {  	s0 =	rddreg [dreg:$0x0];
	s2 =	stileid.u32  }
0x68: {  	s1 =	rddreg [dreg:$0x1];
	p0 =	sne.s32 s2, $0x0  }
0x69: {  	s3 =	rddreg [dreg:$0x2];
	[bflag:$0x3] =	sbarrier.arrive $0xFFFF;
	s2 =	simm.s32 @!p0 $0x1C02  }
0x6a: {  	[timem:s3], [sflag:s2] =	dma.local @!p0 [hbm:s0], s1  }
0x6b: {  	s0 =	simm.s32 @!p0 $0x2  }
0x6c: {  	_ =	swait.ge @!p0 [sflag:s0], s1  }
0x6d: {  	s1 =	ssub.s32 @!p0 $0x0, s1;
	[sflag:s0] =	ssyncset.done @!p0 $0x0  }
0x6e: {  	[sflag:s0] =	ssyncadd.s32 @!p0 s1  }
0x6f: {  	[bflag:$0x3] =	sbarrier.arrive $0xFFFF  }
0x70: {  	_ =	shalt  }

// kernel: kernel.36.cloned.1.call-start
scs
__scs_entry_jumppad:
0x0: {  	(pc) =	sbr.rel $0x88, $3  }
0x1: {  	(tag) =	ssettag $0x0;
	lr =	simm.s32 $0x1  }
0x2: {  	[smem:$0x3F9A] =	sst lr;
	_ =	strace $0xD0000000  }
0x3: {  	_ = 	snop  }
0x4: {  	_ = 	snop  }
0x5: {  	_ = 	snop  }
0x6: {  	_ = 	snop  }
0x7: {  	_ = 	snop  }
__scs_overlays_trampoline_lowered:
0x8: {  	[smem:$0x3FA9] =	sst s0  }
0x9: {  	[smem:$0x3FAA] =	sst s1  }
0xa: {  	[smem:$0x3FAB] =	sst s2  }
0xb: {  	[smem:$0x3FAC] =	sst s3  }
0xc: {  	[smem:$0x3FAD] =	sst s4  }
0xd: {  	[smem:$0x3FAE] =	sst s5  }
0xe: {  	[smem:$0x3FAF] =	sst s6  }
0xf: {  	[smem:$0x3FB0] =	sst s7  }
0x10: {  	[smem:$0x3FB1] =	sst s8  }
0x11: {  	[smem:$0x3FB2] =	sst s9;
	s0 =	simm.s32 @!p0 $0x0  }
0x12: {  	s1 =	sld [smem:$0x3F98];
	s0 =	simm.s32 @p0 $0x1  }
0x13: {  	[smem:$0x3FB3] =	sst s0;
	s0 =	simm.s32 @!p1 $0x0  }
0x14: {  	s2 =	sld [smem:$0x3F97];
	s0 =	simm.s32 @p1 $0x1  }
0x15: {  	[smem:$0x3FB4] =	sst s0;
	s0 =	simm.s32 @!p2 $0x0  }
0x16: {  	s3 =	sld [smem:$0x3FDB];
	s0 =	simm.s32 @p2 $0x1  }
0x17: {  	s4 =	simm.s32 $0x1BF5;
	[smem:$0x3FB6] =	sst s0  }
0x18: {  	s0 =	sld [smem:$0x3F99];
	_ =	swait.ge [sflag:s4], $0x0  }
0x19: {  	s7 =	sld [smem:$0x3F9A]  }
0x1a: {  	s8 =	sadd.s32 $0xFFFFE003, lr  }
0x1b: {  	s9 =	sadd.s32 $0xFFFFFEF7, lr;
	s5 =	simm.s32 $0xFFFFFFFF;
	p2 =	slt.u32 s8, $0xFFFFF086  }
0x1c: {  	p1 =	slt.u32 s9, $0xF7A;
	s5 =	simm.s32 @!p2 $0x0  }
0x1d: {  	s5 =	simm.s32 @p1 $0x1;
	p0 =	seq.s32 s7, s2  }
0x1e: {  	s7 =	smul.u32 @!p0 $0xF7A, s2;
	p2 =	seq.s32 @!p0 s5, $0x0  }
0x1f: {  	s9 =	smul.u32 $0xF7A, s1;
	s8 =	simm.s32 @!p0 $0x1BF5;
	p2 =	por !p2, p0  }
0x20: {  	[sflag:s8] =	ssyncset.s32 @!p0 $0xFFFFF086;
	s6 =	sadd.s32 @!p0 s3, s7;
	s7 =	simm.s32 @!p0 $0x108  }
0x21: {  	s3 =	sadd.s32 s3, s9;
	s6 =	sadd.s32 @!p0 $0x88, s6;
	s7 =	simm.s32 @p2 $0x1082  }
0x22: {  	[simem:s7], [sflag:s8] =	dma.local @!p0 [hbm:s6], $0xF7A  }
0x23: {  	s9 =	sor.u32 $0xD0000000, s2;
	s6 =	simm.s32 $0x108;
	_ =	swait.ge @!p0 [sflag:s8], $0x0  }
0x24: {  	s3 =	sadd.s32 $0x88, s3;
	s6 =	simm.s32 @!p1 $0x1082;
	[sflag:s4] =	ssyncset.s32 $0xFFFFF086  }
0x25: {  	[simem:s6], [sflag:s4] =	dma.local [hbm:s3], $0xF7A  }
0x26: {  	[smem:$0x3F9A] =	sst s1;
	(tag) =	ssettag s2;
	_ =	strace s9  }
0x27: {  	s1 =	sld [smem:$0x3FAA]  }
0x28: {  	s2 =	sld [smem:$0x3FAB]  }
0x29: {  	s4 =	sld [smem:$0x3FAD]  }
0x2a: {  	p0 =	seq.s32 s5, $0x0;
	s5 =	sld [smem:$0x3FAE]  }
0x2b: {  	s6 =	sld [smem:$0x3FAF]  }
0x2c: {  	s7 =	sld [smem:$0x3FB0]  }
0x2d: {  	s3 =	simm.s32 $0x108;
	s8 =	sld [smem:$0x3FB1]  }
0x2e: {  	s3 =	simm.s32 @!p0 $0x1082;
	s9 =	sld [smem:$0x3FB2]  }
0x2f: {  	lr =	sadd.s32 s0, s3;
	s0 =	sld [smem:$0x3FA9]  }
0x30: {  	s3 =	sld [smem:$0x3FAC]  }
0x31: {  	[smem:$0x3FB5] =	sst s10  }
0x32: {  	s10 =	sld [smem:$0x3FB3];
	_ =	sdelay $0x3  }
0x33: {  	p0 =	seq.s32 s10, $0x1;
	s10 =	sld [smem:$0x3FB5];
	_ =	sdelay $0x3  }
0x34: {  	[smem:$0x3FB5] =	sst s10  }
0x35: {  	s10 =	sld [smem:$0x3FB4];
	_ =	sdelay $0x3  }
0x36: {  	p1 =	seq.s32 s10, $0x1;
	s10 =	sld [smem:$0x3FB5];
	_ =	sdelay $0x3  }
0x37: {  	[smem:$0x3FB5] =	sst s10  }
0x38: {  	s10 =	sld [smem:$0x3FB6]  }
0x39: {  	_ = 	snop;
	(pc) =	sbr.ind lr, $3  }
0x3a: {  	_ = 	snop  }
0x3b: {  	_ = 	snop  }
0x3c: {  	p2 =	seq.s32 s10, $0x1;
	s10 =	sld [smem:$0x3FB5]  }
0x3d: {  	_ =	shalt  }
0x3e: {  	_ =	shalt  }
0x3f: {  	_ =	shalt  }
0x40: {  	_ =	shalt  }
0x41: {  	_ =	shalt  }
0x42: {  	_ =	shalt  }
0x43: {  	_ =	shalt  }
0x44: {  	_ =	shalt  }
0x45: {  	_ =	shalt  }
0x46: {  	_ =	shalt  }
0x47: {  	_ =	shalt  }
0x48: {  	_ =	shalt  }
0x49: {  	_ =	shalt  }
0x4a: {  	_ =	shalt  }
0x4b: {  	_ =	shalt  }
0x4c: {  	_ =	shalt  }
0x4d: {  	_ =	shalt  }
0x4e: {  	_ =	shalt  }
0x4f: {  	_ =	shalt  }
0x50: {  	_ =	shalt  }
0x51: {  	_ =	shalt  }
0x52: {  	_ =	shalt  }
0x53: {  	_ =	shalt  }
0x54: {  	_ =	shalt  }
0x55: {  	_ =	shalt  }
0x56: {  	_ =	shalt  }
0x57: {  	_ =	shalt  }
0x58: {  	_ =	shalt  }
0x59: {  	_ =	shalt  }
0x5a: {  	_ =	shalt  }
0x5b: {  	_ =	shalt  }
0x5c: {  	_ =	shalt  }
0x5d: {  	_ =	shalt  }
0x5e: {  	_ =	shalt  }
0x5f: {  	_ =	shalt  }
0x60: {  	_ =	shalt  }
0x61: {  	_ =	shalt  }
0x62: {  	_ =	shalt  }
0x63: {  	_ =	shalt  }
0x64: {  	_ =	shalt  }
0x65: {  	_ =	shalt  }
0x66: {  	_ =	shalt  }
0x67: {  	_ =	shalt  }
0x68: {  	_ =	shalt  }
0x69: {  	_ =	shalt  }
0x6a: {  	_ =	shalt  }
0x6b: {  	_ =	shalt  }
0x6c: {  	_ =	shalt  }
0x6d: {  	_ =	shalt  }
0x6e: {  	_ =	shalt  }
0x6f: {  	_ =	shalt  }
0x70: {  	_ =	shalt  }
0x71: {  	_ =	shalt  }
0x72: {  	_ =	shalt  }
0x73: {  	_ =	shalt  }
0x74: {  	_ =	shalt  }
0x75: {  	_ =	shalt  }
0x76: {  	_ =	shalt  }
0x77: {  	_ =	shalt  }
0x78: {  	_ =	shalt  }
0x79: {  	_ =	shalt  }
0x7a: {  	_ =	shalt  }
0x7b: {  	_ =	shalt  }
0x7c: {  	_ =	shalt  }
0x7d: {  	_ =	shalt  }
0x7e: {  	_ =	shalt  }
0x7f: {  	_ =	shalt  }
0x80: {  	_ =	shalt  }
0x81: {  	_ =	shalt  }
0x82: {  	_ =	shalt  }
0x83: {  	_ =	shalt  }
0x84: {  	_ =	shalt  }
0x85: {  	_ =	shalt  }
0x86: {  	_ =	shalt  }
0x87: {  	_ =	shalt  }
.Lfunc_end0:
.L_simem_size_0:
called_computation.6_lowered:
.L_overlay_start_0:
0x88: {  	s2 =	sld [smem:$0x3FD9]  }
0x89: {  	s3 =	sld [smem:$0x3FFE];
	_ =	sdelay $0x1  }
0x8a: {  	s1 =	srdreg.scid  }
0x8b: {  	s0 =	sand.u32 $0x1, s1  }
0x8c: {  	s17 =	sshll.u32 s0, $0xA;
	s2 =	sadd.s32 s3, s2  }
0x8d: {  	s2 =	sadd.s32 s2, s17  }
0x8e: {  	[smem:$0x3FC1] =	sst s2  }
0x8f: {  	_ = 	snop  }
0x90: {  	s18 =	sld [smem:$0x3FC9]  }
0x91: {  	s4 =	sld [smem:$0x3FD0];
	(tm) =	ssettm $0x1  }
0x92: {  	s19 =	sld [smem:$0x3FFB];
	_ =	sdelay $0x3  }
0x93: {  	_ =	strace s19  }
0x94: {  	s2 =	sld [smem:$0x3FFC];
	_ =	sdelay $0x3  }
0x95: {  	_ =	strace s2  }
0x96: {  	s2 =	sld [smem:$0x3FFD];
	_ =	sdelay $0x3  }
0x97: {  	_ =	strace s2  }
0x98: {  	_ =	strace $0x8FFFFFFF  }
0x99: {  	s20 =	sld [smem:$0x3FDB];
	_ =	sdelay $0x1  }
0x9a: {  	s5 =	simm.s32 $_scs_section_size  }
0x9b: {  	s6 =	simm.s32 $_size__tile_overlayer_lowered;
	s7 =	simm.s32 $_tile_overlayer_lowered  }
0x9c: {  	s8 =	simm.s32 $0x1BFF;
	s21 =	sshll.u32 s7, $0x1;
	s5 =	sadd.s32 s5, s20  }
0x9d: {  	s22 =	simm.s32 $0x0;
	s6 =	sshll.u32 s6, $0x1;
	s7 =	sadd.s32 s21, s5  }
0x9e: {  	[timem:s22], [sflag:s8] =	dma.local [hbm:s7], s6  }
0x9f: {  	_ =	swait.ge [sflag:s8], s6  }
0xa0: {  	s6 =	ssub.s32 $0x0, s6;
	[sflag:s8] =	ssyncset.done $0x0  }
0xa1: {  	[sflag:s8] =	ssyncadd.s32 s6;
	_ =	sdelay $0x1  }
0xa2: {  	s23 =	simm.s32 $0x1B8B  }
0xa3: {  	_ =	swait.ge [sflag:s23], $0x1  }
0xa4: {  	[sflag:s23] =	ssyncset.done $0x0  }
0xa5: {  	[sflag:s23] =	ssyncadd.s32 $0xFFFFFFFF  }
0xa6: {  	s6 =	sld [smem:$0x0]  }
0xa7: {  	s7 =	sand.u32 $0xFFFFFFFE, s1  }
0xa8: {  	p0 =	sne.s32 s1, s7  }
0xa9: {  	s7 =	sshll.u32 @p0 s7, $0xE  }
0xaa: {  	s7 =	sadd.s32 @p0 $0x11B8D, s7;
	s8 =	sshll.u32 @p0 s6, $0x11  }
0xab: {  	s7 =	sor.u32 @p0 s8, s7  }
0xac: {  	[sflag:s7] =	ssyncadd.remote.s32 @p0 $0x1;
	_ =	sdelay $0x1  }
0xad: {  	s7 =	simm.s32 @p0 $0x1B8D  }
0xae: {  	_ =	swait.eq @p0 [sflag:s7], $0x1  }
0xaf: {  	[sflag:s7] =	ssyncadd.s32 @p0 $0xFFFFFFFF  }
0xb0: {  	s8 =	sshll.u32 @!p0 s1, $0xE  }
0xb1: {  	s8 =	sor.u32 @!p0 $0x4000, s8;
	s7 =	simm.s32 @!p0 $0x1B8D  }
0xb2: {  	s6 =	sshll.u32 @!p0 s6, $0x11;
	s8 =	sadd.s32 @!p0 $0x11B8D, s8;
	_ =	swait.eq @!p0 [sflag:s7], $0x1  }
0xb3: {  	s6 =	sor.u32 @!p0 s6, s8;
	[sflag:s7] =	ssyncadd.s32 @!p0 $0xFFFFFFFF  }
0xb4: {  	s25 =	simm.s32 $0x1B8E;
	s24 =	sld [smem:$0x3FFE];
	[sflag:s6] =	ssyncadd.remote.s32 @!p0 $0x1  }
0xb5: {  	s26 =	simm.s32 $execute0_lowered;
	[smem:$0x3FD2] =	sst s25  }
0xb6: {  	s7 =	sshll.u32 s26, $0x1;
	_ =	strace $0x8000005B;
	[dreg:$0x1] =	wrdreg $0xFFFFFFFF  }
0xb7: {  	s28 =	simm.s32 $_size_execute0_lowered;
	s5 =	sadd.s32 s5, s7;
	[dreg:$0x0] =	wrdreg $0x0  }
0xb8: {  	s7 =	sshll.u32 s28, $0x1;
	[dreg:$0x2] =	wrdreg s5  }
0xb9: {  	[dreg:$0x3] =	wrdreg s7  }
0xba: {  	[dreg:$0x4] =	wrdreg $0xC0  }
0xbb: {  	_ =	task [dreg:s22], $0x5FFFF  }
0xbc: {  	[dreg:$0x1] =	wrdreg $0xFFFFFFFF  }
0xbd: {  	[dreg:$0x0] =	wrdreg $0x60  }
0xbe: {  	[dreg:$0x2] =	wrdreg s18  }
0xbf: {  	[dreg:$0x3] =	wrdreg s4  }
0xc0: {  	[dreg:$0x4] =	wrdreg s24  }
0xc1: {  	[dreg:$0x5] =	wrdreg $0xF  }
0xc2: {  	_ =	task.clear_ibuf [dreg:s22], $0x6FFFF;
	_ =	strace $0x9000005B  }
0xc3: {  	s29 =	simm.s32 $0xF;
	_ =	strace $0x8000005D  }
0xc4: {  	_ =	swait.ge [sflag:s29], $0x1  }
0xc5: {  	[sflag:s29] =	ssyncadd.s32 $0xFFFFFFFF  }
0xc6: {  	_ =	strace $0x9000005D  }
0xc7: {  	_ =	sfence  }
0xc8: {  	s30 =	sld [smem:$0x0];
	_ =	sdelay $0x2  }
0xc9: {  	s31 =	sshll.u32 s1, $0xD;
	s1 =	sshrl.u32 s1, $0x2  }
0xca: {  	s4 =	sand.u32 $0x4000, s31;
	s1 =	sadd.s32 s1, s30  }
0xcb: {  	s0 =	sor.u32 s4, s0;
	s1 =	sshll.u32 s1, $0x11  }
0xcc: {  	s0 =	sor.u32 s1, s0  }
0xcd: {  	s0 =	sadd.s32 $0x8F2B, s0  }
0xce: {  	[sflag:s0] =	ssyncadd.remote.s32 $0x1  }
0xcf: {  	_ =	sfence.sel $0xFFFF  }
0xd0: {  	[dreg:$0x0] =	wrdreg $0xFFFFFFFF;
	(pc) =	sbr.abs _section_cstart, $3  }
0xd1: {  	[dreg:$0x1] =	wrdreg $0xFFFFFFFF  }
0xd2: {  	_ =	task.clear_ibuf [dreg:s22], $0x2FFFF;
	_ =	strace $0x9FFFFFFF  }
0xd3: {  	(tm) =	ssettm $0x7FFFFFFF  }
tec
execute0_lowered:
.L_overlay_start_1:
0x0: {  	(tag) =	ssettag $0x1  }
0x1: {  	s1 =	srdreg.scid;
	s0 =	stileid.u32  }
0x2: {  	s15 =	sand.u32 $0x1, s1;
	s31 =	sshll.u32 s0, $0x1  }
0x3: {  	s2 =	rddreg [dreg:$0x0];
	s6 =	sor.u32 s15, s31  }
0x4: {  	s4 =	rddreg [dreg:$0x1];
	s5 =	smul.u32 $0x7D0, s6  }
0x5: {  	s9 =	rddreg [dreg:$0x2]  }
0x6: {  	s3 =	simm.s32 $0x0;
	s1 =	rddreg [dreg:$0x3];
	s5 =	sshrl.u32 s5, $0x3  }
0x7: {  	[smem:$0x7FF] =	sst s3;
	s4 =	sadd.s32 s4, s5  }
0x8: {  	_ =	strace $0x8000005C;
	s5 =	sadd.s32 $0x5DC0, s4;
	s4 =	simm.s32 $0x2  }
0x9: {  	[tilespmem:s3], [sflag:$0x2] =	stream.linear.gather [hbm4b:s5+s3], $0x7D0, $0x38;
	[tilespmem:$0xD000] =	vst v63  }
0xa: {  	_ =	swait.ge [sflag:s4], $0x7D0  }
0xb: {  	s7 =	simm.s32 $0x800;
	s8 =	simm.s32 $0x1;
	[sflag:s4] =	ssyncset.done $0x0  }
0xc: {  	s10 =	smul.u32 $0x7D00, s6;
	s6 =	simm.s32 $0x190;
	[sflag:s4] =	ssyncadd.s32 $0xFFFFF830  }
0xd: {  	[tilespmem:s7], [sflag:$0x1] =	stream.indirect.gather [hbm4b:s2+s6], $0x80, s3, s6, $0xb8;
	[tilespmem:$0xD000] =	vst v63  }
0xe: {  	_ =	swait.ge [sflag:s8], $0xC800  }
0xf: {  	s16 =	sadd.s32 s10, s9;
	[sflag:s8] =	ssyncset.done $0x0  }
0x10: {  	s9 =	sadd.s32 $0x2C0200, s16;
	[sflag:s8] =	ssyncadd.s32 $0xFFFF3800  }
0x11: {  	[hbm4b:s9+s3] =	stream.linear.scatter [tilespmem:s7], [sflag:$0x2], $0xC800, $0x38;
	[tilespmem:$0xD000] =	vst v63  }
0x12: {  	_ =	swait.ge [sflag:s4], $0xC800  }
0x13: {  	[sflag:s4] =	ssyncset.done $0x0  }
0x14: {  	[sflag:s4] =	ssyncadd.s32 $0xFFFF3800  }
0x15: {  	[tilespmem:s7], [sflag:$0x1] =	stream.indirect.gather [hbm4b:s2+s6], $0x80, s6, s6, $0xb8;
	[tilespmem:$0xD000] =	vst v63  }
0x16: {  	_ =	swait.ge [sflag:s8], $0xC800  }
0x17: {  	[sflag:s8] =	ssyncset.done $0x0  }
0x18: {  	s10 =	sadd.s32 $0x2C1B00, s16;
	[sflag:s8] =	ssyncadd.s32 $0xFFFF3800  }
0x19: {  	[hbm4b:s10+s3] =	stream.linear.scatter [tilespmem:s7], [sflag:$0x2], $0xC800, $0x38;
	[tilespmem:$0xD000] =	vst v63  }
0x1a: {  	_ =	swait.ge [sflag:s4], $0xC800  }
0x1b: {  	[sflag:s4] =	ssyncset.done $0x0  }
0x1c: {  	s11 =	simm.s32 $0x320;
	[sflag:s4] =	ssyncadd.s32 $0xFFFF3800  }
0x1d: {  	[tilespmem:s7], [sflag:$0x1] =	stream.indirect.gather [hbm4b:s2+s6], $0x80, s11, s6, $0xb8;
	[tilespmem:$0xD000] =	vst v63  }
0x1e: {  	_ =	swait.ge [sflag:s8], $0xC800  }
0x1f: {  	[sflag:s8] =	ssyncset.done $0x0  }
0x20: {  	s12 =	sadd.s32 $0x2C3400, s16;
	[sflag:s8] =	ssyncadd.s32 $0xFFFF3800  }
0x21: {  	[hbm4b:s12+s3] =	stream.linear.scatter [tilespmem:s7], [sflag:$0x2], $0xC800, $0x38;
	[tilespmem:$0xD000] =	vst v63  }
0x22: {  	_ =	swait.ge [sflag:s4], $0xC800  }
0x23: {  	[sflag:s4] =	ssyncset.done $0x0  }
0x24: {  	s13 =	simm.s32 $0x4B0;
	[sflag:s4] =	ssyncadd.s32 $0xFFFF3800  }
0x25: {  	[tilespmem:s7], [sflag:$0x1] =	stream.indirect.gather [hbm4b:s2+s6], $0x80, s13, s6, $0xb8;
	[tilespmem:$0xD000] =	vst v63  }
0x26: {  	_ =	swait.ge [sflag:s8], $0xC800  }
0x27: {  	[sflag:s8] =	ssyncset.done $0x0  }
0x28: {  	s17 =	ssub.s32 $0x2, s15;
	s14 =	sadd.s32 $0x2C4D00, s16;
	[sflag:s8] =	ssyncadd.s32 $0xFFFF3800  }
0x29: {  	[hbm4b:s14+s3] =	stream.linear.scatter [tilespmem:s7], [sflag:$0x2], $0xC800, $0x38;
	[tilespmem:$0xD000] =	vst v63  }
0x2a: {  	s18 =	sshrl.u32 s17, $0x1;
	_ =	swait.ge [sflag:s4], $0xC800  }
0x2b: {  	s17 =	ssub.s32 s17, s18;
	[sflag:s4] =	ssyncset.done $0x0  }
0x2c: {  	s15 =	simm.s32 $0x640;
	s17 =	smax.u32 s17, $0x1;
	[sflag:s4] =	ssyncadd.s32 $0xFFFF3800  }
0x2d: {  	[tilespmem:s7], [sflag:$0x1] =	stream.indirect.gather [hbm4b:s2+s6], $0x80, s15, s6, $0xb8;
	[tilespmem:$0xD000] =	vst v63  }
0x2e: {  	p0 =	sne.s32 s17, $0x1;
	_ =	swait.ge [sflag:s8], $0xC800  }
.Ltmp0:
0x2f: {  	[sflag:s8] =	ssyncset.done $0x0;
	(pc) =	sbr.rel @!p0 .LBB2_2-.Ltmp0, $4  }
0x30: {  	s16 =	sadd.s32 $0x2C6600, s16;
	[sflag:s8] =	ssyncadd.s32 $0xFFFF3800  }
0x31: {  	[hbm4b:s16+s3] =	stream.linear.scatter [tilespmem:s7], [sflag:$0x2], $0xC800, $0x38;
	[tilespmem:$0xD000] =	vst v63  }
0x32: {  	_ =	swait.ge [sflag:s4], $0xC800  }
0x33: {  	s17 =	sadd.s32 $0xFFFFFFFF, s17;
	[sflag:s4] =	ssyncset.done $0x0  }
.LBB2_1:
0x34: {  	p0 =	sne.s32 s17, $0x1;
	s17 =	sadd.s32 $0xFFFFFFFF, s17;
	[sflag:s4] =	ssyncadd.s32 $0xFFFF3800  }
0x35: {  	[tilespmem:s3], [sflag:$0x2] =	stream.linear.gather [hbm4b:s5+s3], $0x7D0, $0x38;
	[tilespmem:$0xD000] =	vst v63  }
0x36: {  	_ =	swait.ge [sflag:s4], $0x7D0  }
0x37: {  	[sflag:s4] =	ssyncset.done $0x0  }
0x38: {  	[sflag:s4] =	ssyncadd.s32 $0xFFFFF830  }
0x39: {  	[tilespmem:s7], [sflag:$0x1] =	stream.indirect.gather [hbm4b:s2+s6], $0x80, s3, s6, $0xb8;
	[tilespmem:$0xD000] =	vst v63  }
0x3a: {  	_ =	swait.ge [sflag:s8], $0xC800  }
0x3b: {  	[sflag:s8] =	ssyncset.done $0x0  }
0x3c: {  	[sflag:s8] =	ssyncadd.s32 $0xFFFF3800  }
0x3d: {  	[hbm4b:s9+s3] =	stream.linear.scatter [tilespmem:s7], [sflag:$0x2], $0xC800, $0x38;
	[tilespmem:$0xD000] =	vst v63  }
0x3e: {  	_ =	swait.ge [sflag:s4], $0xC800  }
0x3f: {  	[sflag:s4] =	ssyncset.done $0x0  }
0x40: {  	[sflag:s4] =	ssyncadd.s32 $0xFFFF3800  }
0x41: {  	[tilespmem:s7], [sflag:$0x1] =	stream.indirect.gather [hbm4b:s2+s6], $0x80, s6, s6, $0xb8;
	[tilespmem:$0xD000] =	vst v63  }
0x42: {  	_ =	swait.ge [sflag:s8], $0xC800  }
0x43: {  	[sflag:s8] =	ssyncset.done $0x0  }
0x44: {  	[sflag:s8] =	ssyncadd.s32 $0xFFFF3800  }
0x45: {  	[hbm4b:s10+s3] =	stream.linear.scatter [tilespmem:s7], [sflag:$0x2], $0xC800, $0x38;
	[tilespmem:$0xD000] =	vst v63  }
0x46: {  	_ =	swait.ge [sflag:s4], $0xC800  }
0x47: {  	[sflag:s4] =	ssyncset.done $0x0  }
0x48: {  	[sflag:s4] =	ssyncadd.s32 $0xFFFF3800  }
0x49: {  	[tilespmem:s7], [sflag:$0x1] =	stream.indirect.gather [hbm4b:s2+s6], $0x80, s11, s6, $0xb8;
	[tilespmem:$0xD000] =	vst v63  }
0x4a: {  	_ =	swait.ge [sflag:s8], $0xC800  }
0x4b: {  	[sflag:s8] =	ssyncset.done $0x0  }
0x4c: {  	[sflag:s8] =	ssyncadd.s32 $0xFFFF3800  }
0x4d: {  	[hbm4b:s12+s3] =	stream.linear.scatter [tilespmem:s7], [sflag:$0x2], $0xC800, $0x38;
	[tilespmem:$0xD000] =	vst v63  }
0x4e: {  	_ =	swait.ge [sflag:s4], $0xC800  }
0x4f: {  	[sflag:s4] =	ssyncset.done $0x0  }
0x50: {  	[sflag:s4] =	ssyncadd.s32 $0xFFFF3800  }
0x51: {  	[tilespmem:s7], [sflag:$0x1] =	stream.indirect.gather [hbm4b:s2+s6], $0x80, s13, s6, $0xb8;
	[tilespmem:$0xD000] =	vst v63  }
0x52: {  	_ =	swait.ge [sflag:s8], $0xC800  }
0x53: {  	[sflag:s8] =	ssyncset.done $0x0  }
0x54: {  	[sflag:s8] =	ssyncadd.s32 $0xFFFF3800  }
0x55: {  	[hbm4b:s14+s3] =	stream.linear.scatter [tilespmem:s7], [sflag:$0x2], $0xC800, $0x38;
	[tilespmem:$0xD000] =	vst v63  }
0x56: {  	_ =	swait.ge [sflag:s4], $0xC800  }
0x57: {  	[sflag:s4] =	ssyncset.done $0x0  }
0x58: {  	[sflag:s4] =	ssyncadd.s32 $0xFFFF3800  }
0x59: {  	[tilespmem:s7], [sflag:$0x1] =	stream.indirect.gather [hbm4b:s2+s6], $0x80, s15, s6, $0xb8;
	[tilespmem:$0xD000] =	vst v63  }
0x5a: {  	_ =	swait.ge [sflag:s8], $0xC800  }
.Ltmp1:
0x5b: {  	[sflag:s8] =	ssyncset.done $0x0;
	(pc) =	sbr.rel @p0 .LBB2_1-.Ltmp1, $4  }
0x5c: {  	[sflag:s8] =	ssyncadd.s32 $0xFFFF3800  }
0x5d: {  	[hbm4b:s16+s3] =	stream.linear.scatter [tilespmem:s7], [sflag:$0x2], $0xC800, $0x38;
	[tilespmem:$0xD000] =	vst v63  }
0x5e: {  	_ =	swait.ge [sflag:s4], $0xC800  }
0x5f: {  	[sflag:s4] =	ssyncset.done $0x0  }
.LBB2_2:
0x60: {  	[sflag:s4] =	ssyncadd.s32 $0xFFFF3800  }
0x61: {  	_ =	sfence.sel $0x180000  }
0x62: {  	[bflag:$0x0] =	sbarrier.arrive $0xFFFF  }
0x63: {  	p0 =	sne.s32 s0, $0x0;
	_ =	strace $0x9000005C  }
0x64: {  	s0 =	sadd.s32 @!p0 $0x100000, s1;
	[bflag:$0x2] =	sbarrier.arrive $0xFFFF  }
0x65: {  	[sflag:s0] =	ssyncadd.tile.s32 @!p0 $0x1;
	_ =	shalt  }
.Lfunc_end2:
_tile_overlayer_lowered:
.L_overlay_start_2:
0x66: {  	(tag) =	ssettag $0x2  }
0x67: {  	s0 =	rddreg [dreg:$0x0];
	s2 =	stileid.u32  }
0x68: {  	s1 =	rddreg [dreg:$0x1];
	p0 =	sne.s32 s2, $0x0  }
0x69: {  	s3 =	rddreg [dreg:$0x2];
	[bflag:$0x3] =	sbarrier.arrive $0xFFFF;
	s2 =	simm.s32 @!p0 $0x1C02  }
0x6a: {  	[timem:s3], [sflag:s2] =	dma.local @!p0 [hbm:s0], s1  }
0x6b: {  	s0 =	simm.s32 @!p0 $0x2  }
0x6c: {  	_ =	swait.ge @!p0 [sflag:s0], s1  }
0x6d: {  	s1 =	ssub.s32 @!p0 $0x0, s1;
	[sflag:s0] =	ssyncset.done @!p0 $0x0  }
0x6e: {  	[sflag:s0] =	ssyncadd.s32 @!p0 s1  }
0x6f: {  	[bflag:$0x3] =	sbarrier.arrive $0xFFFF  }
0x70: {  	_ =	shalt  }

// kernel: kernel.39.cloned.1.call-start
scs
__scs_entry_jumppad:
0x0: {  	(pc) =	sbr.rel $0x88, $3  }
0x1: {  	(tag) =	ssettag $0x0;
	lr =	simm.s32 $0x1  }
0x2: {  	[smem:$0x3F9A] =	sst lr;
	_ =	strace $0xD0000000  }
0x3: {  	_ = 	snop  }
0x4: {  	_ = 	snop  }
0x5: {  	_ = 	snop  }
0x6: {  	_ = 	snop  }
0x7: {  	_ = 	snop  }
__scs_overlays_trampoline_lowered:
0x8: {  	[smem:$0x3FA9] =	sst s0  }
0x9: {  	[smem:$0x3FAA] =	sst s1  }
0xa: {  	[smem:$0x3FAB] =	sst s2  }
0xb: {  	[smem:$0x3FAC] =	sst s3  }
0xc: {  	[smem:$0x3FAD] =	sst s4  }
0xd: {  	[smem:$0x3FAE] =	sst s5  }
0xe: {  	[smem:$0x3FAF] =	sst s6  }
0xf: {  	[smem:$0x3FB0] =	sst s7  }
0x10: {  	[smem:$0x3FB1] =	sst s8  }
0x11: {  	[smem:$0x3FB2] =	sst s9;
	s0 =	simm.s32 @!p0 $0x0  }
0x12: {  	s1 =	sld [smem:$0x3F98];
	s0 =	simm.s32 @p0 $0x1  }
0x13: {  	[smem:$0x3FB3] =	sst s0;
	s0 =	simm.s32 @!p1 $0x0  }
0x14: {  	s2 =	sld [smem:$0x3F97];
	s0 =	simm.s32 @p1 $0x1  }
0x15: {  	[smem:$0x3FB4] =	sst s0;
	s0 =	simm.s32 @!p2 $0x0  }
0x16: {  	s3 =	sld [smem:$0x3FDB];
	s0 =	simm.s32 @p2 $0x1  }
0x17: {  	s4 =	simm.s32 $0x1BF5;
	[smem:$0x3FB6] =	sst s0  }
0x18: {  	s0 =	sld [smem:$0x3F99];
	_ =	swait.ge [sflag:s4], $0x0  }
0x19: {  	s7 =	sld [smem:$0x3F9A]  }
0x1a: {  	s8 =	sadd.s32 $0xFFFFE003, lr  }
0x1b: {  	s9 =	sadd.s32 $0xFFFFFEF7, lr;
	s5 =	simm.s32 $0xFFFFFFFF;
	p2 =	slt.u32 s8, $0xFFFFF086  }
0x1c: {  	p1 =	slt.u32 s9, $0xF7A;
	s5 =	simm.s32 @!p2 $0x0  }
0x1d: {  	s5 =	simm.s32 @p1 $0x1;
	p0 =	seq.s32 s7, s2  }
0x1e: {  	s7 =	smul.u32 @!p0 $0xF7A, s2;
	p2 =	seq.s32 @!p0 s5, $0x0  }
0x1f: {  	s9 =	smul.u32 $0xF7A, s1;
	s8 =	simm.s32 @!p0 $0x1BF5;
	p2 =	por !p2, p0  }
0x20: {  	[sflag:s8] =	ssyncset.s32 @!p0 $0xFFFFF086;
	s6 =	sadd.s32 @!p0 s3, s7;
	s7 =	simm.s32 @!p0 $0x108  }
0x21: {  	s3 =	sadd.s32 s3, s9;
	s6 =	sadd.s32 @!p0 $0x88, s6;
	s7 =	simm.s32 @p2 $0x1082  }
0x22: {  	[simem:s7], [sflag:s8] =	dma.local @!p0 [hbm:s6], $0xF7A  }
0x23: {  	s9 =	sor.u32 $0xD0000000, s2;
	s6 =	simm.s32 $0x108;
	_ =	swait.ge @!p0 [sflag:s8], $0x0  }
0x24: {  	s3 =	sadd.s32 $0x88, s3;
	s6 =	simm.s32 @!p1 $0x1082;
	[sflag:s4] =	ssyncset.s32 $0xFFFFF086  }
0x25: {  	[simem:s6], [sflag:s4] =	dma.local [hbm:s3], $0xF7A  }
0x26: {  	[smem:$0x3F9A] =	sst s1;
	(tag) =	ssettag s2;
	_ =	strace s9  }
0x27: {  	s1 =	sld [smem:$0x3FAA]  }
0x28: {  	s2 =	sld [smem:$0x3FAB]  }
0x29: {  	s4 =	sld [smem:$0x3FAD]  }
0x2a: {  	p0 =	seq.s32 s5, $0x0;
	s5 =	sld [smem:$0x3FAE]  }
0x2b: {  	s6 =	sld [smem:$0x3FAF]  }
0x2c: {  	s7 =	sld [smem:$0x3FB0]  }
0x2d: {  	s3 =	simm.s32 $0x108;
	s8 =	sld [smem:$0x3FB1]  }
0x2e: {  	s3 =	simm.s32 @!p0 $0x1082;
	s9 =	sld [smem:$0x3FB2]  }
0x2f: {  	lr =	sadd.s32 s0, s3;
	s0 =	sld [smem:$0x3FA9]  }
0x30: {  	s3 =	sld [smem:$0x3FAC]  }
0x31: {  	[smem:$0x3FB5] =	sst s10  }
0x32: {  	s10 =	sld [smem:$0x3FB3];
	_ =	sdelay $0x3  }
0x33: {  	p0 =	seq.s32 s10, $0x1;
	s10 =	sld [smem:$0x3FB5];
	_ =	sdelay $0x3  }
0x34: {  	[smem:$0x3FB5] =	sst s10  }
0x35: {  	s10 =	sld [smem:$0x3FB4];
	_ =	sdelay $0x3  }
0x36: {  	p1 =	seq.s32 s10, $0x1;
	s10 =	sld [smem:$0x3FB5];
	_ =	sdelay $0x3  }
0x37: {  	[smem:$0x3FB5] =	sst s10  }
0x38: {  	s10 =	sld [smem:$0x3FB6]  }
0x39: {  	_ = 	snop;
	(pc) =	sbr.ind lr, $3  }
0x3a: {  	_ = 	snop  }
0x3b: {  	_ = 	snop  }
0x3c: {  	p2 =	seq.s32 s10, $0x1;
	s10 =	sld [smem:$0x3FB5]  }
0x3d: {  	_ =	shalt  }
0x3e: {  	_ =	shalt  }
0x3f: {  	_ =	shalt  }
0x40: {  	_ =	shalt  }
0x41: {  	_ =	shalt  }
0x42: {  	_ =	shalt  }
0x43: {  	_ =	shalt  }
0x44: {  	_ =	shalt  }
0x45: {  	_ =	shalt  }
0x46: {  	_ =	shalt  }
0x47: {  	_ =	shalt  }
0x48: {  	_ =	shalt  }
0x49: {  	_ =	shalt  }
0x4a: {  	_ =	shalt  }
0x4b: {  	_ =	shalt  }
0x4c: {  	_ =	shalt  }
0x4d: {  	_ =	shalt  }
0x4e: {  	_ =	shalt  }
0x4f: {  	_ =	shalt  }
0x50: {  	_ =	shalt  }
0x51: {  	_ =	shalt  }
0x52: {  	_ =	shalt  }
0x53: {  	_ =	shalt  }
0x54: {  	_ =	shalt  }
0x55: {  	_ =	shalt  }
0x56: {  	_ =	shalt  }
0x57: {  	_ =	shalt  }
0x58: {  	_ =	shalt  }
0x59: {  	_ =	shalt  }
0x5a: {  	_ =	shalt  }
0x5b: {  	_ =	shalt  }
0x5c: {  	_ =	shalt  }
0x5d: {  	_ =	shalt  }
0x5e: {  	_ =	shalt  }
0x5f: {  	_ =	shalt  }
0x60: {  	_ =	shalt  }
0x61: {  	_ =	shalt  }
0x62: {  	_ =	shalt  }
0x63: {  	_ =	shalt  }
0x64: {  	_ =	shalt  }
0x65: {  	_ =	shalt  }
0x66: {  	_ =	shalt  }
0x67: {  	_ =	shalt  }
0x68: {  	_ =	shalt  }
0x69: {  	_ =	shalt  }
0x6a: {  	_ =	shalt  }
0x6b: {  	_ =	shalt  }
0x6c: {  	_ =	shalt  }
0x6d: {  	_ =	shalt  }
0x6e: {  	_ =	shalt  }
0x6f: {  	_ =	shalt  }
0x70: {  	_ =	shalt  }
0x71: {  	_ =	shalt  }
0x72: {  	_ =	shalt  }
0x73: {  	_ =	shalt  }
0x74: {  	_ =	shalt  }
0x75: {  	_ =	shalt  }
0x76: {  	_ =	shalt  }
0x77: {  	_ =	shalt  }
0x78: {  	_ =	shalt  }
0x79: {  	_ =	shalt  }
0x7a: {  	_ =	shalt  }
0x7b: {  	_ =	shalt  }
0x7c: {  	_ =	shalt  }
0x7d: {  	_ =	shalt  }
0x7e: {  	_ =	shalt  }
0x7f: {  	_ =	shalt  }
0x80: {  	_ =	shalt  }
0x81: {  	_ =	shalt  }
0x82: {  	_ =	shalt  }
0x83: {  	_ =	shalt  }
0x84: {  	_ =	shalt  }
0x85: {  	_ =	shalt  }
0x86: {  	_ =	shalt  }
0x87: {  	_ =	shalt  }
.Lfunc_end0:
.L_simem_size_0:
called_computation.7_lowered:
.L_overlay_start_0:
0x88: {  	s2 =	sld [smem:$0x3FD9]  }
0x89: {  	s3 =	sld [smem:$0x3FFE];
	_ =	sdelay $0x1  }
0x8a: {  	s1 =	srdreg.scid  }
0x8b: {  	s0 =	sand.u32 $0x1, s1  }
0x8c: {  	s17 =	sshll.u32 s0, $0xA;
	s2 =	sadd.s32 s3, s2  }
0x8d: {  	s2 =	sadd.s32 s2, s17  }
0x8e: {  	[smem:$0x3FC1] =	sst s2  }
0x8f: {  	_ = 	snop  }
0x90: {  	s18 =	sld [smem:$0x3FD0];
	(tm) =	ssettm $0x1  }
0x91: {  	s19 =	sld [smem:$0x3FFB];
	_ =	sdelay $0x3  }
0x92: {  	_ =	strace s19  }
0x93: {  	s2 =	sld [smem:$0x3FFC];
	_ =	sdelay $0x3  }
0x94: {  	_ =	strace s2  }
0x95: {  	s2 =	sld [smem:$0x3FFD];
	_ =	sdelay $0x3  }
0x96: {  	_ =	strace s2  }
0x97: {  	_ =	strace $0x8FFFFFFF  }
0x98: {  	s20 =	sld [smem:$0x3FDB];
	_ =	sdelay $0x1  }
0x99: {  	s4 =	simm.s32 $_scs_section_size  }
0x9a: {  	s5 =	simm.s32 $_size__tile_overlayer_lowered;
	s6 =	simm.s32 $_tile_overlayer_lowered  }
0x9b: {  	s7 =	simm.s32 $0x1BFF;
	s21 =	sshll.u32 s6, $0x1;
	s4 =	sadd.s32 s4, s20  }
0x9c: {  	s22 =	simm.s32 $0x0;
	s5 =	sshll.u32 s5, $0x1;
	s6 =	sadd.s32 s21, s4  }
0x9d: {  	[timem:s22], [sflag:s7] =	dma.local [hbm:s6], s5  }
0x9e: {  	_ =	swait.ge [sflag:s7], s5  }
0x9f: {  	s5 =	ssub.s32 $0x0, s5;
	[sflag:s7] =	ssyncset.done $0x0  }
0xa0: {  	[sflag:s7] =	ssyncadd.s32 s5;
	_ =	sdelay $0x1  }
0xa1: {  	s23 =	simm.s32 $0x1B8B  }
0xa2: {  	_ =	swait.ge [sflag:s23], $0x1  }
0xa3: {  	[sflag:s23] =	ssyncset.done $0x0  }
0xa4: {  	[sflag:s23] =	ssyncadd.s32 $0xFFFFFFFF  }
0xa5: {  	s5 =	sld [smem:$0x0]  }
0xa6: {  	s6 =	sand.u32 $0xFFFFFFFE, s1  }
0xa7: {  	p0 =	sne.s32 s1, s6  }
0xa8: {  	s6 =	sshll.u32 @p0 s6, $0xE  }
0xa9: {  	s6 =	sadd.s32 @p0 $0x11B8D, s6;
	s7 =	sshll.u32 @p0 s5, $0x11  }
0xaa: {  	s6 =	sor.u32 @p0 s7, s6  }
0xab: {  	[sflag:s6] =	ssyncadd.remote.s32 @p0 $0x1;
	_ =	sdelay $0x1  }
0xac: {  	s6 =	simm.s32 @p0 $0x1B8D  }
0xad: {  	_ =	swait.eq @p0 [sflag:s6], $0x1  }
0xae: {  	[sflag:s6] =	ssyncadd.s32 @p0 $0xFFFFFFFF  }
0xaf: {  	s7 =	sshll.u32 @!p0 s1, $0xE  }
0xb0: {  	s7 =	sor.u32 @!p0 $0x4000, s7;
	s6 =	simm.s32 @!p0 $0x1B8D  }
0xb1: {  	s5 =	sshll.u32 @!p0 s5, $0x11;
	s7 =	sadd.s32 @!p0 $0x11B8D, s7;
	_ =	swait.eq @!p0 [sflag:s6], $0x1  }
0xb2: {  	s5 =	sor.u32 @!p0 s5, s7;
	[sflag:s6] =	ssyncadd.s32 @!p0 $0xFFFFFFFF  }
0xb3: {  	s25 =	simm.s32 $0x1B8E;
	s24 =	sld [smem:$0x3FFE];
	[sflag:s5] =	ssyncadd.remote.s32 @!p0 $0x1  }
0xb4: {  	s26 =	simm.s32 $execute0_lowered;
	[smem:$0x3FD2] =	sst s25  }
0xb5: {  	s6 =	sshll.u32 s26, $0x1;
	_ =	strace $0x8000004C;
	[dreg:$0x1] =	wrdreg $0xFFFFFFFF  }
0xb6: {  	s28 =	simm.s32 $_size_execute0_lowered;
	s4 =	sadd.s32 s4, s6;
	[dreg:$0x0] =	wrdreg $0x0  }
0xb7: {  	s6 =	sshll.u32 s28, $0x1;
	[dreg:$0x2] =	wrdreg s4  }
0xb8: {  	[dreg:$0x3] =	wrdreg s6  }
0xb9: {  	[dreg:$0x4] =	wrdreg $0xC0  }
0xba: {  	_ =	task [dreg:s22], $0x5FFFF  }
0xbb: {  	[dreg:$0x1] =	wrdreg $0xFFFFFFFF  }
0xbc: {  	[dreg:$0x0] =	wrdreg $0x60  }
0xbd: {  	[dreg:$0x2] =	wrdreg s24  }
0xbe: {  	[dreg:$0x3] =	wrdreg s18  }
0xbf: {  	[dreg:$0x4] =	wrdreg $0x10  }
0xc0: {  	_ =	task.clear_ibuf [dreg:s22], $0x5FFFF;
	_ =	strace $0x9000004C  }
0xc1: {  	s29 =	simm.s32 $0x10;
	_ =	strace $0x8000004E  }
0xc2: {  	_ =	swait.ge [sflag:s29], $0x1  }
0xc3: {  	[sflag:s29] =	ssyncadd.s32 $0xFFFFFFFF  }
0xc4: {  	_ =	strace $0x9000004E  }
0xc5: {  	_ =	sfence  }
0xc6: {  	s30 =	sld [smem:$0x0];
	_ =	sdelay $0x2  }
0xc7: {  	s31 =	sshll.u32 s1, $0xD;
	s1 =	sshrl.u32 s1, $0x2  }
0xc8: {  	s4 =	sand.u32 $0x4000, s31;
	s1 =	sadd.s32 s1, s30  }
0xc9: {  	s0 =	sor.u32 s4, s0;
	s1 =	sshll.u32 s1, $0x11  }
0xca: {  	s0 =	sor.u32 s1, s0  }
0xcb: {  	s0 =	sadd.s32 $0x8F2B, s0  }
0xcc: {  	[sflag:s0] =	ssyncadd.remote.s32 $0x1  }
0xcd: {  	_ =	sfence.sel $0xFFFF  }
0xce: {  	[dreg:$0x0] =	wrdreg $0xFFFFFFFF;
	(pc) =	sbr.abs _section_cstart, $3  }
0xcf: {  	[dreg:$0x1] =	wrdreg $0xFFFFFFFF  }
0xd0: {  	_ =	task.clear_ibuf [dreg:s22], $0x2FFFF;
	_ =	strace $0x9FFFFFFF  }
0xd1: {  	(tm) =	ssettm $0x7FFFFFFF  }
tec
execute0_lowered:
.L_overlay_start_1:
0x0: {  	(tag) =	ssettag $0x1  }
0x1: {  	s1 =	srdreg.scid;
	s0 =	stileid.u32  }
0x2: {  	s15 =	sand.u32 $0x1, s1;
	s31 =	sshll.u32 s0, $0x1  }
0x3: {  	s6 =	sor.u32 s15, s31  }
0x4: {  	s9 =	rddreg [dreg:$0x0];
	s3 =	smul.u32 $0x7D0, s6  }
0x5: {  	s4 =	rddreg [dreg:$0x1]  }
0x6: {  	s2 =	simm.s32 $0x0;
	s1 =	rddreg [dreg:$0x2];
	s3 =	sshrl.u32 s3, $0x3  }
0x7: {  	[smem:$0x7FF] =	sst s2;
	s3 =	sadd.s32 s4, s3  }
0x8: {  	_ =	strace $0x8000004D;
	s4 =	sadd.s32 $0x5DC0, s3;
	s3 =	simm.s32 $0x2  }
0x9: {  	[tilespmem:s2], [sflag:$0x2] =	stream.linear.gather [hbm4b:s4+s2], $0x7D0, $0x38;
	[tilespmem:$0x20D0] =	vst v63  }
0xa: {  	s7 =	simm.s32 $0x7D0;
	_ =	swait.ge [sflag:s3], $0x7D0  }
0xb: {  	s8 =	simm.s32 $0x1;
	s5 =	sadd.s32 $0x2AE00, s9;
	[sflag:s3] =	ssyncset.done $0x0  }
0xc: {  	s10 =	smul.u32 $0xFA0, s6;
	s6 =	simm.s32 $0x190;
	[sflag:s3] =	ssyncadd.s32 $0xFFFFF830  }
0xd: {  	[tilespmem:s7], [sflag:$0x1] =	stream.indirect.gather [hbm4b:s5+s6], $0x10, s2, s6, $0xb8;
	[tilespmem:$0x20D0] =	vst v63  }
0xe: {  	_ =	swait.ge [sflag:s8], $0x1900  }
0xf: {  	s16 =	sadd.s32 s10, s9;
	[sflag:s8] =	ssyncset.done $0x0  }
0x10: {  	s9 =	sadd.s32 $0x6E600, s16;
	[sflag:s8] =	ssyncadd.s32 $0xFFFFE700  }
0x11: {  	[hbm4b:s9+s2] =	stream.linear.scatter [tilespmem:s7], [sflag:$0x2], $0x1900, $0x38;
	[tilespmem:$0x20D0] =	vst v63  }
0x12: {  	_ =	swait.ge [sflag:s3], $0x1900  }
0x13: {  	[sflag:s3] =	ssyncset.done $0x0  }
0x14: {  	[sflag:s3] =	ssyncadd.s32 $0xFFFFE700  }
0x15: {  	[tilespmem:s7], [sflag:$0x1] =	stream.indirect.gather [hbm4b:s5+s6], $0x10, s6, s6, $0xb8;
	[tilespmem:$0x20D0] =	vst v63  }
0x16: {  	_ =	swait.ge [sflag:s8], $0x1900  }
0x17: {  	[sflag:s8] =	ssyncset.done $0x0  }
0x18: {  	s10 =	sadd.s32 $0x6E920, s16;
	[sflag:s8] =	ssyncadd.s32 $0xFFFFE700  }
0x19: {  	[hbm4b:s10+s2] =	stream.linear.scatter [tilespmem:s7], [sflag:$0x2], $0x1900, $0x38;
	[tilespmem:$0x20D0] =	vst v63  }
0x1a: {  	_ =	swait.ge [sflag:s3], $0x1900  }
0x1b: {  	[sflag:s3] =	ssyncset.done $0x0  }
0x1c: {  	s11 =	simm.s32 $0x320;
	[sflag:s3] =	ssyncadd.s32 $0xFFFFE700  }
0x1d: {  	[tilespmem:s7], [sflag:$0x1] =	stream.indirect.gather [hbm4b:s5+s6], $0x10, s11, s6, $0xb8;
	[tilespmem:$0x20D0] =	vst v63  }
0x1e: {  	_ =	swait.ge [sflag:s8], $0x1900  }
0x1f: {  	[sflag:s8] =	ssyncset.done $0x0  }
0x20: {  	s12 =	sadd.s32 $0x6EC40, s16;
	[sflag:s8] =	ssyncadd.s32 $0xFFFFE700  }
0x21: {  	[hbm4b:s12+s2] =	stream.linear.scatter [tilespmem:s7], [sflag:$0x2], $0x1900, $0x38;
	[tilespmem:$0x20D0] =	vst v63  }
0x22: {  	_ =	swait.ge [sflag:s3], $0x1900  }
0x23: {  	[sflag:s3] =	ssyncset.done $0x0  }
0x24: {  	s13 =	simm.s32 $0x4B0;
	[sflag:s3] =	ssyncadd.s32 $0xFFFFE700  }
0x25: {  	[tilespmem:s7], [sflag:$0x1] =	stream.indirect.gather [hbm4b:s5+s6], $0x10, s13, s6, $0xb8;
	[tilespmem:$0x20D0] =	vst v63  }
0x26: {  	_ =	swait.ge [sflag:s8], $0x1900  }
0x27: {  	[sflag:s8] =	ssyncset.done $0x0  }
0x28: {  	s17 =	ssub.s32 $0x2, s15;
	s14 =	sadd.s32 $0x6EF60, s16;
	[sflag:s8] =	ssyncadd.s32 $0xFFFFE700  }
0x29: {  	[hbm4b:s14+s2] =	stream.linear.scatter [tilespmem:s7], [sflag:$0x2], $0x1900, $0x38;
	[tilespmem:$0x20D0] =	vst v63  }
0x2a: {  	s18 =	sshrl.u32 s17, $0x1;
	_ =	swait.ge [sflag:s3], $0x1900  }
0x2b: {  	s17 =	ssub.s32 s17, s18;
	[sflag:s3] =	ssyncset.done $0x0  }
0x2c: {  	s15 =	simm.s32 $0x640;
	s17 =	smax.u32 s17, $0x1;
	[sflag:s3] =	ssyncadd.s32 $0xFFFFE700  }
0x2d: {  	[tilespmem:s7], [sflag:$0x1] =	stream.indirect.gather [hbm4b:s5+s6], $0x10, s15, s6, $0xb8;
	[tilespmem:$0x20D0] =	vst v63  }
0x2e: {  	p0 =	sne.s32 s17, $0x1;
	_ =	swait.ge [sflag:s8], $0x1900  }
.Ltmp0:
0x2f: {  	[sflag:s8] =	ssyncset.done $0x0;
	(pc) =	sbr.rel @!p0 .LBB2_2-.Ltmp0, $4  }
0x30: {  	s16 =	sadd.s32 $0x6F280, s16;
	[sflag:s8] =	ssyncadd.s32 $0xFFFFE700  }
0x31: {  	[hbm4b:s16+s2] =	stream.linear.scatter [tilespmem:s7], [sflag:$0x2], $0x1900, $0x38;
	[tilespmem:$0x20D0] =	vst v63  }
0x32: {  	_ =	swait.ge [sflag:s3], $0x1900  }
0x33: {  	s17 =	sadd.s32 $0xFFFFFFFF, s17;
	[sflag:s3] =	ssyncset.done $0x0  }
.LBB2_1:
0x34: {  	p0 =	sne.s32 s17, $0x1;
	s17 =	sadd.s32 $0xFFFFFFFF, s17;
	[sflag:s3] =	ssyncadd.s32 $0xFFFFE700  }
0x35: {  	[tilespmem:s2], [sflag:$0x2] =	stream.linear.gather [hbm4b:s4+s2], $0x7D0, $0x38;
	[tilespmem:$0x20D0] =	vst v63  }
0x36: {  	_ =	swait.ge [sflag:s3], $0x7D0  }
0x37: {  	[sflag:s3] =	ssyncset.done $0x0  }
0x38: {  	[sflag:s3] =	ssyncadd.s32 $0xFFFFF830  }
0x39: {  	[tilespmem:s7], [sflag:$0x1] =	stream.indirect.gather [hbm4b:s5+s6], $0x10, s2, s6, $0xb8;
	[tilespmem:$0x20D0] =	vst v63  }
0x3a: {  	_ =	swait.ge [sflag:s8], $0x1900  }
0x3b: {  	[sflag:s8] =	ssyncset.done $0x0  }
0x3c: {  	[sflag:s8] =	ssyncadd.s32 $0xFFFFE700  }
0x3d: {  	[hbm4b:s9+s2] =	stream.linear.scatter [tilespmem:s7], [sflag:$0x2], $0x1900, $0x38;
	[tilespmem:$0x20D0] =	vst v63  }
0x3e: {  	_ =	swait.ge [sflag:s3], $0x1900  }
0x3f: {  	[sflag:s3] =	ssyncset.done $0x0  }
0x40: {  	[sflag:s3] =	ssyncadd.s32 $0xFFFFE700  }
0x41: {  	[tilespmem:s7], [sflag:$0x1] =	stream.indirect.gather [hbm4b:s5+s6], $0x10, s6, s6, $0xb8;
	[tilespmem:$0x20D0] =	vst v63  }
0x42: {  	_ =	swait.ge [sflag:s8], $0x1900  }
0x43: {  	[sflag:s8] =	ssyncset.done $0x0  }
0x44: {  	[sflag:s8] =	ssyncadd.s32 $0xFFFFE700  }
0x45: {  	[hbm4b:s10+s2] =	stream.linear.scatter [tilespmem:s7], [sflag:$0x2], $0x1900, $0x38;
	[tilespmem:$0x20D0] =	vst v63  }
0x46: {  	_ =	swait.ge [sflag:s3], $0x1900  }
0x47: {  	[sflag:s3] =	ssyncset.done $0x0  }
0x48: {  	[sflag:s3] =	ssyncadd.s32 $0xFFFFE700  }
0x49: {  	[tilespmem:s7], [sflag:$0x1] =	stream.indirect.gather [hbm4b:s5+s6], $0x10, s11, s6, $0xb8;
	[tilespmem:$0x20D0] =	vst v63  }
0x4a: {  	_ =	swait.ge [sflag:s8], $0x1900  }
0x4b: {  	[sflag:s8] =	ssyncset.done $0x0  }
0x4c: {  	[sflag:s8] =	ssyncadd.s32 $0xFFFFE700  }
0x4d: {  	[hbm4b:s12+s2] =	stream.linear.scatter [tilespmem:s7], [sflag:$0x2], $0x1900, $0x38;
	[tilespmem:$0x20D0] =	vst v63  }
0x4e: {  	_ =	swait.ge [sflag:s3], $0x1900  }
0x4f: {  	[sflag:s3] =	ssyncset.done $0x0  }
0x50: {  	[sflag:s3] =	ssyncadd.s32 $0xFFFFE700  }
0x51: {  	[tilespmem:s7], [sflag:$0x1] =	stream.indirect.gather [hbm4b:s5+s6], $0x10, s13, s6, $0xb8;
	[tilespmem:$0x20D0] =	vst v63  }
0x52: {  	_ =	swait.ge [sflag:s8], $0x1900  }
0x53: {  	[sflag:s8] =	ssyncset.done $0x0  }
0x54: {  	[sflag:s8] =	ssyncadd.s32 $0xFFFFE700  }
0x55: {  	[hbm4b:s14+s2] =	stream.linear.scatter [tilespmem:s7], [sflag:$0x2], $0x1900, $0x38;
	[tilespmem:$0x20D0] =	vst v63  }
0x56: {  	_ =	swait.ge [sflag:s3], $0x1900  }
0x57: {  	[sflag:s3] =	ssyncset.done $0x0  }
0x58: {  	[sflag:s3] =	ssyncadd.s32 $0xFFFFE700  }
0x59: {  	[tilespmem:s7], [sflag:$0x1] =	stream.indirect.gather [hbm4b:s5+s6], $0x10, s15, s6, $0xb8;
	[tilespmem:$0x20D0] =	vst v63  }
0x5a: {  	_ =	swait.ge [sflag:s8], $0x1900  }
.Ltmp1:
0x5b: {  	[sflag:s8] =	ssyncset.done $0x0;
	(pc) =	sbr.rel @p0 .LBB2_1-.Ltmp1, $4  }
0x5c: {  	[sflag:s8] =	ssyncadd.s32 $0xFFFFE700  }
0x5d: {  	[hbm4b:s16+s2] =	stream.linear.scatter [tilespmem:s7], [sflag:$0x2], $0x1900, $0x38;
	[tilespmem:$0x20D0] =	vst v63  }
0x5e: {  	_ =	swait.ge [sflag:s3], $0x1900  }
0x5f: {  	[sflag:s3] =	ssyncset.done $0x0  }
.LBB2_2:
0x60: {  	[sflag:s3] =	ssyncadd.s32 $0xFFFFE700  }
0x61: {  	_ =	sfence.sel $0x180000  }
0x62: {  	[bflag:$0x0] =	sbarrier.arrive $0xFFFF  }
0x63: {  	p0 =	sne.s32 s0, $0x0;
	_ =	strace $0x9000004D  }
0x64: {  	s0 =	sadd.s32 @!p0 $0x100000, s1;
	[bflag:$0x2] =	sbarrier.arrive $0xFFFF  }
0x65: {  	[sflag:s0] =	ssyncadd.tile.s32 @!p0 $0x1;
	_ =	shalt  }
.Lfunc_end2:
_tile_overlayer_lowered:
.L_overlay_start_2:
0x66: {  	(tag) =	ssettag $0x2  }
0x67: {  	s0 =	rddreg [dreg:$0x0];
	s2 =	stileid.u32  }
0x68: {  	s1 =	rddreg [dreg:$0x1];
	p0 =	sne.s32 s2, $0x0  }
0x69: {  	s3 =	rddreg [dreg:$0x2];
	[bflag:$0x3] =	sbarrier.arrive $0xFFFF;
	s2 =	simm.s32 @!p0 $0x1C02  }
0x6a: {  	[timem:s3], [sflag:s2] =	dma.local @!p0 [hbm:s0], s1  }
0x6b: {  	s0 =	simm.s32 @!p0 $0x2  }
0x6c: {  	_ =	swait.ge @!p0 [sflag:s0], s1  }
0x6d: {  	s1 =	ssub.s32 @!p0 $0x0, s1;
	[sflag:s0] =	ssyncset.done @!p0 $0x0  }
0x6e: {  	[sflag:s0] =	ssyncadd.s32 @!p0 s1  }
0x6f: {  	[bflag:$0x3] =	sbarrier.arrive $0xFFFF  }
0x70: {  	_ =	shalt  }

// kernel: kernel.42.cloned.1.call-start
scs
__scs_entry_jumppad:
0x0: {  	(pc) =	sbr.rel $0x88, $3  }
0x1: {  	(tag) =	ssettag $0x0;
	lr =	simm.s32 $0x1  }
0x2: {  	[smem:$0x3F9A] =	sst lr;
	_ =	strace $0xD0000000  }
0x3: {  	_ = 	snop  }
0x4: {  	_ = 	snop  }
0x5: {  	_ = 	snop  }
0x6: {  	_ = 	snop  }
0x7: {  	_ = 	snop  }
__scs_overlays_trampoline_lowered:
0x8: {  	[smem:$0x3FA9] =	sst s0  }
0x9: {  	[smem:$0x3FAA] =	sst s1  }
0xa: {  	[smem:$0x3FAB] =	sst s2  }
0xb: {  	[smem:$0x3FAC] =	sst s3  }
0xc: {  	[smem:$0x3FAD] =	sst s4  }
0xd: {  	[smem:$0x3FAE] =	sst s5  }
0xe: {  	[smem:$0x3FAF] =	sst s6  }
0xf: {  	[smem:$0x3FB0] =	sst s7  }
0x10: {  	[smem:$0x3FB1] =	sst s8  }
0x11: {  	[smem:$0x3FB2] =	sst s9;
	s0 =	simm.s32 @!p0 $0x0  }
0x12: {  	s1 =	sld [smem:$0x3F98];
	s0 =	simm.s32 @p0 $0x1  }
0x13: {  	[smem:$0x3FB3] =	sst s0;
	s0 =	simm.s32 @!p1 $0x0  }
0x14: {  	s2 =	sld [smem:$0x3F97];
	s0 =	simm.s32 @p1 $0x1  }
0x15: {  	[smem:$0x3FB4] =	sst s0;
	s0 =	simm.s32 @!p2 $0x0  }
0x16: {  	s3 =	sld [smem:$0x3FDB];
	s0 =	simm.s32 @p2 $0x1  }
0x17: {  	s4 =	simm.s32 $0x1BF5;
	[smem:$0x3FB6] =	sst s0  }
0x18: {  	s0 =	sld [smem:$0x3F99];
	_ =	swait.ge [sflag:s4], $0x0  }
0x19: {  	s7 =	sld [smem:$0x3F9A]  }
0x1a: {  	s8 =	sadd.s32 $0xFFFFE003, lr  }
0x1b: {  	s9 =	sadd.s32 $0xFFFFFEF7, lr;
	s5 =	simm.s32 $0xFFFFFFFF;
	p2 =	slt.u32 s8, $0xFFFFF086  }
0x1c: {  	p1 =	slt.u32 s9, $0xF7A;
	s5 =	simm.s32 @!p2 $0x0  }
0x1d: {  	s5 =	simm.s32 @p1 $0x1;
	p0 =	seq.s32 s7, s2  }
0x1e: {  	s7 =	smul.u32 @!p0 $0xF7A, s2;
	p2 =	seq.s32 @!p0 s5, $0x0  }
0x1f: {  	s9 =	smul.u32 $0xF7A, s1;
	s8 =	simm.s32 @!p0 $0x1BF5;
	p2 =	por !p2, p0  }
0x20: {  	[sflag:s8] =	ssyncset.s32 @!p0 $0xFFFFF086;
	s6 =	sadd.s32 @!p0 s3, s7;
	s7 =	simm.s32 @!p0 $0x108  }
0x21: {  	s3 =	sadd.s32 s3, s9;
	s6 =	sadd.s32 @!p0 $0x88, s6;
	s7 =	simm.s32 @p2 $0x1082  }
0x22: {  	[simem:s7], [sflag:s8] =	dma.local @!p0 [hbm:s6], $0xF7A  }
0x23: {  	s9 =	sor.u32 $0xD0000000, s2;
	s6 =	simm.s32 $0x108;
	_ =	swait.ge @!p0 [sflag:s8], $0x0  }
0x24: {  	s3 =	sadd.s32 $0x88, s3;
	s6 =	simm.s32 @!p1 $0x1082;
	[sflag:s4] =	ssyncset.s32 $0xFFFFF086  }
0x25: {  	[simem:s6], [sflag:s4] =	dma.local [hbm:s3], $0xF7A  }
0x26: {  	[smem:$0x3F9A] =	sst s1;
	(tag) =	ssettag s2;
	_ =	strace s9  }
0x27: {  	s1 =	sld [smem:$0x3FAA]  }
0x28: {  	s2 =	sld [smem:$0x3FAB]  }
0x29: {  	s4 =	sld [smem:$0x3FAD]  }
0x2a: {  	p0 =	seq.s32 s5, $0x0;
	s5 =	sld [smem:$0x3FAE]  }
0x2b: {  	s6 =	sld [smem:$0x3FAF]  }
0x2c: {  	s7 =	sld [smem:$0x3FB0]  }
0x2d: {  	s3 =	simm.s32 $0x108;
	s8 =	sld [smem:$0x3FB1]  }
0x2e: {  	s3 =	simm.s32 @!p0 $0x1082;
	s9 =	sld [smem:$0x3FB2]  }
0x2f: {  	lr =	sadd.s32 s0, s3;
	s0 =	sld [smem:$0x3FA9]  }
0x30: {  	s3 =	sld [smem:$0x3FAC]  }
0x31: {  	[smem:$0x3FB5] =	sst s10  }
0x32: {  	s10 =	sld [smem:$0x3FB3];
	_ =	sdelay $0x3  }
0x33: {  	p0 =	seq.s32 s10, $0x1;
	s10 =	sld [smem:$0x3FB5];
	_ =	sdelay $0x3  }
0x34: {  	[smem:$0x3FB5] =	sst s10  }
0x35: {  	s10 =	sld [smem:$0x3FB4];
	_ =	sdelay $0x3  }
0x36: {  	p1 =	seq.s32 s10, $0x1;
	s10 =	sld [smem:$0x3FB5];
	_ =	sdelay $0x3  }
0x37: {  	[smem:$0x3FB5] =	sst s10  }
0x38: {  	s10 =	sld [smem:$0x3FB6]  }
0x39: {  	_ = 	snop;
	(pc) =	sbr.ind lr, $3  }
0x3a: {  	_ = 	snop  }
0x3b: {  	_ = 	snop  }
0x3c: {  	p2 =	seq.s32 s10, $0x1;
	s10 =	sld [smem:$0x3FB5]  }
0x3d: {  	_ =	shalt  }
0x3e: {  	_ =	shalt  }
0x3f: {  	_ =	shalt  }
0x40: {  	_ =	shalt  }
0x41: {  	_ =	shalt  }
0x42: {  	_ =	shalt  }
0x43: {  	_ =	shalt  }
0x44: {  	_ =	shalt  }
0x45: {  	_ =	shalt  }
0x46: {  	_ =	shalt  }
0x47: {  	_ =	shalt  }
0x48: {  	_ =	shalt  }
0x49: {  	_ =	shalt  }
0x4a: {  	_ =	shalt  }
0x4b: {  	_ =	shalt  }
0x4c: {  	_ =	shalt  }
0x4d: {  	_ =	shalt  }
0x4e: {  	_ =	shalt  }
0x4f: {  	_ =	shalt  }
0x50: {  	_ =	shalt  }
0x51: {  	_ =	shalt  }
0x52: {  	_ =	shalt  }
0x53: {  	_ =	shalt  }
0x54: {  	_ =	shalt  }
0x55: {  	_ =	shalt  }
0x56: {  	_ =	shalt  }
0x57: {  	_ =	shalt  }
0x58: {  	_ =	shalt  }
0x59: {  	_ =	shalt  }
0x5a: {  	_ =	shalt  }
0x5b: {  	_ =	shalt  }
0x5c: {  	_ =	shalt  }
0x5d: {  	_ =	shalt  }
0x5e: {  	_ =	shalt  }
0x5f: {  	_ =	shalt  }
0x60: {  	_ =	shalt  }
0x61: {  	_ =	shalt  }
0x62: {  	_ =	shalt  }
0x63: {  	_ =	shalt  }
0x64: {  	_ =	shalt  }
0x65: {  	_ =	shalt  }
0x66: {  	_ =	shalt  }
0x67: {  	_ =	shalt  }
0x68: {  	_ =	shalt  }
0x69: {  	_ =	shalt  }
0x6a: {  	_ =	shalt  }
0x6b: {  	_ =	shalt  }
0x6c: {  	_ =	shalt  }
0x6d: {  	_ =	shalt  }
0x6e: {  	_ =	shalt  }
0x6f: {  	_ =	shalt  }
0x70: {  	_ =	shalt  }
0x71: {  	_ =	shalt  }
0x72: {  	_ =	shalt  }
0x73: {  	_ =	shalt  }
0x74: {  	_ =	shalt  }
0x75: {  	_ =	shalt  }
0x76: {  	_ =	shalt  }
0x77: {  	_ =	shalt  }
0x78: {  	_ =	shalt  }
0x79: {  	_ =	shalt  }
0x7a: {  	_ =	shalt  }
0x7b: {  	_ =	shalt  }
0x7c: {  	_ =	shalt  }
0x7d: {  	_ =	shalt  }
0x7e: {  	_ =	shalt  }
0x7f: {  	_ =	shalt  }
0x80: {  	_ =	shalt  }
0x81: {  	_ =	shalt  }
0x82: {  	_ =	shalt  }
0x83: {  	_ =	shalt  }
0x84: {  	_ =	shalt  }
0x85: {  	_ =	shalt  }
0x86: {  	_ =	shalt  }
0x87: {  	_ =	shalt  }
.Lfunc_end0:
.L_simem_size_0:
called_computation.8_lowered:
.L_overlay_start_0:
0x88: {  	s2 =	sld [smem:$0x3FD9]  }
0x89: {  	s3 =	sld [smem:$0x3FFE];
	_ =	sdelay $0x1  }
0x8a: {  	s1 =	srdreg.scid  }
0x8b: {  	s0 =	sand.u32 $0x1, s1  }
0x8c: {  	s17 =	sshll.u32 s0, $0xA;
	s2 =	sadd.s32 s3, s2  }
0x8d: {  	s2 =	sadd.s32 s2, s17  }
0x8e: {  	[smem:$0x3FC1] =	sst s2  }
0x8f: {  	_ = 	snop  }
0x90: {  	s18 =	sld [smem:$0x3FC9]  }
0x91: {  	s4 =	sld [smem:$0x3FD0];
	(tm) =	ssettm $0x1  }
0x92: {  	s19 =	sld [smem:$0x3FFB];
	_ =	sdelay $0x3  }
0x93: {  	_ =	strace s19  }
0x94: {  	s2 =	sld [smem:$0x3FFC];
	_ =	sdelay $0x3  }
0x95: {  	_ =	strace s2  }
0x96: {  	s2 =	sld [smem:$0x3FFD];
	_ =	sdelay $0x3  }
0x97: {  	_ =	strace s2  }
0x98: {  	_ =	strace $0x8FFFFFFF  }
0x99: {  	s20 =	sld [smem:$0x3FDB];
	_ =	sdelay $0x1  }
0x9a: {  	s5 =	simm.s32 $_scs_section_size  }
0x9b: {  	s6 =	simm.s32 $_size__tile_overlayer_lowered;
	s7 =	simm.s32 $_tile_overlayer_lowered  }
0x9c: {  	s8 =	simm.s32 $0x1BFF;
	s21 =	sshll.u32 s7, $0x1;
	s5 =	sadd.s32 s5, s20  }
0x9d: {  	s22 =	simm.s32 $0x0;
	s6 =	sshll.u32 s6, $0x1;
	s7 =	sadd.s32 s21, s5  }
0x9e: {  	[timem:s22], [sflag:s8] =	dma.local [hbm:s7], s6  }
0x9f: {  	_ =	swait.ge [sflag:s8], s6  }
0xa0: {  	s6 =	ssub.s32 $0x0, s6;
	[sflag:s8] =	ssyncset.done $0x0  }
0xa1: {  	[sflag:s8] =	ssyncadd.s32 s6;
	_ =	sdelay $0x1  }
0xa2: {  	s23 =	simm.s32 $0x1B8B  }
0xa3: {  	_ =	swait.ge [sflag:s23], $0x1  }
0xa4: {  	[sflag:s23] =	ssyncset.done $0x0  }
0xa5: {  	[sflag:s23] =	ssyncadd.s32 $0xFFFFFFFF  }
0xa6: {  	s6 =	sld [smem:$0x0]  }
0xa7: {  	s7 =	sand.u32 $0xFFFFFFFE, s1  }
0xa8: {  	p0 =	sne.s32 s1, s7  }
0xa9: {  	s7 =	sshll.u32 @p0 s7, $0xE  }
0xaa: {  	s7 =	sadd.s32 @p0 $0x11B8D, s7;
	s8 =	sshll.u32 @p0 s6, $0x11  }
0xab: {  	s7 =	sor.u32 @p0 s8, s7  }
0xac: {  	[sflag:s7] =	ssyncadd.remote.s32 @p0 $0x1;
	_ =	sdelay $0x1  }
0xad: {  	s7 =	simm.s32 @p0 $0x1B8D  }
0xae: {  	_ =	swait.eq @p0 [sflag:s7], $0x1  }
0xaf: {  	[sflag:s7] =	ssyncadd.s32 @p0 $0xFFFFFFFF  }
0xb0: {  	s8 =	sshll.u32 @!p0 s1, $0xE  }
0xb1: {  	s8 =	sor.u32 @!p0 $0x4000, s8;
	s7 =	simm.s32 @!p0 $0x1B8D  }
0xb2: {  	s6 =	sshll.u32 @!p0 s6, $0x11;
	s8 =	sadd.s32 @!p0 $0x11B8D, s8;
	_ =	swait.eq @!p0 [sflag:s7], $0x1  }
0xb3: {  	s6 =	sor.u32 @!p0 s6, s8;
	[sflag:s7] =	ssyncadd.s32 @!p0 $0xFFFFFFFF  }
0xb4: {  	s25 =	simm.s32 $0x1B8E;
	s24 =	sld [smem:$0x3FFE];
	[sflag:s6] =	ssyncadd.remote.s32 @!p0 $0x1  }
0xb5: {  	s26 =	simm.s32 $execute0_lowered;
	[smem:$0x3FD2] =	sst s25  }
0xb6: {  	s7 =	sshll.u32 s26, $0x1;
	_ =	strace $0x8000005E;
	[dreg:$0x1] =	wrdreg $0xFFFFFFFF  }
0xb7: {  	s28 =	simm.s32 $_size_execute0_lowered;
	s5 =	sadd.s32 s5, s7;
	[dreg:$0x0] =	wrdreg $0x0  }
0xb8: {  	s7 =	sshll.u32 s28, $0x1;
	[dreg:$0x2] =	wrdreg s5  }
0xb9: {  	[dreg:$0x3] =	wrdreg s7  }
0xba: {  	[dreg:$0x4] =	wrdreg $0xC0  }
0xbb: {  	_ =	task [dreg:s22], $0x5FFFF  }
0xbc: {  	[dreg:$0x1] =	wrdreg $0xFFFFFFFF  }
0xbd: {  	[dreg:$0x0] =	wrdreg $0x60  }
0xbe: {  	[dreg:$0x2] =	wrdreg s18  }
0xbf: {  	[dreg:$0x3] =	wrdreg s4  }
0xc0: {  	[dreg:$0x4] =	wrdreg s24  }
0xc1: {  	[dreg:$0x5] =	wrdreg $0x11  }
0xc2: {  	_ =	task.clear_ibuf [dreg:s22], $0x6FFFF;
	_ =	strace $0x9000005E  }
0xc3: {  	s29 =	simm.s32 $0x11;
	_ =	strace $0x80000060  }
0xc4: {  	_ =	swait.ge [sflag:s29], $0x1  }
0xc5: {  	[sflag:s29] =	ssyncadd.s32 $0xFFFFFFFF  }
0xc6: {  	_ =	strace $0x90000060  }
0xc7: {  	_ =	sfence  }
0xc8: {  	s30 =	sld [smem:$0x0];
	_ =	sdelay $0x2  }
0xc9: {  	s31 =	sshll.u32 s1, $0xD;
	s1 =	sshrl.u32 s1, $0x2  }
0xca: {  	s4 =	sand.u32 $0x4000, s31;
	s1 =	sadd.s32 s1, s30  }
0xcb: {  	s0 =	sor.u32 s4, s0;
	s1 =	sshll.u32 s1, $0x11  }
0xcc: {  	s0 =	sor.u32 s1, s0  }
0xcd: {  	s0 =	sadd.s32 $0x8F2B, s0  }
0xce: {  	[sflag:s0] =	ssyncadd.remote.s32 $0x1  }
0xcf: {  	_ =	sfence.sel $0xFFFF  }
0xd0: {  	[dreg:$0x0] =	wrdreg $0xFFFFFFFF;
	(pc) =	sbr.abs _section_cstart, $3  }
0xd1: {  	[dreg:$0x1] =	wrdreg $0xFFFFFFFF  }
0xd2: {  	_ =	task.clear_ibuf [dreg:s22], $0x2FFFF;
	_ =	strace $0x9FFFFFFF  }
0xd3: {  	(tm) =	ssettm $0x7FFFFFFF  }
tec
execute0_lowered:
.L_overlay_start_1:
0x0: {  	(tag) =	ssettag $0x1  }
0x1: {  	s1 =	srdreg.scid;
	s0 =	stileid.u32  }
0x2: {  	s15 =	sand.u32 $0x1, s1;
	s31 =	sshll.u32 s0, $0x1  }
0x3: {  	s2 =	rddreg [dreg:$0x0];
	s6 =	sor.u32 s15, s31  }
0x4: {  	s4 =	rddreg [dreg:$0x1];
	s5 =	smul.u32 $0x7D0, s6  }
0x5: {  	s9 =	rddreg [dreg:$0x2]  }
0x6: {  	s3 =	simm.s32 $0x0;
	s1 =	rddreg [dreg:$0x3];
	s5 =	sshrl.u32 s5, $0x3  }
0x7: {  	[smem:$0x7FF] =	sst s3;
	s4 =	sadd.s32 s4, s5  }
0x8: {  	_ =	strace $0x8000005F;
	s5 =	sadd.s32 $0x7D00, s4;
	s4 =	simm.s32 $0x2  }
0x9: {  	[tilespmem:s3], [sflag:$0x2] =	stream.linear.gather [hbm4b:s5+s3], $0x7D0, $0x38;
	[tilespmem:$0xD000] =	vst v63  }
0xa: {  	_ =	swait.ge [sflag:s4], $0x7D0  }
0xb: {  	s7 =	simm.s32 $0x800;
	s8 =	simm.s32 $0x1;
	[sflag:s4] =	ssyncset.done $0x0  }
0xc: {  	s10 =	smul.u32 $0x7D00, s6;
	s6 =	simm.s32 $0x190;
	[sflag:s4] =	ssyncadd.s32 $0xFFFFF830  }
0xd: {  	[tilespmem:s7], [sflag:$0x1] =	stream.indirect.gather [hbm4b:s2+s6], $0x80, s3, s6, $0xb8;
	[tilespmem:$0xD000] =	vst v63  }
0xe: {  	_ =	swait.ge [sflag:s8], $0xC800  }
0xf: {  	s16 =	sadd.s32 s10, s9;
	[sflag:s8] =	ssyncset.done $0x0  }
0x10: {  	s9 =	sadd.s32 $0x3BA200, s16;
	[sflag:s8] =	ssyncadd.s32 $0xFFFF3800  }
0x11: {  	[hbm4b:s9+s3] =	stream.linear.scatter [tilespmem:s7], [sflag:$0x2], $0xC800, $0x38;
	[tilespmem:$0xD000] =	vst v63  }
0x12: {  	_ =	swait.ge [sflag:s4], $0xC800  }
0x13: {  	[sflag:s4] =	ssyncset.done $0x0  }
0x14: {  	[sflag:s4] =	ssyncadd.s32 $0xFFFF3800  }
0x15: {  	[tilespmem:s7], [sflag:$0x1] =	stream.indirect.gather [hbm4b:s2+s6], $0x80, s6, s6, $0xb8;
	[tilespmem:$0xD000] =	vst v63  }
0x16: {  	_ =	swait.ge [sflag:s8], $0xC800  }
0x17: {  	[sflag:s8] =	ssyncset.done $0x0  }
0x18: {  	s10 =	sadd.s32 $0x3BBB00, s16;
	[sflag:s8] =	ssyncadd.s32 $0xFFFF3800  }
0x19: {  	[hbm4b:s10+s3] =	stream.linear.scatter [tilespmem:s7], [sflag:$0x2], $0xC800, $0x38;
	[tilespmem:$0xD000] =	vst v63  }
0x1a: {  	_ =	swait.ge [sflag:s4], $0xC800  }
0x1b: {  	[sflag:s4] =	ssyncset.done $0x0  }
0x1c: {  	s11 =	simm.s32 $0x320;
	[sflag:s4] =	ssyncadd.s32 $0xFFFF3800  }
0x1d: {  	[tilespmem:s7], [sflag:$0x1] =	stream.indirect.gather [hbm4b:s2+s6], $0x80, s11, s6, $0xb8;
	[tilespmem:$0xD000] =	vst v63  }
0x1e: {  	_ =	swait.ge [sflag:s8], $0xC800  }
0x1f: {  	[sflag:s8] =	ssyncset.done $0x0  }
0x20: {  	s12 =	sadd.s32 $0x3BD400, s16;
	[sflag:s8] =	ssyncadd.s32 $0xFFFF3800  }
0x21: {  	[hbm4b:s12+s3] =	stream.linear.scatter [tilespmem:s7], [sflag:$0x2], $0xC800, $0x38;
	[tilespmem:$0xD000] =	vst v63  }
0x22: {  	_ =	swait.ge [sflag:s4], $0xC800  }
0x23: {  	[sflag:s4] =	ssyncset.done $0x0  }
0x24: {  	s13 =	simm.s32 $0x4B0;
	[sflag:s4] =	ssyncadd.s32 $0xFFFF3800  }
0x25: {  	[tilespmem:s7], [sflag:$0x1] =	stream.indirect.gather [hbm4b:s2+s6], $0x80, s13, s6, $0xb8;
	[tilespmem:$0xD000] =	vst v63  }
0x26: {  	_ =	swait.ge [sflag:s8], $0xC800  }
0x27: {  	[sflag:s8] =	ssyncset.done $0x0  }
0x28: {  	s17 =	ssub.s32 $0x2, s15;
	s14 =	sadd.s32 $0x3BED00, s16;
	[sflag:s8] =	ssyncadd.s32 $0xFFFF3800  }
0x29: {  	[hbm4b:s14+s3] =	stream.linear.scatter [tilespmem:s7], [sflag:$0x2], $0xC800, $0x38;
	[tilespmem:$0xD000] =	vst v63  }
0x2a: {  	s18 =	sshrl.u32 s17, $0x1;
	_ =	swait.ge [sflag:s4], $0xC800  }
0x2b: {  	s17 =	ssub.s32 s17, s18;
	[sflag:s4] =	ssyncset.done $0x0  }
0x2c: {  	s15 =	simm.s32 $0x640;
	s17 =	smax.u32 s17, $0x1;
	[sflag:s4] =	ssyncadd.s32 $0xFFFF3800  }
0x2d: {  	[tilespmem:s7], [sflag:$0x1] =	stream.indirect.gather [hbm4b:s2+s6], $0x80, s15, s6, $0xb8;
	[tilespmem:$0xD000] =	vst v63  }
0x2e: {  	p0 =	sne.s32 s17, $0x1;
	_ =	swait.ge [sflag:s8], $0xC800  }
.Ltmp0:
0x2f: {  	[sflag:s8] =	ssyncset.done $0x0;
	(pc) =	sbr.rel @!p0 .LBB2_2-.Ltmp0, $4  }
0x30: {  	s16 =	sadd.s32 $0x3C0600, s16;
	[sflag:s8] =	ssyncadd.s32 $0xFFFF3800  }
0x31: {  	[hbm4b:s16+s3] =	stream.linear.scatter [tilespmem:s7], [sflag:$0x2], $0xC800, $0x38;
	[tilespmem:$0xD000] =	vst v63  }
0x32: {  	_ =	swait.ge [sflag:s4], $0xC800  }
0x33: {  	s17 =	sadd.s32 $0xFFFFFFFF, s17;
	[sflag:s4] =	ssyncset.done $0x0  }
.LBB2_1:
0x34: {  	p0 =	sne.s32 s17, $0x1;
	s17 =	sadd.s32 $0xFFFFFFFF, s17;
	[sflag:s4] =	ssyncadd.s32 $0xFFFF3800  }
0x35: {  	[tilespmem:s3], [sflag:$0x2] =	stream.linear.gather [hbm4b:s5+s3], $0x7D0, $0x38;
	[tilespmem:$0xD000] =	vst v63  }
0x36: {  	_ =	swait.ge [sflag:s4], $0x7D0  }
0x37: {  	[sflag:s4] =	ssyncset.done $0x0  }
0x38: {  	[sflag:s4] =	ssyncadd.s32 $0xFFFFF830  }
0x39: {  	[tilespmem:s7], [sflag:$0x1] =	stream.indirect.gather [hbm4b:s2+s6], $0x80, s3, s6, $0xb8;
	[tilespmem:$0xD000] =	vst v63  }
0x3a: {  	_ =	swait.ge [sflag:s8], $0xC800  }
0x3b: {  	[sflag:s8] =	ssyncset.done $0x0  }
0x3c: {  	[sflag:s8] =	ssyncadd.s32 $0xFFFF3800  }
0x3d: {  	[hbm4b:s9+s3] =	stream.linear.scatter [tilespmem:s7], [sflag:$0x2], $0xC800, $0x38;
	[tilespmem:$0xD000] =	vst v63  }
0x3e: {  	_ =	swait.ge [sflag:s4], $0xC800  }
0x3f: {  	[sflag:s4] =	ssyncset.done $0x0  }
0x40: {  	[sflag:s4] =	ssyncadd.s32 $0xFFFF3800  }
0x41: {  	[tilespmem:s7], [sflag:$0x1] =	stream.indirect.gather [hbm4b:s2+s6], $0x80, s6, s6, $0xb8;
	[tilespmem:$0xD000] =	vst v63  }
0x42: {  	_ =	swait.ge [sflag:s8], $0xC800  }
0x43: {  	[sflag:s8] =	ssyncset.done $0x0  }
0x44: {  	[sflag:s8] =	ssyncadd.s32 $0xFFFF3800  }
0x45: {  	[hbm4b:s10+s3] =	stream.linear.scatter [tilespmem:s7], [sflag:$0x2], $0xC800, $0x38;
	[tilespmem:$0xD000] =	vst v63  }
0x46: {  	_ =	swait.ge [sflag:s4], $0xC800  }
0x47: {  	[sflag:s4] =	ssyncset.done $0x0  }
0x48: {  	[sflag:s4] =	ssyncadd.s32 $0xFFFF3800  }
0x49: {  	[tilespmem:s7], [sflag:$0x1] =	stream.indirect.gather [hbm4b:s2+s6], $0x80, s11, s6, $0xb8;
	[tilespmem:$0xD000] =	vst v63  }
0x4a: {  	_ =	swait.ge [sflag:s8], $0xC800  }
0x4b: {  	[sflag:s8] =	ssyncset.done $0x0  }
0x4c: {  	[sflag:s8] =	ssyncadd.s32 $0xFFFF3800  }
0x4d: {  	[hbm4b:s12+s3] =	stream.linear.scatter [tilespmem:s7], [sflag:$0x2], $0xC800, $0x38;
	[tilespmem:$0xD000] =	vst v63  }
0x4e: {  	_ =	swait.ge [sflag:s4], $0xC800  }
0x4f: {  	[sflag:s4] =	ssyncset.done $0x0  }
0x50: {  	[sflag:s4] =	ssyncadd.s32 $0xFFFF3800  }
0x51: {  	[tilespmem:s7], [sflag:$0x1] =	stream.indirect.gather [hbm4b:s2+s6], $0x80, s13, s6, $0xb8;
	[tilespmem:$0xD000] =	vst v63  }
0x52: {  	_ =	swait.ge [sflag:s8], $0xC800  }
0x53: {  	[sflag:s8] =	ssyncset.done $0x0  }
0x54: {  	[sflag:s8] =	ssyncadd.s32 $0xFFFF3800  }
0x55: {  	[hbm4b:s14+s3] =	stream.linear.scatter [tilespmem:s7], [sflag:$0x2], $0xC800, $0x38;
	[tilespmem:$0xD000] =	vst v63  }
0x56: {  	_ =	swait.ge [sflag:s4], $0xC800  }
0x57: {  	[sflag:s4] =	ssyncset.done $0x0  }
0x58: {  	[sflag:s4] =	ssyncadd.s32 $0xFFFF3800  }
0x59: {  	[tilespmem:s7], [sflag:$0x1] =	stream.indirect.gather [hbm4b:s2+s6], $0x80, s15, s6, $0xb8;
	[tilespmem:$0xD000] =	vst v63  }
0x5a: {  	_ =	swait.ge [sflag:s8], $0xC800  }
.Ltmp1:
0x5b: {  	[sflag:s8] =	ssyncset.done $0x0;
	(pc) =	sbr.rel @p0 .LBB2_1-.Ltmp1, $4  }
0x5c: {  	[sflag:s8] =	ssyncadd.s32 $0xFFFF3800  }
0x5d: {  	[hbm4b:s16+s3] =	stream.linear.scatter [tilespmem:s7], [sflag:$0x2], $0xC800, $0x38;
	[tilespmem:$0xD000] =	vst v63  }
0x5e: {  	_ =	swait.ge [sflag:s4], $0xC800  }
0x5f: {  	[sflag:s4] =	ssyncset.done $0x0  }
.LBB2_2:
0x60: {  	[sflag:s4] =	ssyncadd.s32 $0xFFFF3800  }
0x61: {  	_ =	sfence.sel $0x180000  }
0x62: {  	[bflag:$0x0] =	sbarrier.arrive $0xFFFF  }
0x63: {  	p0 =	sne.s32 s0, $0x0;
	_ =	strace $0x9000005F  }
0x64: {  	s0 =	sadd.s32 @!p0 $0x100000, s1;
	[bflag:$0x2] =	sbarrier.arrive $0xFFFF  }
0x65: {  	[sflag:s0] =	ssyncadd.tile.s32 @!p0 $0x1;
	_ =	shalt  }
.Lfunc_end2:
_tile_overlayer_lowered:
.L_overlay_start_2:
0x66: {  	(tag) =	ssettag $0x2  }
0x67: {  	s0 =	rddreg [dreg:$0x0];
	s2 =	stileid.u32  }
0x68: {  	s1 =	rddreg [dreg:$0x1];
	p0 =	sne.s32 s2, $0x0  }
0x69: {  	s3 =	rddreg [dreg:$0x2];
	[bflag:$0x3] =	sbarrier.arrive $0xFFFF;
	s2 =	simm.s32 @!p0 $0x1C02  }
0x6a: {  	[timem:s3], [sflag:s2] =	dma.local @!p0 [hbm:s0], s1  }
0x6b: {  	s0 =	simm.s32 @!p0 $0x2  }
0x6c: {  	_ =	swait.ge @!p0 [sflag:s0], s1  }
0x6d: {  	s1 =	ssub.s32 @!p0 $0x0, s1;
	[sflag:s0] =	ssyncset.done @!p0 $0x0  }
0x6e: {  	[sflag:s0] =	ssyncadd.s32 @!p0 s1  }
0x6f: {  	[bflag:$0x3] =	sbarrier.arrive $0xFFFF  }
0x70: {  	_ =	shalt  }

// kernel: kernel.45.cloned.1.call-start
scs
__scs_entry_jumppad:
0x0: {  	(pc) =	sbr.rel $0x88, $3  }
0x1: {  	(tag) =	ssettag $0x0;
	lr =	simm.s32 $0x1  }
0x2: {  	[smem:$0x3F9A] =	sst lr;
	_ =	strace $0xD0000000  }
0x3: {  	_ = 	snop  }
0x4: {  	_ = 	snop  }
0x5: {  	_ = 	snop  }
0x6: {  	_ = 	snop  }
0x7: {  	_ = 	snop  }
__scs_overlays_trampoline_lowered:
0x8: {  	[smem:$0x3FA9] =	sst s0  }
0x9: {  	[smem:$0x3FAA] =	sst s1  }
0xa: {  	[smem:$0x3FAB] =	sst s2  }
0xb: {  	[smem:$0x3FAC] =	sst s3  }
0xc: {  	[smem:$0x3FAD] =	sst s4  }
0xd: {  	[smem:$0x3FAE] =	sst s5  }
0xe: {  	[smem:$0x3FAF] =	sst s6  }
0xf: {  	[smem:$0x3FB0] =	sst s7  }
0x10: {  	[smem:$0x3FB1] =	sst s8  }
0x11: {  	[smem:$0x3FB2] =	sst s9;
	s0 =	simm.s32 @!p0 $0x0  }
0x12: {  	s1 =	sld [smem:$0x3F98];
	s0 =	simm.s32 @p0 $0x1  }
0x13: {  	[smem:$0x3FB3] =	sst s0;
	s0 =	simm.s32 @!p1 $0x0  }
0x14: {  	s2 =	sld [smem:$0x3F97];
	s0 =	simm.s32 @p1 $0x1  }
0x15: {  	[smem:$0x3FB4] =	sst s0;
	s0 =	simm.s32 @!p2 $0x0  }
0x16: {  	s3 =	sld [smem:$0x3FDB];
	s0 =	simm.s32 @p2 $0x1  }
0x17: {  	s4 =	simm.s32 $0x1BF5;
	[smem:$0x3FB6] =	sst s0  }
0x18: {  	s0 =	sld [smem:$0x3F99];
	_ =	swait.ge [sflag:s4], $0x0  }
0x19: {  	s7 =	sld [smem:$0x3F9A]  }
0x1a: {  	s8 =	sadd.s32 $0xFFFFE003, lr  }
0x1b: {  	s9 =	sadd.s32 $0xFFFFFEF7, lr;
	s5 =	simm.s32 $0xFFFFFFFF;
	p2 =	slt.u32 s8, $0xFFFFF086  }
0x1c: {  	p1 =	slt.u32 s9, $0xF7A;
	s5 =	simm.s32 @!p2 $0x0  }
0x1d: {  	s5 =	simm.s32 @p1 $0x1;
	p0 =	seq.s32 s7, s2  }
0x1e: {  	s7 =	smul.u32 @!p0 $0xF7A, s2;
	p2 =	seq.s32 @!p0 s5, $0x0  }
0x1f: {  	s9 =	smul.u32 $0xF7A, s1;
	s8 =	simm.s32 @!p0 $0x1BF5;
	p2 =	por !p2, p0  }
0x20: {  	[sflag:s8] =	ssyncset.s32 @!p0 $0xFFFFF086;
	s6 =	sadd.s32 @!p0 s3, s7;
	s7 =	simm.s32 @!p0 $0x108  }
0x21: {  	s3 =	sadd.s32 s3, s9;
	s6 =	sadd.s32 @!p0 $0x88, s6;
	s7 =	simm.s32 @p2 $0x1082  }
0x22: {  	[simem:s7], [sflag:s8] =	dma.local @!p0 [hbm:s6], $0xF7A  }
0x23: {  	s9 =	sor.u32 $0xD0000000, s2;
	s6 =	simm.s32 $0x108;
	_ =	swait.ge @!p0 [sflag:s8], $0x0  }
0x24: {  	s3 =	sadd.s32 $0x88, s3;
	s6 =	simm.s32 @!p1 $0x1082;
	[sflag:s4] =	ssyncset.s32 $0xFFFFF086  }
0x25: {  	[simem:s6], [sflag:s4] =	dma.local [hbm:s3], $0xF7A  }
0x26: {  	[smem:$0x3F9A] =	sst s1;
	(tag) =	ssettag s2;
	_ =	strace s9  }
0x27: {  	s1 =	sld [smem:$0x3FAA]  }
0x28: {  	s2 =	sld [smem:$0x3FAB]  }
0x29: {  	s4 =	sld [smem:$0x3FAD]  }
0x2a: {  	p0 =	seq.s32 s5, $0x0;
	s5 =	sld [smem:$0x3FAE]  }
0x2b: {  	s6 =	sld [smem:$0x3FAF]  }
0x2c: {  	s7 =	sld [smem:$0x3FB0]  }
0x2d: {  	s3 =	simm.s32 $0x108;
	s8 =	sld [smem:$0x3FB1]  }
0x2e: {  	s3 =	simm.s32 @!p0 $0x1082;
	s9 =	sld [smem:$0x3FB2]  }
0x2f: {  	lr =	sadd.s32 s0, s3;
	s0 =	sld [smem:$0x3FA9]  }
0x30: {  	s3 =	sld [smem:$0x3FAC]  }
0x31: {  	[smem:$0x3FB5] =	sst s10  }
0x32: {  	s10 =	sld [smem:$0x3FB3];
	_ =	sdelay $0x3  }
0x33: {  	p0 =	seq.s32 s10, $0x1;
	s10 =	sld [smem:$0x3FB5];
	_ =	sdelay $0x3  }
0x34: {  	[smem:$0x3FB5] =	sst s10  }
0x35: {  	s10 =	sld [smem:$0x3FB4];
	_ =	sdelay $0x3  }
0x36: {  	p1 =	seq.s32 s10, $0x1;
	s10 =	sld [smem:$0x3FB5];
	_ =	sdelay $0x3  }
0x37: {  	[smem:$0x3FB5] =	sst s10  }
0x38: {  	s10 =	sld [smem:$0x3FB6]  }
0x39: {  	_ = 	snop;
	(pc) =	sbr.ind lr, $3  }
0x3a: {  	_ = 	snop  }
0x3b: {  	_ = 	snop  }
0x3c: {  	p2 =	seq.s32 s10, $0x1;
	s10 =	sld [smem:$0x3FB5]  }
0x3d: {  	_ =	shalt  }
0x3e: {  	_ =	shalt  }
0x3f: {  	_ =	shalt  }
0x40: {  	_ =	shalt  }
0x41: {  	_ =	shalt  }
0x42: {  	_ =	shalt  }
0x43: {  	_ =	shalt  }
0x44: {  	_ =	shalt  }
0x45: {  	_ =	shalt  }
0x46: {  	_ =	shalt  }
0x47: {  	_ =	shalt  }
0x48: {  	_ =	shalt  }
0x49: {  	_ =	shalt  }
0x4a: {  	_ =	shalt  }
0x4b: {  	_ =	shalt  }
0x4c: {  	_ =	shalt  }
0x4d: {  	_ =	shalt  }
0x4e: {  	_ =	shalt  }
0x4f: {  	_ =	shalt  }
0x50: {  	_ =	shalt  }
0x51: {  	_ =	shalt  }
0x52: {  	_ =	shalt  }
0x53: {  	_ =	shalt  }
0x54: {  	_ =	shalt  }
0x55: {  	_ =	shalt  }
0x56: {  	_ =	shalt  }
0x57: {  	_ =	shalt  }
0x58: {  	_ =	shalt  }
0x59: {  	_ =	shalt  }
0x5a: {  	_ =	shalt  }
0x5b: {  	_ =	shalt  }
0x5c: {  	_ =	shalt  }
0x5d: {  	_ =	shalt  }
0x5e: {  	_ =	shalt  }
0x5f: {  	_ =	shalt  }
0x60: {  	_ =	shalt  }
0x61: {  	_ =	shalt  }
0x62: {  	_ =	shalt  }
0x63: {  	_ =	shalt  }
0x64: {  	_ =	shalt  }
0x65: {  	_ =	shalt  }
0x66: {  	_ =	shalt  }
0x67: {  	_ =	shalt  }
0x68: {  	_ =	shalt  }
0x69: {  	_ =	shalt  }
0x6a: {  	_ =	shalt  }
0x6b: {  	_ =	shalt  }
0x6c: {  	_ =	shalt  }
0x6d: {  	_ =	shalt  }
0x6e: {  	_ =	shalt  }
0x6f: {  	_ =	shalt  }
0x70: {  	_ =	shalt  }
0x71: {  	_ =	shalt  }
0x72: {  	_ =	shalt  }
0x73: {  	_ =	shalt  }
0x74: {  	_ =	shalt  }
0x75: {  	_ =	shalt  }
0x76: {  	_ =	shalt  }
0x77: {  	_ =	shalt  }
0x78: {  	_ =	shalt  }
0x79: {  	_ =	shalt  }
0x7a: {  	_ =	shalt  }
0x7b: {  	_ =	shalt  }
0x7c: {  	_ =	shalt  }
0x7d: {  	_ =	shalt  }
0x7e: {  	_ =	shalt  }
0x7f: {  	_ =	shalt  }
0x80: {  	_ =	shalt  }
0x81: {  	_ =	shalt  }
0x82: {  	_ =	shalt  }
0x83: {  	_ =	shalt  }
0x84: {  	_ =	shalt  }
0x85: {  	_ =	shalt  }
0x86: {  	_ =	shalt  }
0x87: {  	_ =	shalt  }
.Lfunc_end0:
.L_simem_size_0:
called_computation.9_lowered:
.L_overlay_start_0:
0x88: {  	s2 =	sld [smem:$0x3FD9]  }
0x89: {  	s3 =	sld [smem:$0x3FFE];
	_ =	sdelay $0x1  }
0x8a: {  	s1 =	srdreg.scid  }
0x8b: {  	s0 =	sand.u32 $0x1, s1  }
0x8c: {  	s17 =	sshll.u32 s0, $0xA;
	s2 =	sadd.s32 s3, s2  }
0x8d: {  	s2 =	sadd.s32 s2, s17  }
0x8e: {  	[smem:$0x3FC1] =	sst s2  }
0x8f: {  	_ = 	snop  }
0x90: {  	s18 =	sld [smem:$0x3FD0];
	(tm) =	ssettm $0x1  }
0x91: {  	s19 =	sld [smem:$0x3FFB];
	_ =	sdelay $0x3  }
0x92: {  	_ =	strace s19  }
0x93: {  	s2 =	sld [smem:$0x3FFC];
	_ =	sdelay $0x3  }
0x94: {  	_ =	strace s2  }
0x95: {  	s2 =	sld [smem:$0x3FFD];
	_ =	sdelay $0x3  }
0x96: {  	_ =	strace s2  }
0x97: {  	_ =	strace $0x8FFFFFFF  }
0x98: {  	s20 =	sld [smem:$0x3FDB];
	_ =	sdelay $0x1  }
0x99: {  	s4 =	simm.s32 $_scs_section_size  }
0x9a: {  	s5 =	simm.s32 $_size__tile_overlayer_lowered;
	s6 =	simm.s32 $_tile_overlayer_lowered  }
0x9b: {  	s7 =	simm.s32 $0x1BFF;
	s21 =	sshll.u32 s6, $0x1;
	s4 =	sadd.s32 s4, s20  }
0x9c: {  	s22 =	simm.s32 $0x0;
	s5 =	sshll.u32 s5, $0x1;
	s6 =	sadd.s32 s21, s4  }
0x9d: {  	[timem:s22], [sflag:s7] =	dma.local [hbm:s6], s5  }
0x9e: {  	_ =	swait.ge [sflag:s7], s5  }
0x9f: {  	s5 =	ssub.s32 $0x0, s5;
	[sflag:s7] =	ssyncset.done $0x0  }
0xa0: {  	[sflag:s7] =	ssyncadd.s32 s5;
	_ =	sdelay $0x1  }
0xa1: {  	s23 =	simm.s32 $0x1B8B  }
0xa2: {  	_ =	swait.ge [sflag:s23], $0x1  }
0xa3: {  	[sflag:s23] =	ssyncset.done $0x0  }
0xa4: {  	[sflag:s23] =	ssyncadd.s32 $0xFFFFFFFF  }
0xa5: {  	s5 =	sld [smem:$0x0]  }
0xa6: {  	s6 =	sand.u32 $0xFFFFFFFE, s1  }
0xa7: {  	p0 =	sne.s32 s1, s6  }
0xa8: {  	s6 =	sshll.u32 @p0 s6, $0xE  }
0xa9: {  	s6 =	sadd.s32 @p0 $0x11B8D, s6;
	s7 =	sshll.u32 @p0 s5, $0x11  }
0xaa: {  	s6 =	sor.u32 @p0 s7, s6  }
0xab: {  	[sflag:s6] =	ssyncadd.remote.s32 @p0 $0x1;
	_ =	sdelay $0x1  }
0xac: {  	s6 =	simm.s32 @p0 $0x1B8D  }
0xad: {  	_ =	swait.eq @p0 [sflag:s6], $0x1  }
0xae: {  	[sflag:s6] =	ssyncadd.s32 @p0 $0xFFFFFFFF  }
0xaf: {  	s7 =	sshll.u32 @!p0 s1, $0xE  }
0xb0: {  	s7 =	sor.u32 @!p0 $0x4000, s7;
	s6 =	simm.s32 @!p0 $0x1B8D  }
0xb1: {  	s5 =	sshll.u32 @!p0 s5, $0x11;
	s7 =	sadd.s32 @!p0 $0x11B8D, s7;
	_ =	swait.eq @!p0 [sflag:s6], $0x1  }
0xb2: {  	s5 =	sor.u32 @!p0 s5, s7;
	[sflag:s6] =	ssyncadd.s32 @!p0 $0xFFFFFFFF  }
0xb3: {  	s25 =	simm.s32 $0x1B8E;
	s24 =	sld [smem:$0x3FFE];
	[sflag:s5] =	ssyncadd.remote.s32 @!p0 $0x1  }
0xb4: {  	s26 =	simm.s32 $execute0_lowered;
	[smem:$0x3FD2] =	sst s25  }
0xb5: {  	s6 =	sshll.u32 s26, $0x1;
	_ =	strace $0x8000004F;
	[dreg:$0x1] =	wrdreg $0xFFFFFFFF  }
0xb6: {  	s28 =	simm.s32 $_size_execute0_lowered;
	s4 =	sadd.s32 s4, s6;
	[dreg:$0x0] =	wrdreg $0x0  }
0xb7: {  	s6 =	sshll.u32 s28, $0x1;
	[dreg:$0x2] =	wrdreg s4  }
0xb8: {  	[dreg:$0x3] =	wrdreg s6  }
0xb9: {  	[dreg:$0x4] =	wrdreg $0xC0  }
0xba: {  	_ =	task [dreg:s22], $0x5FFFF  }
0xbb: {  	[dreg:$0x1] =	wrdreg $0xFFFFFFFF  }
0xbc: {  	[dreg:$0x0] =	wrdreg $0x60  }
0xbd: {  	[dreg:$0x2] =	wrdreg s24  }
0xbe: {  	[dreg:$0x3] =	wrdreg s18  }
0xbf: {  	[dreg:$0x4] =	wrdreg $0x12  }
0xc0: {  	_ =	task.clear_ibuf [dreg:s22], $0x5FFFF;
	_ =	strace $0x9000004F  }
0xc1: {  	s29 =	simm.s32 $0x12;
	_ =	strace $0x80000051  }
0xc2: {  	_ =	swait.ge [sflag:s29], $0x1  }
0xc3: {  	[sflag:s29] =	ssyncadd.s32 $0xFFFFFFFF  }
0xc4: {  	_ =	strace $0x90000051  }
0xc5: {  	_ =	sfence  }
0xc6: {  	s30 =	sld [smem:$0x0];
	_ =	sdelay $0x2  }
0xc7: {  	s31 =	sshll.u32 s1, $0xD;
	s1 =	sshrl.u32 s1, $0x2  }
0xc8: {  	s4 =	sand.u32 $0x4000, s31;
	s1 =	sadd.s32 s1, s30  }
0xc9: {  	s0 =	sor.u32 s4, s0;
	s1 =	sshll.u32 s1, $0x11  }
0xca: {  	s0 =	sor.u32 s1, s0  }
0xcb: {  	s0 =	sadd.s32 $0x8F2B, s0  }
0xcc: {  	[sflag:s0] =	ssyncadd.remote.s32 $0x1  }
0xcd: {  	_ =	sfence.sel $0xFFFF  }
0xce: {  	[dreg:$0x0] =	wrdreg $0xFFFFFFFF;
	(pc) =	sbr.abs _section_cstart, $3  }
0xcf: {  	[dreg:$0x1] =	wrdreg $0xFFFFFFFF  }
0xd0: {  	_ =	task.clear_ibuf [dreg:s22], $0x2FFFF;
	_ =	strace $0x9FFFFFFF  }
0xd1: {  	(tm) =	ssettm $0x7FFFFFFF  }
tec
execute0_lowered:
.L_overlay_start_1:
0x0: {  	(tag) =	ssettag $0x1  }
0x1: {  	s1 =	srdreg.scid;
	s0 =	stileid.u32  }
0x2: {  	s15 =	sand.u32 $0x1, s1;
	s31 =	sshll.u32 s0, $0x1  }
0x3: {  	s6 =	sor.u32 s15, s31  }
0x4: {  	s9 =	rddreg [dreg:$0x0];
	s3 =	smul.u32 $0x7D0, s6  }
0x5: {  	s4 =	rddreg [dreg:$0x1]  }
0x6: {  	s2 =	simm.s32 $0x0;
	s1 =	rddreg [dreg:$0x2];
	s3 =	sshrl.u32 s3, $0x3  }
0x7: {  	[smem:$0x7FF] =	sst s2;
	s3 =	sadd.s32 s4, s3  }
0x8: {  	_ =	strace $0x80000050;
	s4 =	sadd.s32 $0x7D00, s3;
	s3 =	simm.s32 $0x2  }
0x9: {  	[tilespmem:s2], [sflag:$0x2] =	stream.linear.gather [hbm4b:s4+s2], $0x7D0, $0x38;
	[tilespmem:$0x20D0] =	vst v63  }
0xa: {  	s7 =	simm.s32 $0x7D0;
	_ =	swait.ge [sflag:s3], $0x7D0  }
0xb: {  	s8 =	simm.s32 $0x1;
	s5 =	sadd.s32 $0x2AE00, s9;
	[sflag:s3] =	ssyncset.done $0x0  }
0xc: {  	s10 =	smul.u32 $0xFA0, s6;
	s6 =	simm.s32 $0x190;
	[sflag:s3] =	ssyncadd.s32 $0xFFFFF830  }
0xd: {  	[tilespmem:s7], [sflag:$0x1] =	stream.indirect.gather [hbm4b:s5+s6], $0x10, s2, s6, $0xb8;
	[tilespmem:$0x20D0] =	vst v63  }
0xe: {  	_ =	swait.ge [sflag:s8], $0x1900  }
0xf: {  	s16 =	sadd.s32 s10, s9;
	[sflag:s8] =	ssyncset.done $0x0  }
0x10: {  	s9 =	sadd.s32 $0x8DA00, s16;
	[sflag:s8] =	ssyncadd.s32 $0xFFFFE700  }
0x11: {  	[hbm4b:s9+s2] =	stream.linear.scatter [tilespmem:s7], [sflag:$0x2], $0x1900, $0x38;
	[tilespmem:$0x20D0] =	vst v63  }
0x12: {  	_ =	swait.ge [sflag:s3], $0x1900  }
0x13: {  	[sflag:s3] =	ssyncset.done $0x0  }
0x14: {  	[sflag:s3] =	ssyncadd.s32 $0xFFFFE700  }
0x15: {  	[tilespmem:s7], [sflag:$0x1] =	stream.indirect.gather [hbm4b:s5+s6], $0x10, s6, s6, $0xb8;
	[tilespmem:$0x20D0] =	vst v63  }
0x16: {  	_ =	swait.ge [sflag:s8], $0x1900  }
0x17: {  	[sflag:s8] =	ssyncset.done $0x0  }
0x18: {  	s10 =	sadd.s32 $0x8DD20, s16;
	[sflag:s8] =	ssyncadd.s32 $0xFFFFE700  }
0x19: {  	[hbm4b:s10+s2] =	stream.linear.scatter [tilespmem:s7], [sflag:$0x2], $0x1900, $0x38;
	[tilespmem:$0x20D0] =	vst v63  }
0x1a: {  	_ =	swait.ge [sflag:s3], $0x1900  }
0x1b: {  	[sflag:s3] =	ssyncset.done $0x0  }
0x1c: {  	s11 =	simm.s32 $0x320;
	[sflag:s3] =	ssyncadd.s32 $0xFFFFE700  }
0x1d: {  	[tilespmem:s7], [sflag:$0x1] =	stream.indirect.gather [hbm4b:s5+s6], $0x10, s11, s6, $0xb8;
	[tilespmem:$0x20D0] =	vst v63  }
0x1e: {  	_ =	swait.ge [sflag:s8], $0x1900  }
0x1f: {  	[sflag:s8] =	ssyncset.done $0x0  }
0x20: {  	s12 =	sadd.s32 $0x8E040, s16;
	[sflag:s8] =	ssyncadd.s32 $0xFFFFE700  }
0x21: {  	[hbm4b:s12+s2] =	stream.linear.scatter [tilespmem:s7], [sflag:$0x2], $0x1900, $0x38;
	[tilespmem:$0x20D0] =	vst v63  }
0x22: {  	_ =	swait.ge [sflag:s3], $0x1900  }
0x23: {  	[sflag:s3] =	ssyncset.done $0x0  }
0x24: {  	s13 =	simm.s32 $0x4B0;
	[sflag:s3] =	ssyncadd.s32 $0xFFFFE700  }
0x25: {  	[tilespmem:s7], [sflag:$0x1] =	stream.indirect.gather [hbm4b:s5+s6], $0x10, s13, s6, $0xb8;
	[tilespmem:$0x20D0] =	vst v63  }
0x26: {  	_ =	swait.ge [sflag:s8], $0x1900  }
0x27: {  	[sflag:s8] =	ssyncset.done $0x0  }
0x28: {  	s17 =	ssub.s32 $0x2, s15;
	s14 =	sadd.s32 $0x8E360, s16;
	[sflag:s8] =	ssyncadd.s32 $0xFFFFE700  }
0x29: {  	[hbm4b:s14+s2] =	stream.linear.scatter [tilespmem:s7], [sflag:$0x2], $0x1900, $0x38;
	[tilespmem:$0x20D0] =	vst v63  }
0x2a: {  	s18 =	sshrl.u32 s17, $0x1;
	_ =	swait.ge [sflag:s3], $0x1900  }
0x2b: {  	s17 =	ssub.s32 s17, s18;
	[sflag:s3] =	ssyncset.done $0x0  }
0x2c: {  	s15 =	simm.s32 $0x640;
	s17 =	smax.u32 s17, $0x1;
	[sflag:s3] =	ssyncadd.s32 $0xFFFFE700  }
0x2d: {  	[tilespmem:s7], [sflag:$0x1] =	stream.indirect.gather [hbm4b:s5+s6], $0x10, s15, s6, $0xb8;
	[tilespmem:$0x20D0] =	vst v63  }
0x2e: {  	p0 =	sne.s32 s17, $0x1;
	_ =	swait.ge [sflag:s8], $0x1900  }
.Ltmp0:
0x2f: {  	[sflag:s8] =	ssyncset.done $0x0;
	(pc) =	sbr.rel @!p0 .LBB2_2-.Ltmp0, $4  }
0x30: {  	s16 =	sadd.s32 $0x8E680, s16;
	[sflag:s8] =	ssyncadd.s32 $0xFFFFE700  }
0x31: {  	[hbm4b:s16+s2] =	stream.linear.scatter [tilespmem:s7], [sflag:$0x2], $0x1900, $0x38;
	[tilespmem:$0x20D0] =	vst v63  }
0x32: {  	_ =	swait.ge [sflag:s3], $0x1900  }
0x33: {  	s17 =	sadd.s32 $0xFFFFFFFF, s17;
	[sflag:s3] =	ssyncset.done $0x0  }
.LBB2_1:
0x34: {  	p0 =	sne.s32 s17, $0x1;
	s17 =	sadd.s32 $0xFFFFFFFF, s17;
	[sflag:s3] =	ssyncadd.s32 $0xFFFFE700  }
0x35: {  	[tilespmem:s2], [sflag:$0x2] =	stream.linear.gather [hbm4b:s4+s2], $0x7D0, $0x38;
	[tilespmem:$0x20D0] =	vst v63  }
0x36: {  	_ =	swait.ge [sflag:s3], $0x7D0  }
0x37: {  	[sflag:s3] =	ssyncset.done $0x0  }
0x38: {  	[sflag:s3] =	ssyncadd.s32 $0xFFFFF830  }
0x39: {  	[tilespmem:s7], [sflag:$0x1] =	stream.indirect.gather [hbm4b:s5+s6], $0x10, s2, s6, $0xb8;
	[tilespmem:$0x20D0] =	vst v63  }
0x3a: {  	_ =	swait.ge [sflag:s8], $0x1900  }
0x3b: {  	[sflag:s8] =	ssyncset.done $0x0  }
0x3c: {  	[sflag:s8] =	ssyncadd.s32 $0xFFFFE700  }
0x3d: {  	[hbm4b:s9+s2] =	stream.linear.scatter [tilespmem:s7], [sflag:$0x2], $0x1900, $0x38;
	[tilespmem:$0x20D0] =	vst v63  }
0x3e: {  	_ =	swait.ge [sflag:s3], $0x1900  }
0x3f: {  	[sflag:s3] =	ssyncset.done $0x0  }
0x40: {  	[sflag:s3] =	ssyncadd.s32 $0xFFFFE700  }
0x41: {  	[tilespmem:s7], [sflag:$0x1] =	stream.indirect.gather [hbm4b:s5+s6], $0x10, s6, s6, $0xb8;
	[tilespmem:$0x20D0] =	vst v63  }
0x42: {  	_ =	swait.ge [sflag:s8], $0x1900  }
0x43: {  	[sflag:s8] =	ssyncset.done $0x0  }
0x44: {  	[sflag:s8] =	ssyncadd.s32 $0xFFFFE700  }
0x45: {  	[hbm4b:s10+s2] =	stream.linear.scatter [tilespmem:s7], [sflag:$0x2], $0x1900, $0x38;
	[tilespmem:$0x20D0] =	vst v63  }
0x46: {  	_ =	swait.ge [sflag:s3], $0x1900  }
0x47: {  	[sflag:s3] =	ssyncset.done $0x0  }
0x48: {  	[sflag:s3] =	ssyncadd.s32 $0xFFFFE700  }
0x49: {  	[tilespmem:s7], [sflag:$0x1] =	stream.indirect.gather [hbm4b:s5+s6], $0x10, s11, s6, $0xb8;
	[tilespmem:$0x20D0] =	vst v63  }
0x4a: {  	_ =	swait.ge [sflag:s8], $0x1900  }
0x4b: {  	[sflag:s8] =	ssyncset.done $0x0  }
0x4c: {  	[sflag:s8] =	ssyncadd.s32 $0xFFFFE700  }
0x4d: {  	[hbm4b:s12+s2] =	stream.linear.scatter [tilespmem:s7], [sflag:$0x2], $0x1900, $0x38;
	[tilespmem:$0x20D0] =	vst v63  }
0x4e: {  	_ =	swait.ge [sflag:s3], $0x1900  }
0x4f: {  	[sflag:s3] =	ssyncset.done $0x0  }
0x50: {  	[sflag:s3] =	ssyncadd.s32 $0xFFFFE700  }
0x51: {  	[tilespmem:s7], [sflag:$0x1] =	stream.indirect.gather [hbm4b:s5+s6], $0x10, s13, s6, $0xb8;
	[tilespmem:$0x20D0] =	vst v63  }
0x52: {  	_ =	swait.ge [sflag:s8], $0x1900  }
0x53: {  	[sflag:s8] =	ssyncset.done $0x0  }
0x54: {  	[sflag:s8] =	ssyncadd.s32 $0xFFFFE700  }
0x55: {  	[hbm4b:s14+s2] =	stream.linear.scatter [tilespmem:s7], [sflag:$0x2], $0x1900, $0x38;
	[tilespmem:$0x20D0] =	vst v63  }
0x56: {  	_ =	swait.ge [sflag:s3], $0x1900  }
0x57: {  	[sflag:s3] =	ssyncset.done $0x0  }
0x58: {  	[sflag:s3] =	ssyncadd.s32 $0xFFFFE700  }
0x59: {  	[tilespmem:s7], [sflag:$0x1] =	stream.indirect.gather [hbm4b:s5+s6], $0x10, s15, s6, $0xb8;
	[tilespmem:$0x20D0] =	vst v63  }
0x5a: {  	_ =	swait.ge [sflag:s8], $0x1900  }
.Ltmp1:
0x5b: {  	[sflag:s8] =	ssyncset.done $0x0;
	(pc) =	sbr.rel @p0 .LBB2_1-.Ltmp1, $4  }
0x5c: {  	[sflag:s8] =	ssyncadd.s32 $0xFFFFE700  }
0x5d: {  	[hbm4b:s16+s2] =	stream.linear.scatter [tilespmem:s7], [sflag:$0x2], $0x1900, $0x38;
	[tilespmem:$0x20D0] =	vst v63  }
0x5e: {  	_ =	swait.ge [sflag:s3], $0x1900  }
0x5f: {  	[sflag:s3] =	ssyncset.done $0x0  }
.LBB2_2:
0x60: {  	[sflag:s3] =	ssyncadd.s32 $0xFFFFE700  }
0x61: {  	_ =	sfence.sel $0x180000  }
0x62: {  	[bflag:$0x0] =	sbarrier.arrive $0xFFFF  }
0x63: {  	p0 =	sne.s32 s0, $0x0;
	_ =	strace $0x90000050  }
0x64: {  	s0 =	sadd.s32 @!p0 $0x100000, s1;
	[bflag:$0x2] =	sbarrier.arrive $0xFFFF  }
0x65: {  	[sflag:s0] =	ssyncadd.tile.s32 @!p0 $0x1;
	_ =	shalt  }
.Lfunc_end2:
_tile_overlayer_lowered:
.L_overlay_start_2:
0x66: {  	(tag) =	ssettag $0x2  }
0x67: {  	s0 =	rddreg [dreg:$0x0];
	s2 =	stileid.u32  }
0x68: {  	s1 =	rddreg [dreg:$0x1];
	p0 =	sne.s32 s2, $0x0  }
0x69: {  	s3 =	rddreg [dreg:$0x2];
	[bflag:$0x3] =	sbarrier.arrive $0xFFFF;
	s2 =	simm.s32 @!p0 $0x1C02  }
0x6a: {  	[timem:s3], [sflag:s2] =	dma.local @!p0 [hbm:s0], s1  }
0x6b: {  	s0 =	simm.s32 @!p0 $0x2  }
0x6c: {  	_ =	swait.ge @!p0 [sflag:s0], s1  }
0x6d: {  	s1 =	ssub.s32 @!p0 $0x0, s1;
	[sflag:s0] =	ssyncset.done @!p0 $0x0  }
0x6e: {  	[sflag:s0] =	ssyncadd.s32 @!p0 s1  }
0x6f: {  	[bflag:$0x3] =	sbarrier.arrive $0xFFFF  }
0x70: {  	_ =	shalt  }

</sc_bundles>
